<compile_context>
chip_gen: v7x
topology: tpu7x:2x2x1
jax: 0.10.2.dev20260603
libtpu: 0.0.44.dev20260713+nightly
codegen_flags: <defaults>
</compile_context>

<pallas_src>
import functools

import jax
import jax.numpy as jnp
from jax import lax
from jax.experimental import pallas as pl
from jax.experimental.pallas import tpu as pltpu
from jax.experimental.pallas import tpu_sc as plsc

_EMBED = 32
_LANES = 16
_GROUP = 16
_NBUF = 3

_info = plsc.get_sparse_core_info()
_NC = _info.num_cores
_NS = _info.num_subcores
_NW = _NC * _NS


def _gmf_kernel(b_per_w, ut_hbm, it_hbm, uids_hbm, iids_hbm, out_hbm,
                uids_v, iids_v, pan, obuf, sem):
    wid = lax.axis_index("s") * _NC + lax.axis_index("c")
    base = wid * b_per_w
    n_groups = b_per_w // _GROUP

    pltpu.sync_copy(uids_hbm.at[pl.ds(base, b_per_w)], uids_v)
    pltpu.sync_copy(iids_hbm.at[pl.ds(base, b_per_w)], iids_v)

    iota = lax.broadcasted_iota(jnp.int32, (_LANES,), 0)

    def run_pass(tab_hbm, ids_v, half, is_item):
        def stage(jb, carry):
            lag = _NBUF - 1

            @pl.when(jb >= lag)
            def _drain():
                for g in range(_GROUP):
                    pltpu.make_async_copy(
                        tab_hbm.at[pl.ds(0, _LANES), pl.ds(0, 128)],
                        pan.at[lax.rem(jb - lag, _NBUF), g], sem).wait()

            @pl.when(jb < n_groups)
            def _fire():
                slot = lax.rem(jb, _NBUF)
                vec = ids_v[pl.ds(jb * _GROUP, _GROUP)]
                for g in range(_GROUP):
                    a = pl.multiple_of((vec[g] >> 7) << 7, 128)
                    pltpu.async_copy(
                        tab_hbm.at[pl.ds(half * _LANES, _LANES),
                                   pl.ds(a, 128)],
                        pan.at[slot, g], sem)

            @pl.when(jb >= lag)
            def _select():
                slot = lax.rem(jb - lag, _NBUF)
                jb0 = (jb - lag) * _GROUP
                vec = ids_v[pl.ds(jb0, _GROUP)]
                cvec = vec & 127
                for d in range(_LANES):
                    dvec = iota * 0 + d
                    val = plsc.load_gather(pan.at[slot], [iota, dvec, cvec])
                    row = half * _LANES + d
                    if is_item:
                        val = val * obuf[row, pl.ds(jb0, _GROUP)]
                    obuf[row, pl.ds(jb0, _GROUP)] = val

            return carry

        lax.fori_loop(0, n_groups + _NBUF - 1, stage, 0)

    run_pass(ut_hbm, uids_v, 0, False)
    run_pass(ut_hbm, uids_v, 1, False)
    run_pass(it_hbm, iids_v, 0, True)
    run_pass(it_hbm, iids_v, 1, True)

    pltpu.sync_copy(obuf, out_hbm.at[:, pl.ds(base, b_per_w)])


def kernel(user_ids, item_ids, user_table, item_table):
    batch = user_ids.shape[0]
    b_per_w = batch // _NW
    mesh = plsc.VectorSubcoreMesh(core_axis_name="c", subcore_axis_name="s")
    run = functools.partial(
        pl.kernel,
        mesh=mesh,
        out_type=jax.ShapeDtypeStruct((_EMBED, batch), jnp.float32),
        scratch_types=[
            pltpu.VMEM((b_per_w,), jnp.int32),
            pltpu.VMEM((b_per_w,), jnp.int32),
            pltpu.VMEM((_NBUF, _GROUP, _LANES, 128), jnp.float32),
            pltpu.VMEM((_EMBED, b_per_w), jnp.float32),
            pltpu.SemaphoreType.DMA,
        ],
        compiler_params=pltpu.CompilerParams(needs_layout_passes=False),
    )(functools.partial(_gmf_kernel, b_per_w))
    out_t = run(user_table.T, item_table.T,
                user_ids.astype(jnp.int32), item_ids.astype(jnp.int32))
    return out_t.T

# --- scband reference (transcript-rebuilt; emitter-appended) ---
"""Pipeline reference for scband-gmf-19464791785942 (READ-ONLY COPY).

The authoritative reference and input builder live on the scoring server;
editing this copy changes nothing except your own understanding.
"""

import jax, jax.numpy as jnp
import numpy as np

NUM_USERS = 1000000
NUM_ITEMS = 1000000
EMBED_DIM = 32
BATCH = 16384


def setup_inputs(seed: int = 0) -> dict:
    key = jax.random.key(seed)
    k1, k2, k3, k4 = jax.random.split(key, 4)
    user_ids = jax.random.randint(k1, (BATCH,), 0, NUM_USERS, dtype=jnp.int64 if jax.config.jax_enable_x64 else jnp.int32)
    item_ids = jax.random.randint(k2, (BATCH,), 0, NUM_ITEMS, dtype=jnp.int64 if jax.config.jax_enable_x64 else jnp.int32)
    user_table = jax.random.normal(k3, (NUM_USERS, EMBED_DIM), dtype=jnp.float32) * 0.01
    item_table = jax.random.normal(k4, (NUM_ITEMS, EMBED_DIM), dtype=jnp.float32) * 0.01
    return {"user_ids": user_ids, "item_ids": item_ids, "user_table": user_table, "item_table": item_table}


def reference(user_ids, item_ids, user_table, item_table):
    user_emb = jnp.take(user_table, user_ids, axis=0)
    item_emb = jnp.take(item_table, item_ids, axis=0)
    return user_emb * item_emb

if __name__ == "__main__":
    import jax
    _d = setup_inputs()
    print(jax.jit(kernel)(*tuple(_d.values())))

</pallas_src>

<mosaic_0001>
#map = affine_map<(d0, d1) -> (0, 0)>
#map1 = affine_map<(d0, d1) -> (0)>
module attributes {stable_mosaic.version = 14 : i64} {
  func.func @_gmf_kernel(%arg0: i32, %arg1: i32, %arg2: memref<32x1000000xf32, #tpu.memory_space<hbm>>, %arg3: memref<32x1000000xf32, #tpu.memory_space<hbm>>, %arg4: memref<16384xi32, #tpu.memory_space<hbm>>, %arg5: memref<16384xi32, #tpu.memory_space<hbm>>, %arg6: memref<32x16384xf32, #tpu.memory_space<hbm>>, %arg7: memref<512xi32, #tpu.memory_space<vmem>>, %arg8: memref<512xi32, #tpu.memory_space<vmem>>, %arg9: memref<3x16x16x128xf32, #tpu.memory_space<vmem>>, %arg10: memref<32x512xf32, #tpu.memory_space<vmem>>, %arg11: memref<!tpu.dma_semaphore, #tpu.memory_space<semaphore_mem>>) attributes {dimension_semantics = [#tpu.dimension_semantics<core_parallel>, #tpu.dimension_semantics<subcore_parallel>], iteration_bounds = array<i64: 2, 16>, scalar_prefetch = 0 : i64, scratch_operands = 5 : i64, tpu.core_type = #tpu.core_type<sc_vector_subcore>, window_params = [{transform_indices = #map}, {transform_indices = #map}, {transform_indices = #map1}, {transform_indices = #map1}, {transform_indices = #map}]} {
    %mul3A = arith.constant 2 : i32
    %mul3A_0 = arith.muli %arg1, %mul3A : i32
    %add3A = arith.addi %mul3A_0, %arg0 : i32
    %mul3A_1 = arith.constant 512 : i32
    %mul3A_2 = arith.muli %add3A, %mul3A_1 : i32
    "tpu.region"() ({
      %run_scoped3A = tpu.sem_alloc : memref<!tpu.dma_semaphore, #tpu.memory_space<semaphore_mem>>
      %dma_start3A = tpu.memref_slice %arg4[%mul3A_2] : memref<16384xi32, #tpu.memory_space<hbm>> -> memref<512xi32, #tpu.memory_space<hbm>>
      %dma_start3A_26 = tpu.memref_slice %arg4[%mul3A_2] : memref<16384xi32, #tpu.memory_space<hbm>> -> memref<512xi32, #tpu.memory_space<hbm>>
      tpu.enqueue_dma source(%dma_start3A_26 : memref<512xi32, #tpu.memory_space<hbm>>) target(%arg7 : memref<512xi32, #tpu.memory_space<vmem>>) target_semaphore(%run_scoped3A : memref<!tpu.dma_semaphore, #tpu.memory_space<semaphore_mem>>)
      %dma_wait3A = tpu.memref_slice %arg4[%mul3A_2] : memref<16384xi32, #tpu.memory_space<hbm>> -> memref<512xi32, #tpu.memory_space<hbm>>
      %dma_wait3A_27 = tpu.memref_slice %arg4[%mul3A_2] : memref<16384xi32, #tpu.memory_space<hbm>> -> memref<512xi32, #tpu.memory_space<hbm>>
      tpu.wait_dma2 semaphore(%run_scoped3A : memref<!tpu.dma_semaphore, #tpu.memory_space<semaphore_mem>>) src(%dma_wait3A_27 : memref<512xi32, #tpu.memory_space<hbm>>) dst(%arg7 : memref<512xi32, #tpu.memory_space<vmem>>)
      tpu.yield
    }) : () -> ()
    "tpu.region"() ({
      %run_scoped3A = tpu.sem_alloc : memref<!tpu.dma_semaphore, #tpu.memory_space<semaphore_mem>>
      %dma_start3A = tpu.memref_slice %arg5[%mul3A_2] : memref<16384xi32, #tpu.memory_space<hbm>> -> memref<512xi32, #tpu.memory_space<hbm>>
      %dma_start3A_26 = tpu.memref_slice %arg5[%mul3A_2] : memref<16384xi32, #tpu.memory_space<hbm>> -> memref<512xi32, #tpu.memory_space<hbm>>
      tpu.enqueue_dma source(%dma_start3A_26 : memref<512xi32, #tpu.memory_space<hbm>>) target(%arg8 : memref<512xi32, #tpu.memory_space<vmem>>) target_semaphore(%run_scoped3A : memref<!tpu.dma_semaphore, #tpu.memory_space<semaphore_mem>>)
      %dma_wait3A = tpu.memref_slice %arg5[%mul3A_2] : memref<16384xi32, #tpu.memory_space<hbm>> -> memref<512xi32, #tpu.memory_space<hbm>>
      %dma_wait3A_27 = tpu.memref_slice %arg5[%mul3A_2] : memref<16384xi32, #tpu.memory_space<hbm>> -> memref<512xi32, #tpu.memory_space<hbm>>
      tpu.wait_dma2 semaphore(%run_scoped3A : memref<!tpu.dma_semaphore, #tpu.memory_space<semaphore_mem>>) src(%dma_wait3A_27 : memref<512xi32, #tpu.memory_space<hbm>>) dst(%arg8 : memref<512xi32, #tpu.memory_space<vmem>>)
      tpu.yield
    }) : () -> ()
    %iota3A = tpu.iota {dimensions = array<i32: 0>} : vector<16xi32>
    %scan3A = arith.constant 0 : i32
    %scan3A_3 = arith.constant 0 : i32
    %scan3A_4 = arith.constant 34 : i32
    %scan3A_5 = arith.addi %scan3A_3, %scan3A_4 : i32
    %scan3A_6 = arith.constant 1 : i32
    scf.for %scan3A_26 = %scan3A_3 to %scan3A_5 step %scan3A_6  : i32 {
      %ge3A = arith.constant 2 : i32
      %ge3A_27 = arith.cmpi sge, %scan3A_26, %ge3A : i32
      %convert_element_type3A = arith.extui %ge3A_27 : i1 to i32
      %cond3A = arith.constant 0 : i32
      %cond3A_28 = arith.cmpi ne, %convert_element_type3A, %cond3A : i32
      scf.if %cond3A_28 {
        %sub3A = arith.constant 2 : i32
        %sub3A_38 = arith.subi %scan3A_26, %sub3A : i32
        %rem3A = arith.constant 3 : i32
        %rem3A_39 = arith.remsi %sub3A_38, %rem3A : i32
        %dma_wait3A = arith.constant 0 : i32
        %dma_wait3A_40 = arith.constant 0 : i32
        %dma_wait3A_41 = arith.constant 0 : i32
        %dma_wait3A_42 = tpu.memref_slice %arg9[%rem3A_39, %dma_wait3A, %dma_wait3A_40, %dma_wait3A_41] : memref<3x16x16x128xf32, #tpu.memory_space<vmem>> -> memref<1x1x16x128xf32, #tpu.memory_space<vmem>>
        %dma_wait3A_43 = tpu.memref_squeeze %dma_wait3A_42 : memref<1x1x16x128xf32, #tpu.memory_space<vmem>> -> memref<16x128xf32, #tpu.memory_space<vmem>>
        %dma_wait3A_44 = arith.constant 0 : i32
        %dma_wait3A_45 = arith.constant 0 : i32
        %dma_wait3A_46 = tpu.memref_slice %arg2[%dma_wait3A_44, %dma_wait3A_45] : memref<32x1000000xf32, #tpu.memory_space<hbm>> -> memref<16x128xf32, #tpu.memory_space<hbm>>
        %dma_wait3A_47 = arith.constant 0 : i32
        %dma_wait3A_48 = arith.constant 0 : i32
        %dma_wait3A_49 = tpu.memref_slice %arg9[%rem3A_39, %dma_wait3A, %dma_wait3A_47, %dma_wait3A_48] : memref<3x16x16x128xf32, #tpu.memory_space<vmem>> -> memref<1x1x16x128xf32, #tpu.memory_space<vmem>>
        %dma_wait3A_50 = tpu.memref_squeeze %dma_wait3A_49 : memref<1x1x16x128xf32, #tpu.memory_space<vmem>> -> memref<16x128xf32, #tpu.memory_space<vmem>>
        %dma_wait3A_51 = arith.constant 0 : i32
        %dma_wait3A_52 = arith.constant 0 : i32
        %dma_wait3A_53 = tpu.memref_slice %arg2[%dma_wait3A_51, %dma_wait3A_52] : memref<32x1000000xf32, #tpu.memory_space<hbm>> -> memref<16x128xf32, #tpu.memory_space<hbm>>
        tpu.wait_dma2 semaphore(%arg11 : memref<!tpu.dma_semaphore, #tpu.memory_space<semaphore_mem>>) src(%dma_wait3A_53 : memref<16x128xf32, #tpu.memory_space<hbm>>) dst(%dma_wait3A_50 : memref<16x128xf32, #tpu.memory_space<vmem>>)
        %sub3A_54 = arith.constant 2 : i32
        %sub3A_55 = arith.subi %scan3A_26, %sub3A_54 : i32
        %rem3A_56 = arith.constant 3 : i32
        %rem3A_57 = arith.remsi %sub3A_55, %rem3A_56 : i32
        %dma_wait3A_58 = arith.constant 1 : i32
        %dma_wait3A_59 = arith.constant 0 : i32
        %dma_wait3A_60 = arith.constant 0 : i32
        %dma_wait3A_61 = tpu.memref_slice %arg9[%rem3A_57, %dma_wait3A_58, %dma_wait3A_59, %dma_wait3A_60] : memref<3x16x16x128xf32, #tpu.memory_space<vmem>> -> memref<1x1x16x128xf32, #tpu.memory_space<vmem>>
        %dma_wait3A_62 = tpu.memref_squeeze %dma_wait3A_61 : memref<1x1x16x128xf32, #tpu.memory_space<vmem>> -> memref<16x128xf32, #tpu.memory_space<vmem>>
        %dma_wait3A_63 = arith.constant 0 : i32
        %dma_wait3A_64 = arith.constant 0 : i32
        %dma_wait3A_65 = tpu.memref_slice %arg2[%dma_wait3A_63, %dma_wait3A_64] : memref<32x1000000xf32, #tpu.memory_space<hbm>> -> memref<16x128xf32, #tpu.memory_space<hbm>>
        %dma_wait3A_66 = arith.constant 0 : i32
        %dma_wait3A_67 = arith.constant 0 : i32
        %dma_wait3A_68 = tpu.memref_slice %arg9[%rem3A_57, %dma_wait3A_58, %dma_wait3A_66, %dma_wait3A_67] : memref<3x16x16x128xf32, #tpu.memory_space<vmem>> -> memref<1x1x16x128xf32, #tpu.memory_space<vmem>>
        %dma_wait3A_69 = tpu.memref_squeeze %dma_wait3A_68 : memref<1x1x16x128xf32, #tpu.memory_space<vmem>> -> memref<16x128xf32, #tpu.memory_space<vmem>>
        %dma_wait3A_70 = arith.constant 0 : i32
        %dma_wait3A_71 = arith.constant 0 : i32
        %dma_wait3A_72 = tpu.memref_slice %arg2[%dma_wait3A_70, %dma_wait3A_71] : memref<32x1000000xf32, #tpu.memory_space<hbm>> -> memref<16x128xf32, #tpu.memory_space<hbm>>
        tpu.wait_dma2 semaphore(%arg11 : memref<!tpu.dma_semaphore, #tpu.memory_space<semaphore_mem>>) src(%dma_wait3A_72 : memref<16x128xf32, #tpu.memory_space<hbm>>) dst(%dma_wait3A_69 : memref<16x128xf32, #tpu.memory_space<vmem>>)
        %sub3A_73 = arith.constant 2 : i32
        %sub3A_74 = arith.subi %scan3A_26, %sub3A_73 : i32
        %rem3A_75 = arith.constant 3 : i32
        %rem3A_76 = arith.remsi %sub3A_74, %rem3A_75 : i32
        %dma_wait3A_77 = arith.constant 2 : i32
        %dma_wait3A_78 = arith.constant 0 : i32
        %dma_wait3A_79 = arith.constant 0 : i32
        %dma_wait3A_80 = tpu.memref_slice %arg9[%rem3A_76, %dma_wait3A_77, %dma_wait3A_78, %dma_wait3A_79] : memref<3x16x16x128xf32, #tpu.memory_space<vmem>> -> memref<1x1x16x128xf32, #tpu.memory_space<vmem>>
        %dma_wait3A_81 = tpu.memref_squeeze %dma_wait3A_80 : memref<1x1x16x128xf32, #tpu.memory_space<vmem>> -> memref<16x128xf32, #tpu.memory_space<vmem>>
        %dma_wait3A_82 = arith.constant 0 : i32
        %dma_wait3A_83 = arith.constant 0 : i32
        %dma_wait3A_84 = tpu.memref_slice %arg2[%dma_wait3A_82, %dma_wait3A_83] : memref<32x1000000xf32, #tpu.memory_space<hbm>> -> memref<16x128xf32, #tpu.memory_space<hbm>>
        %dma_wait3A_85 = arith.constant 0 : i32
        %dma_wait3A_86 = arith.constant 0 : i32
        %dma_wait3A_87 = tpu.memref_slice %arg9[%rem3A_76, %dma_wait3A_77, %dma_wait3A_85, %dma_wait3A_86] : memref<3x16x16x128xf32, #tpu.memory_space<vmem>> -> memref<1x1x16x128xf32, #tpu.memory_space<vmem>>
        %dma_wait3A_88 = tpu.memref_squeeze %dma_wait3A_87 : memref<1x1x16x128xf32, #tpu.memory_space<vmem>> -> memref<16x128xf32, #tpu.memory_space<vmem>>
        %dma_wait3A_89 = arith.constant 0 : i32
        %dma_wait3A_90 = arith.constant 0 : i32
        %dma_wait3A_91 = tpu.memref_slice %arg2[%dma_wait3A_89, %dma_wait3A_90] : memref<32x1000000xf32, #tpu.memory_space<hbm>> -> memref<16x128xf32, #tpu.memory_space<hbm>>
        tpu.wait_dma2 semaphore(%arg11 : memref<!tpu.dma_semaphore, #tpu.memory_space<semaphore_mem>>) src(%dma_wait3A_91 : memref<16x128xf32, #tpu.memory_space<hbm>>) dst(%dma_wait3A_88 : memref<16x128xf32, #tpu.memory_space<vmem>>)
        %sub3A_92 = arith.constant 2 : i32
        %sub3A_93 = arith.subi %scan3A_26, %sub3A_92 : i32
        %rem3A_94 = arith.constant 3 : i32
        %rem3A_95 = arith.remsi %sub3A_93, %rem3A_94 : i32
        %dma_wait3A_96 = arith.constant 3 : i32
        %dma_wait3A_97 = arith.constant 0 : i32
        %dma_wait3A_98 = arith.constant 0 : i32
        %dma_wait3A_99 = tpu.memref_slice %arg9[%rem3A_95, %dma_wait3A_96, %dma_wait3A_97, %dma_wait3A_98] : memref<3x16x16x128xf32, #tpu.memory_space<vmem>> -> memref<1x1x16x128xf32, #tpu.memory_space<vmem>>
        %dma_wait3A_100 = tpu.memref_squeeze %dma_wait3A_99 : memref<1x1x16x128xf32, #tpu.memory_space<vmem>> -> memref<16x128xf32, #tpu.memory_space<vmem>>
        %dma_wait3A_101 = arith.constant 0 : i32
        %dma_wait3A_102 = arith.constant 0 : i32
        %dma_wait3A_103 = tpu.memref_slice %arg2[%dma_wait3A_101, %dma_wait3A_102] : memref<32x1000000xf32, #tpu.memory_space<hbm>> -> memref<16x128xf32, #tpu.memory_space<hbm>>
        %dma_wait3A_104 = arith.constant 0 : i32
        %dma_wait3A_105 = arith.constant 0 : i32
        %dma_wait3A_106 = tpu.memref_slice %arg9[%rem3A_95, %dma_wait3A_96, %dma_wait3A_104, %dma_wait3A_105] : memref<3x16x16x128xf32, #tpu.memory_space<vmem>> -> memref<1x1x16x128xf32, #tpu.memory_space<vmem>>
        %dma_wait3A_107 = tpu.memref_squeeze %dma_wait3A_106 : memref<1x1x16x128xf32, #tpu.memory_space<vmem>> -> memref<16x128xf32, #tpu.memory_space<vmem>>
        %dma_wait3A_108 = arith.constant 0 : i32
        %dma_wait3A_109 = arith.constant 0 : i32
        %dma_wait3A_110 = tpu.memref_slice %arg2[%dma_wait3A_108, %dma_wait3A_109] : memref<32x1000000xf32, #tpu.memory_space<hbm>> -> memref<16x128xf32, #tpu.memory_space<hbm>>
        tpu.wait_dma2 semaphore(%arg11 : memref<!tpu.dma_semaphore, #tpu.memory_space<semaphore_mem>>) src(%dma_wait3A_110 : memref<16x128xf32, #tpu.memory_space<hbm>>) dst(%dma_wait3A_107 : memref<16x128xf32, #tpu.memory_space<vmem>>)
        %sub3A_111 = arith.constant 2 : i32
        %sub3A_112 = arith.subi %scan3A_26, %sub3A_111 : i32
        %rem3A_113 = arith.constant 3 : i32
        %rem3A_114 = arith.remsi %sub3A_112, %rem3A_113 : i32
        %dma_wait3A_115 = arith.constant 4 : i32
        %dma_wait3A_116 = arith.constant 0 : i32
        %dma_wait3A_117 = arith.constant 0 : i32
        %dma_wait3A_118 = tpu.memref_slice %arg9[%rem3A_114, %dma_wait3A_115, %dma_wait3A_116, %dma_wait3A_117] : memref<3x16x16x128xf32, #tpu.memory_space<vmem>> -> memref<1x1x16x128xf32, #tpu.memory_space<vmem>>
        %dma_wait3A_119 = tpu.memref_squeeze %dma_wait3A_118 : memref<1x1x16x128xf32, #tpu.memory_space<vmem>> -> memref<16x128xf32, #tpu.memory_space<vmem>>
        %dma_wait3A_120 = arith.constant 0 : i32
        %dma_wait3A_121 = arith.constant 0 : i32
        %dma_wait3A_122 = tpu.memref_slice %arg2[%dma_wait3A_120, %dma_wait3A_121] : memref<32x1000000xf32, #tpu.memory_space<hbm>> -> memref<16x128xf32, #tpu.memory_space<hbm>>
        %dma_wait3A_123 = arith.constant 0 : i32
        %dma_wait3A_124 = arith.constant 0 : i32
        %dma_wait3A_125 = tpu.memref_slice %arg9[%rem3A_114, %dma_wait3A_115, %dma_wait3A_123, %dma_wait3A_124] : memref<3x16x16x128xf32, #tpu.memory_space<vmem>> -> memref<1x1x16x128xf32, #tpu.memory_space<vmem>>
        %dma_wait3A_126 = tpu.memref_squeeze %dma_wait3A_125 : memref<1x1x16x128xf32, #tpu.memory_space<vmem>> -> memref<16x128xf32, #tpu.memory_space<vmem>>
        %dma_wait3A_127 = arith.constant 0 : i32
        %dma_wait3A_128 = arith.constant 0 : i32
        %dma_wait3A_129 = tpu.memref_slice %arg2[%dma_wait3A_127, %dma_wait3A_128] : memref<32x1000000xf32, #tpu.memory_space<hbm>> -> memref<16x128xf32, #tpu.memory_space<hbm>>
        tpu.wait_dma2 semaphore(%arg11 : memref<!tpu.dma_semaphore, #tpu.memory_space<semaphore_mem>>) src(%dma_wait3A_129 : memref<16x128xf32, #tpu.memory_space<hbm>>) dst(%dma_wait3A_126 : memref<16x128xf32, #tpu.memory_space<vmem>>)
        %sub3A_130 = arith.constant 2 : i32
        %sub3A_131 = arith.subi %scan3A_26, %sub3A_130 : i32
        %rem3A_132 = arith.constant 3 : i32
        %rem3A_133 = arith.remsi %sub3A_131, %rem3A_132 : i32
        %dma_wait3A_134 = arith.constant 5 : i32
        %dma_wait3A_135 = arith.constant 0 : i32
        %dma_wait3A_136 = arith.constant 0 : i32
        %dma_wait3A_137 = tpu.memref_slice %arg9[%rem3A_133, %dma_wait3A_134, %dma_wait3A_135, %dma_wait3A_136] : memref<3x16x16x128xf32, #tpu.memory_space<vmem>> -> memref<1x1x16x128xf32, #tpu.memory_space<vmem>>
        %dma_wait3A_138 = tpu.memref_squeeze %dma_wait3A_137 : memref<1x1x16x128xf32, #tpu.memory_space<vmem>> -> memref<16x128xf32, #tpu.memory_space<vmem>>
        %dma_wait3A_139 = arith.constant 0 : i32
        %dma_wait3A_140 = arith.constant 0 : i32
        %dma_wait3A_141 = tpu.memref_slice %arg2[%dma_wait3A_139, %dma_wait3A_140] : memref<32x1000000xf32, #tpu.memory_space<hbm>> -> memref<16x128xf32, #tpu.memory_space<hbm>>
        %dma_wait3A_142 = arith.constant 0 : i32
        %dma_wait3A_143 = arith.constant 0 : i32
        %dma_wait3A_144 = tpu.memref_slice %arg9[%rem3A_133, %dma_wait3A_134, %dma_wait3A_142, %dma_wait3A_143] : memref<3x16x16x128xf32, #tpu.memory_space<vmem>> -> memref<1x1x16x128xf32, #tpu.memory_space<vmem>>
        %dma_wait3A_145 = tpu.memref_squeeze %dma_wait3A_144 : memref<1x1x16x128xf32, #tpu.memory_space<vmem>> -> memref<16x128xf32, #tpu.memory_space<vmem>>
        %dma_wait3A_146 = arith.constant 0 : i32
        %dma_wait3A_147 = arith.constant 0 : i32
        %dma_wait3A_148 = tpu.memref_slice %arg2[%dma_wait3A_146, %dma_wait3A_147] : memref<32x1000000xf32, #tpu.memory_space<hbm>> -> memref<16x128xf32, #tpu.memory_space<hbm>>
        tpu.wait_dma2 semaphore(%arg11 : memref<!tpu.dma_semaphore, #tpu.memory_space<semaphore_mem>>) src(%dma_wait3A_148 : memref<16x128xf32, #tpu.memory_space<hbm>>) dst(%dma_wait3A_145 : memref<16x128xf32, #tpu.memory_space<vmem>>)
        %sub3A_149 = arith.constant 2 : i32
        %sub3A_150 = arith.subi %scan3A_26, %sub3A_149 : i32
        %rem3A_151 = arith.constant 3 : i32
        %rem3A_152 = arith.remsi %sub3A_150, %rem3A_151 : i32
        %dma_wait3A_153 = arith.constant 6 : i32
        %dma_wait3A_154 = arith.constant 0 : i32
        %dma_wait3A_155 = arith.constant 0 : i32
        %dma_wait3A_156 = tpu.memref_slice %arg9[%rem3A_152, %dma_wait3A_153, %dma_wait3A_154, %dma_wait3A_155] : memref<3x16x16x128xf32, #tpu.memory_space<vmem>> -> memref<1x1x16x128xf32, #tpu.memory_space<vmem>>
        %dma_wait3A_157 = tpu.memref_squeeze %dma_wait3A_156 : memref<1x1x16x128xf32, #tpu.memory_space<vmem>> -> memref<16x128xf32, #tpu.memory_space<vmem>>
        %dma_wait3A_158 = arith.constant 0 : i32
        %dma_wait3A_159 = arith.constant 0 : i32
        %dma_wait3A_160 = tpu.memref_slice %arg2[%dma_wait3A_158, %dma_wait3A_159] : memref<32x1000000xf32, #tpu.memory_space<hbm>> -> memref<16x128xf32, #tpu.memory_space<hbm>>
        %dma_wait3A_161 = arith.constant 0 : i32
        %dma_wait3A_162 = arith.constant 0 : i32
        %dma_wait3A_163 = tpu.memref_slice %arg9[%rem3A_152, %dma_wait3A_153, %dma_wait3A_161, %dma_wait3A_162] : memref<3x16x16x128xf32, #tpu.memory_space<vmem>> -> memref<1x1x16x128xf32, #tpu.memory_space<vmem>>
        %dma_wait3A_164 = tpu.memref_squeeze %dma_wait3A_163 : memref<1x1x16x128xf32, #tpu.memory_space<vmem>> -> memref<16x128xf32, #tpu.memory_space<vmem>>
        %dma_wait3A_165 = arith.constant 0 : i32
        %dma_wait3A_166 = arith.constant 0 : i32
        %dma_wait3A_167 = tpu.memref_slice %arg2[%dma_wait3A_165, %dma_wait3A_166] : memref<32x1000000xf32, #tpu.memory_space<hbm>> -> memref<16x128xf32, #tpu.memory_space<hbm>>
        tpu.wait_dma2 semaphore(%arg11 : memref<!tpu.dma_semaphore, #tpu.memory_space<semaphore_mem>>) src(%dma_wait3A_167 : memref<16x128xf32, #tpu.memory_space<hbm>>) dst(%dma_wait3A_164 : memref<16x128xf32, #tpu.memory_space<vmem>>)
        %sub3A_168 = arith.constant 2 : i32
        %sub3A_169 = arith.subi %scan3A_26, %sub3A_168 : i32
        %rem3A_170 = arith.constant 3 : i32
        %rem3A_171 = arith.remsi %sub3A_169, %rem3A_170 : i32
        %dma_wait3A_172 = arith.constant 7 : i32
        %dma_wait3A_173 = arith.constant 0 : i32
        %dma_wait3A_174 = arith.constant 0 : i32
        %dma_wait3A_175 = tpu.memref_slice %arg9[%rem3A_171, %dma_wait3A_172, %dma_wait3A_173, %dma_wait3A_174] : memref<3x16x16x128xf32, #tpu.memory_space<vmem>> -> memref<1x1x16x128xf32, #tpu.memory_space<vmem>>
        %dma_wait3A_176 = tpu.memref_squeeze %dma_wait3A_175 : memref<1x1x16x128xf32, #tpu.memory_space<vmem>> -> memref<16x128xf32, #tpu.memory_space<vmem>>
        %dma_wait3A_177 = arith.constant 0 : i32
        %dma_wait3A_178 = arith.constant 0 : i32
        %dma_wait3A_179 = tpu.memref_slice %arg2[%dma_wait3A_177, %dma_wait3A_178] : memref<32x1000000xf32, #tpu.memory_space<hbm>> -> memref<16x128xf32, #tpu.memory_space<hbm>>
        %dma_wait3A_180 = arith.constant 0 : i32
        %dma_wait3A_181 = arith.constant 0 : i32
        %dma_wait3A_182 = tpu.memref_slice %arg9[%rem3A_171, %dma_wait3A_172, %dma_wait3A_180, %dma_wait3A_181] : memref<3x16x16x128xf32, #tpu.memory_space<vmem>> -> memref<1x1x16x128xf32, #tpu.memory_space<vmem>>
        %dma_wait3A_183 = tpu.memref_squeeze %dma_wait3A_182 : memref<1x1x16x128xf32, #tpu.memory_space<vmem>> -> memref<16x128xf32, #tpu.memory_space<vmem>>
        %dma_wait3A_184 = arith.constant 0 : i32
        %dma_wait3A_185 = arith.constant 0 : i32
        %dma_wait3A_186 = tpu.memref_slice %arg2[%dma_wait3A_184, %dma_wait3A_185] : memref<32x1000000xf32, #tpu.memory_space<hbm>> -> memref<16x128xf32, #tpu.memory_space<hbm>>
        tpu.wait_dma2 semaphore(%arg11 : memref<!tpu.dma_semaphore, #tpu.memory_space<semaphore_mem>>) src(%dma_wait3A_186 : memref<16x128xf32, #tpu.memory_space<hbm>>) dst(%dma_wait3A_183 : memref<16x128xf32, #tpu.memory_space<vmem>>)
        %sub3A_187 = arith.constant 2 : i32
        %sub3A_188 = arith.subi %scan3A_26, %sub3A_187 : i32
        %rem3A_189 = arith.constant 3 : i32
        %rem3A_190 = arith.remsi %sub3A_188, %rem3A_189 : i32
        %dma_wait3A_191 = arith.constant 8 : i32
        %dma_wait3A_192 = arith.constant 0 : i32
        %dma_wait3A_193 = arith.constant 0 : i32
        %dma_wait3A_194 = tpu.memref_slice %arg9[%rem3A_190, %dma_wait3A_191, %dma_wait3A_192, %dma_wait3A_193] : memref<3x16x16x128xf32, #tpu.memory_space<vmem>> -> memref<1x1x16x128xf32, #tpu.memory_space<vmem>>
        %dma_wait3A_195 = tpu.memref_squeeze %dma_wait3A_194 : memref<1x1x16x128xf32, #tpu.memory_space<vmem>> -> memref<16x128xf32, #tpu.memory_space<vmem>>
        %dma_wait3A_196 = arith.constant 0 : i32
        %dma_wait3A_197 = arith.constant 0 : i32
        %dma_wait3A_198 = tpu.memref_slice %arg2[%dma_wait3A_196, %dma_wait3A_197] : memref<32x1000000xf32, #tpu.memory_space<hbm>> -> memref<16x128xf32, #tpu.memory_space<hbm>>
        %dma_wait3A_199 = arith.constant 0 : i32
        %dma_wait3A_200 = arith.constant 0 : i32
        %dma_wait3A_201 = tpu.memref_slice %arg9[%rem3A_190, %dma_wait3A_191, %dma_wait3A_199, %dma_wait3A_200] : memref<3x16x16x128xf32, #tpu.memory_space<vmem>> -> memref<1x1x16x128xf32, #tpu.memory_space<vmem>>
        %dma_wait3A_202 = tpu.memref_squeeze %dma_wait3A_201 : memref<1x1x16x128xf32, #tpu.memory_space<vmem>> -> memref<16x128xf32, #tpu.memory_space<vmem>>
        %dma_wait3A_203 = arith.constant 0 : i32
        %dma_wait3A_204 = arith.constant 0 : i32
        %dma_wait3A_205 = tpu.memref_slice %arg2[%dma_wait3A_203, %dma_wait3A_204] : memref<32x1000000xf32, #tpu.memory_space<hbm>> -> memref<16x128xf32, #tpu.memory_space<hbm>>
        tpu.wait_dma2 semaphore(%arg11 : memref<!tpu.dma_semaphore, #tpu.memory_space<semaphore_mem>>) src(%dma_wait3A_205 : memref<16x128xf32, #tpu.memory_space<hbm>>) dst(%dma_wait3A_202 : memref<16x128xf32, #tpu.memory_space<vmem>>)
        %sub3A_206 = arith.constant 2 : i32
        %sub3A_207 = arith.subi %scan3A_26, %sub3A_206 : i32
        %rem3A_208 = arith.constant 3 : i32
        %rem3A_209 = arith.remsi %sub3A_207, %rem3A_208 : i32
        %dma_wait3A_210 = arith.constant 9 : i32
        %dma_wait3A_211 = arith.constant 0 : i32
        %dma_wait3A_212 = arith.constant 0 : i32
        %dma_wait3A_213 = tpu.memref_slice %arg9[%rem3A_209, %dma_wait3A_210, %dma_wait3A_211, %dma_wait3A_212] : memref<3x16x16x128xf32, #tpu.memory_space<vmem>> -> memref<1x1x16x128xf32, #tpu.memory_space<vmem>>
        %dma_wait3A_214 = tpu.memref_squeeze %dma_wait3A_213 : memref<1x1x16x128xf32, #tpu.memory_space<vmem>> -> memref<16x128xf32, #tpu.memory_space<vmem>>
        %dma_wait3A_215 = arith.constant 0 : i32
        %dma_wait3A_216 = arith.constant 0 : i32
        %dma_wait3A_217 = tpu.memref_slice %arg2[%dma_wait3A_215, %dma_wait3A_216] : memref<32x1000000xf32, #tpu.memory_space<hbm>> -> memref<16x128xf32, #tpu.memory_space<hbm>>
        %dma_wait3A_218 = arith.constant 0 : i32
        %dma_wait3A_219 = arith.constant 0 : i32
        %dma_wait3A_220 = tpu.memref_slice %arg9[%rem3A_209, %dma_wait3A_210, %dma_wait3A_218, %dma_wait3A_219] : memref<3x16x16x128xf32, #tpu.memory_space<vmem>> -> memref<1x1x16x128xf32, #tpu.memory_space<vmem>>
        %dma_wait3A_221 = tpu.memref_squeeze %dma_wait3A_220 : memref<1x1x16x128xf32, #tpu.memory_space<vmem>> -> memref<16x128xf32, #tpu.memory_space<vmem>>
        %dma_wait3A_222 = arith.constant 0 : i32
        %dma_wait3A_223 = arith.constant 0 : i32
        %dma_wait3A_224 = tpu.memref_slice %arg2[%dma_wait3A_222, %dma_wait3A_223] : memref<32x1000000xf32, #tpu.memory_space<hbm>> -> memref<16x128xf32, #tpu.memory_space<hbm>>
        tpu.wait_dma2 semaphore(%arg11 : memref<!tpu.dma_semaphore, #tpu.memory_space<semaphore_mem>>) src(%dma_wait3A_224 : memref<16x128xf32, #tpu.memory_space<hbm>>) dst(%dma_wait3A_221 : memref<16x128xf32, #tpu.memory_space<vmem>>)
        %sub3A_225 = arith.constant 2 : i32
        %sub3A_226 = arith.subi %scan3A_26, %sub3A_225 : i32
        %rem3A_227 = arith.constant 3 : i32
        %rem3A_228 = arith.remsi %sub3A_226, %rem3A_227 : i32
        %dma_wait3A_229 = arith.constant 10 : i32
        %dma_wait3A_230 = arith.constant 0 : i32
        %dma_wait3A_231 = arith.constant 0 : i32
        %dma_wait3A_232 = tpu.memref_slice %arg9[%rem3A_228, %dma_wait3A_229, %dma_wait3A_230, %dma_wait3A_231] : memref<3x16x16x128xf32, #tpu.memory_space<vmem>> -> memref<1x1x16x128xf32, #tpu.memory_space<vmem>>
        %dma_wait3A_233 = tpu.memref_squeeze %dma_wait3A_232 : memref<1x1x16x128xf32, #tpu.memory_space<vmem>> -> memref<16x128xf32, #tpu.memory_space<vmem>>
        %dma_wait3A_234 = arith.constant 0 : i32
        %dma_wait3A_235 = arith.constant 0 : i32
        %dma_wait3A_236 = tpu.memref_slice %arg2[%dma_wait3A_234, %dma_wait3A_235] : memref<32x1000000xf32, #tpu.memory_space<hbm>> -> memref<16x128xf32, #tpu.memory_space<hbm>>
        %dma_wait3A_237 = arith.constant 0 : i32
        %dma_wait3A_238 = arith.constant 0 : i32
        %dma_wait3A_239 = tpu.memref_slice %arg9[%rem3A_228, %dma_wait3A_229, %dma_wait3A_237, %dma_wait3A_238] : memref<3x16x16x128xf32, #tpu.memory_space<vmem>> -> memref<1x1x16x128xf32, #tpu.memory_space<vmem>>
        %dma_wait3A_240 = tpu.memref_squeeze %dma_wait3A_239 : memref<1x1x16x128xf32, #tpu.memory_space<vmem>> -> memref<16x128xf32, #tpu.memory_space<vmem>>
        %dma_wait3A_241 = arith.constant 0 : i32
        %dma_wait3A_242 = arith.constant 0 : i32
        %dma_wait3A_243 = tpu.memref_slice %arg2[%dma_wait3A_241, %dma_wait3A_242] : memref<32x1000000xf32, #tpu.memory_space<hbm>> -> memref<16x128xf32, #tpu.memory_space<hbm>>
        tpu.wait_dma2 semaphore(%arg11 : memref<!tpu.dma_semaphore, #tpu.memory_space<semaphore_mem>>) src(%dma_wait3A_243 : memref<16x128xf32, #tpu.memory_space<hbm>>) dst(%dma_wait3A_240 : memref<16x128xf32, #tpu.memory_space<vmem>>)
        %sub3A_244 = arith.constant 2 : i32
        %sub3A_245 = arith.subi %scan3A_26, %sub3A_244 : i32
        %rem3A_246 = arith.constant 3 : i32
        %rem3A_247 = arith.remsi %sub3A_245, %rem3A_246 : i32
        %dma_wait3A_248 = arith.constant 11 : i32
        %dma_wait3A_249 = arith.constant 0 : i32
        %dma_wait3A_250 = arith.constant 0 : i32
        %dma_wait3A_251 = tpu.memref_slice %arg9[%rem3A_247, %dma_wait3A_248, %dma_wait3A_249, %dma_wait3A_250] : memref<3x16x16x128xf32, #tpu.memory_space<vmem>> -> memref<1x1x16x128xf32, #tpu.memory_space<vmem>>
        %dma_wait3A_252 = tpu.memref_squeeze %dma_wait3A_251 : memref<1x1x16x128xf32, #tpu.memory_space<vmem>> -> memref<16x128xf32, #tpu.memory_space<vmem>>
        %dma_wait3A_253 = arith.constant 0 : i32
        %dma_wait3A_254 = arith.constant 0 : i32
        %dma_wait3A_255 = tpu.memref_slice %arg2[%dma_wait3A_253, %dma_wait3A_254] : memref<32x1000000xf32, #tpu.memory_space<hbm>> -> memref<16x128xf32, #tpu.memory_space<hbm>>
        %dma_wait3A_256 = arith.constant 0 : i32
        %dma_wait3A_257 = arith.constant 0 : i32
        %dma_wait3A_258 = tpu.memref_slice %arg9[%rem3A_247, %dma_wait3A_248, %dma_wait3A_256, %dma_wait3A_257] : memref<3x16x16x128xf32, #tpu.memory_space<vmem>> -> memref<1x1x16x128xf32, #tpu.memory_space<vmem>>
        %dma_wait3A_259 = tpu.memref_squeeze %dma_wait3A_258 : memref<1x1x16x128xf32, #tpu.memory_space<vmem>> -> memref<16x128xf32, #tpu.memory_space<vmem>>
        %dma_wait3A_260 = arith.constant 0 : i32
        %dma_wait3A_261 = arith.constant 0 : i32
        %dma_wait3A_262 = tpu.memref_slice %arg2[%dma_wait3A_260, %dma_wait3A_261] : memref<32x1000000xf32, #tpu.memory_space<hbm>> -> memref<16x128xf32, #tpu.memory_space<hbm>>
        tpu.wait_dma2 semaphore(%arg11 : memref<!tpu.dma_semaphore, #tpu.memory_space<semaphore_mem>>) src(%dma_wait3A_262 : memref<16x128xf32, #tpu.memory_space<hbm>>) dst(%dma_wait3A_259 : memref<16x128xf32, #tpu.memory_space<vmem>>)
        %sub3A_263 = arith.constant 2 : i32
        %sub3A_264 = arith.subi %scan3A_26, %sub3A_263 : i32
        %rem3A_265 = arith.constant 3 : i32
        %rem3A_266 = arith.remsi %sub3A_264, %rem3A_265 : i32
        %dma_wait3A_267 = arith.constant 12 : i32
        %dma_wait3A_268 = arith.constant 0 : i32
        %dma_wait3A_269 = arith.constant 0 : i32
        %dma_wait3A_270 = tpu.memref_slice %arg9[%rem3A_266, %dma_wait3A_267, %dma_wait3A_268, %dma_wait3A_269] : memref<3x16x16x128xf32, #tpu.memory_space<vmem>> -> memref<1x1x16x128xf32, #tpu.memory_space<vmem>>
        %dma_wait3A_271 = tpu.memref_squeeze %dma_wait3A_270 : memref<1x1x16x128xf32, #tpu.memory_space<vmem>> -> memref<16x128xf32, #tpu.memory_space<vmem>>
        %dma_wait3A_272 = arith.constant 0 : i32
        %dma_wait3A_273 = arith.constant 0 : i32
        %dma_wait3A_274 = tpu.memref_slice %arg2[%dma_wait3A_272, %dma_wait3A_273] : memref<32x1000000xf32, #tpu.memory_space<hbm>> -> memref<16x128xf32, #tpu.memory_space<hbm>>
        %dma_wait3A_275 = arith.constant 0 : i32
        %dma_wait3A_276 = arith.constant 0 : i32
        %dma_wait3A_277 = tpu.memref_slice %arg9[%rem3A_266, %dma_wait3A_267, %dma_wait3A_275, %dma_wait3A_276] : memref<3x16x16x128xf32, #tpu.memory_space<vmem>> -> memref<1x1x16x128xf32, #tpu.memory_space<vmem>>
        %dma_wait3A_278 = tpu.memref_squeeze %dma_wait3A_277 : memref<1x1x16x128xf32, #tpu.memory_space<vmem>> -> memref<16x128xf32, #tpu.memory_space<vmem>>
        %dma_wait3A_279 = arith.constant 0 : i32
        %dma_wait3A_280 = arith.constant 0 : i32
        %dma_wait3A_281 = tpu.memref_slice %arg2[%dma_wait3A_279, %dma_wait3A_280] : memref<32x1000000xf32, #tpu.memory_space<hbm>> -> memref<16x128xf32, #tpu.memory_space<hbm>>
        tpu.wait_dma2 semaphore(%arg11 : memref<!tpu.dma_semaphore, #tpu.memory_space<semaphore_mem>>) src(%dma_wait3A_281 : memref<16x128xf32, #tpu.memory_space<hbm>>) dst(%dma_wait3A_278 : memref<16x128xf32, #tpu.memory_space<vmem>>)
        %sub3A_282 = arith.constant 2 : i32
        %sub3A_283 = arith.subi %scan3A_26, %sub3A_282 : i32
        %rem3A_284 = arith.constant 3 : i32
        %rem3A_285 = arith.remsi %sub3A_283, %rem3A_284 : i32
        %dma_wait3A_286 = arith.constant 13 : i32
        %dma_wait3A_287 = arith.constant 0 : i32
        %dma_wait3A_288 = arith.constant 0 : i32
        %dma_wait3A_289 = tpu.memref_slice %arg9[%rem3A_285, %dma_wait3A_286, %dma_wait3A_287, %dma_wait3A_288] : memref<3x16x16x128xf32, #tpu.memory_space<vmem>> -> memref<1x1x16x128xf32, #tpu.memory_space<vmem>>
        %dma_wait3A_290 = tpu.memref_squeeze %dma_wait3A_289 : memref<1x1x16x128xf32, #tpu.memory_space<vmem>> -> memref<16x128xf32, #tpu.memory_space<vmem>>
        %dma_wait3A_291 = arith.constant 0 : i32
        %dma_wait3A_292 = arith.constant 0 : i32
        %dma_wait3A_293 = tpu.memref_slice %arg2[%dma_wait3A_291, %dma_wait3A_292] : memref<32x1000000xf32, #tpu.memory_space<hbm>> -> memref<16x128xf32, #tpu.memory_space<hbm>>
        %dma_wait3A_294 = arith.constant 0 : i32
        %dma_wait3A_295 = arith.constant 0 : i32
        %dma_wait3A_296 = tpu.memref_slice %arg9[%rem3A_285, %dma_wait3A_286, %dma_wait3A_294, %dma_wait3A_295] : memref<3x16x16x128xf32, #tpu.memory_space<vmem>> -> memref<1x1x16x128xf32, #tpu.memory_space<vmem>>
        %dma_wait3A_297 = tpu.memref_squeeze %dma_wait3A_296 : memref<1x1x16x128xf32, #tpu.memory_space<vmem>> -> memref<16x128xf32, #tpu.memory_space<vmem>>
        %dma_wait3A_298 = arith.constant 0 : i32
        %dma_wait3A_299 = arith.constant 0 : i32
        %dma_wait3A_300 = tpu.memref_slice %arg2[%dma_wait3A_298, %dma_wait3A_299] : memref<32x1000000xf32, #tpu.memory_space<hbm>> -> memref<16x128xf32, #tpu.memory_space<hbm>>
        tpu.wait_dma2 semaphore(%arg11 : memref<!tpu.dma_semaphore, #tpu.memory_space<semaphore_mem>>) src(%dma_wait3A_300 : memref<16x128xf32, #tpu.memory_space<hbm>>) dst(%dma_wait3A_297 : memref<16x128xf32, #tpu.memory_space<vmem>>)
        %sub3A_301 = arith.constant 2 : i32
        %sub3A_302 = arith.subi %scan3A_26, %sub3A_301 : i32
        %rem3A_303 = arith.constant 3 : i32
        %rem3A_304 = arith.remsi %sub3A_302, %rem3A_303 : i32
        %dma_wait3A_305 = arith.constant 14 : i32
        %dma_wait3A_306 = arith.constant 0 : i32
        %dma_wait3A_307 = arith.constant 0 : i32
        %dma_wait3A_308 = tpu.memref_slice %arg9[%rem3A_304, %dma_wait3A_305, %dma_wait3A_306, %dma_wait3A_307] : memref<3x16x16x128xf32, #tpu.memory_space<vmem>> -> memref<1x1x16x128xf32, #tpu.memory_space<vmem>>
        %dma_wait3A_309 = tpu.memref_squeeze %dma_wait3A_308 : memref<1x1x16x128xf32, #tpu.memory_space<vmem>> -> memref<16x128xf32, #tpu.memory_space<vmem>>
        %dma_wait3A_310 = arith.constant 0 : i32
        %dma_wait3A_311 = arith.constant 0 : i32
        %dma_wait3A_312 = tpu.memref_slice %arg2[%dma_wait3A_310, %dma_wait3A_311] : memref<32x1000000xf32, #tpu.memory_space<hbm>> -> memref<16x128xf32, #tpu.memory_space<hbm>>
        %dma_wait3A_313 = arith.constant 0 : i32
        %dma_wait3A_314 = arith.constant 0 : i32
        %dma_wait3A_315 = tpu.memref_slice %arg9[%rem3A_304, %dma_wait3A_305, %dma_wait3A_313, %dma_wait3A_314] : memref<3x16x16x128xf32, #tpu.memory_space<vmem>> -> memref<1x1x16x128xf32, #tpu.memory_space<vmem>>
        %dma_wait3A_316 = tpu.memref_squeeze %dma_wait3A_315 : memref<1x1x16x128xf32, #tpu.memory_space<vmem>> -> memref<16x128xf32, #tpu.memory_space<vmem>>
        %dma_wait3A_317 = arith.constant 0 : i32
        %dma_wait3A_318 = arith.constant 0 : i32
        %dma_wait3A_319 = tpu.memref_slice %arg2[%dma_wait3A_317, %dma_wait3A_318] : memref<32x1000000xf32, #tpu.memory_space<hbm>> -> memref<16x128xf32, #tpu.memory_space<hbm>>
        tpu.wait_dma2 semaphore(%arg11 : memref<!tpu.dma_semaphore, #tpu.memory_space<semaphore_mem>>) src(%dma_wait3A_319 : memref<16x128xf32, #tpu.memory_space<hbm>>) dst(%dma_wait3A_316 : memref<16x128xf32, #tpu.memory_space<vmem>>)
        %sub3A_320 = arith.constant 2 : i32
        %sub3A_321 = arith.subi %scan3A_26, %sub3A_320 : i32
        %rem3A_322 = arith.constant 3 : i32
        %rem3A_323 = arith.remsi %sub3A_321, %rem3A_322 : i32
        %dma_wait3A_324 = arith.constant 15 : i32
        %dma_wait3A_325 = arith.constant 0 : i32
        %dma_wait3A_326 = arith.constant 0 : i32
        %dma_wait3A_327 = tpu.memref_slice %arg9[%rem3A_323, %dma_wait3A_324, %dma_wait3A_325, %dma_wait3A_326] : memref<3x16x16x128xf32, #tpu.memory_space<vmem>> -> memref<1x1x16x128xf32, #tpu.memory_space<vmem>>
        %dma_wait3A_328 = tpu.memref_squeeze %dma_wait3A_327 : memref<1x1x16x128xf32, #tpu.memory_space<vmem>> -> memref<16x128xf32, #tpu.memory_space<vmem>>
        %dma_wait3A_329 = arith.constant 0 : i32
        %dma_wait3A_330 = arith.constant 0 : i32
        %dma_wait3A_331 = tpu.memref_slice %arg2[%dma_wait3A_329, %dma_wait3A_330] : memref<32x1000000xf32, #tpu.memory_space<hbm>> -> memref<16x128xf32, #tpu.memory_space<hbm>>
        %dma_wait3A_332 = arith.constant 0 : i32
        %dma_wait3A_333 = arith.constant 0 : i32
        %dma_wait3A_334 = tpu.memref_slice %arg9[%rem3A_323, %dma_wait3A_324, %dma_wait3A_332, %dma_wait3A_333] : memref<3x16x16x128xf32, #tpu.memory_space<vmem>> -> memref<1x1x16x128xf32, #tpu.memory_space<vmem>>
        %dma_wait3A_335 = tpu.memref_squeeze %dma_wait3A_334 : memref<1x1x16x128xf32, #tpu.memory_space<vmem>> -> memref<16x128xf32, #tpu.memory_space<vmem>>
        %dma_wait3A_336 = arith.constant 0 : i32
        %dma_wait3A_337 = arith.constant 0 : i32
        %dma_wait3A_338 = tpu.memref_slice %arg2[%dma_wait3A_336, %dma_wait3A_337] : memref<32x1000000xf32, #tpu.memory_space<hbm>> -> memref<16x128xf32, #tpu.memory_space<hbm>>
        tpu.wait_dma2 semaphore(%arg11 : memref<!tpu.dma_semaphore, #tpu.memory_space<semaphore_mem>>) src(%dma_wait3A_338 : memref<16x128xf32, #tpu.memory_space<hbm>>) dst(%dma_wait3A_335 : memref<16x128xf32, #tpu.memory_space<vmem>>)
      } else {
      }
      %lt3A = arith.constant 32 : i32
      %lt3A_29 = arith.cmpi slt, %scan3A_26, %lt3A : i32
      %convert_element_type3A_30 = arith.extui %lt3A_29 : i1 to i32
      %cond3A_31 = arith.constant 0 : i32
      %cond3A_32 = arith.cmpi ne, %convert_element_type3A_30, %cond3A_31 : i32
      scf.if %cond3A_32 {
        %rem3A = arith.constant 3 : i32
        %rem3A_38 = arith.remsi %scan3A_26, %rem3A : i32
        %mul3A_39 = arith.constant 16 : i32
        %mul3A_40 = arith.muli %scan3A_26, %mul3A_39 : i32
        %get3A = arith.index_cast %mul3A_40 : i32 to index
        %get3A_41 = tpu.vector_load %arg7[%get3A] {strides = array<i32>} : memref<512xi32, #tpu.memory_space<vmem>>, vector<16xi32>,
        %slice3A = vector.extract_strided_slice %get3A_41 {offsets = [0], sizes = [1], strides = [1]} : vector<16xi32> to vector<1xi32>
        %squeeze3A = vector.extract %slice3A[0] : i32 from vector<1xi32>
        %shift_right_arithmetic3A = arith.constant 7 : i32
        %shift_right_arithmetic3A_42 = arith.shrsi %squeeze3A, %shift_right_arithmetic3A : i32
        %shift_left3A = arith.constant 7 : i32
        %shift_left3A_43 = arith.shli %shift_right_arithmetic3A_42, %shift_left3A : i32
        %multiple_of3A = tpu.assume_multiple %shift_left3A_43, 128 : i32
        %dma_start3A = arith.constant 0 : i32
        %dma_start3A_44 = arith.constant 0 : i32
        %dma_start3A_45 = arith.constant 0 : i32
        %dma_start3A_46 = tpu.memref_slice %arg9[%rem3A_38, %dma_start3A, %dma_start3A_44, %dma_start3A_45] : memref<3x16x16x128xf32, #tpu.memory_space<vmem>> -> memref<1x1x16x128xf32, #tpu.memory_space<vmem>>
        %dma_start3A_47 = tpu.memref_squeeze %dma_start3A_46 : memref<1x1x16x128xf32, #tpu.memory_space<vmem>> -> memref<16x128xf32, #tpu.memory_space<vmem>>
        %dma_start3A_48 = arith.constant 0 : i32
        %dma_start3A_49 = tpu.memref_slice %arg2[%dma_start3A_48, %multiple_of3A] : memref<32x1000000xf32, #tpu.memory_space<hbm>> -> memref<16x128xf32, #tpu.memory_space<hbm>>
        %dma_start3A_50 = arith.constant 0 : i32
        %dma_start3A_51 = arith.constant 0 : i32
        %dma_start3A_52 = tpu.memref_slice %arg9[%rem3A_38, %dma_start3A, %dma_start3A_50, %dma_start3A_51] : memref<3x16x16x128xf32, #tpu.memory_space<vmem>> -> memref<1x1x16x128xf32, #tpu.memory_space<vmem>>
        %dma_start3A_53 = tpu.memref_squeeze %dma_start3A_52 : memref<1x1x16x128xf32, #tpu.memory_space<vmem>> -> memref<16x128xf32, #tpu.memory_space<vmem>>
        %dma_start3A_54 = arith.constant 0 : i32
        %dma_start3A_55 = tpu.memref_slice %arg2[%dma_start3A_54, %multiple_of3A] : memref<32x1000000xf32, #tpu.memory_space<hbm>> -> memref<16x128xf32, #tpu.memory_space<hbm>>
        tpu.enqueue_dma source(%dma_start3A_55 : memref<16x128xf32, #tpu.memory_space<hbm>>) target(%dma_start3A_53 : memref<16x128xf32, #tpu.memory_space<vmem>>) target_semaphore(%arg11 : memref<!tpu.dma_semaphore, #tpu.memory_space<semaphore_mem>>)
        %slice3A_56 = vector.extract_strided_slice %get3A_41 {offsets = [1], sizes = [1], strides = [1]} : vector<16xi32> to vector<1xi32>
        %squeeze3A_57 = vector.extract %slice3A_56[0] : i32 from vector<1xi32>
        %shift_right_arithmetic3A_58 = arith.constant 7 : i32
        %shift_right_arithmetic3A_59 = arith.shrsi %squeeze3A_57, %shift_right_arithmetic3A_58 : i32
        %shift_left3A_60 = arith.constant 7 : i32
        %shift_left3A_61 = arith.shli %shift_right_arithmetic3A_59, %shift_left3A_60 : i32
        %multiple_of3A_62 = tpu.assume_multiple %shift_left3A_61, 128 : i32
        %dma_start3A_63 = arith.constant 1 : i32
        %dma_start3A_64 = arith.constant 0 : i32
        %dma_start3A_65 = arith.constant 0 : i32
        %dma_start3A_66 = tpu.memref_slice %arg9[%rem3A_38, %dma_start3A_63, %dma_start3A_64, %dma_start3A_65] : memref<3x16x16x128xf32, #tpu.memory_space<vmem>> -> memref<1x1x16x128xf32, #tpu.memory_space<vmem>>
        %dma_start3A_67 = tpu.memref_squeeze %dma_start3A_66 : memref<1x1x16x128xf32, #tpu.memory_space<vmem>> -> memref<16x128xf32, #tpu.memory_space<vmem>>
        %dma_start3A_68 = arith.constant 0 : i32
        %dma_start3A_69 = tpu.memref_slice %arg2[%dma_start3A_68, %multiple_of3A_62] : memref<32x1000000xf32, #tpu.memory_space<hbm>> -> memref<16x128xf32, #tpu.memory_space<hbm>>
        %dma_start3A_70 = arith.constant 0 : i32
        %dma_start3A_71 = arith.constant 0 : i32
        %dma_start3A_72 = tpu.memref_slice %arg9[%rem3A_38, %dma_start3A_63, %dma_start3A_70, %dma_start3A_71] : memref<3x16x16x128xf32, #tpu.memory_space<vmem>> -> memref<1x1x16x128xf32, #tpu.memory_space<vmem>>
        %dma_start3A_73 = tpu.memref_squeeze %dma_start3A_72 : memref<1x1x16x128xf32, #tpu.memory_space<vmem>> -> memref<16x128xf32, #tpu.memory_space<vmem>>
        %dma_start3A_74 = arith.constant 0 : i32
        %dma_start3A_75 = tpu.memref_slice %arg2[%dma_start3A_74, %multiple_of3A_62] : memref<32x1000000xf32, #tpu.memory_space<hbm>> -> memref<16x128xf32, #tpu.memory_space<hbm>>
        tpu.enqueue_dma source(%dma_start3A_75 : memref<16x128xf32, #tpu.memory_space<hbm>>) target(%dma_start3A_73 : memref<16x128xf32, #tpu.memory_space<vmem>>) target_semaphore(%arg11 : memref<!tpu.dma_semaphore, #tpu.memory_space<semaphore_mem>>)
        %slice3A_76 = vector.extract_strided_slice %get3A_41 {offsets = [2], sizes = [1], strides = [1]} : vector<16xi32> to vector<1xi32>
        %squeeze3A_77 = vector.extract %slice3A_76[0] : i32 from vector<1xi32>
        %shift_right_arithmetic3A_78 = arith.constant 7 : i32
        %shift_right_arithmetic3A_79 = arith.shrsi %squeeze3A_77, %shift_right_arithmetic3A_78 : i32
        %shift_left3A_80 = arith.constant 7 : i32
        %shift_left3A_81 = arith.shli %shift_right_arithmetic3A_79, %shift_left3A_80 : i32
        %multiple_of3A_82 = tpu.assume_multiple %shift_left3A_81, 128 : i32
        %dma_start3A_83 = arith.constant 2 : i32
        %dma_start3A_84 = arith.constant 0 : i32
        %dma_start3A_85 = arith.constant 0 : i32
        %dma_start3A_86 = tpu.memref_slice %arg9[%rem3A_38, %dma_start3A_83, %dma_start3A_84, %dma_start3A_85] : memref<3x16x16x128xf32, #tpu.memory_space<vmem>> -> memref<1x1x16x128xf32, #tpu.memory_space<vmem>>
        %dma_start3A_87 = tpu.memref_squeeze %dma_start3A_86 : memref<1x1x16x128xf32, #tpu.memory_space<vmem>> -> memref<16x128xf32, #tpu.memory_space<vmem>>
        %dma_start3A_88 = arith.constant 0 : i32
        %dma_start3A_89 = tpu.memref_slice %arg2[%dma_start3A_88, %multiple_of3A_82] : memref<32x1000000xf32, #tpu.memory_space<hbm>> -> memref<16x128xf32, #tpu.memory_space<hbm>>
        %dma_start3A_90 = arith.constant 0 : i32
        %dma_start3A_91 = arith.constant 0 : i32
        %dma_start3A_92 = tpu.memref_slice %arg9[%rem3A_38, %dma_start3A_83, %dma_start3A_90, %dma_start3A_91] : memref<3x16x16x128xf32, #tpu.memory_space<vmem>> -> memref<1x1x16x128xf32, #tpu.memory_space<vmem>>
        %dma_start3A_93 = tpu.memref_squeeze %dma_start3A_92 : memref<1x1x16x128xf32, #tpu.memory_space<vmem>> -> memref<16x128xf32, #tpu.memory_space<vmem>>
        %dma_start3A_94 = arith.constant 0 : i32
        %dma_start3A_95 = tpu.memref_slice %arg2[%dma_start3A_94, %multiple_of3A_82] : memref<32x1000000xf32, #tpu.memory_space<hbm>> -> memref<16x128xf32, #tpu.memory_space<hbm>>
        tpu.enqueue_dma source(%dma_start3A_95 : memref<16x128xf32, #tpu.memory_space<hbm>>) target(%dma_start3A_93 : memref<16x128xf32, #tpu.memory_space<vmem>>) target_semaphore(%arg11 : memref<!tpu.dma_semaphore, #tpu.memory_space<semaphore_mem>>)
        %slice3A_96 = vector.extract_strided_slice %get3A_41 {offsets = [3], sizes = [1], strides = [1]} : vector<16xi32> to vector<1xi32>
        %squeeze3A_97 = vector.extract %slice3A_96[0] : i32 from vector<1xi32>
        %shift_right_arithmetic3A_98 = arith.constant 7 : i32
        %shift_right_arithmetic3A_99 = arith.shrsi %squeeze3A_97, %shift_right_arithmetic3A_98 : i32
        %shift_left3A_100 = arith.constant 7 : i32
        %shift_left3A_101 = arith.shli %shift_right_arithmetic3A_99, %shift_left3A_100 : i32
        %multiple_of3A_102 = tpu.assume_multiple %shift_left3A_101, 128 : i32
        %dma_start3A_103 = arith.constant 3 : i32
        %dma_start3A_104 = arith.constant 0 : i32
        %dma_start3A_105 = arith.constant 0 : i32
        %dma_start3A_106 = tpu.memref_slice %arg9[%rem3A_38, %dma_start3A_103, %dma_start3A_104, %dma_start3A_105] : memref<3x16x16x128xf32, #tpu.memory_space<vmem>> -> memref<1x1x16x128xf32, #tpu.memory_space<vmem>>
        %dma_start3A_107 = tpu.memref_squeeze %dma_start3A_106 : memref<1x1x16x128xf32, #tpu.memory_space<vmem>> -> memref<16x128xf32, #tpu.memory_space<vmem>>
        %dma_start3A_108 = arith.constant 0 : i32
        %dma_start3A_109 = tpu.memref_slice %arg2[%dma_start3A_108, %multiple_of3A_102] : memref<32x1000000xf32, #tpu.memory_space<hbm>> -> memref<16x128xf32, #tpu.memory_space<hbm>>
        %dma_start3A_110 = arith.constant 0 : i32
        %dma_start3A_111 = arith.constant 0 : i32
        %dma_start3A_112 = tpu.memref_slice %arg9[%rem3A_38, %dma_start3A_103, %dma_start3A_110, %dma_start3A_111] : memref<3x16x16x128xf32, #tpu.memory_space<vmem>> -> memref<1x1x16x128xf32, #tpu.memory_space<vmem>>
        %dma_start3A_113 = tpu.memref_squeeze %dma_start3A_112 : memref<1x1x16x128xf32, #tpu.memory_space<vmem>> -> memref<16x128xf32, #tpu.memory_space<vmem>>
        %dma_start3A_114 = arith.constant 0 : i32
        %dma_start3A_115 = tpu.memref_slice %arg2[%dma_start3A_114, %multiple_of3A_102] : memref<32x1000000xf32, #tpu.memory_space<hbm>> -> memref<16x128xf32, #tpu.memory_space<hbm>>
        tpu.enqueue_dma source(%dma_start3A_115 : memref<16x128xf32, #tpu.memory_space<hbm>>) target(%dma_start3A_113 : memref<16x128xf32, #tpu.memory_space<vmem>>) target_semaphore(%arg11 : memref<!tpu.dma_semaphore, #tpu.memory_space<semaphore_mem>>)
        %slice3A_116 = vector.extract_strided_slice %get3A_41 {offsets = [4], sizes = [1], strides = [1]} : vector<16xi32> to vector<1xi32>
        %squeeze3A_117 = vector.extract %slice3A_116[0] : i32 from vector<1xi32>
        %shift_right_arithmetic3A_118 = arith.constant 7 : i32
        %shift_right_arithmetic3A_119 = arith.shrsi %squeeze3A_117, %shift_right_arithmetic3A_118 : i32
        %shift_left3A_120 = arith.constant 7 : i32
        %shift_left3A_121 = arith.shli %shift_right_arithmetic3A_119, %shift_left3A_120 : i32
        %multiple_of3A_122 = tpu.assume_multiple %shift_left3A_121, 128 : i32
        %dma_start3A_123 = arith.constant 4 : i32
        %dma_start3A_124 = arith.constant 0 : i32
        %dma_start3A_125 = arith.constant 0 : i32
        %dma_start3A_126 = tpu.memref_slice %arg9[%rem3A_38, %dma_start3A_123, %dma_start3A_124, %dma_start3A_125] : memref<3x16x16x128xf32, #tpu.memory_space<vmem>> -> memref<1x1x16x128xf32, #tpu.memory_space<vmem>>
        %dma_start3A_127 = tpu.memref_squeeze %dma_start3A_126 : memref<1x1x16x128xf32, #tpu.memory_space<vmem>> -> memref<16x128xf32, #tpu.memory_space<vmem>>
        %dma_start3A_128 = arith.constant 0 : i32
        %dma_start3A_129 = tpu.memref_slice %arg2[%dma_start3A_128, %multiple_of3A_122] : memref<32x1000000xf32, #tpu.memory_space<hbm>> -> memref<16x128xf32, #tpu.memory_space<hbm>>
        %dma_start3A_130 = arith.constant 0 : i32
        %dma_start3A_131 = arith.constant 0 : i32
        %dma_start3A_132 = tpu.memref_slice %arg9[%rem3A_38, %dma_start3A_123, %dma_start3A_130, %dma_start3A_131] : memref<3x16x16x128xf32, #tpu.memory_space<vmem>> -> memref<1x1x16x128xf32, #tpu.memory_space<vmem>>
        %dma_start3A_133 = tpu.memref_squeeze %dma_start3A_132 : memref<1x1x16x128xf32, #tpu.memory_space<vmem>> -> memref<16x128xf32, #tpu.memory_space<vmem>>
        %dma_start3A_134 = arith.constant 0 : i32
        %dma_start3A_135 = tpu.memref_slice %arg2[%dma_start3A_134, %multiple_of3A_122] : memref<32x1000000xf32, #tpu.memory_space<hbm>> -> memref<16x128xf32, #tpu.memory_space<hbm>>
        tpu.enqueue_dma source(%dma_start3A_135 : memref<16x128xf32, #tpu.memory_space<hbm>>) target(%dma_start3A_133 : memref<16x128xf32, #tpu.memory_space<vmem>>) target_semaphore(%arg11 : memref<!tpu.dma_semaphore, #tpu.memory_space<semaphore_mem>>)
        %slice3A_136 = vector.extract_strided_slice %get3A_41 {offsets = [5], sizes = [1], strides = [1]} : vector<16xi32> to vector<1xi32>
        %squeeze3A_137 = vector.extract %slice3A_136[0] : i32 from vector<1xi32>
        %shift_right_arithmetic3A_138 = arith.constant 7 : i32
        %shift_right_arithmetic3A_139 = arith.shrsi %squeeze3A_137, %shift_right_arithmetic3A_138 : i32
        %shift_left3A_140 = arith.constant 7 : i32
        %shift_left3A_141 = arith.shli %shift_right_arithmetic3A_139, %shift_left3A_140 : i32
        %multiple_of3A_142 = tpu.assume_multiple %shift_left3A_141, 128 : i32
        %dma_start3A_143 = arith.constant 5 : i32
        %dma_start3A_144 = arith.constant 0 : i32
        %dma_start3A_145 = arith.constant 0 : i32
        %dma_start3A_146 = tpu.memref_slice %arg9[%rem3A_38, %dma_start3A_143, %dma_start3A_144, %dma_start3A_145] : memref<3x16x16x128xf32, #tpu.memory_space<vmem>> -> memref<1x1x16x128xf32, #tpu.memory_space<vmem>>
        %dma_start3A_147 = tpu.memref_squeeze %dma_start3A_146 : memref<1x1x16x128xf32, #tpu.memory_space<vmem>> -> memref<16x128xf32, #tpu.memory_space<vmem>>
        %dma_start3A_148 = arith.constant 0 : i32
        %dma_start3A_149 = tpu.memref_slice %arg2[%dma_start3A_148, %multiple_of3A_142] : memref<32x1000000xf32, #tpu.memory_space<hbm>> -> memref<16x128xf32, #tpu.memory_space<hbm>>
        %dma_start3A_150 = arith.constant 0 : i32
        %dma_start3A_151 = arith.constant 0 : i32
        %dma_start3A_152 = tpu.memref_slice %arg9[%rem3A_38, %dma_start3A_143, %dma_start3A_150, %dma_start3A_151] : memref<3x16x16x128xf32, #tpu.memory_space<vmem>> -> memref<1x1x16x128xf32, #tpu.memory_space<vmem>>
        %dma_start3A_153 = tpu.memref_squeeze %dma_start3A_152 : memref<1x1x16x128xf32, #tpu.memory_space<vmem>> -> memref<16x128xf32, #tpu.memory_space<vmem>>
        %dma_start3A_154 = arith.constant 0 : i32
        %dma_start3A_155 = tpu.memref_slice %arg2[%dma_start3A_154, %multiple_of3A_142] : memref<32x1000000xf32, #tpu.memory_space<hbm>> -> memref<16x128xf32, #tpu.memory_space<hbm>>
        tpu.enqueue_dma source(%dma_start3A_155 : memref<16x128xf32, #tpu.memory_space<hbm>>) target(%dma_start3A_153 : memref<16x128xf32, #tpu.memory_space<vmem>>) target_semaphore(%arg11 : memref<!tpu.dma_semaphore, #tpu.memory_space<semaphore_mem>>)
        %slice3A_156 = vector.extract_strided_slice %get3A_41 {offsets = [6], sizes = [1], strides = [1]} : vector<16xi32> to vector<1xi32>
        %squeeze3A_157 = vector.extract %slice3A_156[0] : i32 from vector<1xi32>
        %shift_right_arithmetic3A_158 = arith.constant 7 : i32
        %shift_right_arithmetic3A_159 = arith.shrsi %squeeze3A_157, %shift_right_arithmetic3A_158 : i32
        %shift_left3A_160 = arith.constant 7 : i32
        %shift_left3A_161 = arith.shli %shift_right_arithmetic3A_159, %shift_left3A_160 : i32
        %multiple_of3A_162 = tpu.assume_multiple %shift_left3A_161, 128 : i32
        %dma_start3A_163 = arith.constant 6 : i32
        %dma_start3A_164 = arith.constant 0 : i32
        %dma_start3A_165 = arith.constant 0 : i32
        %dma_start3A_166 = tpu.memref_slice %arg9[%rem3A_38, %dma_start3A_163, %dma_start3A_164, %dma_start3A_165] : memref<3x16x16x128xf32, #tpu.memory_space<vmem>> -> memref<1x1x16x128xf32, #tpu.memory_space<vmem>>
        %dma_start3A_167 = tpu.memref_squeeze %dma_start3A_166 : memref<1x1x16x128xf32, #tpu.memory_space<vmem>> -> memref<16x128xf32, #tpu.memory_space<vmem>>
        %dma_start3A_168 = arith.constant 0 : i32
        %dma_start3A_169 = tpu.memref_slice %arg2[%dma_start3A_168, %multiple_of3A_162] : memref<32x1000000xf32, #tpu.memory_space<hbm>> -> memref<16x128xf32, #tpu.memory_space<hbm>>
        %dma_start3A_170 = arith.constant 0 : i32
        %dma_start3A_171 = arith.constant 0 : i32
        %dma_start3A_172 = tpu.memref_slice %arg9[%rem3A_38, %dma_start3A_163, %dma_start3A_170, %dma_start3A_171] : memref<3x16x16x128xf32, #tpu.memory_space<vmem>> -> memref<1x1x16x128xf32, #tpu.memory_space<vmem>>
        %dma_start3A_173 = tpu.memref_squeeze %dma_start3A_172 : memref<1x1x16x128xf32, #tpu.memory_space<vmem>> -> memref<16x128xf32, #tpu.memory_space<vmem>>
        %dma_start3A_174 = arith.constant 0 : i32
        %dma_start3A_175 = tpu.memref_slice %arg2[%dma_start3A_174, %multiple_of3A_162] : memref<32x1000000xf32, #tpu.memory_space<hbm>> -> memref<16x128xf32, #tpu.memory_space<hbm>>
        tpu.enqueue_dma source(%dma_start3A_175 : memref<16x128xf32, #tpu.memory_space<hbm>>) target(%dma_start3A_173 : memref<16x128xf32, #tpu.memory_space<vmem>>) target_semaphore(%arg11 : memref<!tpu.dma_semaphore, #tpu.memory_space<semaphore_mem>>)
        %slice3A_176 = vector.extract_strided_slice %get3A_41 {offsets = [7], sizes = [1], strides = [1]} : vector<16xi32> to vector<1xi32>
        %squeeze3A_177 = vector.extract %slice3A_176[0] : i32 from vector<1xi32>
        %shift_right_arithmetic3A_178 = arith.constant 7 : i32
        %shift_right_arithmetic3A_179 = arith.shrsi %squeeze3A_177, %shift_right_arithmetic3A_178 : i32
        %shift_left3A_180 = arith.constant 7 : i32
        %shift_left3A_181 = arith.shli %shift_right_arithmetic3A_179, %shift_left3A_180 : i32
        %multiple_of3A_182 = tpu.assume_multiple %shift_left3A_181, 128 : i32
        %dma_start3A_183 = arith.constant 7 : i32
        %dma_start3A_184 = arith.constant 0 : i32
        %dma_start3A_185 = arith.constant 0 : i32
        %dma_start3A_186 = tpu.memref_slice %arg9[%rem3A_38, %dma_start3A_183, %dma_start3A_184, %dma_start3A_185] : memref<3x16x16x128xf32, #tpu.memory_space<vmem>> -> memref<1x1x16x128xf32, #tpu.memory_space<vmem>>
        %dma_start3A_187 = tpu.memref_squeeze %dma_start3A_186 : memref<1x1x16x128xf32, #tpu.memory_space<vmem>> -> memref<16x128xf32, #tpu.memory_space<vmem>>
        %dma_start3A_188 = arith.constant 0 : i32
        %dma_start3A_189 = tpu.memref_slice %arg2[%dma_start3A_188, %multiple_of3A_182] : memref<32x1000000xf32, #tpu.memory_space<hbm>> -> memref<16x128xf32, #tpu.memory_space<hbm>>
        %dma_start3A_190 = arith.constant 0 : i32
        %dma_start3A_191 = arith.constant 0 : i32
        %dma_start3A_192 = tpu.memref_slice %arg9[%rem3A_38, %dma_start3A_183, %dma_start3A_190, %dma_start3A_191] : memref<3x16x16x128xf32, #tpu.memory_space<vmem>> -> memref<1x1x16x128xf32, #tpu.memory_space<vmem>>
        %dma_start3A_193 = tpu.memref_squeeze %dma_start3A_192 : memref<1x1x16x128xf32, #tpu.memory_space<vmem>> -> memref<16x128xf32, #tpu.memory_space<vmem>>
        %dma_start3A_194 = arith.constant 0 : i32
        %dma_start3A_195 = tpu.memref_slice %arg2[%dma_start3A_194, %multiple_of3A_182] : memref<32x1000000xf32, #tpu.memory_space<hbm>> -> memref<16x128xf32, #tpu.memory_space<hbm>>
        tpu.enqueue_dma source(%dma_start3A_195 : memref<16x128xf32, #tpu.memory_space<hbm>>) target(%dma_start3A_193 : memref<16x128xf32, #tpu.memory_space<vmem>>) target_semaphore(%arg11 : memref<!tpu.dma_semaphore, #tpu.memory_space<semaphore_mem>>)
        %slice3A_196 = vector.extract_strided_slice %get3A_41 {offsets = [8], sizes = [1], strides = [1]} : vector<16xi32> to vector<1xi32>
        %squeeze3A_197 = vector.extract %slice3A_196[0] : i32 from vector<1xi32>
        %shift_right_arithmetic3A_198 = arith.constant 7 : i32
        %shift_right_arithmetic3A_199 = arith.shrsi %squeeze3A_197, %shift_right_arithmetic3A_198 : i32
        %shift_left3A_200 = arith.constant 7 : i32
        %shift_left3A_201 = arith.shli %shift_right_arithmetic3A_199, %shift_left3A_200 : i32
        %multiple_of3A_202 = tpu.assume_multiple %shift_left3A_201, 128 : i32
        %dma_start3A_203 = arith.constant 8 : i32
        %dma_start3A_204 = arith.constant 0 : i32
        %dma_start3A_205 = arith.constant 0 : i32
        %dma_start3A_206 = tpu.memref_slice %arg9[%rem3A_38, %dma_start3A_203, %dma_start3A_204, %dma_start3A_205] : memref<3x16x16x128xf32, #tpu.memory_space<vmem>> -> memref<1x1x16x128xf32, #tpu.memory_space<vmem>>
        %dma_start3A_207 = tpu.memref_squeeze %dma_start3A_206 : memref<1x1x16x128xf32, #tpu.memory_space<vmem>> -> memref<16x128xf32, #tpu.memory_space<vmem>>
        %dma_start3A_208 = arith.constant 0 : i32
        %dma_start3A_209 = tpu.memref_slice %arg2[%dma_start3A_208, %multiple_of3A_202] : memref<32x1000000xf32, #tpu.memory_space<hbm>> -> memref<16x128xf32, #tpu.memory_space<hbm>>
        %dma_start3A_210 = arith.constant 0 : i32
        %dma_start3A_211 = arith.constant 0 : i32
        %dma_start3A_212 = tpu.memref_slice %arg9[%rem3A_38, %dma_start3A_203, %dma_start3A_210, %dma_start3A_211] : memref<3x16x16x128xf32, #tpu.memory_space<vmem>> -> memref<1x1x16x128xf32, #tpu.memory_space<vmem>>
        %dma_start3A_213 = tpu.memref_squeeze %dma_start3A_212 : memref<1x1x16x128xf32, #tpu.memory_space<vmem>> -> memref<16x128xf32, #tpu.memory_space<vmem>>
        %dma_start3A_214 = arith.constant 0 : i32
        %dma_start3A_215 = tpu.memref_slice %arg2[%dma_start3A_214, %multiple_of3A_202] : memref<32x1000000xf32, #tpu.memory_space<hbm>> -> memref<16x128xf32, #tpu.memory_space<hbm>>
        tpu.enqueue_dma source(%dma_start3A_215 : memref<16x128xf32, #tpu.memory_space<hbm>>) target(%dma_start3A_213 : memref<16x128xf32, #tpu.memory_space<vmem>>) target_semaphore(%arg11 : memref<!tpu.dma_semaphore, #tpu.memory_space<semaphore_mem>>)
        %slice3A_216 = vector.extract_strided_slice %get3A_41 {offsets = [9], sizes = [1], strides = [1]} : vector<16xi32> to vector<1xi32>
        %squeeze3A_217 = vector.extract %slice3A_216[0] : i32 from vector<1xi32>
        %shift_right_arithmetic3A_218 = arith.constant 7 : i32
        %shift_right_arithmetic3A_219 = arith.shrsi %squeeze3A_217, %shift_right_arithmetic3A_218 : i32
        %shift_left3A_220 = arith.constant 7 : i32
        %shift_left3A_221 = arith.shli %shift_right_arithmetic3A_219, %shift_left3A_220 : i32
        %multiple_of3A_222 = tpu.assume_multiple %shift_left3A_221, 128 : i32
        %dma_start3A_223 = arith.constant 9 : i32
        %dma_start3A_224 = arith.constant 0 : i32
        %dma_start3A_225 = arith.constant 0 : i32
        %dma_start3A_226 = tpu.memref_slice %arg9[%rem3A_38, %dma_start3A_223, %dma_start3A_224, %dma_start3A_225] : memref<3x16x16x128xf32, #tpu.memory_space<vmem>> -> memref<1x1x16x128xf32, #tpu.memory_space<vmem>>
        %dma_start3A_227 = tpu.memref_squeeze %dma_start3A_226 : memref<1x1x16x128xf32, #tpu.memory_space<vmem>> -> memref<16x128xf32, #tpu.memory_space<vmem>>
        %dma_start3A_228 = arith.constant 0 : i32
        %dma_start3A_229 = tpu.memref_slice %arg2[%dma_start3A_228, %multiple_of3A_222] : memref<32x1000000xf32, #tpu.memory_space<hbm>> -> memref<16x128xf32, #tpu.memory_space<hbm>>
        %dma_start3A_230 = arith.constant 0 : i32
        %dma_start3A_231 = arith.constant 0 : i32
        %dma_start3A_232 = tpu.memref_slice %arg9[%rem3A_38, %dma_start3A_223, %dma_start3A_230, %dma_start3A_231] : memref<3x16x16x128xf32, #tpu.memory_space<vmem>> -> memref<1x1x16x128xf32, #tpu.memory_space<vmem>>
        %dma_start3A_233 = tpu.memref_squeeze %dma_start3A_232 : memref<1x1x16x128xf32, #tpu.memory_space<vmem>> -> memref<16x128xf32, #tpu.memory_space<vmem>>
        %dma_start3A_234 = arith.constant 0 : i32
        %dma_start3A_235 = tpu.memref_slice %arg2[%dma_start3A_234, %multiple_of3A_222] : memref<32x1000000xf32, #tpu.memory_space<hbm>> -> memref<16x128xf32, #tpu.memory_space<hbm>>
        tpu.enqueue_dma source(%dma_start3A_235 : memref<16x128xf32, #tpu.memory_space<hbm>>) target(%dma_start3A_233 : memref<16x128xf32, #tpu.memory_space<vmem>>) target_semaphore(%arg11 : memref<!tpu.dma_semaphore, #tpu.memory_space<semaphore_mem>>)
        %slice3A_236 = vector.extract_strided_slice %get3A_41 {offsets = [10], sizes = [1], strides = [1]} : vector<16xi32> to vector<1xi32>
        %squeeze3A_237 = vector.extract %slice3A_236[0] : i32 from vector<1xi32>
        %shift_right_arithmetic3A_238 = arith.constant 7 : i32
        %shift_right_arithmetic3A_239 = arith.shrsi %squeeze3A_237, %shift_right_arithmetic3A_238 : i32
        %shift_left3A_240 = arith.constant 7 : i32
        %shift_left3A_241 = arith.shli %shift_right_arithmetic3A_239, %shift_left3A_240 : i32
        %multiple_of3A_242 = tpu.assume_multiple %shift_left3A_241, 128 : i32
        %dma_start3A_243 = arith.constant 10 : i32
        %dma_start3A_244 = arith.constant 0 : i32
        %dma_start3A_245 = arith.constant 0 : i32
        %dma_start3A_246 = tpu.memref_slice %arg9[%rem3A_38, %dma_start3A_243, %dma_start3A_244, %dma_start3A_245] : memref<3x16x16x128xf32, #tpu.memory_space<vmem>> -> memref<1x1x16x128xf32, #tpu.memory_space<vmem>>
        %dma_start3A_247 = tpu.memref_squeeze %dma_start3A_246 : memref<1x1x16x128xf32, #tpu.memory_space<vmem>> -> memref<16x128xf32, #tpu.memory_space<vmem>>
        %dma_start3A_248 = arith.constant 0 : i32
        %dma_start3A_249 = tpu.memref_slice %arg2[%dma_start3A_248, %multiple_of3A_242] : memref<32x1000000xf32, #tpu.memory_space<hbm>> -> memref<16x128xf32, #tpu.memory_space<hbm>>
        %dma_start3A_250 = arith.constant 0 : i32
        %dma_start3A_251 = arith.constant 0 : i32
        %dma_start3A_252 = tpu.memref_slice %arg9[%rem3A_38, %dma_start3A_243, %dma_start3A_250, %dma_start3A_251] : memref<3x16x16x128xf32, #tpu.memory_space<vmem>> -> memref<1x1x16x128xf32, #tpu.memory_space<vmem>>
        %dma_start3A_253 = tpu.memref_squeeze %dma_start3A_252 : memref<1x1x16x128xf32, #tpu.memory_space<vmem>> -> memref<16x128xf32, #tpu.memory_space<vmem>>
        %dma_start3A_254 = arith.constant 0 : i32
        %dma_start3A_255 = tpu.memref_slice %arg2[%dma_start3A_254, %multiple_of3A_242] : memref<32x1000000xf32, #tpu.memory_space<hbm>> -> memref<16x128xf32, #tpu.memory_space<hbm>>
        tpu.enqueue_dma source(%dma_start3A_255 : memref<16x128xf32, #tpu.memory_space<hbm>>) target(%dma_start3A_253 : memref<16x128xf32, #tpu.memory_space<vmem>>) target_semaphore(%arg11 : memref<!tpu.dma_semaphore, #tpu.memory_space<semaphore_mem>>)
        %slice3A_256 = vector.extract_strided_slice %get3A_41 {offsets = [11], sizes = [1], strides = [1]} : vector<16xi32> to vector<1xi32>
        %squeeze3A_257 = vector.extract %slice3A_256[0] : i32 from vector<1xi32>
        %shift_right_arithmetic3A_258 = arith.constant 7 : i32
        %shift_right_arithmetic3A_259 = arith.shrsi %squeeze3A_257, %shift_right_arithmetic3A_258 : i32
        %shift_left3A_260 = arith.constant 7 : i32
        %shift_left3A_261 = arith.shli %shift_right_arithmetic3A_259, %shift_left3A_260 : i32
        %multiple_of3A_262 = tpu.assume_multiple %shift_left3A_261, 128 : i32
        %dma_start3A_263 = arith.constant 11 : i32
        %dma_start3A_264 = arith.constant 0 : i32
        %dma_start3A_265 = arith.constant 0 : i32
        %dma_start3A_266 = tpu.memref_slice %arg9[%rem3A_38, %dma_start3A_263, %dma_start3A_264, %dma_start3A_265] : memref<3x16x16x128xf32, #tpu.memory_space<vmem>> -> memref<1x1x16x128xf32, #tpu.memory_space<vmem>>
        %dma_start3A_267 = tpu.memref_squeeze %dma_start3A_266 : memref<1x1x16x128xf32, #tpu.memory_space<vmem>> -> memref<16x128xf32, #tpu.memory_space<vmem>>
        %dma_start3A_268 = arith.constant 0 : i32
        %dma_start3A_269 = tpu.memref_slice %arg2[%dma_start3A_268, %multiple_of3A_262] : memref<32x1000000xf32, #tpu.memory_space<hbm>> -> memref<16x128xf32, #tpu.memory_space<hbm>>
        %dma_start3A_270 = arith.constant 0 : i32
        %dma_start3A_271 = arith.constant 0 : i32
        %dma_start3A_272 = tpu.memref_slice %arg9[%rem3A_38, %dma_start3A_263, %dma_start3A_270, %dma_start3A_271] : memref<3x16x16x128xf32, #tpu.memory_space<vmem>> -> memref<1x1x16x128xf32, #tpu.memory_space<vmem>>
        %dma_start3A_273 = tpu.memref_squeeze %dma_start3A_272 : memref<1x1x16x128xf32, #tpu.memory_space<vmem>> -> memref<16x128xf32, #tpu.memory_space<vmem>>
        %dma_start3A_274 = arith.constant 0 : i32
        %dma_start3A_275 = tpu.memref_slice %arg2[%dma_start3A_274, %multiple_of3A_262] : memref<32x1000000xf32, #tpu.memory_space<hbm>> -> memref<16x128xf32, #tpu.memory_space<hbm>>
        tpu.enqueue_dma source(%dma_start3A_275 : memref<16x128xf32, #tpu.memory_space<hbm>>) target(%dma_start3A_273 : memref<16x128xf32, #tpu.memory_space<vmem>>) target_semaphore(%arg11 : memref<!tpu.dma_semaphore, #tpu.memory_space<semaphore_mem>>)
        %slice3A_276 = vector.extract_strided_slice %get3A_41 {offsets = [12], sizes = [1], strides = [1]} : vector<16xi32> to vector<1xi32>
        %squeeze3A_277 = vector.extract %slice3A_276[0] : i32 from vector<1xi32>
        %shift_right_arithmetic3A_278 = arith.constant 7 : i32
        %shift_right_arithmetic3A_279 = arith.shrsi %squeeze3A_277, %shift_right_arithmetic3A_278 : i32
        %shift_left3A_280 = arith.constant 7 : i32
        %shift_left3A_281 = arith.shli %shift_right_arithmetic3A_279, %shift_left3A_280 : i32
        %multiple_of3A_282 = tpu.assume_multiple %shift_left3A_281, 128 : i32
        %dma_start3A_283 = arith.constant 12 : i32
        %dma_start3A_284 = arith.constant 0 : i32
        %dma_start3A_285 = arith.constant 0 : i32
        %dma_start3A_286 = tpu.memref_slice %arg9[%rem3A_38, %dma_start3A_283, %dma_start3A_284, %dma_start3A_285] : memref<3x16x16x128xf32, #tpu.memory_space<vmem>> -> memref<1x1x16x128xf32, #tpu.memory_space<vmem>>
        %dma_start3A_287 = tpu.memref_squeeze %dma_start3A_286 : memref<1x1x16x128xf32, #tpu.memory_space<vmem>> -> memref<16x128xf32, #tpu.memory_space<vmem>>
        %dma_start3A_288 = arith.constant 0 : i32
        %dma_start3A_289 = tpu.memref_slice %arg2[%dma_start3A_288, %multiple_of3A_282] : memref<32x1000000xf32, #tpu.memory_space<hbm>> -> memref<16x128xf32, #tpu.memory_space<hbm>>
        %dma_start3A_290 = arith.constant 0 : i32
        %dma_start3A_291 = arith.constant 0 : i32
        %dma_start3A_292 = tpu.memref_slice %arg9[%rem3A_38, %dma_start3A_283, %dma_start3A_290, %dma_start3A_291] : memref<3x16x16x128xf32, #tpu.memory_space<vmem>> -> memref<1x1x16x128xf32, #tpu.memory_space<vmem>>
        %dma_start3A_293 = tpu.memref_squeeze %dma_start3A_292 : memref<1x1x16x128xf32, #tpu.memory_space<vmem>> -> memref<16x128xf32, #tpu.memory_space<vmem>>
        %dma_start3A_294 = arith.constant 0 : i32
        %dma_start3A_295 = tpu.memref_slice %arg2[%dma_start3A_294, %multiple_of3A_282] : memref<32x1000000xf32, #tpu.memory_space<hbm>> -> memref<16x128xf32, #tpu.memory_space<hbm>>
        tpu.enqueue_dma source(%dma_start3A_295 : memref<16x128xf32, #tpu.memory_space<hbm>>) target(%dma_start3A_293 : memref<16x128xf32, #tpu.memory_space<vmem>>) target_semaphore(%arg11 : memref<!tpu.dma_semaphore, #tpu.memory_space<semaphore_mem>>)
        %slice3A_296 = vector.extract_strided_slice %get3A_41 {offsets = [13], sizes = [1], strides = [1]} : vector<16xi32> to vector<1xi32>
        %squeeze3A_297 = vector.extract %slice3A_296[0] : i32 from vector<1xi32>
        %shift_right_arithmetic3A_298 = arith.constant 7 : i32
        %shift_right_arithmetic3A_299 = arith.shrsi %squeeze3A_297, %shift_right_arithmetic3A_298 : i32
        %shift_left3A_300 = arith.constant 7 : i32
        %shift_left3A_301 = arith.shli %shift_right_arithmetic3A_299, %shift_left3A_300 : i32
        %multiple_of3A_302 = tpu.assume_multiple %shift_left3A_301, 128 : i32
        %dma_start3A_303 = arith.constant 13 : i32
        %dma_start3A_304 = arith.constant 0 : i32
        %dma_start3A_305 = arith.constant 0 : i32
        %dma_start3A_306 = tpu.memref_slice %arg9[%rem3A_38, %dma_start3A_303, %dma_start3A_304, %dma_start3A_305] : memref<3x16x16x128xf32, #tpu.memory_space<vmem>> -> memref<1x1x16x128xf32, #tpu.memory_space<vmem>>
        %dma_start3A_307 = tpu.memref_squeeze %dma_start3A_306 : memref<1x1x16x128xf32, #tpu.memory_space<vmem>> -> memref<16x128xf32, #tpu.memory_space<vmem>>
        %dma_start3A_308 = arith.constant 0 : i32
        %dma_start3A_309 = tpu.memref_slice %arg2[%dma_start3A_308, %multiple_of3A_302] : memref<32x1000000xf32, #tpu.memory_space<hbm>> -> memref<16x128xf32, #tpu.memory_space<hbm>>
        %dma_start3A_310 = arith.constant 0 : i32
        %dma_start3A_311 = arith.constant 0 : i32
        %dma_start3A_312 = tpu.memref_slice %arg9[%rem3A_38, %dma_start3A_303, %dma_start3A_310, %dma_start3A_311] : memref<3x16x16x128xf32, #tpu.memory_space<vmem>> -> memref<1x1x16x128xf32, #tpu.memory_space<vmem>>
        %dma_start3A_313 = tpu.memref_squeeze %dma_start3A_312 : memref<1x1x16x128xf32, #tpu.memory_space<vmem>> -> memref<16x128xf32, #tpu.memory_space<vmem>>
        %dma_start3A_314 = arith.constant 0 : i32
        %dma_start3A_315 = tpu.memref_slice %arg2[%dma_start3A_314, %multiple_of3A_302] : memref<32x1000000xf32, #tpu.memory_space<hbm>> -> memref<16x128xf32, #tpu.memory_space<hbm>>
        tpu.enqueue_dma source(%dma_start3A_315 : memref<16x128xf32, #tpu.memory_space<hbm>>) target(%dma_start3A_313 : memref<16x128xf32, #tpu.memory_space<vmem>>) target_semaphore(%arg11 : memref<!tpu.dma_semaphore, #tpu.memory_space<semaphore_mem>>)
        %slice3A_316 = vector.extract_strided_slice %get3A_41 {offsets = [14], sizes = [1], strides = [1]} : vector<16xi32> to vector<1xi32>
        %squeeze3A_317 = vector.extract %slice3A_316[0] : i32 from vector<1xi32>
        %shift_right_arithmetic3A_318 = arith.constant 7 : i32
        %shift_right_arithmetic3A_319 = arith.shrsi %squeeze3A_317, %shift_right_arithmetic3A_318 : i32
        %shift_left3A_320 = arith.constant 7 : i32
        %shift_left3A_321 = arith.shli %shift_right_arithmetic3A_319, %shift_left3A_320 : i32
        %multiple_of3A_322 = tpu.assume_multiple %shift_left3A_321, 128 : i32
        %dma_start3A_323 = arith.constant 14 : i32
        %dma_start3A_324 = arith.constant 0 : i32
        %dma_start3A_325 = arith.constant 0 : i32
        %dma_start3A_326 = tpu.memref_slice %arg9[%rem3A_38, %dma_start3A_323, %dma_start3A_324, %dma_start3A_325] : memref<3x16x16x128xf32, #tpu.memory_space<vmem>> -> memref<1x1x16x128xf32, #tpu.memory_space<vmem>>
        %dma_start3A_327 = tpu.memref_squeeze %dma_start3A_326 : memref<1x1x16x128xf32, #tpu.memory_space<vmem>> -> memref<16x128xf32, #tpu.memory_space<vmem>>
        %dma_start3A_328 = arith.constant 0 : i32
        %dma_start3A_329 = tpu.memref_slice %arg2[%dma_start3A_328, %multiple_of3A_322] : memref<32x1000000xf32, #tpu.memory_space<hbm>> -> memref<16x128xf32, #tpu.memory_space<hbm>>
        %dma_start3A_330 = arith.constant 0 : i32
        %dma_start3A_331 = arith.constant 0 : i32
        %dma_start3A_332 = tpu.memref_slice %arg9[%rem3A_38, %dma_start3A_323, %dma_start3A_330, %dma_start3A_331] : memref<3x16x16x128xf32, #tpu.memory_space<vmem>> -> memref<1x1x16x128xf32, #tpu.memory_space<vmem>>
        %dma_start3A_333 = tpu.memref_squeeze %dma_start3A_332 : memref<1x1x16x128xf32, #tpu.memory_space<vmem>> -> memref<16x128xf32, #tpu.memory_space<vmem>>
        %dma_start3A_334 = arith.constant 0 : i32
        %dma_start3A_335 = tpu.memref_slice %arg2[%dma_start3A_334, %multiple_of3A_322] : memref<32x1000000xf32, #tpu.memory_space<hbm>> -> memref<16x128xf32, #tpu.memory_space<hbm>>
        tpu.enqueue_dma source(%dma_start3A_335 : memref<16x128xf32, #tpu.memory_space<hbm>>) target(%dma_start3A_333 : memref<16x128xf32, #tpu.memory_space<vmem>>) target_semaphore(%arg11 : memref<!tpu.dma_semaphore, #tpu.memory_space<semaphore_mem>>)
        %slice3A_336 = vector.extract_strided_slice %get3A_41 {offsets = [15], sizes = [1], strides = [1]} : vector<16xi32> to vector<1xi32>
        %squeeze3A_337 = vector.extract %slice3A_336[0] : i32 from vector<1xi32>
        %shift_right_arithmetic3A_338 = arith.constant 7 : i32
        %shift_right_arithmetic3A_339 = arith.shrsi %squeeze3A_337, %shift_right_arithmetic3A_338 : i32
        %shift_left3A_340 = arith.constant 7 : i32
        %shift_left3A_341 = arith.shli %shift_right_arithmetic3A_339, %shift_left3A_340 : i32
        %multiple_of3A_342 = tpu.assume_multiple %shift_left3A_341, 128 : i32
        %dma_start3A_343 = arith.constant 15 : i32
        %dma_start3A_344 = arith.constant 0 : i32
        %dma_start3A_345 = arith.constant 0 : i32
        %dma_start3A_346 = tpu.memref_slice %arg9[%rem3A_38, %dma_start3A_343, %dma_start3A_344, %dma_start3A_345] : memref<3x16x16x128xf32, #tpu.memory_space<vmem>> -> memref<1x1x16x128xf32, #tpu.memory_space<vmem>>
        %dma_start3A_347 = tpu.memref_squeeze %dma_start3A_346 : memref<1x1x16x128xf32, #tpu.memory_space<vmem>> -> memref<16x128xf32, #tpu.memory_space<vmem>>
        %dma_start3A_348 = arith.constant 0 : i32
        %dma_start3A_349 = tpu.memref_slice %arg2[%dma_start3A_348, %multiple_of3A_342] : memref<32x1000000xf32, #tpu.memory_space<hbm>> -> memref<16x128xf32, #tpu.memory_space<hbm>>
        %dma_start3A_350 = arith.constant 0 : i32
        %dma_start3A_351 = arith.constant 0 : i32
        %dma_start3A_352 = tpu.memref_slice %arg9[%rem3A_38, %dma_start3A_343, %dma_start3A_350, %dma_start3A_351] : memref<3x16x16x128xf32, #tpu.memory_space<vmem>> -> memref<1x1x16x128xf32, #tpu.memory_space<vmem>>
        %dma_start3A_353 = tpu.memref_squeeze %dma_start3A_352 : memref<1x1x16x128xf32, #tpu.memory_space<vmem>> -> memref<16x128xf32, #tpu.memory_space<vmem>>
        %dma_start3A_354 = arith.constant 0 : i32
        %dma_start3A_355 = tpu.memref_slice %arg2[%dma_start3A_354, %multiple_of3A_342] : memref<32x1000000xf32, #tpu.memory_space<hbm>> -> memref<16x128xf32, #tpu.memory_space<hbm>>
        tpu.enqueue_dma source(%dma_start3A_355 : memref<16x128xf32, #tpu.memory_space<hbm>>) target(%dma_start3A_353 : memref<16x128xf32, #tpu.memory_space<vmem>>) target_semaphore(%arg11 : memref<!tpu.dma_semaphore, #tpu.memory_space<semaphore_mem>>)
      } else {
      }
      %ge3A_33 = arith.constant 2 : i32
      %ge3A_34 = arith.cmpi sge, %scan3A_26, %ge3A_33 : i32
      %convert_element_type3A_35 = arith.extui %ge3A_34 : i1 to i32
      %cond3A_36 = arith.constant 0 : i32
      %cond3A_37 = arith.cmpi ne, %convert_element_type3A_35, %cond3A_36 : i32
      scf.if %cond3A_37 {
        %sub3A = arith.constant 2 : i32
        %sub3A_38 = arith.subi %scan3A_26, %sub3A : i32
        %rem3A = arith.constant 3 : i32
        %rem3A_39 = arith.remsi %sub3A_38, %rem3A : i32
        %sub3A_40 = arith.constant 2 : i32
        %sub3A_41 = arith.subi %scan3A_26, %sub3A_40 : i32
        %mul3A_42 = arith.constant 16 : i32
        %mul3A_43 = arith.muli %sub3A_41, %mul3A_42 : i32
        %get3A = arith.index_cast %mul3A_43 : i32 to index
        %get3A_44 = tpu.vector_load %arg7[%get3A] {strides = array<i32>} : memref<512xi32, #tpu.memory_space<vmem>>, vector<16xi32>,
        %and3A = arith.constant 127 : i32
        %and3A_45 = vector.broadcast %and3A : i32 to vector<16xi32>
        %and3A_46 = arith.andi %get3A_44, %and3A_45 : vector<16xi32>
        %mul3A_47 = arith.constant 0 : i32
        %mul3A_48 = vector.broadcast %mul3A_47 : i32 to vector<16xi32>
        %mul3A_49 = arith.muli %iota3A, %mul3A_48 : vector<16xi32>
        %add3A_50 = arith.constant 0 : i32
        %add3A_51 = vector.broadcast %add3A_50 : i32 to vector<16xi32>
        %add3A_52 = arith.addi %mul3A_49, %add3A_51 : vector<16xi32>
        %gather3A = arith.constant 0 : i32
        %gather3A_53 = arith.constant 0 : i32
        %gather3A_54 = arith.constant 0 : i32
        %gather3A_55 = tpu.memref_slice %arg9[%rem3A_39, %gather3A, %gather3A_53, %gather3A_54] : memref<3x16x16x128xf32, #tpu.memory_space<vmem>> -> memref<1x16x16x128xf32, #tpu.memory_space<vmem>>
        %gather3A_56 = tpu.memref_squeeze %gather3A_55 : memref<1x16x16x128xf32, #tpu.memory_space<vmem>> -> memref<16x16x128xf32, #tpu.memory_space<vmem>>
        %gather3A_57 = tpu.vector_load_idx %gather3A_56[%iota3A, %add3A_52, %and3A_46] : memref<16x16x128xf32, #tpu.memory_space<vmem>>[vector<16xi32>, vector<16xi32>, vector<16xi32>], vector<16xf32>,
        %swap3A = arith.constant 0 : i32
        %swap3A_58 = arith.index_cast %swap3A : i32 to index
        %swap3A_59 = arith.index_cast %mul3A_43 : i32 to index
        %swap3A_60 = tpu.vector_load %arg10[%swap3A_58, %swap3A_59] {strides = array<i32>} : memref<32x512xf32, #tpu.memory_space<vmem>>, vector<16xf32>,
        tpu.vector_store %arg10[%swap3A_58, %swap3A_59], %gather3A_57 {strides = array<i32>} : memref<32x512xf32, #tpu.memory_space<vmem>>, vector<16xf32>,
        %mul3A_61 = arith.constant 0 : i32
        %mul3A_62 = vector.broadcast %mul3A_61 : i32 to vector<16xi32>
        %mul3A_63 = arith.muli %iota3A, %mul3A_62 : vector<16xi32>
        %add3A_64 = arith.constant 1 : i32
        %add3A_65 = vector.broadcast %add3A_64 : i32 to vector<16xi32>
        %add3A_66 = arith.addi %mul3A_63, %add3A_65 : vector<16xi32>
        %gather3A_67 = arith.constant 0 : i32
        %gather3A_68 = arith.constant 0 : i32
        %gather3A_69 = arith.constant 0 : i32
        %gather3A_70 = tpu.memref_slice %arg9[%rem3A_39, %gather3A_67, %gather3A_68, %gather3A_69] : memref<3x16x16x128xf32, #tpu.memory_space<vmem>> -> memref<1x16x16x128xf32, #tpu.memory_space<vmem>>
        %gather3A_71 = tpu.memref_squeeze %gather3A_70 : memref<1x16x16x128xf32, #tpu.memory_space<vmem>> -> memref<16x16x128xf32, #tpu.memory_space<vmem>>
        %gather3A_72 = tpu.vector_load_idx %gather3A_71[%iota3A, %add3A_66, %and3A_46] : memref<16x16x128xf32, #tpu.memory_space<vmem>>[vector<16xi32>, vector<16xi32>, vector<16xi32>], vector<16xf32>,
        %swap3A_73 = arith.constant 1 : i32
        %swap3A_74 = arith.index_cast %swap3A_73 : i32 to index
        %swap3A_75 = arith.index_cast %mul3A_43 : i32 to index
        %swap3A_76 = tpu.vector_load %arg10[%swap3A_74, %swap3A_75] {strides = array<i32>} : memref<32x512xf32, #tpu.memory_space<vmem>>, vector<16xf32>,
        tpu.vector_store %arg10[%swap3A_74, %swap3A_75], %gather3A_72 {strides = array<i32>} : memref<32x512xf32, #tpu.memory_space<vmem>>, vector<16xf32>,
        %mul3A_77 = arith.constant 0 : i32
        %mul3A_78 = vector.broadcast %mul3A_77 : i32 to vector<16xi32>
        %mul3A_79 = arith.muli %iota3A, %mul3A_78 : vector<16xi32>
        %add3A_80 = arith.constant 2 : i32
        %add3A_81 = vector.broadcast %add3A_80 : i32 to vector<16xi32>
        %add3A_82 = arith.addi %mul3A_79, %add3A_81 : vector<16xi32>
        %gather3A_83 = arith.constant 0 : i32
        %gather3A_84 = arith.constant 0 : i32
        %gather3A_85 = arith.constant 0 : i32
        %gather3A_86 = tpu.memref_slice %arg9[%rem3A_39, %gather3A_83, %gather3A_84, %gather3A_85] : memref<3x16x16x128xf32, #tpu.memory_space<vmem>> -> memref<1x16x16x128xf32, #tpu.memory_space<vmem>>
        %gather3A_87 = tpu.memref_squeeze %gather3A_86 : memref<1x16x16x128xf32, #tpu.memory_space<vmem>> -> memref<16x16x128xf32, #tpu.memory_space<vmem>>
        %gather3A_88 = tpu.vector_load_idx %gather3A_87[%iota3A, %add3A_82, %and3A_46] : memref<16x16x128xf32, #tpu.memory_space<vmem>>[vector<16xi32>, vector<16xi32>, vector<16xi32>], vector<16xf32>,
        %swap3A_89 = arith.constant 2 : i32
        %swap3A_90 = arith.index_cast %swap3A_89 : i32 to index
        %swap3A_91 = arith.index_cast %mul3A_43 : i32 to index
        %swap3A_92 = tpu.vector_load %arg10[%swap3A_90, %swap3A_91] {strides = array<i32>} : memref<32x512xf32, #tpu.memory_space<vmem>>, vector<16xf32>,
        tpu.vector_store %arg10[%swap3A_90, %swap3A_91], %gather3A_88 {strides = array<i32>} : memref<32x512xf32, #tpu.memory_space<vmem>>, vector<16xf32>,
        %mul3A_93 = arith.constant 0 : i32
        %mul3A_94 = vector.broadcast %mul3A_93 : i32 to vector<16xi32>
        %mul3A_95 = arith.muli %iota3A, %mul3A_94 : vector<16xi32>
        %add3A_96 = arith.constant 3 : i32
        %add3A_97 = vector.broadcast %add3A_96 : i32 to vector<16xi32>
        %add3A_98 = arith.addi %mul3A_95, %add3A_97 : vector<16xi32>
        %gather3A_99 = arith.constant 0 : i32
        %gather3A_100 = arith.constant 0 : i32
        %gather3A_101 = arith.constant 0 : i32
        %gather3A_102 = tpu.memref_slice %arg9[%rem3A_39, %gather3A_99, %gather3A_100, %gather3A_101] : memref<3x16x16x128xf32, #tpu.memory_space<vmem>> -> memref<1x16x16x128xf32, #tpu.memory_space<vmem>>
        %gather3A_103 = tpu.memref_squeeze %gather3A_102 : memref<1x16x16x128xf32, #tpu.memory_space<vmem>> -> memref<16x16x128xf32, #tpu.memory_space<vmem>>
        %gather3A_104 = tpu.vector_load_idx %gather3A_103[%iota3A, %add3A_98, %and3A_46] : memref<16x16x128xf32, #tpu.memory_space<vmem>>[vector<16xi32>, vector<16xi32>, vector<16xi32>], vector<16xf32>,
        %swap3A_105 = arith.constant 3 : i32
        %swap3A_106 = arith.index_cast %swap3A_105 : i32 to index
        %swap3A_107 = arith.index_cast %mul3A_43 : i32 to index
        %swap3A_108 = tpu.vector_load %arg10[%swap3A_106, %swap3A_107] {strides = array<i32>} : memref<32x512xf32, #tpu.memory_space<vmem>>, vector<16xf32>,
        tpu.vector_store %arg10[%swap3A_106, %swap3A_107], %gather3A_104 {strides = array<i32>} : memref<32x512xf32, #tpu.memory_space<vmem>>, vector<16xf32>,
        %mul3A_109 = arith.constant 0 : i32
        %mul3A_110 = vector.broadcast %mul3A_109 : i32 to vector<16xi32>
        %mul3A_111 = arith.muli %iota3A, %mul3A_110 : vector<16xi32>
        %add3A_112 = arith.constant 4 : i32
        %add3A_113 = vector.broadcast %add3A_112 : i32 to vector<16xi32>
        %add3A_114 = arith.addi %mul3A_111, %add3A_113 : vector<16xi32>
        %gather3A_115 = arith.constant 0 : i32
        %gather3A_116 = arith.constant 0 : i32
        %gather3A_117 = arith.constant 0 : i32
        %gather3A_118 = tpu.memref_slice %arg9[%rem3A_39, %gather3A_115, %gather3A_116, %gather3A_117] : memref<3x16x16x128xf32, #tpu.memory_space<vmem>> -> memref<1x16x16x128xf32, #tpu.memory_space<vmem>>
        %gather3A_119 = tpu.memref_squeeze %gather3A_118 : memref<1x16x16x128xf32, #tpu.memory_space<vmem>> -> memref<16x16x128xf32, #tpu.memory_space<vmem>>
        %gather3A_120 = tpu.vector_load_idx %gather3A_119[%iota3A, %add3A_114, %and3A_46] : memref<16x16x128xf32, #tpu.memory_space<vmem>>[vector<16xi32>, vector<16xi32>, vector<16xi32>], vector<16xf32>,
        %swap3A_121 = arith.constant 4 : i32
        %swap3A_122 = arith.index_cast %swap3A_121 : i32 to index
        %swap3A_123 = arith.index_cast %mul3A_43 : i32 to index
        %swap3A_124 = tpu.vector_load %arg10[%swap3A_122, %swap3A_123] {strides = array<i32>} : memref<32x512xf32, #tpu.memory_space<vmem>>, vector<16xf32>,
        tpu.vector_store %arg10[%swap3A_122, %swap3A_123], %gather3A_120 {strides = array<i32>} : memref<32x512xf32, #tpu.memory_space<vmem>>, vector<16xf32>,
        %mul3A_125 = arith.constant 0 : i32
        %mul3A_126 = vector.broadcast %mul3A_125 : i32 to vector<16xi32>
        %mul3A_127 = arith.muli %iota3A, %mul3A_126 : vector<16xi32>
        %add3A_128 = arith.constant 5 : i32
        %add3A_129 = vector.broadcast %add3A_128 : i32 to vector<16xi32>
        %add3A_130 = arith.addi %mul3A_127, %add3A_129 : vector<16xi32>
        %gather3A_131 = arith.constant 0 : i32
        %gather3A_132 = arith.constant 0 : i32
        %gather3A_133 = arith.constant 0 : i32
        %gather3A_134 = tpu.memref_slice %arg9[%rem3A_39, %gather3A_131, %gather3A_132, %gather3A_133] : memref<3x16x16x128xf32, #tpu.memory_space<vmem>> -> memref<1x16x16x128xf32, #tpu.memory_space<vmem>>
        %gather3A_135 = tpu.memref_squeeze %gather3A_134 : memref<1x16x16x128xf32, #tpu.memory_space<vmem>> -> memref<16x16x128xf32, #tpu.memory_space<vmem>>
        %gather3A_136 = tpu.vector_load_idx %gather3A_135[%iota3A, %add3A_130, %and3A_46] : memref<16x16x128xf32, #tpu.memory_space<vmem>>[vector<16xi32>, vector<16xi32>, vector<16xi32>], vector<16xf32>,
        %swap3A_137 = arith.constant 5 : i32
        %swap3A_138 = arith.index_cast %swap3A_137 : i32 to index
        %swap3A_139 = arith.index_cast %mul3A_43 : i32 to index
        %swap3A_140 = tpu.vector_load %arg10[%swap3A_138, %swap3A_139] {strides = array<i32>} : memref<32x512xf32, #tpu.memory_space<vmem>>, vector<16xf32>,
        tpu.vector_store %arg10[%swap3A_138, %swap3A_139], %gather3A_136 {strides = array<i32>} : memref<32x512xf32, #tpu.memory_space<vmem>>, vector<16xf32>,
        %mul3A_141 = arith.constant 0 : i32
        %mul3A_142 = vector.broadcast %mul3A_141 : i32 to vector<16xi32>
        %mul3A_143 = arith.muli %iota3A, %mul3A_142 : vector<16xi32>
        %add3A_144 = arith.constant 6 : i32
        %add3A_145 = vector.broadcast %add3A_144 : i32 to vector<16xi32>
        %add3A_146 = arith.addi %mul3A_143, %add3A_145 : vector<16xi32>
        %gather3A_147 = arith.constant 0 : i32
        %gather3A_148 = arith.constant 0 : i32
        %gather3A_149 = arith.constant 0 : i32
        %gather3A_150 = tpu.memref_slice %arg9[%rem3A_39, %gather3A_147, %gather3A_148, %gather3A_149] : memref<3x16x16x128xf32, #tpu.memory_space<vmem>> -> memref<1x16x16x128xf32, #tpu.memory_space<vmem>>
        %gather3A_151 = tpu.memref_squeeze %gather3A_150 : memref<1x16x16x128xf32, #tpu.memory_space<vmem>> -> memref<16x16x128xf32, #tpu.memory_space<vmem>>
        %gather3A_152 = tpu.vector_load_idx %gather3A_151[%iota3A, %add3A_146, %and3A_46] : memref<16x16x128xf32, #tpu.memory_space<vmem>>[vector<16xi32>, vector<16xi32>, vector<16xi32>], vector<16xf32>,
        %swap3A_153 = arith.constant 6 : i32
        %swap3A_154 = arith.index_cast %swap3A_153 : i32 to index
        %swap3A_155 = arith.index_cast %mul3A_43 : i32 to index
        %swap3A_156 = tpu.vector_load %arg10[%swap3A_154, %swap3A_155] {strides = array<i32>} : memref<32x512xf32, #tpu.memory_space<vmem>>, vector<16xf32>,
        tpu.vector_store %arg10[%swap3A_154, %swap3A_155], %gather3A_152 {strides = array<i32>} : memref<32x512xf32, #tpu.memory_space<vmem>>, vector<16xf32>,
        %mul3A_157 = arith.constant 0 : i32
        %mul3A_158 = vector.broadcast %mul3A_157 : i32 to vector<16xi32>
        %mul3A_159 = arith.muli %iota3A, %mul3A_158 : vector<16xi32>
        %add3A_160 = arith.constant 7 : i32
        %add3A_161 = vector.broadcast %add3A_160 : i32 to vector<16xi32>
        %add3A_162 = arith.addi %mul3A_159, %add3A_161 : vector<16xi32>
        %gather3A_163 = arith.constant 0 : i32
        %gather3A_164 = arith.constant 0 : i32
        %gather3A_165 = arith.constant 0 : i32
        %gather3A_166 = tpu.memref_slice %arg9[%rem3A_39, %gather3A_163, %gather3A_164, %gather3A_165] : memref<3x16x16x128xf32, #tpu.memory_space<vmem>> -> memref<1x16x16x128xf32, #tpu.memory_space<vmem>>
        %gather3A_167 = tpu.memref_squeeze %gather3A_166 : memref<1x16x16x128xf32, #tpu.memory_space<vmem>> -> memref<16x16x128xf32, #tpu.memory_space<vmem>>
        %gather3A_168 = tpu.vector_load_idx %gather3A_167[%iota3A, %add3A_162, %and3A_46] : memref<16x16x128xf32, #tpu.memory_space<vmem>>[vector<16xi32>, vector<16xi32>, vector<16xi32>], vector<16xf32>,
        %swap3A_169 = arith.constant 7 : i32
        %swap3A_170 = arith.index_cast %swap3A_169 : i32 to index
        %swap3A_171 = arith.index_cast %mul3A_43 : i32 to index
        %swap3A_172 = tpu.vector_load %arg10[%swap3A_170, %swap3A_171] {strides = array<i32>} : memref<32x512xf32, #tpu.memory_space<vmem>>, vector<16xf32>,
        tpu.vector_store %arg10[%swap3A_170, %swap3A_171], %gather3A_168 {strides = array<i32>} : memref<32x512xf32, #tpu.memory_space<vmem>>, vector<16xf32>,
        %mul3A_173 = arith.constant 0 : i32
        %mul3A_174 = vector.broadcast %mul3A_173 : i32 to vector<16xi32>
        %mul3A_175 = arith.muli %iota3A, %mul3A_174 : vector<16xi32>
        %add3A_176 = arith.constant 8 : i32
        %add3A_177 = vector.broadcast %add3A_176 : i32 to vector<16xi32>
        %add3A_178 = arith.addi %mul3A_175, %add3A_177 : vector<16xi32>
        %gather3A_179 = arith.constant 0 : i32
        %gather3A_180 = arith.constant 0 : i32
        %gather3A_181 = arith.constant 0 : i32
        %gather3A_182 = tpu.memref_slice %arg9[%rem3A_39, %gather3A_179, %gather3A_180, %gather3A_181] : memref<3x16x16x128xf32, #tpu.memory_space<vmem>> -> memref<1x16x16x128xf32, #tpu.memory_space<vmem>>
        %gather3A_183 = tpu.memref_squeeze %gather3A_182 : memref<1x16x16x128xf32, #tpu.memory_space<vmem>> -> memref<16x16x128xf32, #tpu.memory_space<vmem>>
        %gather3A_184 = tpu.vector_load_idx %gather3A_183[%iota3A, %add3A_178, %and3A_46] : memref<16x16x128xf32, #tpu.memory_space<vmem>>[vector<16xi32>, vector<16xi32>, vector<16xi32>], vector<16xf32>,
        %swap3A_185 = arith.constant 8 : i32
        %swap3A_186 = arith.index_cast %swap3A_185 : i32 to index
        %swap3A_187 = arith.index_cast %mul3A_43 : i32 to index
        %swap3A_188 = tpu.vector_load %arg10[%swap3A_186, %swap3A_187] {strides = array<i32>} : memref<32x512xf32, #tpu.memory_space<vmem>>, vector<16xf32>,
        tpu.vector_store %arg10[%swap3A_186, %swap3A_187], %gather3A_184 {strides = array<i32>} : memref<32x512xf32, #tpu.memory_space<vmem>>, vector<16xf32>,
        %mul3A_189 = arith.constant 0 : i32
        %mul3A_190 = vector.broadcast %mul3A_189 : i32 to vector<16xi32>
        %mul3A_191 = arith.muli %iota3A, %mul3A_190 : vector<16xi32>
        %add3A_192 = arith.constant 9 : i32
        %add3A_193 = vector.broadcast %add3A_192 : i32 to vector<16xi32>
        %add3A_194 = arith.addi %mul3A_191, %add3A_193 : vector<16xi32>
        %gather3A_195 = arith.constant 0 : i32
        %gather3A_196 = arith.constant 0 : i32
        %gather3A_197 = arith.constant 0 : i32
        %gather3A_198 = tpu.memref_slice %arg9[%rem3A_39, %gather3A_195, %gather3A_196, %gather3A_197] : memref<3x16x16x128xf32, #tpu.memory_space<vmem>> -> memref<1x16x16x128xf32, #tpu.memory_space<vmem>>
        %gather3A_199 = tpu.memref_squeeze %gather3A_198 : memref<1x16x16x128xf32, #tpu.memory_space<vmem>> -> memref<16x16x128xf32, #tpu.memory_space<vmem>>
        %gather3A_200 = tpu.vector_load_idx %gather3A_199[%iota3A, %add3A_194, %and3A_46] : memref<16x16x128xf32, #tpu.memory_space<vmem>>[vector<16xi32>, vector<16xi32>, vector<16xi32>], vector<16xf32>,
        %swap3A_201 = arith.constant 9 : i32
        %swap3A_202 = arith.index_cast %swap3A_201 : i32 to index
        %swap3A_203 = arith.index_cast %mul3A_43 : i32 to index
        %swap3A_204 = tpu.vector_load %arg10[%swap3A_202, %swap3A_203] {strides = array<i32>} : memref<32x512xf32, #tpu.memory_space<vmem>>, vector<16xf32>,
        tpu.vector_store %arg10[%swap3A_202, %swap3A_203], %gather3A_200 {strides = array<i32>} : memref<32x512xf32, #tpu.memory_space<vmem>>, vector<16xf32>,
        %mul3A_205 = arith.constant 0 : i32
        %mul3A_206 = vector.broadcast %mul3A_205 : i32 to vector<16xi32>
        %mul3A_207 = arith.muli %iota3A, %mul3A_206 : vector<16xi32>
        %add3A_208 = arith.constant 10 : i32
        %add3A_209 = vector.broadcast %add3A_208 : i32 to vector<16xi32>
        %add3A_210 = arith.addi %mul3A_207, %add3A_209 : vector<16xi32>
        %gather3A_211 = arith.constant 0 : i32
        %gather3A_212 = arith.constant 0 : i32
        %gather3A_213 = arith.constant 0 : i32
        %gather3A_214 = tpu.memref_slice %arg9[%rem3A_39, %gather3A_211, %gather3A_212, %gather3A_213] : memref<3x16x16x128xf32, #tpu.memory_space<vmem>> -> memref<1x16x16x128xf32, #tpu.memory_space<vmem>>
        %gather3A_215 = tpu.memref_squeeze %gather3A_214 : memref<1x16x16x128xf32, #tpu.memory_space<vmem>> -> memref<16x16x128xf32, #tpu.memory_space<vmem>>
        %gather3A_216 = tpu.vector_load_idx %gather3A_215[%iota3A, %add3A_210, %and3A_46] : memref<16x16x128xf32, #tpu.memory_space<vmem>>[vector<16xi32>, vector<16xi32>, vector<16xi32>], vector<16xf32>,
        %swap3A_217 = arith.constant 10 : i32
        %swap3A_218 = arith.index_cast %swap3A_217 : i32 to index
        %swap3A_219 = arith.index_cast %mul3A_43 : i32 to index
        %swap3A_220 = tpu.vector_load %arg10[%swap3A_218, %swap3A_219] {strides = array<i32>} : memref<32x512xf32, #tpu.memory_space<vmem>>, vector<16xf32>,
        tpu.vector_store %arg10[%swap3A_218, %swap3A_219], %gather3A_216 {strides = array<i32>} : memref<32x512xf32, #tpu.memory_space<vmem>>, vector<16xf32>,
        %mul3A_221 = arith.constant 0 : i32
        %mul3A_222 = vector.broadcast %mul3A_221 : i32 to vector<16xi32>
        %mul3A_223 = arith.muli %iota3A, %mul3A_222 : vector<16xi32>
        %add3A_224 = arith.constant 11 : i32
        %add3A_225 = vector.broadcast %add3A_224 : i32 to vector<16xi32>
        %add3A_226 = arith.addi %mul3A_223, %add3A_225 : vector<16xi32>
        %gather3A_227 = arith.constant 0 : i32
        %gather3A_228 = arith.constant 0 : i32
        %gather3A_229 = arith.constant 0 : i32
        %gather3A_230 = tpu.memref_slice %arg9[%rem3A_39, %gather3A_227, %gather3A_228, %gather3A_229] : memref<3x16x16x128xf32, #tpu.memory_space<vmem>> -> memref<1x16x16x128xf32, #tpu.memory_space<vmem>>
        %gather3A_231 = tpu.memref_squeeze %gather3A_230 : memref<1x16x16x128xf32, #tpu.memory_space<vmem>> -> memref<16x16x128xf32, #tpu.memory_space<vmem>>
        %gather3A_232 = tpu.vector_load_idx %gather3A_231[%iota3A, %add3A_226, %and3A_46] : memref<16x16x128xf32, #tpu.memory_space<vmem>>[vector<16xi32>, vector<16xi32>, vector<16xi32>], vector<16xf32>,
        %swap3A_233 = arith.constant 11 : i32
        %swap3A_234 = arith.index_cast %swap3A_233 : i32 to index
        %swap3A_235 = arith.index_cast %mul3A_43 : i32 to index
        %swap3A_236 = tpu.vector_load %arg10[%swap3A_234, %swap3A_235] {strides = array<i32>} : memref<32x512xf32, #tpu.memory_space<vmem>>, vector<16xf32>,
        tpu.vector_store %arg10[%swap3A_234, %swap3A_235], %gather3A_232 {strides = array<i32>} : memref<32x512xf32, #tpu.memory_space<vmem>>, vector<16xf32>,
        %mul3A_237 = arith.constant 0 : i32
        %mul3A_238 = vector.broadcast %mul3A_237 : i32 to vector<16xi32>
        %mul3A_239 = arith.muli %iota3A, %mul3A_238 : vector<16xi32>
        %add3A_240 = arith.constant 12 : i32
        %add3A_241 = vector.broadcast %add3A_240 : i32 to vector<16xi32>
        %add3A_242 = arith.addi %mul3A_239, %add3A_241 : vector<16xi32>
        %gather3A_243 = arith.constant 0 : i32
        %gather3A_244 = arith.constant 0 : i32
        %gather3A_245 = arith.constant 0 : i32
        %gather3A_246 = tpu.memref_slice %arg9[%rem3A_39, %gather3A_243, %gather3A_244, %gather3A_245] : memref<3x16x16x128xf32, #tpu.memory_space<vmem>> -> memref<1x16x16x128xf32, #tpu.memory_space<vmem>>
        %gather3A_247 = tpu.memref_squeeze %gather3A_246 : memref<1x16x16x128xf32, #tpu.memory_space<vmem>> -> memref<16x16x128xf32, #tpu.memory_space<vmem>>
        %gather3A_248 = tpu.vector_load_idx %gather3A_247[%iota3A, %add3A_242, %and3A_46] : memref<16x16x128xf32, #tpu.memory_space<vmem>>[vector<16xi32>, vector<16xi32>, vector<16xi32>], vector<16xf32>,
        %swap3A_249 = arith.constant 12 : i32
        %swap3A_250 = arith.index_cast %swap3A_249 : i32 to index
        %swap3A_251 = arith.index_cast %mul3A_43 : i32 to index
        %swap3A_252 = tpu.vector_load %arg10[%swap3A_250, %swap3A_251] {strides = array<i32>} : memref<32x512xf32, #tpu.memory_space<vmem>>, vector<16xf32>,
        tpu.vector_store %arg10[%swap3A_250, %swap3A_251], %gather3A_248 {strides = array<i32>} : memref<32x512xf32, #tpu.memory_space<vmem>>, vector<16xf32>,
        %mul3A_253 = arith.constant 0 : i32
        %mul3A_254 = vector.broadcast %mul3A_253 : i32 to vector<16xi32>
        %mul3A_255 = arith.muli %iota3A, %mul3A_254 : vector<16xi32>
        %add3A_256 = arith.constant 13 : i32
        %add3A_257 = vector.broadcast %add3A_256 : i32 to vector<16xi32>
        %add3A_258 = arith.addi %mul3A_255, %add3A_257 : vector<16xi32>
        %gather3A_259 = arith.constant 0 : i32
        %gather3A_260 = arith.constant 0 : i32
        %gather3A_261 = arith.constant 0 : i32
        %gather3A_262 = tpu.memref_slice %arg9[%rem3A_39, %gather3A_259, %gather3A_260, %gather3A_261] : memref<3x16x16x128xf32, #tpu.memory_space<vmem>> -> memref<1x16x16x128xf32, #tpu.memory_space<vmem>>
        %gather3A_263 = tpu.memref_squeeze %gather3A_262 : memref<1x16x16x128xf32, #tpu.memory_space<vmem>> -> memref<16x16x128xf32, #tpu.memory_space<vmem>>
        %gather3A_264 = tpu.vector_load_idx %gather3A_263[%iota3A, %add3A_258, %and3A_46] : memref<16x16x128xf32, #tpu.memory_space<vmem>>[vector<16xi32>, vector<16xi32>, vector<16xi32>], vector<16xf32>,
        %swap3A_265 = arith.constant 13 : i32
        %swap3A_266 = arith.index_cast %swap3A_265 : i32 to index
        %swap3A_267 = arith.index_cast %mul3A_43 : i32 to index
        %swap3A_268 = tpu.vector_load %arg10[%swap3A_266, %swap3A_267] {strides = array<i32>} : memref<32x512xf32, #tpu.memory_space<vmem>>, vector<16xf32>,
        tpu.vector_store %arg10[%swap3A_266, %swap3A_267], %gather3A_264 {strides = array<i32>} : memref<32x512xf32, #tpu.memory_space<vmem>>, vector<16xf32>,
        %mul3A_269 = arith.constant 0 : i32
        %mul3A_270 = vector.broadcast %mul3A_269 : i32 to vector<16xi32>
        %mul3A_271 = arith.muli %iota3A, %mul3A_270 : vector<16xi32>
        %add3A_272 = arith.constant 14 : i32
        %add3A_273 = vector.broadcast %add3A_272 : i32 to vector<16xi32>
        %add3A_274 = arith.addi %mul3A_271, %add3A_273 : vector<16xi32>
        %gather3A_275 = arith.constant 0 : i32
        %gather3A_276 = arith.constant 0 : i32
        %gather3A_277 = arith.constant 0 : i32
        %gather3A_278 = tpu.memref_slice %arg9[%rem3A_39, %gather3A_275, %gather3A_276, %gather3A_277] : memref<3x16x16x128xf32, #tpu.memory_space<vmem>> -> memref<1x16x16x128xf32, #tpu.memory_space<vmem>>
        %gather3A_279 = tpu.memref_squeeze %gather3A_278 : memref<1x16x16x128xf32, #tpu.memory_space<vmem>> -> memref<16x16x128xf32, #tpu.memory_space<vmem>>
        %gather3A_280 = tpu.vector_load_idx %gather3A_279[%iota3A, %add3A_274, %and3A_46] : memref<16x16x128xf32, #tpu.memory_space<vmem>>[vector<16xi32>, vector<16xi32>, vector<16xi32>], vector<16xf32>,
        %swap3A_281 = arith.constant 14 : i32
        %swap3A_282 = arith.index_cast %swap3A_281 : i32 to index
        %swap3A_283 = arith.index_cast %mul3A_43 : i32 to index
        %swap3A_284 = tpu.vector_load %arg10[%swap3A_282, %swap3A_283] {strides = array<i32>} : memref<32x512xf32, #tpu.memory_space<vmem>>, vector<16xf32>,
        tpu.vector_store %arg10[%swap3A_282, %swap3A_283], %gather3A_280 {strides = array<i32>} : memref<32x512xf32, #tpu.memory_space<vmem>>, vector<16xf32>,
        %mul3A_285 = arith.constant 0 : i32
        %mul3A_286 = vector.broadcast %mul3A_285 : i32 to vector<16xi32>
        %mul3A_287 = arith.muli %iota3A, %mul3A_286 : vector<16xi32>
        %add3A_288 = arith.constant 15 : i32
        %add3A_289 = vector.broadcast %add3A_288 : i32 to vector<16xi32>
        %add3A_290 = arith.addi %mul3A_287, %add3A_289 : vector<16xi32>
        %gather3A_291 = arith.constant 0 : i32
        %gather3A_292 = arith.constant 0 : i32
        %gather3A_293 = arith.constant 0 : i32
        %gather3A_294 = tpu.memref_slice %arg9[%rem3A_39, %gather3A_291, %gather3A_292, %gather3A_293] : memref<3x16x16x128xf32, #tpu.memory_space<vmem>> -> memref<1x16x16x128xf32, #tpu.memory_space<vmem>>
        %gather3A_295 = tpu.memref_squeeze %gather3A_294 : memref<1x16x16x128xf32, #tpu.memory_space<vmem>> -> memref<16x16x128xf32, #tpu.memory_space<vmem>>
        %gather3A_296 = tpu.vector_load_idx %gather3A_295[%iota3A, %add3A_290, %and3A_46] : memref<16x16x128xf32, #tpu.memory_space<vmem>>[vector<16xi32>, vector<16xi32>, vector<16xi32>], vector<16xf32>,
        %swap3A_297 = arith.constant 15 : i32
        %swap3A_298 = arith.index_cast %swap3A_297 : i32 to index
        %swap3A_299 = arith.index_cast %mul3A_43 : i32 to index
        %swap3A_300 = tpu.vector_load %arg10[%swap3A_298, %swap3A_299] {strides = array<i32>} : memref<32x512xf32, #tpu.memory_space<vmem>>, vector<16xf32>,
        tpu.vector_store %arg10[%swap3A_298, %swap3A_299], %gather3A_296 {strides = array<i32>} : memref<32x512xf32, #tpu.memory_space<vmem>>, vector<16xf32>,
      } else {
      }
    }
    %scan3A_7 = arith.constant 34 : i32
    %scan3A_8 = arith.constant 0 : i32
    %scan3A_9 = arith.constant 0 : i32
    %scan3A_10 = arith.constant 34 : i32
    %scan3A_11 = arith.addi %scan3A_9, %scan3A_10 : i32
    %scan3A_12 = arith.constant 1 : i32
    scf.for %scan3A_26 = %scan3A_9 to %scan3A_11 step %scan3A_12  : i32 {
      %ge3A = arith.constant 2 : i32
      %ge3A_27 = arith.cmpi sge, %scan3A_26, %ge3A : i32
      %convert_element_type3A = arith.extui %ge3A_27 : i1 to i32
      %cond3A = arith.constant 0 : i32
      %cond3A_28 = arith.cmpi ne, %convert_element_type3A, %cond3A : i32
      scf.if %cond3A_28 {
        %sub3A = arith.constant 2 : i32
        %sub3A_38 = arith.subi %scan3A_26, %sub3A : i32
        %rem3A = arith.constant 3 : i32
        %rem3A_39 = arith.remsi %sub3A_38, %rem3A : i32
        %dma_wait3A = arith.constant 0 : i32
        %dma_wait3A_40 = arith.constant 0 : i32
        %dma_wait3A_41 = arith.constant 0 : i32
        %dma_wait3A_42 = tpu.memref_slice %arg9[%rem3A_39, %dma_wait3A, %dma_wait3A_40, %dma_wait3A_41] : memref<3x16x16x128xf32, #tpu.memory_space<vmem>> -> memref<1x1x16x128xf32, #tpu.memory_space<vmem>>
        %dma_wait3A_43 = tpu.memref_squeeze %dma_wait3A_42 : memref<1x1x16x128xf32, #tpu.memory_space<vmem>> -> memref<16x128xf32, #tpu.memory_space<vmem>>
        %dma_wait3A_44 = arith.constant 0 : i32
        %dma_wait3A_45 = arith.constant 0 : i32
        %dma_wait3A_46 = tpu.memref_slice %arg2[%dma_wait3A_44, %dma_wait3A_45] : memref<32x1000000xf32, #tpu.memory_space<hbm>> -> memref<16x128xf32, #tpu.memory_space<hbm>>
        %dma_wait3A_47 = arith.constant 0 : i32
        %dma_wait3A_48 = arith.constant 0 : i32
        %dma_wait3A_49 = tpu.memref_slice %arg9[%rem3A_39, %dma_wait3A, %dma_wait3A_47, %dma_wait3A_48] : memref<3x16x16x128xf32, #tpu.memory_space<vmem>> -> memref<1x1x16x128xf32, #tpu.memory_space<vmem>>
        %dma_wait3A_50 = tpu.memref_squeeze %dma_wait3A_49 : memref<1x1x16x128xf32, #tpu.memory_space<vmem>> -> memref<16x128xf32, #tpu.memory_space<vmem>>
        %dma_wait3A_51 = arith.constant 0 : i32
        %dma_wait3A_52 = arith.constant 0 : i32
        %dma_wait3A_53 = tpu.memref_slice %arg2[%dma_wait3A_51, %dma_wait3A_52] : memref<32x1000000xf32, #tpu.memory_space<hbm>> -> memref<16x128xf32, #tpu.memory_space<hbm>>
        tpu.wait_dma2 semaphore(%arg11 : memref<!tpu.dma_semaphore, #tpu.memory_space<semaphore_mem>>) src(%dma_wait3A_53 : memref<16x128xf32, #tpu.memory_space<hbm>>) dst(%dma_wait3A_50 : memref<16x128xf32, #tpu.memory_space<vmem>>)
        %sub3A_54 = arith.constant 2 : i32
        %sub3A_55 = arith.subi %scan3A_26, %sub3A_54 : i32
        %rem3A_56 = arith.constant 3 : i32
        %rem3A_57 = arith.remsi %sub3A_55, %rem3A_56 : i32
        %dma_wait3A_58 = arith.constant 1 : i32
        %dma_wait3A_59 = arith.constant 0 : i32
        %dma_wait3A_60 = arith.constant 0 : i32
        %dma_wait3A_61 = tpu.memref_slice %arg9[%rem3A_57, %dma_wait3A_58, %dma_wait3A_59, %dma_wait3A_60] : memref<3x16x16x128xf32, #tpu.memory_space<vmem>> -> memref<1x1x16x128xf32, #tpu.memory_space<vmem>>
        %dma_wait3A_62 = tpu.memref_squeeze %dma_wait3A_61 : memref<1x1x16x128xf32, #tpu.memory_space<vmem>> -> memref<16x128xf32, #tpu.memory_space<vmem>>
        %dma_wait3A_63 = arith.constant 0 : i32
        %dma_wait3A_64 = arith.constant 0 : i32
        %dma_wait3A_65 = tpu.memref_slice %arg2[%dma_wait3A_63, %dma_wait3A_64] : memref<32x1000000xf32, #tpu.memory_space<hbm>> -> memref<16x128xf32, #tpu.memory_space<hbm>>
        %dma_wait3A_66 = arith.constant 0 : i32
        %dma_wait3A_67 = arith.constant 0 : i32
        %dma_wait3A_68 = tpu.memref_slice %arg9[%rem3A_57, %dma_wait3A_58, %dma_wait3A_66, %dma_wait3A_67] : memref<3x16x16x128xf32, #tpu.memory_space<vmem>> -> memref<1x1x16x128xf32, #tpu.memory_space<vmem>>
        %dma_wait3A_69 = tpu.memref_squeeze %dma_wait3A_68 : memref<1x1x16x128xf32, #tpu.memory_space<vmem>> -> memref<16x128xf32, #tpu.memory_space<vmem>>
        %dma_wait3A_70 = arith.constant 0 : i32
        %dma_wait3A_71 = arith.constant 0 : i32
        %dma_wait3A_72 = tpu.memref_slice %arg2[%dma_wait3A_70, %dma_wait3A_71] : memref<32x1000000xf32, #tpu.memory_space<hbm>> -> memref<16x128xf32, #tpu.memory_space<hbm>>
        tpu.wait_dma2 semaphore(%arg11 : memref<!tpu.dma_semaphore, #tpu.memory_space<semaphore_mem>>) src(%dma_wait3A_72 : memref<16x128xf32, #tpu.memory_space<hbm>>) dst(%dma_wait3A_69 : memref<16x128xf32, #tpu.memory_space<vmem>>)
        %sub3A_73 = arith.constant 2 : i32
        %sub3A_74 = arith.subi %scan3A_26, %sub3A_73 : i32
        %rem3A_75 = arith.constant 3 : i32
        %rem3A_76 = arith.remsi %sub3A_74, %rem3A_75 : i32
        %dma_wait3A_77 = arith.constant 2 : i32
        %dma_wait3A_78 = arith.constant 0 : i32
        %dma_wait3A_79 = arith.constant 0 : i32
        %dma_wait3A_80 = tpu.memref_slice %arg9[%rem3A_76, %dma_wait3A_77, %dma_wait3A_78, %dma_wait3A_79] : memref<3x16x16x128xf32, #tpu.memory_space<vmem>> -> memref<1x1x16x128xf32, #tpu.memory_space<vmem>>
        %dma_wait3A_81 = tpu.memref_squeeze %dma_wait3A_80 : memref<1x1x16x128xf32, #tpu.memory_space<vmem>> -> memref<16x128xf32, #tpu.memory_space<vmem>>
        %dma_wait3A_82 = arith.constant 0 : i32
        %dma_wait3A_83 = arith.constant 0 : i32
        %dma_wait3A_84 = tpu.memref_slice %arg2[%dma_wait3A_82, %dma_wait3A_83] : memref<32x1000000xf32, #tpu.memory_space<hbm>> -> memref<16x128xf32, #tpu.memory_space<hbm>>
        %dma_wait3A_85 = arith.constant 0 : i32
        %dma_wait3A_86 = arith.constant 0 : i32
        %dma_wait3A_87 = tpu.memref_slice %arg9[%rem3A_76, %dma_wait3A_77, %dma_wait3A_85, %dma_wait3A_86] : memref<3x16x16x128xf32, #tpu.memory_space<vmem>> -> memref<1x1x16x128xf32, #tpu.memory_space<vmem>>
        %dma_wait3A_88 = tpu.memref_squeeze %dma_wait3A_87 : memref<1x1x16x128xf32, #tpu.memory_space<vmem>> -> memref<16x128xf32, #tpu.memory_space<vmem>>
        %dma_wait3A_89 = arith.constant 0 : i32
        %dma_wait3A_90 = arith.constant 0 : i32
        %dma_wait3A_91 = tpu.memref_slice %arg2[%dma_wait3A_89, %dma_wait3A_90] : memref<32x1000000xf32, #tpu.memory_space<hbm>> -> memref<16x128xf32, #tpu.memory_space<hbm>>
        tpu.wait_dma2 semaphore(%arg11 : memref<!tpu.dma_semaphore, #tpu.memory_space<semaphore_mem>>) src(%dma_wait3A_91 : memref<16x128xf32, #tpu.memory_space<hbm>>) dst(%dma_wait3A_88 : memref<16x128xf32, #tpu.memory_space<vmem>>)
        %sub3A_92 = arith.constant 2 : i32
        %sub3A_93 = arith.subi %scan3A_26, %sub3A_92 : i32
        %rem3A_94 = arith.constant 3 : i32
        %rem3A_95 = arith.remsi %sub3A_93, %rem3A_94 : i32
        %dma_wait3A_96 = arith.constant 3 : i32
        %dma_wait3A_97 = arith.constant 0 : i32
        %dma_wait3A_98 = arith.constant 0 : i32
        %dma_wait3A_99 = tpu.memref_slice %arg9[%rem3A_95, %dma_wait3A_96, %dma_wait3A_97, %dma_wait3A_98] : memref<3x16x16x128xf32, #tpu.memory_space<vmem>> -> memref<1x1x16x128xf32, #tpu.memory_space<vmem>>
        %dma_wait3A_100 = tpu.memref_squeeze %dma_wait3A_99 : memref<1x1x16x128xf32, #tpu.memory_space<vmem>> -> memref<16x128xf32, #tpu.memory_space<vmem>>
        %dma_wait3A_101 = arith.constant 0 : i32
        %dma_wait3A_102 = arith.constant 0 : i32
        %dma_wait3A_103 = tpu.memref_slice %arg2[%dma_wait3A_101, %dma_wait3A_102] : memref<32x1000000xf32, #tpu.memory_space<hbm>> -> memref<16x128xf32, #tpu.memory_space<hbm>>
        %dma_wait3A_104 = arith.constant 0 : i32
        %dma_wait3A_105 = arith.constant 0 : i32
        %dma_wait3A_106 = tpu.memref_slice %arg9[%rem3A_95, %dma_wait3A_96, %dma_wait3A_104, %dma_wait3A_105] : memref<3x16x16x128xf32, #tpu.memory_space<vmem>> -> memref<1x1x16x128xf32, #tpu.memory_space<vmem>>
        %dma_wait3A_107 = tpu.memref_squeeze %dma_wait3A_106 : memref<1x1x16x128xf32, #tpu.memory_space<vmem>> -> memref<16x128xf32, #tpu.memory_space<vmem>>
        %dma_wait3A_108 = arith.constant 0 : i32
        %dma_wait3A_109 = arith.constant 0 : i32
        %dma_wait3A_110 = tpu.memref_slice %arg2[%dma_wait3A_108, %dma_wait3A_109] : memref<32x1000000xf32, #tpu.memory_space<hbm>> -> memref<16x128xf32, #tpu.memory_space<hbm>>
        tpu.wait_dma2 semaphore(%arg11 : memref<!tpu.dma_semaphore, #tpu.memory_space<semaphore_mem>>) src(%dma_wait3A_110 : memref<16x128xf32, #tpu.memory_space<hbm>>) dst(%dma_wait3A_107 : memref<16x128xf32, #tpu.memory_space<vmem>>)
        %sub3A_111 = arith.constant 2 : i32
        %sub3A_112 = arith.subi %scan3A_26, %sub3A_111 : i32
        %rem3A_113 = arith.constant 3 : i32
        %rem3A_114 = arith.remsi %sub3A_112, %rem3A_113 : i32
        %dma_wait3A_115 = arith.constant 4 : i32
        %dma_wait3A_116 = arith.constant 0 : i32
        %dma_wait3A_117 = arith.constant 0 : i32
        %dma_wait3A_118 = tpu.memref_slice %arg9[%rem3A_114, %dma_wait3A_115, %dma_wait3A_116, %dma_wait3A_117] : memref<3x16x16x128xf32, #tpu.memory_space<vmem>> -> memref<1x1x16x128xf32, #tpu.memory_space<vmem>>
        %dma_wait3A_119 = tpu.memref_squeeze %dma_wait3A_118 : memref<1x1x16x128xf32, #tpu.memory_space<vmem>> -> memref<16x128xf32, #tpu.memory_space<vmem>>
        %dma_wait3A_120 = arith.constant 0 : i32
        %dma_wait3A_121 = arith.constant 0 : i32
        %dma_wait3A_122 = tpu.memref_slice %arg2[%dma_wait3A_120, %dma_wait3A_121] : memref<32x1000000xf32, #tpu.memory_space<hbm>> -> memref<16x128xf32, #tpu.memory_space<hbm>>
        %dma_wait3A_123 = arith.constant 0 : i32
        %dma_wait3A_124 = arith.constant 0 : i32
        %dma_wait3A_125 = tpu.memref_slice %arg9[%rem3A_114, %dma_wait3A_115, %dma_wait3A_123, %dma_wait3A_124] : memref<3x16x16x128xf32, #tpu.memory_space<vmem>> -> memref<1x1x16x128xf32, #tpu.memory_space<vmem>>
        %dma_wait3A_126 = tpu.memref_squeeze %dma_wait3A_125 : memref<1x1x16x128xf32, #tpu.memory_space<vmem>> -> memref<16x128xf32, #tpu.memory_space<vmem>>
        %dma_wait3A_127 = arith.constant 0 : i32
        %dma_wait3A_128 = arith.constant 0 : i32
        %dma_wait3A_129 = tpu.memref_slice %arg2[%dma_wait3A_127, %dma_wait3A_128] : memref<32x1000000xf32, #tpu.memory_space<hbm>> -> memref<16x128xf32, #tpu.memory_space<hbm>>
        tpu.wait_dma2 semaphore(%arg11 : memref<!tpu.dma_semaphore, #tpu.memory_space<semaphore_mem>>) src(%dma_wait3A_129 : memref<16x128xf32, #tpu.memory_space<hbm>>) dst(%dma_wait3A_126 : memref<16x128xf32, #tpu.memory_space<vmem>>)
        %sub3A_130 = arith.constant 2 : i32
        %sub3A_131 = arith.subi %scan3A_26, %sub3A_130 : i32
        %rem3A_132 = arith.constant 3 : i32
        %rem3A_133 = arith.remsi %sub3A_131, %rem3A_132 : i32
        %dma_wait3A_134 = arith.constant 5 : i32
        %dma_wait3A_135 = arith.constant 0 : i32
        %dma_wait3A_136 = arith.constant 0 : i32
        %dma_wait3A_137 = tpu.memref_slice %arg9[%rem3A_133, %dma_wait3A_134, %dma_wait3A_135, %dma_wait3A_136] : memref<3x16x16x128xf32, #tpu.memory_space<vmem>> -> memref<1x1x16x128xf32, #tpu.memory_space<vmem>>
        %dma_wait3A_138 = tpu.memref_squeeze %dma_wait3A_137 : memref<1x1x16x128xf32, #tpu.memory_space<vmem>> -> memref<16x128xf32, #tpu.memory_space<vmem>>
        %dma_wait3A_139 = arith.constant 0 : i32
        %dma_wait3A_140 = arith.constant 0 : i32
        %dma_wait3A_141 = tpu.memref_slice %arg2[%dma_wait3A_139, %dma_wait3A_140] : memref<32x1000000xf32, #tpu.memory_space<hbm>> -> memref<16x128xf32, #tpu.memory_space<hbm>>
        %dma_wait3A_142 = arith.constant 0 : i32
        %dma_wait3A_143 = arith.constant 0 : i32
        %dma_wait3A_144 = tpu.memref_slice %arg9[%rem3A_133, %dma_wait3A_134, %dma_wait3A_142, %dma_wait3A_143] : memref<3x16x16x128xf32, #tpu.memory_space<vmem>> -> memref<1x1x16x128xf32, #tpu.memory_space<vmem>>
        %dma_wait3A_145 = tpu.memref_squeeze %dma_wait3A_144 : memref<1x1x16x128xf32, #tpu.memory_space<vmem>> -> memref<16x128xf32, #tpu.memory_space<vmem>>
        %dma_wait3A_146 = arith.constant 0 : i32
        %dma_wait3A_147 = arith.constant 0 : i32
        %dma_wait3A_148 = tpu.memref_slice %arg2[%dma_wait3A_146, %dma_wait3A_147] : memref<32x1000000xf32, #tpu.memory_space<hbm>> -> memref<16x128xf32, #tpu.memory_space<hbm>>
        tpu.wait_dma2 semaphore(%arg11 : memref<!tpu.dma_semaphore, #tpu.memory_space<semaphore_mem>>) src(%dma_wait3A_148 : memref<16x128xf32, #tpu.memory_space<hbm>>) dst(%dma_wait3A_145 : memref<16x128xf32, #tpu.memory_space<vmem>>)
        %sub3A_149 = arith.constant 2 : i32
        %sub3A_150 = arith.subi %scan3A_26, %sub3A_149 : i32
        %rem3A_151 = arith.constant 3 : i32
        %rem3A_152 = arith.remsi %sub3A_150, %rem3A_151 : i32
        %dma_wait3A_153 = arith.constant 6 : i32
        %dma_wait3A_154 = arith.constant 0 : i32
        %dma_wait3A_155 = arith.constant 0 : i32
        %dma_wait3A_156 = tpu.memref_slice %arg9[%rem3A_152, %dma_wait3A_153, %dma_wait3A_154, %dma_wait3A_155] : memref<3x16x16x128xf32, #tpu.memory_space<vmem>> -> memref<1x1x16x128xf32, #tpu.memory_space<vmem>>
        %dma_wait3A_157 = tpu.memref_squeeze %dma_wait3A_156 : memref<1x1x16x128xf32, #tpu.memory_space<vmem>> -> memref<16x128xf32, #tpu.memory_space<vmem>>
        %dma_wait3A_158 = arith.constant 0 : i32
        %dma_wait3A_159 = arith.constant 0 : i32
        %dma_wait3A_160 = tpu.memref_slice %arg2[%dma_wait3A_158, %dma_wait3A_159] : memref<32x1000000xf32, #tpu.memory_space<hbm>> -> memref<16x128xf32, #tpu.memory_space<hbm>>
        %dma_wait3A_161 = arith.constant 0 : i32
        %dma_wait3A_162 = arith.constant 0 : i32
        %dma_wait3A_163 = tpu.memref_slice %arg9[%rem3A_152, %dma_wait3A_153, %dma_wait3A_161, %dma_wait3A_162] : memref<3x16x16x128xf32, #tpu.memory_space<vmem>> -> memref<1x1x16x128xf32, #tpu.memory_space<vmem>>
        %dma_wait3A_164 = tpu.memref_squeeze %dma_wait3A_163 : memref<1x1x16x128xf32, #tpu.memory_space<vmem>> -> memref<16x128xf32, #tpu.memory_space<vmem>>
        %dma_wait3A_165 = arith.constant 0 : i32
        %dma_wait3A_166 = arith.constant 0 : i32
        %dma_wait3A_167 = tpu.memref_slice %arg2[%dma_wait3A_165, %dma_wait3A_166] : memref<32x1000000xf32, #tpu.memory_space<hbm>> -> memref<16x128xf32, #tpu.memory_space<hbm>>
        tpu.wait_dma2 semaphore(%arg11 : memref<!tpu.dma_semaphore, #tpu.memory_space<semaphore_mem>>) src(%dma_wait3A_167 : memref<16x128xf32, #tpu.memory_space<hbm>>) dst(%dma_wait3A_164 : memref<16x128xf32, #tpu.memory_space<vmem>>)
        %sub3A_168 = arith.constant 2 : i32
        %sub3A_169 = arith.subi %scan3A_26, %sub3A_168 : i32
        %rem3A_170 = arith.constant 3 : i32
        %rem3A_171 = arith.remsi %sub3A_169, %rem3A_170 : i32
        %dma_wait3A_172 = arith.constant 7 : i32
        %dma_wait3A_173 = arith.constant 0 : i32
        %dma_wait3A_174 = arith.constant 0 : i32
        %dma_wait3A_175 = tpu.memref_slice %arg9[%rem3A_171, %dma_wait3A_172, %dma_wait3A_173, %dma_wait3A_174] : memref<3x16x16x128xf32, #tpu.memory_space<vmem>> -> memref<1x1x16x128xf32, #tpu.memory_space<vmem>>
        %dma_wait3A_176 = tpu.memref_squeeze %dma_wait3A_175 : memref<1x1x16x128xf32, #tpu.memory_space<vmem>> -> memref<16x128xf32, #tpu.memory_space<vmem>>
        %dma_wait3A_177 = arith.constant 0 : i32
        %dma_wait3A_178 = arith.constant 0 : i32
        %dma_wait3A_179 = tpu.memref_slice %arg2[%dma_wait3A_177, %dma_wait3A_178] : memref<32x1000000xf32, #tpu.memory_space<hbm>> -> memref<16x128xf32, #tpu.memory_space<hbm>>
        %dma_wait3A_180 = arith.constant 0 : i32
        %dma_wait3A_181 = arith.constant 0 : i32
        %dma_wait3A_182 = tpu.memref_slice %arg9[%rem3A_171, %dma_wait3A_172, %dma_wait3A_180, %dma_wait3A_181] : memref<3x16x16x128xf32, #tpu.memory_space<vmem>> -> memref<1x1x16x128xf32, #tpu.memory_space<vmem>>
        %dma_wait3A_183 = tpu.memref_squeeze %dma_wait3A_182 : memref<1x1x16x128xf32, #tpu.memory_space<vmem>> -> memref<16x128xf32, #tpu.memory_space<vmem>>
        %dma_wait3A_184 = arith.constant 0 : i32
        %dma_wait3A_185 = arith.constant 0 : i32
        %dma_wait3A_186 = tpu.memref_slice %arg2[%dma_wait3A_184, %dma_wait3A_185] : memref<32x1000000xf32, #tpu.memory_space<hbm>> -> memref<16x128xf32, #tpu.memory_space<hbm>>
        tpu.wait_dma2 semaphore(%arg11 : memref<!tpu.dma_semaphore, #tpu.memory_space<semaphore_mem>>) src(%dma_wait3A_186 : memref<16x128xf32, #tpu.memory_space<hbm>>) dst(%dma_wait3A_183 : memref<16x128xf32, #tpu.memory_space<vmem>>)
        %sub3A_187 = arith.constant 2 : i32
        %sub3A_188 = arith.subi %scan3A_26, %sub3A_187 : i32
        %rem3A_189 = arith.constant 3 : i32
        %rem3A_190 = arith.remsi %sub3A_188, %rem3A_189 : i32
        %dma_wait3A_191 = arith.constant 8 : i32
        %dma_wait3A_192 = arith.constant 0 : i32
        %dma_wait3A_193 = arith.constant 0 : i32
        %dma_wait3A_194 = tpu.memref_slice %arg9[%rem3A_190, %dma_wait3A_191, %dma_wait3A_192, %dma_wait3A_193] : memref<3x16x16x128xf32, #tpu.memory_space<vmem>> -> memref<1x1x16x128xf32, #tpu.memory_space<vmem>>
        %dma_wait3A_195 = tpu.memref_squeeze %dma_wait3A_194 : memref<1x1x16x128xf32, #tpu.memory_space<vmem>> -> memref<16x128xf32, #tpu.memory_space<vmem>>
        %dma_wait3A_196 = arith.constant 0 : i32
        %dma_wait3A_197 = arith.constant 0 : i32
        %dma_wait3A_198 = tpu.memref_slice %arg2[%dma_wait3A_196, %dma_wait3A_197] : memref<32x1000000xf32, #tpu.memory_space<hbm>> -> memref<16x128xf32, #tpu.memory_space<hbm>>
        %dma_wait3A_199 = arith.constant 0 : i32
        %dma_wait3A_200 = arith.constant 0 : i32
        %dma_wait3A_201 = tpu.memref_slice %arg9[%rem3A_190, %dma_wait3A_191, %dma_wait3A_199, %dma_wait3A_200] : memref<3x16x16x128xf32, #tpu.memory_space<vmem>> -> memref<1x1x16x128xf32, #tpu.memory_space<vmem>>
        %dma_wait3A_202 = tpu.memref_squeeze %dma_wait3A_201 : memref<1x1x16x128xf32, #tpu.memory_space<vmem>> -> memref<16x128xf32, #tpu.memory_space<vmem>>
        %dma_wait3A_203 = arith.constant 0 : i32
        %dma_wait3A_204 = arith.constant 0 : i32
        %dma_wait3A_205 = tpu.memref_slice %arg2[%dma_wait3A_203, %dma_wait3A_204] : memref<32x1000000xf32, #tpu.memory_space<hbm>> -> memref<16x128xf32, #tpu.memory_space<hbm>>
        tpu.wait_dma2 semaphore(%arg11 : memref<!tpu.dma_semaphore, #tpu.memory_space<semaphore_mem>>) src(%dma_wait3A_205 : memref<16x128xf32, #tpu.memory_space<hbm>>) dst(%dma_wait3A_202 : memref<16x128xf32, #tpu.memory_space<vmem>>)
        %sub3A_206 = arith.constant 2 : i32
        %sub3A_207 = arith.subi %scan3A_26, %sub3A_206 : i32
        %rem3A_208 = arith.constant 3 : i32
        %rem3A_209 = arith.remsi %sub3A_207, %rem3A_208 : i32
        %dma_wait3A_210 = arith.constant 9 : i32
        %dma_wait3A_211 = arith.constant 0 : i32
        %dma_wait3A_212 = arith.constant 0 : i32
        %dma_wait3A_213 = tpu.memref_slice %arg9[%rem3A_209, %dma_wait3A_210, %dma_wait3A_211, %dma_wait3A_212] : memref<3x16x16x128xf32, #tpu.memory_space<vmem>> -> memref<1x1x16x128xf32, #tpu.memory_space<vmem>>
        %dma_wait3A_214 = tpu.memref_squeeze %dma_wait3A_213 : memref<1x1x16x128xf32, #tpu.memory_space<vmem>> -> memref<16x128xf32, #tpu.memory_space<vmem>>
        %dma_wait3A_215 = arith.constant 0 : i32
        %dma_wait3A_216 = arith.constant 0 : i32
        %dma_wait3A_217 = tpu.memref_slice %arg2[%dma_wait3A_215, %dma_wait3A_216] : memref<32x1000000xf32, #tpu.memory_space<hbm>> -> memref<16x128xf32, #tpu.memory_space<hbm>>
        %dma_wait3A_218 = arith.constant 0 : i32
        %dma_wait3A_219 = arith.constant 0 : i32
        %dma_wait3A_220 = tpu.memref_slice %arg9[%rem3A_209, %dma_wait3A_210, %dma_wait3A_218, %dma_wait3A_219] : memref<3x16x16x128xf32, #tpu.memory_space<vmem>> -> memref<1x1x16x128xf32, #tpu.memory_space<vmem>>
        %dma_wait3A_221 = tpu.memref_squeeze %dma_wait3A_220 : memref<1x1x16x128xf32, #tpu.memory_space<vmem>> -> memref<16x128xf32, #tpu.memory_space<vmem>>
        %dma_wait3A_222 = arith.constant 0 : i32
        %dma_wait3A_223 = arith.constant 0 : i32
        %dma_wait3A_224 = tpu.memref_slice %arg2[%dma_wait3A_222, %dma_wait3A_223] : memref<32x1000000xf32, #tpu.memory_space<hbm>> -> memref<16x128xf32, #tpu.memory_space<hbm>>
        tpu.wait_dma2 semaphore(%arg11 : memref<!tpu.dma_semaphore, #tpu.memory_space<semaphore_mem>>) src(%dma_wait3A_224 : memref<16x128xf32, #tpu.memory_space<hbm>>) dst(%dma_wait3A_221 : memref<16x128xf32, #tpu.memory_space<vmem>>)
        %sub3A_225 = arith.constant 2 : i32
        %sub3A_226 = arith.subi %scan3A_26, %sub3A_225 : i32
        %rem3A_227 = arith.constant 3 : i32
        %rem3A_228 = arith.remsi %sub3A_226, %rem3A_227 : i32
        %dma_wait3A_229 = arith.constant 10 : i32
        %dma_wait3A_230 = arith.constant 0 : i32
        %dma_wait3A_231 = arith.constant 0 : i32
        %dma_wait3A_232 = tpu.memref_slice %arg9[%rem3A_228, %dma_wait3A_229, %dma_wait3A_230, %dma_wait3A_231] : memref<3x16x16x128xf32, #tpu.memory_space<vmem>> -> memref<1x1x16x128xf32, #tpu.memory_space<vmem>>
        %dma_wait3A_233 = tpu.memref_squeeze %dma_wait3A_232 : memref<1x1x16x128xf32, #tpu.memory_space<vmem>> -> memref<16x128xf32, #tpu.memory_space<vmem>>
        %dma_wait3A_234 = arith.constant 0 : i32
        %dma_wait3A_235 = arith.constant 0 : i32
        %dma_wait3A_236 = tpu.memref_slice %arg2[%dma_wait3A_234, %dma_wait3A_235] : memref<32x1000000xf32, #tpu.memory_space<hbm>> -> memref<16x128xf32, #tpu.memory_space<hbm>>
        %dma_wait3A_237 = arith.constant 0 : i32
        %dma_wait3A_238 = arith.constant 0 : i32
        %dma_wait3A_239 = tpu.memref_slice %arg9[%rem3A_228, %dma_wait3A_229, %dma_wait3A_237, %dma_wait3A_238] : memref<3x16x16x128xf32, #tpu.memory_space<vmem>> -> memref<1x1x16x128xf32, #tpu.memory_space<vmem>>
        %dma_wait3A_240 = tpu.memref_squeeze %dma_wait3A_239 : memref<1x1x16x128xf32, #tpu.memory_space<vmem>> -> memref<16x128xf32, #tpu.memory_space<vmem>>
        %dma_wait3A_241 = arith.constant 0 : i32
        %dma_wait3A_242 = arith.constant 0 : i32
        %dma_wait3A_243 = tpu.memref_slice %arg2[%dma_wait3A_241, %dma_wait3A_242] : memref<32x1000000xf32, #tpu.memory_space<hbm>> -> memref<16x128xf32, #tpu.memory_space<hbm>>
        tpu.wait_dma2 semaphore(%arg11 : memref<!tpu.dma_semaphore, #tpu.memory_space<semaphore_mem>>) src(%dma_wait3A_243 : memref<16x128xf32, #tpu.memory_space<hbm>>) dst(%dma_wait3A_240 : memref<16x128xf32, #tpu.memory_space<vmem>>)
        %sub3A_244 = arith.constant 2 : i32
        %sub3A_245 = arith.subi %scan3A_26, %sub3A_244 : i32
        %rem3A_246 = arith.constant 3 : i32
        %rem3A_247 = arith.remsi %sub3A_245, %rem3A_246 : i32
        %dma_wait3A_248 = arith.constant 11 : i32
        %dma_wait3A_249 = arith.constant 0 : i32
        %dma_wait3A_250 = arith.constant 0 : i32
        %dma_wait3A_251 = tpu.memref_slice %arg9[%rem3A_247, %dma_wait3A_248, %dma_wait3A_249, %dma_wait3A_250] : memref<3x16x16x128xf32, #tpu.memory_space<vmem>> -> memref<1x1x16x128xf32, #tpu.memory_space<vmem>>
        %dma_wait3A_252 = tpu.memref_squeeze %dma_wait3A_251 : memref<1x1x16x128xf32, #tpu.memory_space<vmem>> -> memref<16x128xf32, #tpu.memory_space<vmem>>
        %dma_wait3A_253 = arith.constant 0 : i32
        %dma_wait3A_254 = arith.constant 0 : i32
        %dma_wait3A_255 = tpu.memref_slice %arg2[%dma_wait3A_253, %dma_wait3A_254] : memref<32x1000000xf32, #tpu.memory_space<hbm>> -> memref<16x128xf32, #tpu.memory_space<hbm>>
        %dma_wait3A_256 = arith.constant 0 : i32
        %dma_wait3A_257 = arith.constant 0 : i32
        %dma_wait3A_258 = tpu.memref_slice %arg9[%rem3A_247, %dma_wait3A_248, %dma_wait3A_256, %dma_wait3A_257] : memref<3x16x16x128xf32, #tpu.memory_space<vmem>> -> memref<1x1x16x128xf32, #tpu.memory_space<vmem>>
        %dma_wait3A_259 = tpu.memref_squeeze %dma_wait3A_258 : memref<1x1x16x128xf32, #tpu.memory_space<vmem>> -> memref<16x128xf32, #tpu.memory_space<vmem>>
        %dma_wait3A_260 = arith.constant 0 : i32
        %dma_wait3A_261 = arith.constant 0 : i32
        %dma_wait3A_262 = tpu.memref_slice %arg2[%dma_wait3A_260, %dma_wait3A_261] : memref<32x1000000xf32, #tpu.memory_space<hbm>> -> memref<16x128xf32, #tpu.memory_space<hbm>>
        tpu.wait_dma2 semaphore(%arg11 : memref<!tpu.dma_semaphore, #tpu.memory_space<semaphore_mem>>) src(%dma_wait3A_262 : memref<16x128xf32, #tpu.memory_space<hbm>>) dst(%dma_wait3A_259 : memref<16x128xf32, #tpu.memory_space<vmem>>)
        %sub3A_263 = arith.constant 2 : i32
        %sub3A_264 = arith.subi %scan3A_26, %sub3A_263 : i32
        %rem3A_265 = arith.constant 3 : i32
        %rem3A_266 = arith.remsi %sub3A_264, %rem3A_265 : i32
        %dma_wait3A_267 = arith.constant 12 : i32
        %dma_wait3A_268 = arith.constant 0 : i32
        %dma_wait3A_269 = arith.constant 0 : i32
        %dma_wait3A_270 = tpu.memref_slice %arg9[%rem3A_266, %dma_wait3A_267, %dma_wait3A_268, %dma_wait3A_269] : memref<3x16x16x128xf32, #tpu.memory_space<vmem>> -> memref<1x1x16x128xf32, #tpu.memory_space<vmem>>
        %dma_wait3A_271 = tpu.memref_squeeze %dma_wait3A_270 : memref<1x1x16x128xf32, #tpu.memory_space<vmem>> -> memref<16x128xf32, #tpu.memory_space<vmem>>
        %dma_wait3A_272 = arith.constant 0 : i32
        %dma_wait3A_273 = arith.constant 0 : i32
        %dma_wait3A_274 = tpu.memref_slice %arg2[%dma_wait3A_272, %dma_wait3A_273] : memref<32x1000000xf32, #tpu.memory_space<hbm>> -> memref<16x128xf32, #tpu.memory_space<hbm>>
        %dma_wait3A_275 = arith.constant 0 : i32
        %dma_wait3A_276 = arith.constant 0 : i32
        %dma_wait3A_277 = tpu.memref_slice %arg9[%rem3A_266, %dma_wait3A_267, %dma_wait3A_275, %dma_wait3A_276] : memref<3x16x16x128xf32, #tpu.memory_space<vmem>> -> memref<1x1x16x128xf32, #tpu.memory_space<vmem>>
        %dma_wait3A_278 = tpu.memref_squeeze %dma_wait3A_277 : memref<1x1x16x128xf32, #tpu.memory_space<vmem>> -> memref<16x128xf32, #tpu.memory_space<vmem>>
        %dma_wait3A_279 = arith.constant 0 : i32
        %dma_wait3A_280 = arith.constant 0 : i32
        %dma_wait3A_281 = tpu.memref_slice %arg2[%dma_wait3A_279, %dma_wait3A_280] : memref<32x1000000xf32, #tpu.memory_space<hbm>> -> memref<16x128xf32, #tpu.memory_space<hbm>>
        tpu.wait_dma2 semaphore(%arg11 : memref<!tpu.dma_semaphore, #tpu.memory_space<semaphore_mem>>) src(%dma_wait3A_281 : memref<16x128xf32, #tpu.memory_space<hbm>>) dst(%dma_wait3A_278 : memref<16x128xf32, #tpu.memory_space<vmem>>)
        %sub3A_282 = arith.constant 2 : i32
        %sub3A_283 = arith.subi %scan3A_26, %sub3A_282 : i32
        %rem3A_284 = arith.constant 3 : i32
        %rem3A_285 = arith.remsi %sub3A_283, %rem3A_284 : i32
        %dma_wait3A_286 = arith.constant 13 : i32
        %dma_wait3A_287 = arith.constant 0 : i32
        %dma_wait3A_288 = arith.constant 0 : i32
        %dma_wait3A_289 = tpu.memref_slice %arg9[%rem3A_285, %dma_wait3A_286, %dma_wait3A_287, %dma_wait3A_288] : memref<3x16x16x128xf32, #tpu.memory_space<vmem>> -> memref<1x1x16x128xf32, #tpu.memory_space<vmem>>
        %dma_wait3A_290 = tpu.memref_squeeze %dma_wait3A_289 : memref<1x1x16x128xf32, #tpu.memory_space<vmem>> -> memref<16x128xf32, #tpu.memory_space<vmem>>
        %dma_wait3A_291 = arith.constant 0 : i32
        %dma_wait3A_292 = arith.constant 0 : i32
        %dma_wait3A_293 = tpu.memref_slice %arg2[%dma_wait3A_291, %dma_wait3A_292] : memref<32x1000000xf32, #tpu.memory_space<hbm>> -> memref<16x128xf32, #tpu.memory_space<hbm>>
        %dma_wait3A_294 = arith.constant 0 : i32
        %dma_wait3A_295 = arith.constant 0 : i32
        %dma_wait3A_296 = tpu.memref_slice %arg9[%rem3A_285, %dma_wait3A_286, %dma_wait3A_294, %dma_wait3A_295] : memref<3x16x16x128xf32, #tpu.memory_space<vmem>> -> memref<1x1x16x128xf32, #tpu.memory_space<vmem>>
        %dma_wait3A_297 = tpu.memref_squeeze %dma_wait3A_296 : memref<1x1x16x128xf32, #tpu.memory_space<vmem>> -> memref<16x128xf32, #tpu.memory_space<vmem>>
        %dma_wait3A_298 = arith.constant 0 : i32
        %dma_wait3A_299 = arith.constant 0 : i32
        %dma_wait3A_300 = tpu.memref_slice %arg2[%dma_wait3A_298, %dma_wait3A_299] : memref<32x1000000xf32, #tpu.memory_space<hbm>> -> memref<16x128xf32, #tpu.memory_space<hbm>>
        tpu.wait_dma2 semaphore(%arg11 : memref<!tpu.dma_semaphore, #tpu.memory_space<semaphore_mem>>) src(%dma_wait3A_300 : memref<16x128xf32, #tpu.memory_space<hbm>>) dst(%dma_wait3A_297 : memref<16x128xf32, #tpu.memory_space<vmem>>)
        %sub3A_301 = arith.constant 2 : i32
        %sub3A_302 = arith.subi %scan3A_26, %sub3A_301 : i32
        %rem3A_303 = arith.constant 3 : i32
        %rem3A_304 = arith.remsi %sub3A_302, %rem3A_303 : i32
        %dma_wait3A_305 = arith.constant 14 : i32
        %dma_wait3A_306 = arith.constant 0 : i32
        %dma_wait3A_307 = arith.constant 0 : i32
        %dma_wait3A_308 = tpu.memref_slice %arg9[%rem3A_304, %dma_wait3A_305, %dma_wait3A_306, %dma_wait3A_307] : memref<3x16x16x128xf32, #tpu.memory_space<vmem>> -> memref<1x1x16x128xf32, #tpu.memory_space<vmem>>
        %dma_wait3A_309 = tpu.memref_squeeze %dma_wait3A_308 : memref<1x1x16x128xf32, #tpu.memory_space<vmem>> -> memref<16x128xf32, #tpu.memory_space<vmem>>
        %dma_wait3A_310 = arith.constant 0 : i32
        %dma_wait3A_311 = arith.constant 0 : i32
        %dma_wait3A_312 = tpu.memref_slice %arg2[%dma_wait3A_310, %dma_wait3A_311] : memref<32x1000000xf32, #tpu.memory_space<hbm>> -> memref<16x128xf32, #tpu.memory_space<hbm>>
        %dma_wait3A_313 = arith.constant 0 : i32
        %dma_wait3A_314 = arith.constant 0 : i32
        %dma_wait3A_315 = tpu.memref_slice %arg9[%rem3A_304, %dma_wait3A_305, %dma_wait3A_313, %dma_wait3A_314] : memref<3x16x16x128xf32, #tpu.memory_space<vmem>> -> memref<1x1x16x128xf32, #tpu.memory_space<vmem>>
        %dma_wait3A_316 = tpu.memref_squeeze %dma_wait3A_315 : memref<1x1x16x128xf32, #tpu.memory_space<vmem>> -> memref<16x128xf32, #tpu.memory_space<vmem>>
        %dma_wait3A_317 = arith.constant 0 : i32
        %dma_wait3A_318 = arith.constant 0 : i32
        %dma_wait3A_319 = tpu.memref_slice %arg2[%dma_wait3A_317, %dma_wait3A_318] : memref<32x1000000xf32, #tpu.memory_space<hbm>> -> memref<16x128xf32, #tpu.memory_space<hbm>>
        tpu.wait_dma2 semaphore(%arg11 : memref<!tpu.dma_semaphore, #tpu.memory_space<semaphore_mem>>) src(%dma_wait3A_319 : memref<16x128xf32, #tpu.memory_space<hbm>>) dst(%dma_wait3A_316 : memref<16x128xf32, #tpu.memory_space<vmem>>)
        %sub3A_320 = arith.constant 2 : i32
        %sub3A_321 = arith.subi %scan3A_26, %sub3A_320 : i32
        %rem3A_322 = arith.constant 3 : i32
        %rem3A_323 = arith.remsi %sub3A_321, %rem3A_322 : i32
        %dma_wait3A_324 = arith.constant 15 : i32
        %dma_wait3A_325 = arith.constant 0 : i32
        %dma_wait3A_326 = arith.constant 0 : i32
        %dma_wait3A_327 = tpu.memref_slice %arg9[%rem3A_323, %dma_wait3A_324, %dma_wait3A_325, %dma_wait3A_326] : memref<3x16x16x128xf32, #tpu.memory_space<vmem>> -> memref<1x1x16x128xf32, #tpu.memory_space<vmem>>
        %dma_wait3A_328 = tpu.memref_squeeze %dma_wait3A_327 : memref<1x1x16x128xf32, #tpu.memory_space<vmem>> -> memref<16x128xf32, #tpu.memory_space<vmem>>
        %dma_wait3A_329 = arith.constant 0 : i32
        %dma_wait3A_330 = arith.constant 0 : i32
        %dma_wait3A_331 = tpu.memref_slice %arg2[%dma_wait3A_329, %dma_wait3A_330] : memref<32x1000000xf32, #tpu.memory_space<hbm>> -> memref<16x128xf32, #tpu.memory_space<hbm>>
        %dma_wait3A_332 = arith.constant 0 : i32
        %dma_wait3A_333 = arith.constant 0 : i32
        %dma_wait3A_334 = tpu.memref_slice %arg9[%rem3A_323, %dma_wait3A_324, %dma_wait3A_332, %dma_wait3A_333] : memref<3x16x16x128xf32, #tpu.memory_space<vmem>> -> memref<1x1x16x128xf32, #tpu.memory_space<vmem>>
        %dma_wait3A_335 = tpu.memref_squeeze %dma_wait3A_334 : memref<1x1x16x128xf32, #tpu.memory_space<vmem>> -> memref<16x128xf32, #tpu.memory_space<vmem>>
        %dma_wait3A_336 = arith.constant 0 : i32
        %dma_wait3A_337 = arith.constant 0 : i32
        %dma_wait3A_338 = tpu.memref_slice %arg2[%dma_wait3A_336, %dma_wait3A_337] : memref<32x1000000xf32, #tpu.memory_space<hbm>> -> memref<16x128xf32, #tpu.memory_space<hbm>>
        tpu.wait_dma2 semaphore(%arg11 : memref<!tpu.dma_semaphore, #tpu.memory_space<semaphore_mem>>) src(%dma_wait3A_338 : memref<16x128xf32, #tpu.memory_space<hbm>>) dst(%dma_wait3A_335 : memref<16x128xf32, #tpu.memory_space<vmem>>)
      } else {
      }
      %lt3A = arith.constant 32 : i32
      %lt3A_29 = arith.cmpi slt, %scan3A_26, %lt3A : i32
      %convert_element_type3A_30 = arith.extui %lt3A_29 : i1 to i32
      %cond3A_31 = arith.constant 0 : i32
      %cond3A_32 = arith.cmpi ne, %convert_element_type3A_30, %cond3A_31 : i32
      scf.if %cond3A_32 {
        %rem3A = arith.constant 3 : i32
        %rem3A_38 = arith.remsi %scan3A_26, %rem3A : i32
        %mul3A_39 = arith.constant 16 : i32
        %mul3A_40 = arith.muli %scan3A_26, %mul3A_39 : i32
        %get3A = arith.index_cast %mul3A_40 : i32 to index
        %get3A_41 = tpu.vector_load %arg7[%get3A] {strides = array<i32>} : memref<512xi32, #tpu.memory_space<vmem>>, vector<16xi32>,
        %slice3A = vector.extract_strided_slice %get3A_41 {offsets = [0], sizes = [1], strides = [1]} : vector<16xi32> to vector<1xi32>
        %squeeze3A = vector.extract %slice3A[0] : i32 from vector<1xi32>
        %shift_right_arithmetic3A = arith.constant 7 : i32
        %shift_right_arithmetic3A_42 = arith.shrsi %squeeze3A, %shift_right_arithmetic3A : i32
        %shift_left3A = arith.constant 7 : i32
        %shift_left3A_43 = arith.shli %shift_right_arithmetic3A_42, %shift_left3A : i32
        %multiple_of3A = tpu.assume_multiple %shift_left3A_43, 128 : i32
        %dma_start3A = arith.constant 0 : i32
        %dma_start3A_44 = arith.constant 0 : i32
        %dma_start3A_45 = arith.constant 0 : i32
        %dma_start3A_46 = tpu.memref_slice %arg9[%rem3A_38, %dma_start3A, %dma_start3A_44, %dma_start3A_45] : memref<3x16x16x128xf32, #tpu.memory_space<vmem>> -> memref<1x1x16x128xf32, #tpu.memory_space<vmem>>
        %dma_start3A_47 = tpu.memref_squeeze %dma_start3A_46 : memref<1x1x16x128xf32, #tpu.memory_space<vmem>> -> memref<16x128xf32, #tpu.memory_space<vmem>>
        %dma_start3A_48 = arith.constant 16 : i32
        %dma_start3A_49 = tpu.memref_slice %arg2[%dma_start3A_48, %multiple_of3A] : memref<32x1000000xf32, #tpu.memory_space<hbm>> -> memref<16x128xf32, #tpu.memory_space<hbm>>
        %dma_start3A_50 = arith.constant 0 : i32
        %dma_start3A_51 = arith.constant 0 : i32
        %dma_start3A_52 = tpu.memref_slice %arg9[%rem3A_38, %dma_start3A, %dma_start3A_50, %dma_start3A_51] : memref<3x16x16x128xf32, #tpu.memory_space<vmem>> -> memref<1x1x16x128xf32, #tpu.memory_space<vmem>>
        %dma_start3A_53 = tpu.memref_squeeze %dma_start3A_52 : memref<1x1x16x128xf32, #tpu.memory_space<vmem>> -> memref<16x128xf32, #tpu.memory_space<vmem>>
        %dma_start3A_54 = arith.constant 16 : i32
        %dma_start3A_55 = tpu.memref_slice %arg2[%dma_start3A_54, %multiple_of3A] : memref<32x1000000xf32, #tpu.memory_space<hbm>> -> memref<16x128xf32, #tpu.memory_space<hbm>>
        tpu.enqueue_dma source(%dma_start3A_55 : memref<16x128xf32, #tpu.memory_space<hbm>>) target(%dma_start3A_53 : memref<16x128xf32, #tpu.memory_space<vmem>>) target_semaphore(%arg11 : memref<!tpu.dma_semaphore, #tpu.memory_space<semaphore_mem>>)
        %slice3A_56 = vector.extract_strided_slice %get3A_41 {offsets = [1], sizes = [1], strides = [1]} : vector<16xi32> to vector<1xi32>
        %squeeze3A_57 = vector.extract %slice3A_56[0] : i32 from vector<1xi32>
        %shift_right_arithmetic3A_58 = arith.constant 7 : i32
        %shift_right_arithmetic3A_59 = arith.shrsi %squeeze3A_57, %shift_right_arithmetic3A_58 : i32
        %shift_left3A_60 = arith.constant 7 : i32
        %shift_left3A_61 = arith.shli %shift_right_arithmetic3A_59, %shift_left3A_60 : i32
        %multiple_of3A_62 = tpu.assume_multiple %shift_left3A_61, 128 : i32
        %dma_start3A_63 = arith.constant 1 : i32
        %dma_start3A_64 = arith.constant 0 : i32
        %dma_start3A_65 = arith.constant 0 : i32
        %dma_start3A_66 = tpu.memref_slice %arg9[%rem3A_38, %dma_start3A_63, %dma_start3A_64, %dma_start3A_65] : memref<3x16x16x128xf32, #tpu.memory_space<vmem>> -> memref<1x1x16x128xf32, #tpu.memory_space<vmem>>
        %dma_start3A_67 = tpu.memref_squeeze %dma_start3A_66 : memref<1x1x16x128xf32, #tpu.memory_space<vmem>> -> memref<16x128xf32, #tpu.memory_space<vmem>>
        %dma_start3A_68 = arith.constant 16 : i32
        %dma_start3A_69 = tpu.memref_slice %arg2[%dma_start3A_68, %multiple_of3A_62] : memref<32x1000000xf32, #tpu.memory_space<hbm>> -> memref<16x128xf32, #tpu.memory_space<hbm>>
        %dma_start3A_70 = arith.constant 0 : i32
        %dma_start3A_71 = arith.constant 0 : i32
        %dma_start3A_72 = tpu.memref_slice %arg9[%rem3A_38, %dma_start3A_63, %dma_start3A_70, %dma_start3A_71] : memref<3x16x16x128xf32, #tpu.memory_space<vmem>> -> memref<1x1x16x128xf32, #tpu.memory_space<vmem>>
        %dma_start3A_73 = tpu.memref_squeeze %dma_start3A_72 : memref<1x1x16x128xf32, #tpu.memory_space<vmem>> -> memref<16x128xf32, #tpu.memory_space<vmem>>
        %dma_start3A_74 = arith.constant 16 : i32
        %dma_start3A_75 = tpu.memref_slice %arg2[%dma_start3A_74, %multiple_of3A_62] : memref<32x1000000xf32, #tpu.memory_space<hbm>> -> memref<16x128xf32, #tpu.memory_space<hbm>>
        tpu.enqueue_dma source(%dma_start3A_75 : memref<16x128xf32, #tpu.memory_space<hbm>>) target(%dma_start3A_73 : memref<16x128xf32, #tpu.memory_space<vmem>>) target_semaphore(%arg11 : memref<!tpu.dma_semaphore, #tpu.memory_space<semaphore_mem>>)
        %slice3A_76 = vector.extract_strided_slice %get3A_41 {offsets = [2], sizes = [1], strides = [1]} : vector<16xi32> to vector<1xi32>
        %squeeze3A_77 = vector.extract %slice3A_76[0] : i32 from vector<1xi32>
        %shift_right_arithmetic3A_78 = arith.constant 7 : i32
        %shift_right_arithmetic3A_79 = arith.shrsi %squeeze3A_77, %shift_right_arithmetic3A_78 : i32
        %shift_left3A_80 = arith.constant 7 : i32
        %shift_left3A_81 = arith.shli %shift_right_arithmetic3A_79, %shift_left3A_80 : i32
        %multiple_of3A_82 = tpu.assume_multiple %shift_left3A_81, 128 : i32
        %dma_start3A_83 = arith.constant 2 : i32
        %dma_start3A_84 = arith.constant 0 : i32
        %dma_start3A_85 = arith.constant 0 : i32
        %dma_start3A_86 = tpu.memref_slice %arg9[%rem3A_38, %dma_start3A_83, %dma_start3A_84, %dma_start3A_85] : memref<3x16x16x128xf32, #tpu.memory_space<vmem>> -> memref<1x1x16x128xf32, #tpu.memory_space<vmem>>
        %dma_start3A_87 = tpu.memref_squeeze %dma_start3A_86 : memref<1x1x16x128xf32, #tpu.memory_space<vmem>> -> memref<16x128xf32, #tpu.memory_space<vmem>>
        %dma_start3A_88 = arith.constant 16 : i32
        %dma_start3A_89 = tpu.memref_slice %arg2[%dma_start3A_88, %multiple_of3A_82] : memref<32x1000000xf32, #tpu.memory_space<hbm>> -> memref<16x128xf32, #tpu.memory_space<hbm>>
        %dma_start3A_90 = arith.constant 0 : i32
        %dma_start3A_91 = arith.constant 0 : i32
        %dma_start3A_92 = tpu.memref_slice %arg9[%rem3A_38, %dma_start3A_83, %dma_start3A_90, %dma_start3A_91] : memref<3x16x16x128xf32, #tpu.memory_space<vmem>> -> memref<1x1x16x128xf32, #tpu.memory_space<vmem>>
        %dma_start3A_93 = tpu.memref_squeeze %dma_start3A_92 : memref<1x1x16x128xf32, #tpu.memory_space<vmem>> -> memref<16x128xf32, #tpu.memory_space<vmem>>
        %dma_start3A_94 = arith.constant 16 : i32
        %dma_start3A_95 = tpu.memref_slice %arg2[%dma_start3A_94, %multiple_of3A_82] : memref<32x1000000xf32, #tpu.memory_space<hbm>> -> memref<16x128xf32, #tpu.memory_space<hbm>>
        tpu.enqueue_dma source(%dma_start3A_95 : memref<16x128xf32, #tpu.memory_space<hbm>>) target(%dma_start3A_93 : memref<16x128xf32, #tpu.memory_space<vmem>>) target_semaphore(%arg11 : memref<!tpu.dma_semaphore, #tpu.memory_space<semaphore_mem>>)
        %slice3A_96 = vector.extract_strided_slice %get3A_41 {offsets = [3], sizes = [1], strides = [1]} : vector<16xi32> to vector<1xi32>
        %squeeze3A_97 = vector.extract %slice3A_96[0] : i32 from vector<1xi32>
        %shift_right_arithmetic3A_98 = arith.constant 7 : i32
        %shift_right_arithmetic3A_99 = arith.shrsi %squeeze3A_97, %shift_right_arithmetic3A_98 : i32
        %shift_left3A_100 = arith.constant 7 : i32
        %shift_left3A_101 = arith.shli %shift_right_arithmetic3A_99, %shift_left3A_100 : i32
        %multiple_of3A_102 = tpu.assume_multiple %shift_left3A_101, 128 : i32
        %dma_start3A_103 = arith.constant 3 : i32
        %dma_start3A_104 = arith.constant 0 : i32
        %dma_start3A_105 = arith.constant 0 : i32
        %dma_start3A_106 = tpu.memref_slice %arg9[%rem3A_38, %dma_start3A_103, %dma_start3A_104, %dma_start3A_105] : memref<3x16x16x128xf32, #tpu.memory_space<vmem>> -> memref<1x1x16x128xf32, #tpu.memory_space<vmem>>
        %dma_start3A_107 = tpu.memref_squeeze %dma_start3A_106 : memref<1x1x16x128xf32, #tpu.memory_space<vmem>> -> memref<16x128xf32, #tpu.memory_space<vmem>>
        %dma_start3A_108 = arith.constant 16 : i32
        %dma_start3A_109 = tpu.memref_slice %arg2[%dma_start3A_108, %multiple_of3A_102] : memref<32x1000000xf32, #tpu.memory_space<hbm>> -> memref<16x128xf32, #tpu.memory_space<hbm>>
        %dma_start3A_110 = arith.constant 0 : i32
        %dma_start3A_111 = arith.constant 0 : i32
        %dma_start3A_112 = tpu.memref_slice %arg9[%rem3A_38, %dma_start3A_103, %dma_start3A_110, %dma_start3A_111] : memref<3x16x16x128xf32, #tpu.memory_space<vmem>> -> memref<1x1x16x128xf32, #tpu.memory_space<vmem>>
        %dma_start3A_113 = tpu.memref_squeeze %dma_start3A_112 : memref<1x1x16x128xf32, #tpu.memory_space<vmem>> -> memref<16x128xf32, #tpu.memory_space<vmem>>
        %dma_start3A_114 = arith.constant 16 : i32
        %dma_start3A_115 = tpu.memref_slice %arg2[%dma_start3A_114, %multiple_of3A_102] : memref<32x1000000xf32, #tpu.memory_space<hbm>> -> memref<16x128xf32, #tpu.memory_space<hbm>>
        tpu.enqueue_dma source(%dma_start3A_115 : memref<16x128xf32, #tpu.memory_space<hbm>>) target(%dma_start3A_113 : memref<16x128xf32, #tpu.memory_space<vmem>>) target_semaphore(%arg11 : memref<!tpu.dma_semaphore, #tpu.memory_space<semaphore_mem>>)
        %slice3A_116 = vector.extract_strided_slice %get3A_41 {offsets = [4], sizes = [1], strides = [1]} : vector<16xi32> to vector<1xi32>
        %squeeze3A_117 = vector.extract %slice3A_116[0] : i32 from vector<1xi32>
        %shift_right_arithmetic3A_118 = arith.constant 7 : i32
        %shift_right_arithmetic3A_119 = arith.shrsi %squeeze3A_117, %shift_right_arithmetic3A_118 : i32
        %shift_left3A_120 = arith.constant 7 : i32
        %shift_left3A_121 = arith.shli %shift_right_arithmetic3A_119, %shift_left3A_120 : i32
        %multiple_of3A_122 = tpu.assume_multiple %shift_left3A_121, 128 : i32
        %dma_start3A_123 = arith.constant 4 : i32
        %dma_start3A_124 = arith.constant 0 : i32
        %dma_start3A_125 = arith.constant 0 : i32
        %dma_start3A_126 = tpu.memref_slice %arg9[%rem3A_38, %dma_start3A_123, %dma_start3A_124, %dma_start3A_125] : memref<3x16x16x128xf32, #tpu.memory_space<vmem>> -> memref<1x1x16x128xf32, #tpu.memory_space<vmem>>
        %dma_start3A_127 = tpu.memref_squeeze %dma_start3A_126 : memref<1x1x16x128xf32, #tpu.memory_space<vmem>> -> memref<16x128xf32, #tpu.memory_space<vmem>>
        %dma_start3A_128 = arith.constant 16 : i32
        %dma_start3A_129 = tpu.memref_slice %arg2[%dma_start3A_128, %multiple_of3A_122] : memref<32x1000000xf32, #tpu.memory_space<hbm>> -> memref<16x128xf32, #tpu.memory_space<hbm>>
        %dma_start3A_130 = arith.constant 0 : i32
        %dma_start3A_131 = arith.constant 0 : i32
        %dma_start3A_132 = tpu.memref_slice %arg9[%rem3A_38, %dma_start3A_123, %dma_start3A_130, %dma_start3A_131] : memref<3x16x16x128xf32, #tpu.memory_space<vmem>> -> memref<1x1x16x128xf32, #tpu.memory_space<vmem>>
        %dma_start3A_133 = tpu.memref_squeeze %dma_start3A_132 : memref<1x1x16x128xf32, #tpu.memory_space<vmem>> -> memref<16x128xf32, #tpu.memory_space<vmem>>
        %dma_start3A_134 = arith.constant 16 : i32
        %dma_start3A_135 = tpu.memref_slice %arg2[%dma_start3A_134, %multiple_of3A_122] : memref<32x1000000xf32, #tpu.memory_space<hbm>> -> memref<16x128xf32, #tpu.memory_space<hbm>>
        tpu.enqueue_dma source(%dma_start3A_135 : memref<16x128xf32, #tpu.memory_space<hbm>>) target(%dma_start3A_133 : memref<16x128xf32, #tpu.memory_space<vmem>>) target_semaphore(%arg11 : memref<!tpu.dma_semaphore, #tpu.memory_space<semaphore_mem>>)
        %slice3A_136 = vector.extract_strided_slice %get3A_41 {offsets = [5], sizes = [1], strides = [1]} : vector<16xi32> to vector<1xi32>
        %squeeze3A_137 = vector.extract %slice3A_136[0] : i32 from vector<1xi32>
        %shift_right_arithmetic3A_138 = arith.constant 7 : i32
        %shift_right_arithmetic3A_139 = arith.shrsi %squeeze3A_137, %shift_right_arithmetic3A_138 : i32
        %shift_left3A_140 = arith.constant 7 : i32
        %shift_left3A_141 = arith.shli %shift_right_arithmetic3A_139, %shift_left3A_140 : i32
        %multiple_of3A_142 = tpu.assume_multiple %shift_left3A_141, 128 : i32
        %dma_start3A_143 = arith.constant 5 : i32
        %dma_start3A_144 = arith.constant 0 : i32
        %dma_start3A_145 = arith.constant 0 : i32
        %dma_start3A_146 = tpu.memref_slice %arg9[%rem3A_38, %dma_start3A_143, %dma_start3A_144, %dma_start3A_145] : memref<3x16x16x128xf32, #tpu.memory_space<vmem>> -> memref<1x1x16x128xf32, #tpu.memory_space<vmem>>
        %dma_start3A_147 = tpu.memref_squeeze %dma_start3A_146 : memref<1x1x16x128xf32, #tpu.memory_space<vmem>> -> memref<16x128xf32, #tpu.memory_space<vmem>>
        %dma_start3A_148 = arith.constant 16 : i32
        %dma_start3A_149 = tpu.memref_slice %arg2[%dma_start3A_148, %multiple_of3A_142] : memref<32x1000000xf32, #tpu.memory_space<hbm>> -> memref<16x128xf32, #tpu.memory_space<hbm>>
        %dma_start3A_150 = arith.constant 0 : i32
        %dma_start3A_151 = arith.constant 0 : i32
        %dma_start3A_152 = tpu.memref_slice %arg9[%rem3A_38, %dma_start3A_143, %dma_start3A_150, %dma_start3A_151] : memref<3x16x16x128xf32, #tpu.memory_space<vmem>> -> memref<1x1x16x128xf32, #tpu.memory_space<vmem>>
        %dma_start3A_153 = tpu.memref_squeeze %dma_start3A_152 : memref<1x1x16x128xf32, #tpu.memory_space<vmem>> -> memref<16x128xf32, #tpu.memory_space<vmem>>
        %dma_start3A_154 = arith.constant 16 : i32
        %dma_start3A_155 = tpu.memref_slice %arg2[%dma_start3A_154, %multiple_of3A_142] : memref<32x1000000xf32, #tpu.memory_space<hbm>> -> memref<16x128xf32, #tpu.memory_space<hbm>>
        tpu.enqueue_dma source(%dma_start3A_155 : memref<16x128xf32, #tpu.memory_space<hbm>>) target(%dma_start3A_153 : memref<16x128xf32, #tpu.memory_space<vmem>>) target_semaphore(%arg11 : memref<!tpu.dma_semaphore, #tpu.memory_space<semaphore_mem>>)
        %slice3A_156 = vector.extract_strided_slice %get3A_41 {offsets = [6], sizes = [1], strides = [1]} : vector<16xi32> to vector<1xi32>
        %squeeze3A_157 = vector.extract %slice3A_156[0] : i32 from vector<1xi32>
        %shift_right_arithmetic3A_158 = arith.constant 7 : i32
        %shift_right_arithmetic3A_159 = arith.shrsi %squeeze3A_157, %shift_right_arithmetic3A_158 : i32
        %shift_left3A_160 = arith.constant 7 : i32
        %shift_left3A_161 = arith.shli %shift_right_arithmetic3A_159, %shift_left3A_160 : i32
        %multiple_of3A_162 = tpu.assume_multiple %shift_left3A_161, 128 : i32
        %dma_start3A_163 = arith.constant 6 : i32
        %dma_start3A_164 = arith.constant 0 : i32
        %dma_start3A_165 = arith.constant 0 : i32
        %dma_start3A_166 = tpu.memref_slice %arg9[%rem3A_38, %dma_start3A_163, %dma_start3A_164, %dma_start3A_165] : memref<3x16x16x128xf32, #tpu.memory_space<vmem>> -> memref<1x1x16x128xf32, #tpu.memory_space<vmem>>
        %dma_start3A_167 = tpu.memref_squeeze %dma_start3A_166 : memref<1x1x16x128xf32, #tpu.memory_space<vmem>> -> memref<16x128xf32, #tpu.memory_space<vmem>>
        %dma_start3A_168 = arith.constant 16 : i32
        %dma_start3A_169 = tpu.memref_slice %arg2[%dma_start3A_168, %multiple_of3A_162] : memref<32x1000000xf32, #tpu.memory_space<hbm>> -> memref<16x128xf32, #tpu.memory_space<hbm>>
        %dma_start3A_170 = arith.constant 0 : i32
        %dma_start3A_171 = arith.constant 0 : i32
        %dma_start3A_172 = tpu.memref_slice %arg9[%rem3A_38, %dma_start3A_163, %dma_start3A_170, %dma_start3A_171] : memref<3x16x16x128xf32, #tpu.memory_space<vmem>> -> memref<1x1x16x128xf32, #tpu.memory_space<vmem>>
        %dma_start3A_173 = tpu.memref_squeeze %dma_start3A_172 : memref<1x1x16x128xf32, #tpu.memory_space<vmem>> -> memref<16x128xf32, #tpu.memory_space<vmem>>
        %dma_start3A_174 = arith.constant 16 : i32
        %dma_start3A_175 = tpu.memref_slice %arg2[%dma_start3A_174, %multiple_of3A_162] : memref<32x1000000xf32, #tpu.memory_space<hbm>> -> memref<16x128xf32, #tpu.memory_space<hbm>>
        tpu.enqueue_dma source(%dma_start3A_175 : memref<16x128xf32, #tpu.memory_space<hbm>>) target(%dma_start3A_173 : memref<16x128xf32, #tpu.memory_space<vmem>>) target_semaphore(%arg11 : memref<!tpu.dma_semaphore, #tpu.memory_space<semaphore_mem>>)
        %slice3A_176 = vector.extract_strided_slice %get3A_41 {offsets = [7], sizes = [1], strides = [1]} : vector<16xi32> to vector<1xi32>
        %squeeze3A_177 = vector.extract %slice3A_176[0] : i32 from vector<1xi32>
        %shift_right_arithmetic3A_178 = arith.constant 7 : i32
        %shift_right_arithmetic3A_179 = arith.shrsi %squeeze3A_177, %shift_right_arithmetic3A_178 : i32
        %shift_left3A_180 = arith.constant 7 : i32
        %shift_left3A_181 = arith.shli %shift_right_arithmetic3A_179, %shift_left3A_180 : i32
        %multiple_of3A_182 = tpu.assume_multiple %shift_left3A_181, 128 : i32
        %dma_start3A_183 = arith.constant 7 : i32
        %dma_start3A_184 = arith.constant 0 : i32
        %dma_start3A_185 = arith.constant 0 : i32
        %dma_start3A_186 = tpu.memref_slice %arg9[%rem3A_38, %dma_start3A_183, %dma_start3A_184, %dma_start3A_185] : memref<3x16x16x128xf32, #tpu.memory_space<vmem>> -> memref<1x1x16x128xf32, #tpu.memory_space<vmem>>
        %dma_start3A_187 = tpu.memref_squeeze %dma_start3A_186 : memref<1x1x16x128xf32, #tpu.memory_space<vmem>> -> memref<16x128xf32, #tpu.memory_space<vmem>>
        %dma_start3A_188 = arith.constant 16 : i32
        %dma_start3A_189 = tpu.memref_slice %arg2[%dma_start3A_188, %multiple_of3A_182] : memref<32x1000000xf32, #tpu.memory_space<hbm>> -> memref<16x128xf32, #tpu.memory_space<hbm>>
        %dma_start3A_190 = arith.constant 0 : i32
        %dma_start3A_191 = arith.constant 0 : i32
        %dma_start3A_192 = tpu.memref_slice %arg9[%rem3A_38, %dma_start3A_183, %dma_start3A_190, %dma_start3A_191] : memref<3x16x16x128xf32, #tpu.memory_space<vmem>> -> memref<1x1x16x128xf32, #tpu.memory_space<vmem>>
        %dma_start3A_193 = tpu.memref_squeeze %dma_start3A_192 : memref<1x1x16x128xf32, #tpu.memory_space<vmem>> -> memref<16x128xf32, #tpu.memory_space<vmem>>
        %dma_start3A_194 = arith.constant 16 : i32
        %dma_start3A_195 = tpu.memref_slice %arg2[%dma_start3A_194, %multiple_of3A_182] : memref<32x1000000xf32, #tpu.memory_space<hbm>> -> memref<16x128xf32, #tpu.memory_space<hbm>>
        tpu.enqueue_dma source(%dma_start3A_195 : memref<16x128xf32, #tpu.memory_space<hbm>>) target(%dma_start3A_193 : memref<16x128xf32, #tpu.memory_space<vmem>>) target_semaphore(%arg11 : memref<!tpu.dma_semaphore, #tpu.memory_space<semaphore_mem>>)
        %slice3A_196 = vector.extract_strided_slice %get3A_41 {offsets = [8], sizes = [1], strides = [1]} : vector<16xi32> to vector<1xi32>
        %squeeze3A_197 = vector.extract %slice3A_196[0] : i32 from vector<1xi32>
        %shift_right_arithmetic3A_198 = arith.constant 7 : i32
        %shift_right_arithmetic3A_199 = arith.shrsi %squeeze3A_197, %shift_right_arithmetic3A_198 : i32
        %shift_left3A_200 = arith.constant 7 : i32
        %shift_left3A_201 = arith.shli %shift_right_arithmetic3A_199, %shift_left3A_200 : i32
        %multiple_of3A_202 = tpu.assume_multiple %shift_left3A_201, 128 : i32
        %dma_start3A_203 = arith.constant 8 : i32
        %dma_start3A_204 = arith.constant 0 : i32
        %dma_start3A_205 = arith.constant 0 : i32
        %dma_start3A_206 = tpu.memref_slice %arg9[%rem3A_38, %dma_start3A_203, %dma_start3A_204, %dma_start3A_205] : memref<3x16x16x128xf32, #tpu.memory_space<vmem>> -> memref<1x1x16x128xf32, #tpu.memory_space<vmem>>
        %dma_start3A_207 = tpu.memref_squeeze %dma_start3A_206 : memref<1x1x16x128xf32, #tpu.memory_space<vmem>> -> memref<16x128xf32, #tpu.memory_space<vmem>>
        %dma_start3A_208 = arith.constant 16 : i32
        %dma_start3A_209 = tpu.memref_slice %arg2[%dma_start3A_208, %multiple_of3A_202] : memref<32x1000000xf32, #tpu.memory_space<hbm>> -> memref<16x128xf32, #tpu.memory_space<hbm>>
        %dma_start3A_210 = arith.constant 0 : i32
        %dma_start3A_211 = arith.constant 0 : i32
        %dma_start3A_212 = tpu.memref_slice %arg9[%rem3A_38, %dma_start3A_203, %dma_start3A_210, %dma_start3A_211] : memref<3x16x16x128xf32, #tpu.memory_space<vmem>> -> memref<1x1x16x128xf32, #tpu.memory_space<vmem>>
        %dma_start3A_213 = tpu.memref_squeeze %dma_start3A_212 : memref<1x1x16x128xf32, #tpu.memory_space<vmem>> -> memref<16x128xf32, #tpu.memory_space<vmem>>
        %dma_start3A_214 = arith.constant 16 : i32
        %dma_start3A_215 = tpu.memref_slice %arg2[%dma_start3A_214, %multiple_of3A_202] : memref<32x1000000xf32, #tpu.memory_space<hbm>> -> memref<16x128xf32, #tpu.memory_space<hbm>>
        tpu.enqueue_dma source(%dma_start3A_215 : memref<16x128xf32, #tpu.memory_space<hbm>>) target(%dma_start3A_213 : memref<16x128xf32, #tpu.memory_space<vmem>>) target_semaphore(%arg11 : memref<!tpu.dma_semaphore, #tpu.memory_space<semaphore_mem>>)
        %slice3A_216 = vector.extract_strided_slice %get3A_41 {offsets = [9], sizes = [1], strides = [1]} : vector<16xi32> to vector<1xi32>
        %squeeze3A_217 = vector.extract %slice3A_216[0] : i32 from vector<1xi32>
        %shift_right_arithmetic3A_218 = arith.constant 7 : i32
        %shift_right_arithmetic3A_219 = arith.shrsi %squeeze3A_217, %shift_right_arithmetic3A_218 : i32
        %shift_left3A_220 = arith.constant 7 : i32
        %shift_left3A_221 = arith.shli %shift_right_arithmetic3A_219, %shift_left3A_220 : i32
        %multiple_of3A_222 = tpu.assume_multiple %shift_left3A_221, 128 : i32
        %dma_start3A_223 = arith.constant 9 : i32
        %dma_start3A_224 = arith.constant 0 : i32
        %dma_start3A_225 = arith.constant 0 : i32
        %dma_start3A_226 = tpu.memref_slice %arg9[%rem3A_38, %dma_start3A_223, %dma_start3A_224, %dma_start3A_225] : memref<3x16x16x128xf32, #tpu.memory_space<vmem>> -> memref<1x1x16x128xf32, #tpu.memory_space<vmem>>
        %dma_start3A_227 = tpu.memref_squeeze %dma_start3A_226 : memref<1x1x16x128xf32, #tpu.memory_space<vmem>> -> memref<16x128xf32, #tpu.memory_space<vmem>>
        %dma_start3A_228 = arith.constant 16 : i32
        %dma_start3A_229 = tpu.memref_slice %arg2[%dma_start3A_228, %multiple_of3A_222] : memref<32x1000000xf32, #tpu.memory_space<hbm>> -> memref<16x128xf32, #tpu.memory_space<hbm>>
        %dma_start3A_230 = arith.constant 0 : i32
        %dma_start3A_231 = arith.constant 0 : i32
        %dma_start3A_232 = tpu.memref_slice %arg9[%rem3A_38, %dma_start3A_223, %dma_start3A_230, %dma_start3A_231] : memref<3x16x16x128xf32, #tpu.memory_space<vmem>> -> memref<1x1x16x128xf32, #tpu.memory_space<vmem>>
        %dma_start3A_233 = tpu.memref_squeeze %dma_start3A_232 : memref<1x1x16x128xf32, #tpu.memory_space<vmem>> -> memref<16x128xf32, #tpu.memory_space<vmem>>
        %dma_start3A_234 = arith.constant 16 : i32
        %dma_start3A_235 = tpu.memref_slice %arg2[%dma_start3A_234, %multiple_of3A_222] : memref<32x1000000xf32, #tpu.memory_space<hbm>> -> memref<16x128xf32, #tpu.memory_space<hbm>>
        tpu.enqueue_dma source(%dma_start3A_235 : memref<16x128xf32, #tpu.memory_space<hbm>>) target(%dma_start3A_233 : memref<16x128xf32, #tpu.memory_space<vmem>>) target_semaphore(%arg11 : memref<!tpu.dma_semaphore, #tpu.memory_space<semaphore_mem>>)
        %slice3A_236 = vector.extract_strided_slice %get3A_41 {offsets = [10], sizes = [1], strides = [1]} : vector<16xi32> to vector<1xi32>
        %squeeze3A_237 = vector.extract %slice3A_236[0] : i32 from vector<1xi32>
        %shift_right_arithmetic3A_238 = arith.constant 7 : i32
        %shift_right_arithmetic3A_239 = arith.shrsi %squeeze3A_237, %shift_right_arithmetic3A_238 : i32
        %shift_left3A_240 = arith.constant 7 : i32
        %shift_left3A_241 = arith.shli %shift_right_arithmetic3A_239, %shift_left3A_240 : i32
        %multiple_of3A_242 = tpu.assume_multiple %shift_left3A_241, 128 : i32
        %dma_start3A_243 = arith.constant 10 : i32
        %dma_start3A_244 = arith.constant 0 : i32
        %dma_start3A_245 = arith.constant 0 : i32
        %dma_start3A_246 = tpu.memref_slice %arg9[%rem3A_38, %dma_start3A_243, %dma_start3A_244, %dma_start3A_245] : memref<3x16x16x128xf32, #tpu.memory_space<vmem>> -> memref<1x1x16x128xf32, #tpu.memory_space<vmem>>
        %dma_start3A_247 = tpu.memref_squeeze %dma_start3A_246 : memref<1x1x16x128xf32, #tpu.memory_space<vmem>> -> memref<16x128xf32, #tpu.memory_space<vmem>>
        %dma_start3A_248 = arith.constant 16 : i32
        %dma_start3A_249 = tpu.memref_slice %arg2[%dma_start3A_248, %multiple_of3A_242] : memref<32x1000000xf32, #tpu.memory_space<hbm>> -> memref<16x128xf32, #tpu.memory_space<hbm>>
        %dma_start3A_250 = arith.constant 0 : i32
        %dma_start3A_251 = arith.constant 0 : i32
        %dma_start3A_252 = tpu.memref_slice %arg9[%rem3A_38, %dma_start3A_243, %dma_start3A_250, %dma_start3A_251] : memref<3x16x16x128xf32, #tpu.memory_space<vmem>> -> memref<1x1x16x128xf32, #tpu.memory_space<vmem>>
        %dma_start3A_253 = tpu.memref_squeeze %dma_start3A_252 : memref<1x1x16x128xf32, #tpu.memory_space<vmem>> -> memref<16x128xf32, #tpu.memory_space<vmem>>
        %dma_start3A_254 = arith.constant 16 : i32
        %dma_start3A_255 = tpu.memref_slice %arg2[%dma_start3A_254, %multiple_of3A_242] : memref<32x1000000xf32, #tpu.memory_space<hbm>> -> memref<16x128xf32, #tpu.memory_space<hbm>>
        tpu.enqueue_dma source(%dma_start3A_255 : memref<16x128xf32, #tpu.memory_space<hbm>>) target(%dma_start3A_253 : memref<16x128xf32, #tpu.memory_space<vmem>>) target_semaphore(%arg11 : memref<!tpu.dma_semaphore, #tpu.memory_space<semaphore_mem>>)
        %slice3A_256 = vector.extract_strided_slice %get3A_41 {offsets = [11], sizes = [1], strides = [1]} : vector<16xi32> to vector<1xi32>
        %squeeze3A_257 = vector.extract %slice3A_256[0] : i32 from vector<1xi32>
        %shift_right_arithmetic3A_258 = arith.constant 7 : i32
        %shift_right_arithmetic3A_259 = arith.shrsi %squeeze3A_257, %shift_right_arithmetic3A_258 : i32
        %shift_left3A_260 = arith.constant 7 : i32
        %shift_left3A_261 = arith.shli %shift_right_arithmetic3A_259, %shift_left3A_260 : i32
        %multiple_of3A_262 = tpu.assume_multiple %shift_left3A_261, 128 : i32
        %dma_start3A_263 = arith.constant 11 : i32
        %dma_start3A_264 = arith.constant 0 : i32
        %dma_start3A_265 = arith.constant 0 : i32
        %dma_start3A_266 = tpu.memref_slice %arg9[%rem3A_38, %dma_start3A_263, %dma_start3A_264, %dma_start3A_265] : memref<3x16x16x128xf32, #tpu.memory_space<vmem>> -> memref<1x1x16x128xf32, #tpu.memory_space<vmem>>
        %dma_start3A_267 = tpu.memref_squeeze %dma_start3A_266 : memref<1x1x16x128xf32, #tpu.memory_space<vmem>> -> memref<16x128xf32, #tpu.memory_space<vmem>>
        %dma_start3A_268 = arith.constant 16 : i32
        %dma_start3A_269 = tpu.memref_slice %arg2[%dma_start3A_268, %multiple_of3A_262] : memref<32x1000000xf32, #tpu.memory_space<hbm>> -> memref<16x128xf32, #tpu.memory_space<hbm>>
        %dma_start3A_270 = arith.constant 0 : i32
        %dma_start3A_271 = arith.constant 0 : i32
        %dma_start3A_272 = tpu.memref_slice %arg9[%rem3A_38, %dma_start3A_263, %dma_start3A_270, %dma_start3A_271] : memref<3x16x16x128xf32, #tpu.memory_space<vmem>> -> memref<1x1x16x128xf32, #tpu.memory_space<vmem>>
        %dma_start3A_273 = tpu.memref_squeeze %dma_start3A_272 : memref<1x1x16x128xf32, #tpu.memory_space<vmem>> -> memref<16x128xf32, #tpu.memory_space<vmem>>
        %dma_start3A_274 = arith.constant 16 : i32
        %dma_start3A_275 = tpu.memref_slice %arg2[%dma_start3A_274, %multiple_of3A_262] : memref<32x1000000xf32, #tpu.memory_space<hbm>> -> memref<16x128xf32, #tpu.memory_space<hbm>>
        tpu.enqueue_dma source(%dma_start3A_275 : memref<16x128xf32, #tpu.memory_space<hbm>>) target(%dma_start3A_273 : memref<16x128xf32, #tpu.memory_space<vmem>>) target_semaphore(%arg11 : memref<!tpu.dma_semaphore, #tpu.memory_space<semaphore_mem>>)
        %slice3A_276 = vector.extract_strided_slice %get3A_41 {offsets = [12], sizes = [1], strides = [1]} : vector<16xi32> to vector<1xi32>
        %squeeze3A_277 = vector.extract %slice3A_276[0] : i32 from vector<1xi32>
        %shift_right_arithmetic3A_278 = arith.constant 7 : i32
        %shift_right_arithmetic3A_279 = arith.shrsi %squeeze3A_277, %shift_right_arithmetic3A_278 : i32
        %shift_left3A_280 = arith.constant 7 : i32
        %shift_left3A_281 = arith.shli %shift_right_arithmetic3A_279, %shift_left3A_280 : i32
        %multiple_of3A_282 = tpu.assume_multiple %shift_left3A_281, 128 : i32
        %dma_start3A_283 = arith.constant 12 : i32
        %dma_start3A_284 = arith.constant 0 : i32
        %dma_start3A_285 = arith.constant 0 : i32
        %dma_start3A_286 = tpu.memref_slice %arg9[%rem3A_38, %dma_start3A_283, %dma_start3A_284, %dma_start3A_285] : memref<3x16x16x128xf32, #tpu.memory_space<vmem>> -> memref<1x1x16x128xf32, #tpu.memory_space<vmem>>
        %dma_start3A_287 = tpu.memref_squeeze %dma_start3A_286 : memref<1x1x16x128xf32, #tpu.memory_space<vmem>> -> memref<16x128xf32, #tpu.memory_space<vmem>>
        %dma_start3A_288 = arith.constant 16 : i32
        %dma_start3A_289 = tpu.memref_slice %arg2[%dma_start3A_288, %multiple_of3A_282] : memref<32x1000000xf32, #tpu.memory_space<hbm>> -> memref<16x128xf32, #tpu.memory_space<hbm>>
        %dma_start3A_290 = arith.constant 0 : i32
        %dma_start3A_291 = arith.constant 0 : i32
        %dma_start3A_292 = tpu.memref_slice %arg9[%rem3A_38, %dma_start3A_283, %dma_start3A_290, %dma_start3A_291] : memref<3x16x16x128xf32, #tpu.memory_space<vmem>> -> memref<1x1x16x128xf32, #tpu.memory_space<vmem>>
        %dma_start3A_293 = tpu.memref_squeeze %dma_start3A_292 : memref<1x1x16x128xf32, #tpu.memory_space<vmem>> -> memref<16x128xf32, #tpu.memory_space<vmem>>
        %dma_start3A_294 = arith.constant 16 : i32
        %dma_start3A_295 = tpu.memref_slice %arg2[%dma_start3A_294, %multiple_of3A_282] : memref<32x1000000xf32, #tpu.memory_space<hbm>> -> memref<16x128xf32, #tpu.memory_space<hbm>>
        tpu.enqueue_dma source(%dma_start3A_295 : memref<16x128xf32, #tpu.memory_space<hbm>>) target(%dma_start3A_293 : memref<16x128xf32, #tpu.memory_space<vmem>>) target_semaphore(%arg11 : memref<!tpu.dma_semaphore, #tpu.memory_space<semaphore_mem>>)
        %slice3A_296 = vector.extract_strided_slice %get3A_41 {offsets = [13], sizes = [1], strides = [1]} : vector<16xi32> to vector<1xi32>
        %squeeze3A_297 = vector.extract %slice3A_296[0] : i32 from vector<1xi32>
        %shift_right_arithmetic3A_298 = arith.constant 7 : i32
        %shift_right_arithmetic3A_299 = arith.shrsi %squeeze3A_297, %shift_right_arithmetic3A_298 : i32
        %shift_left3A_300 = arith.constant 7 : i32
        %shift_left3A_301 = arith.shli %shift_right_arithmetic3A_299, %shift_left3A_300 : i32
        %multiple_of3A_302 = tpu.assume_multiple %shift_left3A_301, 128 : i32
        %dma_start3A_303 = arith.constant 13 : i32
        %dma_start3A_304 = arith.constant 0 : i32
        %dma_start3A_305 = arith.constant 0 : i32
        %dma_start3A_306 = tpu.memref_slice %arg9[%rem3A_38, %dma_start3A_303, %dma_start3A_304, %dma_start3A_305] : memref<3x16x16x128xf32, #tpu.memory_space<vmem>> -> memref<1x1x16x128xf32, #tpu.memory_space<vmem>>
        %dma_start3A_307 = tpu.memref_squeeze %dma_start3A_306 : memref<1x1x16x128xf32, #tpu.memory_space<vmem>> -> memref<16x128xf32, #tpu.memory_space<vmem>>
        %dma_start3A_308 = arith.constant 16 : i32
        %dma_start3A_309 = tpu.memref_slice %arg2[%dma_start3A_308, %multiple_of3A_302] : memref<32x1000000xf32, #tpu.memory_space<hbm>> -> memref<16x128xf32, #tpu.memory_space<hbm>>
        %dma_start3A_310 = arith.constant 0 : i32
        %dma_start3A_311 = arith.constant 0 : i32
        %dma_start3A_312 = tpu.memref_slice %arg9[%rem3A_38, %dma_start3A_303, %dma_start3A_310, %dma_start3A_311] : memref<3x16x16x128xf32, #tpu.memory_space<vmem>> -> memref<1x1x16x128xf32, #tpu.memory_space<vmem>>
        %dma_start3A_313 = tpu.memref_squeeze %dma_start3A_312 : memref<1x1x16x128xf32, #tpu.memory_space<vmem>> -> memref<16x128xf32, #tpu.memory_space<vmem>>
        %dma_start3A_314 = arith.constant 16 : i32
        %dma_start3A_315 = tpu.memref_slice %arg2[%dma_start3A_314, %multiple_of3A_302] : memref<32x1000000xf32, #tpu.memory_space<hbm>> -> memref<16x128xf32, #tpu.memory_space<hbm>>
        tpu.enqueue_dma source(%dma_start3A_315 : memref<16x128xf32, #tpu.memory_space<hbm>>) target(%dma_start3A_313 : memref<16x128xf32, #tpu.memory_space<vmem>>) target_semaphore(%arg11 : memref<!tpu.dma_semaphore, #tpu.memory_space<semaphore_mem>>)
        %slice3A_316 = vector.extract_strided_slice %get3A_41 {offsets = [14], sizes = [1], strides = [1]} : vector<16xi32> to vector<1xi32>
        %squeeze3A_317 = vector.extract %slice3A_316[0] : i32 from vector<1xi32>
        %shift_right_arithmetic3A_318 = arith.constant 7 : i32
        %shift_right_arithmetic3A_319 = arith.shrsi %squeeze3A_317, %shift_right_arithmetic3A_318 : i32
        %shift_left3A_320 = arith.constant 7 : i32
        %shift_left3A_321 = arith.shli %shift_right_arithmetic3A_319, %shift_left3A_320 : i32
        %multiple_of3A_322 = tpu.assume_multiple %shift_left3A_321, 128 : i32
        %dma_start3A_323 = arith.constant 14 : i32
        %dma_start3A_324 = arith.constant 0 : i32
        %dma_start3A_325 = arith.constant 0 : i32
        %dma_start3A_326 = tpu.memref_slice %arg9[%rem3A_38, %dma_start3A_323, %dma_start3A_324, %dma_start3A_325] : memref<3x16x16x128xf32, #tpu.memory_space<vmem>> -> memref<1x1x16x128xf32, #tpu.memory_space<vmem>>
        %dma_start3A_327 = tpu.memref_squeeze %dma_start3A_326 : memref<1x1x16x128xf32, #tpu.memory_space<vmem>> -> memref<16x128xf32, #tpu.memory_space<vmem>>
        %dma_start3A_328 = arith.constant 16 : i32
        %dma_start3A_329 = tpu.memref_slice %arg2[%dma_start3A_328, %multiple_of3A_322] : memref<32x1000000xf32, #tpu.memory_space<hbm>> -> memref<16x128xf32, #tpu.memory_space<hbm>>
        %dma_start3A_330 = arith.constant 0 : i32
        %dma_start3A_331 = arith.constant 0 : i32
        %dma_start3A_332 = tpu.memref_slice %arg9[%rem3A_38, %dma_start3A_323, %dma_start3A_330, %dma_start3A_331] : memref<3x16x16x128xf32, #tpu.memory_space<vmem>> -> memref<1x1x16x128xf32, #tpu.memory_space<vmem>>
        %dma_start3A_333 = tpu.memref_squeeze %dma_start3A_332 : memref<1x1x16x128xf32, #tpu.memory_space<vmem>> -> memref<16x128xf32, #tpu.memory_space<vmem>>
        %dma_start3A_334 = arith.constant 16 : i32
        %dma_start3A_335 = tpu.memref_slice %arg2[%dma_start3A_334, %multiple_of3A_322] : memref<32x1000000xf32, #tpu.memory_space<hbm>> -> memref<16x128xf32, #tpu.memory_space<hbm>>
        tpu.enqueue_dma source(%dma_start3A_335 : memref<16x128xf32, #tpu.memory_space<hbm>>) target(%dma_start3A_333 : memref<16x128xf32, #tpu.memory_space<vmem>>) target_semaphore(%arg11 : memref<!tpu.dma_semaphore, #tpu.memory_space<semaphore_mem>>)
        %slice3A_336 = vector.extract_strided_slice %get3A_41 {offsets = [15], sizes = [1], strides = [1]} : vector<16xi32> to vector<1xi32>
        %squeeze3A_337 = vector.extract %slice3A_336[0] : i32 from vector<1xi32>
        %shift_right_arithmetic3A_338 = arith.constant 7 : i32
        %shift_right_arithmetic3A_339 = arith.shrsi %squeeze3A_337, %shift_right_arithmetic3A_338 : i32
        %shift_left3A_340 = arith.constant 7 : i32
        %shift_left3A_341 = arith.shli %shift_right_arithmetic3A_339, %shift_left3A_340 : i32
        %multiple_of3A_342 = tpu.assume_multiple %shift_left3A_341, 128 : i32
        %dma_start3A_343 = arith.constant 15 : i32
        %dma_start3A_344 = arith.constant 0 : i32
        %dma_start3A_345 = arith.constant 0 : i32
        %dma_start3A_346 = tpu.memref_slice %arg9[%rem3A_38, %dma_start3A_343, %dma_start3A_344, %dma_start3A_345] : memref<3x16x16x128xf32, #tpu.memory_space<vmem>> -> memref<1x1x16x128xf32, #tpu.memory_space<vmem>>
        %dma_start3A_347 = tpu.memref_squeeze %dma_start3A_346 : memref<1x1x16x128xf32, #tpu.memory_space<vmem>> -> memref<16x128xf32, #tpu.memory_space<vmem>>
        %dma_start3A_348 = arith.constant 16 : i32
        %dma_start3A_349 = tpu.memref_slice %arg2[%dma_start3A_348, %multiple_of3A_342] : memref<32x1000000xf32, #tpu.memory_space<hbm>> -> memref<16x128xf32, #tpu.memory_space<hbm>>
        %dma_start3A_350 = arith.constant 0 : i32
        %dma_start3A_351 = arith.constant 0 : i32
        %dma_start3A_352 = tpu.memref_slice %arg9[%rem3A_38, %dma_start3A_343, %dma_start3A_350, %dma_start3A_351] : memref<3x16x16x128xf32, #tpu.memory_space<vmem>> -> memref<1x1x16x128xf32, #tpu.memory_space<vmem>>
        %dma_start3A_353 = tpu.memref_squeeze %dma_start3A_352 : memref<1x1x16x128xf32, #tpu.memory_space<vmem>> -> memref<16x128xf32, #tpu.memory_space<vmem>>
        %dma_start3A_354 = arith.constant 16 : i32
        %dma_start3A_355 = tpu.memref_slice %arg2[%dma_start3A_354, %multiple_of3A_342] : memref<32x1000000xf32, #tpu.memory_space<hbm>> -> memref<16x128xf32, #tpu.memory_space<hbm>>
        tpu.enqueue_dma source(%dma_start3A_355 : memref<16x128xf32, #tpu.memory_space<hbm>>) target(%dma_start3A_353 : memref<16x128xf32, #tpu.memory_space<vmem>>) target_semaphore(%arg11 : memref<!tpu.dma_semaphore, #tpu.memory_space<semaphore_mem>>)
      } else {
      }
      %ge3A_33 = arith.constant 2 : i32
      %ge3A_34 = arith.cmpi sge, %scan3A_26, %ge3A_33 : i32
      %convert_element_type3A_35 = arith.extui %ge3A_34 : i1 to i32
      %cond3A_36 = arith.constant 0 : i32
      %cond3A_37 = arith.cmpi ne, %convert_element_type3A_35, %cond3A_36 : i32
      scf.if %cond3A_37 {
        %sub3A = arith.constant 2 : i32
        %sub3A_38 = arith.subi %scan3A_26, %sub3A : i32
        %rem3A = arith.constant 3 : i32
        %rem3A_39 = arith.remsi %sub3A_38, %rem3A : i32
        %sub3A_40 = arith.constant 2 : i32
        %sub3A_41 = arith.subi %scan3A_26, %sub3A_40 : i32
        %mul3A_42 = arith.constant 16 : i32
        %mul3A_43 = arith.muli %sub3A_41, %mul3A_42 : i32
        %get3A = arith.index_cast %mul3A_43 : i32 to index
        %get3A_44 = tpu.vector_load %arg7[%get3A] {strides = array<i32>} : memref<512xi32, #tpu.memory_space<vmem>>, vector<16xi32>,
        %and3A = arith.constant 127 : i32
        %and3A_45 = vector.broadcast %and3A : i32 to vector<16xi32>
        %and3A_46 = arith.andi %get3A_44, %and3A_45 : vector<16xi32>
        %mul3A_47 = arith.constant 0 : i32
        %mul3A_48 = vector.broadcast %mul3A_47 : i32 to vector<16xi32>
        %mul3A_49 = arith.muli %iota3A, %mul3A_48 : vector<16xi32>
        %add3A_50 = arith.constant 0 : i32
        %add3A_51 = vector.broadcast %add3A_50 : i32 to vector<16xi32>
        %add3A_52 = arith.addi %mul3A_49, %add3A_51 : vector<16xi32>
        %gather3A = arith.constant 0 : i32
        %gather3A_53 = arith.constant 0 : i32
        %gather3A_54 = arith.constant 0 : i32
        %gather3A_55 = tpu.memref_slice %arg9[%rem3A_39, %gather3A, %gather3A_53, %gather3A_54] : memref<3x16x16x128xf32, #tpu.memory_space<vmem>> -> memref<1x16x16x128xf32, #tpu.memory_space<vmem>>
        %gather3A_56 = tpu.memref_squeeze %gather3A_55 : memref<1x16x16x128xf32, #tpu.memory_space<vmem>> -> memref<16x16x128xf32, #tpu.memory_space<vmem>>
        %gather3A_57 = tpu.vector_load_idx %gather3A_56[%iota3A, %add3A_52, %and3A_46] : memref<16x16x128xf32, #tpu.memory_space<vmem>>[vector<16xi32>, vector<16xi32>, vector<16xi32>], vector<16xf32>,
        %swap3A = arith.constant 16 : i32
        %swap3A_58 = arith.index_cast %swap3A : i32 to index
        %swap3A_59 = arith.index_cast %mul3A_43 : i32 to index
        %swap3A_60 = tpu.vector_load %arg10[%swap3A_58, %swap3A_59] {strides = array<i32>} : memref<32x512xf32, #tpu.memory_space<vmem>>, vector<16xf32>,
        tpu.vector_store %arg10[%swap3A_58, %swap3A_59], %gather3A_57 {strides = array<i32>} : memref<32x512xf32, #tpu.memory_space<vmem>>, vector<16xf32>,
        %mul3A_61 = arith.constant 0 : i32
        %mul3A_62 = vector.broadcast %mul3A_61 : i32 to vector<16xi32>
        %mul3A_63 = arith.muli %iota3A, %mul3A_62 : vector<16xi32>
        %add3A_64 = arith.constant 1 : i32
        %add3A_65 = vector.broadcast %add3A_64 : i32 to vector<16xi32>
        %add3A_66 = arith.addi %mul3A_63, %add3A_65 : vector<16xi32>
        %gather3A_67 = arith.constant 0 : i32
        %gather3A_68 = arith.constant 0 : i32
        %gather3A_69 = arith.constant 0 : i32
        %gather3A_70 = tpu.memref_slice %arg9[%rem3A_39, %gather3A_67, %gather3A_68, %gather3A_69] : memref<3x16x16x128xf32, #tpu.memory_space<vmem>> -> memref<1x16x16x128xf32, #tpu.memory_space<vmem>>
        %gather3A_71 = tpu.memref_squeeze %gather3A_70 : memref<1x16x16x128xf32, #tpu.memory_space<vmem>> -> memref<16x16x128xf32, #tpu.memory_space<vmem>>
        %gather3A_72 = tpu.vector_load_idx %gather3A_71[%iota3A, %add3A_66, %and3A_46] : memref<16x16x128xf32, #tpu.memory_space<vmem>>[vector<16xi32>, vector<16xi32>, vector<16xi32>], vector<16xf32>,
        %swap3A_73 = arith.constant 17 : i32
        %swap3A_74 = arith.index_cast %swap3A_73 : i32 to index
        %swap3A_75 = arith.index_cast %mul3A_43 : i32 to index
        %swap3A_76 = tpu.vector_load %arg10[%swap3A_74, %swap3A_75] {strides = array<i32>} : memref<32x512xf32, #tpu.memory_space<vmem>>, vector<16xf32>,
        tpu.vector_store %arg10[%swap3A_74, %swap3A_75], %gather3A_72 {strides = array<i32>} : memref<32x512xf32, #tpu.memory_space<vmem>>, vector<16xf32>,
        %mul3A_77 = arith.constant 0 : i32
        %mul3A_78 = vector.broadcast %mul3A_77 : i32 to vector<16xi32>
        %mul3A_79 = arith.muli %iota3A, %mul3A_78 : vector<16xi32>
        %add3A_80 = arith.constant 2 : i32
        %add3A_81 = vector.broadcast %add3A_80 : i32 to vector<16xi32>
        %add3A_82 = arith.addi %mul3A_79, %add3A_81 : vector<16xi32>
        %gather3A_83 = arith.constant 0 : i32
        %gather3A_84 = arith.constant 0 : i32
        %gather3A_85 = arith.constant 0 : i32
        %gather3A_86 = tpu.memref_slice %arg9[%rem3A_39, %gather3A_83, %gather3A_84, %gather3A_85] : memref<3x16x16x128xf32, #tpu.memory_space<vmem>> -> memref<1x16x16x128xf32, #tpu.memory_space<vmem>>
        %gather3A_87 = tpu.memref_squeeze %gather3A_86 : memref<1x16x16x128xf32, #tpu.memory_space<vmem>> -> memref<16x16x128xf32, #tpu.memory_space<vmem>>
        %gather3A_88 = tpu.vector_load_idx %gather3A_87[%iota3A, %add3A_82, %and3A_46] : memref<16x16x128xf32, #tpu.memory_space<vmem>>[vector<16xi32>, vector<16xi32>, vector<16xi32>], vector<16xf32>,
        %swap3A_89 = arith.constant 18 : i32
        %swap3A_90 = arith.index_cast %swap3A_89 : i32 to index
        %swap3A_91 = arith.index_cast %mul3A_43 : i32 to index
        %swap3A_92 = tpu.vector_load %arg10[%swap3A_90, %swap3A_91] {strides = array<i32>} : memref<32x512xf32, #tpu.memory_space<vmem>>, vector<16xf32>,
        tpu.vector_store %arg10[%swap3A_90, %swap3A_91], %gather3A_88 {strides = array<i32>} : memref<32x512xf32, #tpu.memory_space<vmem>>, vector<16xf32>,
        %mul3A_93 = arith.constant 0 : i32
        %mul3A_94 = vector.broadcast %mul3A_93 : i32 to vector<16xi32>
        %mul3A_95 = arith.muli %iota3A, %mul3A_94 : vector<16xi32>
        %add3A_96 = arith.constant 3 : i32
        %add3A_97 = vector.broadcast %add3A_96 : i32 to vector<16xi32>
        %add3A_98 = arith.addi %mul3A_95, %add3A_97 : vector<16xi32>
        %gather3A_99 = arith.constant 0 : i32
        %gather3A_100 = arith.constant 0 : i32
        %gather3A_101 = arith.constant 0 : i32
        %gather3A_102 = tpu.memref_slice %arg9[%rem3A_39, %gather3A_99, %gather3A_100, %gather3A_101] : memref<3x16x16x128xf32, #tpu.memory_space<vmem>> -> memref<1x16x16x128xf32, #tpu.memory_space<vmem>>
        %gather3A_103 = tpu.memref_squeeze %gather3A_102 : memref<1x16x16x128xf32, #tpu.memory_space<vmem>> -> memref<16x16x128xf32, #tpu.memory_space<vmem>>
        %gather3A_104 = tpu.vector_load_idx %gather3A_103[%iota3A, %add3A_98, %and3A_46] : memref<16x16x128xf32, #tpu.memory_space<vmem>>[vector<16xi32>, vector<16xi32>, vector<16xi32>], vector<16xf32>,
        %swap3A_105 = arith.constant 19 : i32
        %swap3A_106 = arith.index_cast %swap3A_105 : i32 to index
        %swap3A_107 = arith.index_cast %mul3A_43 : i32 to index
        %swap3A_108 = tpu.vector_load %arg10[%swap3A_106, %swap3A_107] {strides = array<i32>} : memref<32x512xf32, #tpu.memory_space<vmem>>, vector<16xf32>,
        tpu.vector_store %arg10[%swap3A_106, %swap3A_107], %gather3A_104 {strides = array<i32>} : memref<32x512xf32, #tpu.memory_space<vmem>>, vector<16xf32>,
        %mul3A_109 = arith.constant 0 : i32
        %mul3A_110 = vector.broadcast %mul3A_109 : i32 to vector<16xi32>
        %mul3A_111 = arith.muli %iota3A, %mul3A_110 : vector<16xi32>
        %add3A_112 = arith.constant 4 : i32
        %add3A_113 = vector.broadcast %add3A_112 : i32 to vector<16xi32>
        %add3A_114 = arith.addi %mul3A_111, %add3A_113 : vector<16xi32>
        %gather3A_115 = arith.constant 0 : i32
        %gather3A_116 = arith.constant 0 : i32
        %gather3A_117 = arith.constant 0 : i32
        %gather3A_118 = tpu.memref_slice %arg9[%rem3A_39, %gather3A_115, %gather3A_116, %gather3A_117] : memref<3x16x16x128xf32, #tpu.memory_space<vmem>> -> memref<1x16x16x128xf32, #tpu.memory_space<vmem>>
        %gather3A_119 = tpu.memref_squeeze %gather3A_118 : memref<1x16x16x128xf32, #tpu.memory_space<vmem>> -> memref<16x16x128xf32, #tpu.memory_space<vmem>>
        %gather3A_120 = tpu.vector_load_idx %gather3A_119[%iota3A, %add3A_114, %and3A_46] : memref<16x16x128xf32, #tpu.memory_space<vmem>>[vector<16xi32>, vector<16xi32>, vector<16xi32>], vector<16xf32>,
        %swap3A_121 = arith.constant 20 : i32
        %swap3A_122 = arith.index_cast %swap3A_121 : i32 to index
        %swap3A_123 = arith.index_cast %mul3A_43 : i32 to index
        %swap3A_124 = tpu.vector_load %arg10[%swap3A_122, %swap3A_123] {strides = array<i32>} : memref<32x512xf32, #tpu.memory_space<vmem>>, vector<16xf32>,
        tpu.vector_store %arg10[%swap3A_122, %swap3A_123], %gather3A_120 {strides = array<i32>} : memref<32x512xf32, #tpu.memory_space<vmem>>, vector<16xf32>,
        %mul3A_125 = arith.constant 0 : i32
        %mul3A_126 = vector.broadcast %mul3A_125 : i32 to vector<16xi32>
        %mul3A_127 = arith.muli %iota3A, %mul3A_126 : vector<16xi32>
        %add3A_128 = arith.constant 5 : i32
        %add3A_129 = vector.broadcast %add3A_128 : i32 to vector<16xi32>
        %add3A_130 = arith.addi %mul3A_127, %add3A_129 : vector<16xi32>
        %gather3A_131 = arith.constant 0 : i32
        %gather3A_132 = arith.constant 0 : i32
        %gather3A_133 = arith.constant 0 : i32
        %gather3A_134 = tpu.memref_slice %arg9[%rem3A_39, %gather3A_131, %gather3A_132, %gather3A_133] : memref<3x16x16x128xf32, #tpu.memory_space<vmem>> -> memref<1x16x16x128xf32, #tpu.memory_space<vmem>>
        %gather3A_135 = tpu.memref_squeeze %gather3A_134 : memref<1x16x16x128xf32, #tpu.memory_space<vmem>> -> memref<16x16x128xf32, #tpu.memory_space<vmem>>
        %gather3A_136 = tpu.vector_load_idx %gather3A_135[%iota3A, %add3A_130, %and3A_46] : memref<16x16x128xf32, #tpu.memory_space<vmem>>[vector<16xi32>, vector<16xi32>, vector<16xi32>], vector<16xf32>,
        %swap3A_137 = arith.constant 21 : i32
        %swap3A_138 = arith.index_cast %swap3A_137 : i32 to index
        %swap3A_139 = arith.index_cast %mul3A_43 : i32 to index
        %swap3A_140 = tpu.vector_load %arg10[%swap3A_138, %swap3A_139] {strides = array<i32>} : memref<32x512xf32, #tpu.memory_space<vmem>>, vector<16xf32>,
        tpu.vector_store %arg10[%swap3A_138, %swap3A_139], %gather3A_136 {strides = array<i32>} : memref<32x512xf32, #tpu.memory_space<vmem>>, vector<16xf32>,
        %mul3A_141 = arith.constant 0 : i32
        %mul3A_142 = vector.broadcast %mul3A_141 : i32 to vector<16xi32>
        %mul3A_143 = arith.muli %iota3A, %mul3A_142 : vector<16xi32>
        %add3A_144 = arith.constant 6 : i32
        %add3A_145 = vector.broadcast %add3A_144 : i32 to vector<16xi32>
        %add3A_146 = arith.addi %mul3A_143, %add3A_145 : vector<16xi32>
        %gather3A_147 = arith.constant 0 : i32
        %gather3A_148 = arith.constant 0 : i32
        %gather3A_149 = arith.constant 0 : i32
        %gather3A_150 = tpu.memref_slice %arg9[%rem3A_39, %gather3A_147, %gather3A_148, %gather3A_149] : memref<3x16x16x128xf32, #tpu.memory_space<vmem>> -> memref<1x16x16x128xf32, #tpu.memory_space<vmem>>
        %gather3A_151 = tpu.memref_squeeze %gather3A_150 : memref<1x16x16x128xf32, #tpu.memory_space<vmem>> -> memref<16x16x128xf32, #tpu.memory_space<vmem>>
        %gather3A_152 = tpu.vector_load_idx %gather3A_151[%iota3A, %add3A_146, %and3A_46] : memref<16x16x128xf32, #tpu.memory_space<vmem>>[vector<16xi32>, vector<16xi32>, vector<16xi32>], vector<16xf32>,
        %swap3A_153 = arith.constant 22 : i32
        %swap3A_154 = arith.index_cast %swap3A_153 : i32 to index
        %swap3A_155 = arith.index_cast %mul3A_43 : i32 to index
        %swap3A_156 = tpu.vector_load %arg10[%swap3A_154, %swap3A_155] {strides = array<i32>} : memref<32x512xf32, #tpu.memory_space<vmem>>, vector<16xf32>,
        tpu.vector_store %arg10[%swap3A_154, %swap3A_155], %gather3A_152 {strides = array<i32>} : memref<32x512xf32, #tpu.memory_space<vmem>>, vector<16xf32>,
        %mul3A_157 = arith.constant 0 : i32
        %mul3A_158 = vector.broadcast %mul3A_157 : i32 to vector<16xi32>
        %mul3A_159 = arith.muli %iota3A, %mul3A_158 : vector<16xi32>
        %add3A_160 = arith.constant 7 : i32
        %add3A_161 = vector.broadcast %add3A_160 : i32 to vector<16xi32>
        %add3A_162 = arith.addi %mul3A_159, %add3A_161 : vector<16xi32>
        %gather3A_163 = arith.constant 0 : i32
        %gather3A_164 = arith.constant 0 : i32
        %gather3A_165 = arith.constant 0 : i32
        %gather3A_166 = tpu.memref_slice %arg9[%rem3A_39, %gather3A_163, %gather3A_164, %gather3A_165] : memref<3x16x16x128xf32, #tpu.memory_space<vmem>> -> memref<1x16x16x128xf32, #tpu.memory_space<vmem>>
        %gather3A_167 = tpu.memref_squeeze %gather3A_166 : memref<1x16x16x128xf32, #tpu.memory_space<vmem>> -> memref<16x16x128xf32, #tpu.memory_space<vmem>>
        %gather3A_168 = tpu.vector_load_idx %gather3A_167[%iota3A, %add3A_162, %and3A_46] : memref<16x16x128xf32, #tpu.memory_space<vmem>>[vector<16xi32>, vector<16xi32>, vector<16xi32>], vector<16xf32>,
        %swap3A_169 = arith.constant 23 : i32
        %swap3A_170 = arith.index_cast %swap3A_169 : i32 to index
        %swap3A_171 = arith.index_cast %mul3A_43 : i32 to index
        %swap3A_172 = tpu.vector_load %arg10[%swap3A_170, %swap3A_171] {strides = array<i32>} : memref<32x512xf32, #tpu.memory_space<vmem>>, vector<16xf32>,
        tpu.vector_store %arg10[%swap3A_170, %swap3A_171], %gather3A_168 {strides = array<i32>} : memref<32x512xf32, #tpu.memory_space<vmem>>, vector<16xf32>,
        %mul3A_173 = arith.constant 0 : i32
        %mul3A_174 = vector.broadcast %mul3A_173 : i32 to vector<16xi32>
        %mul3A_175 = arith.muli %iota3A, %mul3A_174 : vector<16xi32>
        %add3A_176 = arith.constant 8 : i32
        %add3A_177 = vector.broadcast %add3A_176 : i32 to vector<16xi32>
        %add3A_178 = arith.addi %mul3A_175, %add3A_177 : vector<16xi32>
        %gather3A_179 = arith.constant 0 : i32
        %gather3A_180 = arith.constant 0 : i32
        %gather3A_181 = arith.constant 0 : i32
        %gather3A_182 = tpu.memref_slice %arg9[%rem3A_39, %gather3A_179, %gather3A_180, %gather3A_181] : memref<3x16x16x128xf32, #tpu.memory_space<vmem>> -> memref<1x16x16x128xf32, #tpu.memory_space<vmem>>
        %gather3A_183 = tpu.memref_squeeze %gather3A_182 : memref<1x16x16x128xf32, #tpu.memory_space<vmem>> -> memref<16x16x128xf32, #tpu.memory_space<vmem>>
        %gather3A_184 = tpu.vector_load_idx %gather3A_183[%iota3A, %add3A_178, %and3A_46] : memref<16x16x128xf32, #tpu.memory_space<vmem>>[vector<16xi32>, vector<16xi32>, vector<16xi32>], vector<16xf32>,
        %swap3A_185 = arith.constant 24 : i32
        %swap3A_186 = arith.index_cast %swap3A_185 : i32 to index
        %swap3A_187 = arith.index_cast %mul3A_43 : i32 to index
        %swap3A_188 = tpu.vector_load %arg10[%swap3A_186, %swap3A_187] {strides = array<i32>} : memref<32x512xf32, #tpu.memory_space<vmem>>, vector<16xf32>,
        tpu.vector_store %arg10[%swap3A_186, %swap3A_187], %gather3A_184 {strides = array<i32>} : memref<32x512xf32, #tpu.memory_space<vmem>>, vector<16xf32>,
        %mul3A_189 = arith.constant 0 : i32
        %mul3A_190 = vector.broadcast %mul3A_189 : i32 to vector<16xi32>
        %mul3A_191 = arith.muli %iota3A, %mul3A_190 : vector<16xi32>
        %add3A_192 = arith.constant 9 : i32
        %add3A_193 = vector.broadcast %add3A_192 : i32 to vector<16xi32>
        %add3A_194 = arith.addi %mul3A_191, %add3A_193 : vector<16xi32>
        %gather3A_195 = arith.constant 0 : i32
        %gather3A_196 = arith.constant 0 : i32
        %gather3A_197 = arith.constant 0 : i32
        %gather3A_198 = tpu.memref_slice %arg9[%rem3A_39, %gather3A_195, %gather3A_196, %gather3A_197] : memref<3x16x16x128xf32, #tpu.memory_space<vmem>> -> memref<1x16x16x128xf32, #tpu.memory_space<vmem>>
        %gather3A_199 = tpu.memref_squeeze %gather3A_198 : memref<1x16x16x128xf32, #tpu.memory_space<vmem>> -> memref<16x16x128xf32, #tpu.memory_space<vmem>>
        %gather3A_200 = tpu.vector_load_idx %gather3A_199[%iota3A, %add3A_194, %and3A_46] : memref<16x16x128xf32, #tpu.memory_space<vmem>>[vector<16xi32>, vector<16xi32>, vector<16xi32>], vector<16xf32>,
        %swap3A_201 = arith.constant 25 : i32
        %swap3A_202 = arith.index_cast %swap3A_201 : i32 to index
        %swap3A_203 = arith.index_cast %mul3A_43 : i32 to index
        %swap3A_204 = tpu.vector_load %arg10[%swap3A_202, %swap3A_203] {strides = array<i32>} : memref<32x512xf32, #tpu.memory_space<vmem>>, vector<16xf32>,
        tpu.vector_store %arg10[%swap3A_202, %swap3A_203], %gather3A_200 {strides = array<i32>} : memref<32x512xf32, #tpu.memory_space<vmem>>, vector<16xf32>,
        %mul3A_205 = arith.constant 0 : i32
        %mul3A_206 = vector.broadcast %mul3A_205 : i32 to vector<16xi32>
        %mul3A_207 = arith.muli %iota3A, %mul3A_206 : vector<16xi32>
        %add3A_208 = arith.constant 10 : i32
        %add3A_209 = vector.broadcast %add3A_208 : i32 to vector<16xi32>
        %add3A_210 = arith.addi %mul3A_207, %add3A_209 : vector<16xi32>
        %gather3A_211 = arith.constant 0 : i32
        %gather3A_212 = arith.constant 0 : i32
        %gather3A_213 = arith.constant 0 : i32
        %gather3A_214 = tpu.memref_slice %arg9[%rem3A_39, %gather3A_211, %gather3A_212, %gather3A_213] : memref<3x16x16x128xf32, #tpu.memory_space<vmem>> -> memref<1x16x16x128xf32, #tpu.memory_space<vmem>>
        %gather3A_215 = tpu.memref_squeeze %gather3A_214 : memref<1x16x16x128xf32, #tpu.memory_space<vmem>> -> memref<16x16x128xf32, #tpu.memory_space<vmem>>
        %gather3A_216 = tpu.vector_load_idx %gather3A_215[%iota3A, %add3A_210, %and3A_46] : memref<16x16x128xf32, #tpu.memory_space<vmem>>[vector<16xi32>, vector<16xi32>, vector<16xi32>], vector<16xf32>,
        %swap3A_217 = arith.constant 26 : i32
        %swap3A_218 = arith.index_cast %swap3A_217 : i32 to index
        %swap3A_219 = arith.index_cast %mul3A_43 : i32 to index
        %swap3A_220 = tpu.vector_load %arg10[%swap3A_218, %swap3A_219] {strides = array<i32>} : memref<32x512xf32, #tpu.memory_space<vmem>>, vector<16xf32>,
        tpu.vector_store %arg10[%swap3A_218, %swap3A_219], %gather3A_216 {strides = array<i32>} : memref<32x512xf32, #tpu.memory_space<vmem>>, vector<16xf32>,
        %mul3A_221 = arith.constant 0 : i32
        %mul3A_222 = vector.broadcast %mul3A_221 : i32 to vector<16xi32>
        %mul3A_223 = arith.muli %iota3A, %mul3A_222 : vector<16xi32>
        %add3A_224 = arith.constant 11 : i32
        %add3A_225 = vector.broadcast %add3A_224 : i32 to vector<16xi32>
        %add3A_226 = arith.addi %mul3A_223, %add3A_225 : vector<16xi32>
        %gather3A_227 = arith.constant 0 : i32
        %gather3A_228 = arith.constant 0 : i32
        %gather3A_229 = arith.constant 0 : i32
        %gather3A_230 = tpu.memref_slice %arg9[%rem3A_39, %gather3A_227, %gather3A_228, %gather3A_229] : memref<3x16x16x128xf32, #tpu.memory_space<vmem>> -> memref<1x16x16x128xf32, #tpu.memory_space<vmem>>
        %gather3A_231 = tpu.memref_squeeze %gather3A_230 : memref<1x16x16x128xf32, #tpu.memory_space<vmem>> -> memref<16x16x128xf32, #tpu.memory_space<vmem>>
        %gather3A_232 = tpu.vector_load_idx %gather3A_231[%iota3A, %add3A_226, %and3A_46] : memref<16x16x128xf32, #tpu.memory_space<vmem>>[vector<16xi32>, vector<16xi32>, vector<16xi32>], vector<16xf32>,
        %swap3A_233 = arith.constant 27 : i32
        %swap3A_234 = arith.index_cast %swap3A_233 : i32 to index
        %swap3A_235 = arith.index_cast %mul3A_43 : i32 to index
        %swap3A_236 = tpu.vector_load %arg10[%swap3A_234, %swap3A_235] {strides = array<i32>} : memref<32x512xf32, #tpu.memory_space<vmem>>, vector<16xf32>,
        tpu.vector_store %arg10[%swap3A_234, %swap3A_235], %gather3A_232 {strides = array<i32>} : memref<32x512xf32, #tpu.memory_space<vmem>>, vector<16xf32>,
        %mul3A_237 = arith.constant 0 : i32
        %mul3A_238 = vector.broadcast %mul3A_237 : i32 to vector<16xi32>
        %mul3A_239 = arith.muli %iota3A, %mul3A_238 : vector<16xi32>
        %add3A_240 = arith.constant 12 : i32
        %add3A_241 = vector.broadcast %add3A_240 : i32 to vector<16xi32>
        %add3A_242 = arith.addi %mul3A_239, %add3A_241 : vector<16xi32>
        %gather3A_243 = arith.constant 0 : i32
        %gather3A_244 = arith.constant 0 : i32
        %gather3A_245 = arith.constant 0 : i32
        %gather3A_246 = tpu.memref_slice %arg9[%rem3A_39, %gather3A_243, %gather3A_244, %gather3A_245] : memref<3x16x16x128xf32, #tpu.memory_space<vmem>> -> memref<1x16x16x128xf32, #tpu.memory_space<vmem>>
        %gather3A_247 = tpu.memref_squeeze %gather3A_246 : memref<1x16x16x128xf32, #tpu.memory_space<vmem>> -> memref<16x16x128xf32, #tpu.memory_space<vmem>>
        %gather3A_248 = tpu.vector_load_idx %gather3A_247[%iota3A, %add3A_242, %and3A_46] : memref<16x16x128xf32, #tpu.memory_space<vmem>>[vector<16xi32>, vector<16xi32>, vector<16xi32>], vector<16xf32>,
        %swap3A_249 = arith.constant 28 : i32
        %swap3A_250 = arith.index_cast %swap3A_249 : i32 to index
        %swap3A_251 = arith.index_cast %mul3A_43 : i32 to index
        %swap3A_252 = tpu.vector_load %arg10[%swap3A_250, %swap3A_251] {strides = array<i32>} : memref<32x512xf32, #tpu.memory_space<vmem>>, vector<16xf32>,
        tpu.vector_store %arg10[%swap3A_250, %swap3A_251], %gather3A_248 {strides = array<i32>} : memref<32x512xf32, #tpu.memory_space<vmem>>, vector<16xf32>,
        %mul3A_253 = arith.constant 0 : i32
        %mul3A_254 = vector.broadcast %mul3A_253 : i32 to vector<16xi32>
        %mul3A_255 = arith.muli %iota3A, %mul3A_254 : vector<16xi32>
        %add3A_256 = arith.constant 13 : i32
        %add3A_257 = vector.broadcast %add3A_256 : i32 to vector<16xi32>
        %add3A_258 = arith.addi %mul3A_255, %add3A_257 : vector<16xi32>
        %gather3A_259 = arith.constant 0 : i32
        %gather3A_260 = arith.constant 0 : i32
        %gather3A_261 = arith.constant 0 : i32
        %gather3A_262 = tpu.memref_slice %arg9[%rem3A_39, %gather3A_259, %gather3A_260, %gather3A_261] : memref<3x16x16x128xf32, #tpu.memory_space<vmem>> -> memref<1x16x16x128xf32, #tpu.memory_space<vmem>>
        %gather3A_263 = tpu.memref_squeeze %gather3A_262 : memref<1x16x16x128xf32, #tpu.memory_space<vmem>> -> memref<16x16x128xf32, #tpu.memory_space<vmem>>
        %gather3A_264 = tpu.vector_load_idx %gather3A_263[%iota3A, %add3A_258, %and3A_46] : memref<16x16x128xf32, #tpu.memory_space<vmem>>[vector<16xi32>, vector<16xi32>, vector<16xi32>], vector<16xf32>,
        %swap3A_265 = arith.constant 29 : i32
        %swap3A_266 = arith.index_cast %swap3A_265 : i32 to index
        %swap3A_267 = arith.index_cast %mul3A_43 : i32 to index
        %swap3A_268 = tpu.vector_load %arg10[%swap3A_266, %swap3A_267] {strides = array<i32>} : memref<32x512xf32, #tpu.memory_space<vmem>>, vector<16xf32>,
        tpu.vector_store %arg10[%swap3A_266, %swap3A_267], %gather3A_264 {strides = array<i32>} : memref<32x512xf32, #tpu.memory_space<vmem>>, vector<16xf32>,
        %mul3A_269 = arith.constant 0 : i32
        %mul3A_270 = vector.broadcast %mul3A_269 : i32 to vector<16xi32>
        %mul3A_271 = arith.muli %iota3A, %mul3A_270 : vector<16xi32>
        %add3A_272 = arith.constant 14 : i32
        %add3A_273 = vector.broadcast %add3A_272 : i32 to vector<16xi32>
        %add3A_274 = arith.addi %mul3A_271, %add3A_273 : vector<16xi32>
        %gather3A_275 = arith.constant 0 : i32
        %gather3A_276 = arith.constant 0 : i32
        %gather3A_277 = arith.constant 0 : i32
        %gather3A_278 = tpu.memref_slice %arg9[%rem3A_39, %gather3A_275, %gather3A_276, %gather3A_277] : memref<3x16x16x128xf32, #tpu.memory_space<vmem>> -> memref<1x16x16x128xf32, #tpu.memory_space<vmem>>
        %gather3A_279 = tpu.memref_squeeze %gather3A_278 : memref<1x16x16x128xf32, #tpu.memory_space<vmem>> -> memref<16x16x128xf32, #tpu.memory_space<vmem>>
        %gather3A_280 = tpu.vector_load_idx %gather3A_279[%iota3A, %add3A_274, %and3A_46] : memref<16x16x128xf32, #tpu.memory_space<vmem>>[vector<16xi32>, vector<16xi32>, vector<16xi32>], vector<16xf32>,
        %swap3A_281 = arith.constant 30 : i32
        %swap3A_282 = arith.index_cast %swap3A_281 : i32 to index
        %swap3A_283 = arith.index_cast %mul3A_43 : i32 to index
        %swap3A_284 = tpu.vector_load %arg10[%swap3A_282, %swap3A_283] {strides = array<i32>} : memref<32x512xf32, #tpu.memory_space<vmem>>, vector<16xf32>,
        tpu.vector_store %arg10[%swap3A_282, %swap3A_283], %gather3A_280 {strides = array<i32>} : memref<32x512xf32, #tpu.memory_space<vmem>>, vector<16xf32>,
        %mul3A_285 = arith.constant 0 : i32
        %mul3A_286 = vector.broadcast %mul3A_285 : i32 to vector<16xi32>
        %mul3A_287 = arith.muli %iota3A, %mul3A_286 : vector<16xi32>
        %add3A_288 = arith.constant 15 : i32
        %add3A_289 = vector.broadcast %add3A_288 : i32 to vector<16xi32>
        %add3A_290 = arith.addi %mul3A_287, %add3A_289 : vector<16xi32>
        %gather3A_291 = arith.constant 0 : i32
        %gather3A_292 = arith.constant 0 : i32
        %gather3A_293 = arith.constant 0 : i32
        %gather3A_294 = tpu.memref_slice %arg9[%rem3A_39, %gather3A_291, %gather3A_292, %gather3A_293] : memref<3x16x16x128xf32, #tpu.memory_space<vmem>> -> memref<1x16x16x128xf32, #tpu.memory_space<vmem>>
        %gather3A_295 = tpu.memref_squeeze %gather3A_294 : memref<1x16x16x128xf32, #tpu.memory_space<vmem>> -> memref<16x16x128xf32, #tpu.memory_space<vmem>>
        %gather3A_296 = tpu.vector_load_idx %gather3A_295[%iota3A, %add3A_290, %and3A_46] : memref<16x16x128xf32, #tpu.memory_space<vmem>>[vector<16xi32>, vector<16xi32>, vector<16xi32>], vector<16xf32>,
        %swap3A_297 = arith.constant 31 : i32
        %swap3A_298 = arith.index_cast %swap3A_297 : i32 to index
        %swap3A_299 = arith.index_cast %mul3A_43 : i32 to index
        %swap3A_300 = tpu.vector_load %arg10[%swap3A_298, %swap3A_299] {strides = array<i32>} : memref<32x512xf32, #tpu.memory_space<vmem>>, vector<16xf32>,
        tpu.vector_store %arg10[%swap3A_298, %swap3A_299], %gather3A_296 {strides = array<i32>} : memref<32x512xf32, #tpu.memory_space<vmem>>, vector<16xf32>,
      } else {
      }
    }
    %scan3A_13 = arith.constant 34 : i32
    %scan3A_14 = arith.constant 0 : i32
    %scan3A_15 = arith.constant 0 : i32
    %scan3A_16 = arith.constant 34 : i32
    %scan3A_17 = arith.addi %scan3A_15, %scan3A_16 : i32
    %scan3A_18 = arith.constant 1 : i32
    scf.for %scan3A_26 = %scan3A_15 to %scan3A_17 step %scan3A_18  : i32 {
      %ge3A = arith.constant 2 : i32
      %ge3A_27 = arith.cmpi sge, %scan3A_26, %ge3A : i32
      %convert_element_type3A = arith.extui %ge3A_27 : i1 to i32
      %cond3A = arith.constant 0 : i32
      %cond3A_28 = arith.cmpi ne, %convert_element_type3A, %cond3A : i32
      scf.if %cond3A_28 {
        %sub3A = arith.constant 2 : i32
        %sub3A_38 = arith.subi %scan3A_26, %sub3A : i32
        %rem3A = arith.constant 3 : i32
        %rem3A_39 = arith.remsi %sub3A_38, %rem3A : i32
        %dma_wait3A = arith.constant 0 : i32
        %dma_wait3A_40 = arith.constant 0 : i32
        %dma_wait3A_41 = arith.constant 0 : i32
        %dma_wait3A_42 = tpu.memref_slice %arg9[%rem3A_39, %dma_wait3A, %dma_wait3A_40, %dma_wait3A_41] : memref<3x16x16x128xf32, #tpu.memory_space<vmem>> -> memref<1x1x16x128xf32, #tpu.memory_space<vmem>>
        %dma_wait3A_43 = tpu.memref_squeeze %dma_wait3A_42 : memref<1x1x16x128xf32, #tpu.memory_space<vmem>> -> memref<16x128xf32, #tpu.memory_space<vmem>>
        %dma_wait3A_44 = arith.constant 0 : i32
        %dma_wait3A_45 = arith.constant 0 : i32
        %dma_wait3A_46 = tpu.memref_slice %arg3[%dma_wait3A_44, %dma_wait3A_45] : memref<32x1000000xf32, #tpu.memory_space<hbm>> -> memref<16x128xf32, #tpu.memory_space<hbm>>
        %dma_wait3A_47 = arith.constant 0 : i32
        %dma_wait3A_48 = arith.constant 0 : i32
        %dma_wait3A_49 = tpu.memref_slice %arg9[%rem3A_39, %dma_wait3A, %dma_wait3A_47, %dma_wait3A_48] : memref<3x16x16x128xf32, #tpu.memory_space<vmem>> -> memref<1x1x16x128xf32, #tpu.memory_space<vmem>>
        %dma_wait3A_50 = tpu.memref_squeeze %dma_wait3A_49 : memref<1x1x16x128xf32, #tpu.memory_space<vmem>> -> memref<16x128xf32, #tpu.memory_space<vmem>>
        %dma_wait3A_51 = arith.constant 0 : i32
        %dma_wait3A_52 = arith.constant 0 : i32
        %dma_wait3A_53 = tpu.memref_slice %arg3[%dma_wait3A_51, %dma_wait3A_52] : memref<32x1000000xf32, #tpu.memory_space<hbm>> -> memref<16x128xf32, #tpu.memory_space<hbm>>
        tpu.wait_dma2 semaphore(%arg11 : memref<!tpu.dma_semaphore, #tpu.memory_space<semaphore_mem>>) src(%dma_wait3A_53 : memref<16x128xf32, #tpu.memory_space<hbm>>) dst(%dma_wait3A_50 : memref<16x128xf32, #tpu.memory_space<vmem>>)
        %sub3A_54 = arith.constant 2 : i32
        %sub3A_55 = arith.subi %scan3A_26, %sub3A_54 : i32
        %rem3A_56 = arith.constant 3 : i32
        %rem3A_57 = arith.remsi %sub3A_55, %rem3A_56 : i32
        %dma_wait3A_58 = arith.constant 1 : i32
        %dma_wait3A_59 = arith.constant 0 : i32
        %dma_wait3A_60 = arith.constant 0 : i32
        %dma_wait3A_61 = tpu.memref_slice %arg9[%rem3A_57, %dma_wait3A_58, %dma_wait3A_59, %dma_wait3A_60] : memref<3x16x16x128xf32, #tpu.memory_space<vmem>> -> memref<1x1x16x128xf32, #tpu.memory_space<vmem>>
        %dma_wait3A_62 = tpu.memref_squeeze %dma_wait3A_61 : memref<1x1x16x128xf32, #tpu.memory_space<vmem>> -> memref<16x128xf32, #tpu.memory_space<vmem>>
        %dma_wait3A_63 = arith.constant 0 : i32
        %dma_wait3A_64 = arith.constant 0 : i32
        %dma_wait3A_65 = tpu.memref_slice %arg3[%dma_wait3A_63, %dma_wait3A_64] : memref<32x1000000xf32, #tpu.memory_space<hbm>> -> memref<16x128xf32, #tpu.memory_space<hbm>>
        %dma_wait3A_66 = arith.constant 0 : i32
        %dma_wait3A_67 = arith.constant 0 : i32
        %dma_wait3A_68 = tpu.memref_slice %arg9[%rem3A_57, %dma_wait3A_58, %dma_wait3A_66, %dma_wait3A_67] : memref<3x16x16x128xf32, #tpu.memory_space<vmem>> -> memref<1x1x16x128xf32, #tpu.memory_space<vmem>>
        %dma_wait3A_69 = tpu.memref_squeeze %dma_wait3A_68 : memref<1x1x16x128xf32, #tpu.memory_space<vmem>> -> memref<16x128xf32, #tpu.memory_space<vmem>>
        %dma_wait3A_70 = arith.constant 0 : i32
        %dma_wait3A_71 = arith.constant 0 : i32
        %dma_wait3A_72 = tpu.memref_slice %arg3[%dma_wait3A_70, %dma_wait3A_71] : memref<32x1000000xf32, #tpu.memory_space<hbm>> -> memref<16x128xf32, #tpu.memory_space<hbm>>
        tpu.wait_dma2 semaphore(%arg11 : memref<!tpu.dma_semaphore, #tpu.memory_space<semaphore_mem>>) src(%dma_wait3A_72 : memref<16x128xf32, #tpu.memory_space<hbm>>) dst(%dma_wait3A_69 : memref<16x128xf32, #tpu.memory_space<vmem>>)
        %sub3A_73 = arith.constant 2 : i32
        %sub3A_74 = arith.subi %scan3A_26, %sub3A_73 : i32
        %rem3A_75 = arith.constant 3 : i32
        %rem3A_76 = arith.remsi %sub3A_74, %rem3A_75 : i32
        %dma_wait3A_77 = arith.constant 2 : i32
        %dma_wait3A_78 = arith.constant 0 : i32
        %dma_wait3A_79 = arith.constant 0 : i32
        %dma_wait3A_80 = tpu.memref_slice %arg9[%rem3A_76, %dma_wait3A_77, %dma_wait3A_78, %dma_wait3A_79] : memref<3x16x16x128xf32, #tpu.memory_space<vmem>> -> memref<1x1x16x128xf32, #tpu.memory_space<vmem>>
        %dma_wait3A_81 = tpu.memref_squeeze %dma_wait3A_80 : memref<1x1x16x128xf32, #tpu.memory_space<vmem>> -> memref<16x128xf32, #tpu.memory_space<vmem>>
        %dma_wait3A_82 = arith.constant 0 : i32
        %dma_wait3A_83 = arith.constant 0 : i32
        %dma_wait3A_84 = tpu.memref_slice %arg3[%dma_wait3A_82, %dma_wait3A_83] : memref<32x1000000xf32, #tpu.memory_space<hbm>> -> memref<16x128xf32, #tpu.memory_space<hbm>>
        %dma_wait3A_85 = arith.constant 0 : i32
        %dma_wait3A_86 = arith.constant 0 : i32
        %dma_wait3A_87 = tpu.memref_slice %arg9[%rem3A_76, %dma_wait3A_77, %dma_wait3A_85, %dma_wait3A_86] : memref<3x16x16x128xf32, #tpu.memory_space<vmem>> -> memref<1x1x16x128xf32, #tpu.memory_space<vmem>>
        %dma_wait3A_88 = tpu.memref_squeeze %dma_wait3A_87 : memref<1x1x16x128xf32, #tpu.memory_space<vmem>> -> memref<16x128xf32, #tpu.memory_space<vmem>>
        %dma_wait3A_89 = arith.constant 0 : i32
        %dma_wait3A_90 = arith.constant 0 : i32
        %dma_wait3A_91 = tpu.memref_slice %arg3[%dma_wait3A_89, %dma_wait3A_90] : memref<32x1000000xf32, #tpu.memory_space<hbm>> -> memref<16x128xf32, #tpu.memory_space<hbm>>
        tpu.wait_dma2 semaphore(%arg11 : memref<!tpu.dma_semaphore, #tpu.memory_space<semaphore_mem>>) src(%dma_wait3A_91 : memref<16x128xf32, #tpu.memory_space<hbm>>) dst(%dma_wait3A_88 : memref<16x128xf32, #tpu.memory_space<vmem>>)
        %sub3A_92 = arith.constant 2 : i32
        %sub3A_93 = arith.subi %scan3A_26, %sub3A_92 : i32
        %rem3A_94 = arith.constant 3 : i32
        %rem3A_95 = arith.remsi %sub3A_93, %rem3A_94 : i32
        %dma_wait3A_96 = arith.constant 3 : i32
        %dma_wait3A_97 = arith.constant 0 : i32
        %dma_wait3A_98 = arith.constant 0 : i32
        %dma_wait3A_99 = tpu.memref_slice %arg9[%rem3A_95, %dma_wait3A_96, %dma_wait3A_97, %dma_wait3A_98] : memref<3x16x16x128xf32, #tpu.memory_space<vmem>> -> memref<1x1x16x128xf32, #tpu.memory_space<vmem>>
        %dma_wait3A_100 = tpu.memref_squeeze %dma_wait3A_99 : memref<1x1x16x128xf32, #tpu.memory_space<vmem>> -> memref<16x128xf32, #tpu.memory_space<vmem>>
        %dma_wait3A_101 = arith.constant 0 : i32
        %dma_wait3A_102 = arith.constant 0 : i32
        %dma_wait3A_103 = tpu.memref_slice %arg3[%dma_wait3A_101, %dma_wait3A_102] : memref<32x1000000xf32, #tpu.memory_space<hbm>> -> memref<16x128xf32, #tpu.memory_space<hbm>>
        %dma_wait3A_104 = arith.constant 0 : i32
        %dma_wait3A_105 = arith.constant 0 : i32
        %dma_wait3A_106 = tpu.memref_slice %arg9[%rem3A_95, %dma_wait3A_96, %dma_wait3A_104, %dma_wait3A_105] : memref<3x16x16x128xf32, #tpu.memory_space<vmem>> -> memref<1x1x16x128xf32, #tpu.memory_space<vmem>>
        %dma_wait3A_107 = tpu.memref_squeeze %dma_wait3A_106 : memref<1x1x16x128xf32, #tpu.memory_space<vmem>> -> memref<16x128xf32, #tpu.memory_space<vmem>>
        %dma_wait3A_108 = arith.constant 0 : i32
        %dma_wait3A_109 = arith.constant 0 : i32
        %dma_wait3A_110 = tpu.memref_slice %arg3[%dma_wait3A_108, %dma_wait3A_109] : memref<32x1000000xf32, #tpu.memory_space<hbm>> -> memref<16x128xf32, #tpu.memory_space<hbm>>
        tpu.wait_dma2 semaphore(%arg11 : memref<!tpu.dma_semaphore, #tpu.memory_space<semaphore_mem>>) src(%dma_wait3A_110 : memref<16x128xf32, #tpu.memory_space<hbm>>) dst(%dma_wait3A_107 : memref<16x128xf32, #tpu.memory_space<vmem>>)
        %sub3A_111 = arith.constant 2 : i32
        %sub3A_112 = arith.subi %scan3A_26, %sub3A_111 : i32
        %rem3A_113 = arith.constant 3 : i32
        %rem3A_114 = arith.remsi %sub3A_112, %rem3A_113 : i32
        %dma_wait3A_115 = arith.constant 4 : i32
        %dma_wait3A_116 = arith.constant 0 : i32
        %dma_wait3A_117 = arith.constant 0 : i32
        %dma_wait3A_118 = tpu.memref_slice %arg9[%rem3A_114, %dma_wait3A_115, %dma_wait3A_116, %dma_wait3A_117] : memref<3x16x16x128xf32, #tpu.memory_space<vmem>> -> memref<1x1x16x128xf32, #tpu.memory_space<vmem>>
        %dma_wait3A_119 = tpu.memref_squeeze %dma_wait3A_118 : memref<1x1x16x128xf32, #tpu.memory_space<vmem>> -> memref<16x128xf32, #tpu.memory_space<vmem>>
        %dma_wait3A_120 = arith.constant 0 : i32
        %dma_wait3A_121 = arith.constant 0 : i32
        %dma_wait3A_122 = tpu.memref_slice %arg3[%dma_wait3A_120, %dma_wait3A_121] : memref<32x1000000xf32, #tpu.memory_space<hbm>> -> memref<16x128xf32, #tpu.memory_space<hbm>>
        %dma_wait3A_123 = arith.constant 0 : i32
        %dma_wait3A_124 = arith.constant 0 : i32
        %dma_wait3A_125 = tpu.memref_slice %arg9[%rem3A_114, %dma_wait3A_115, %dma_wait3A_123, %dma_wait3A_124] : memref<3x16x16x128xf32, #tpu.memory_space<vmem>> -> memref<1x1x16x128xf32, #tpu.memory_space<vmem>>
        %dma_wait3A_126 = tpu.memref_squeeze %dma_wait3A_125 : memref<1x1x16x128xf32, #tpu.memory_space<vmem>> -> memref<16x128xf32, #tpu.memory_space<vmem>>
        %dma_wait3A_127 = arith.constant 0 : i32
        %dma_wait3A_128 = arith.constant 0 : i32
        %dma_wait3A_129 = tpu.memref_slice %arg3[%dma_wait3A_127, %dma_wait3A_128] : memref<32x1000000xf32, #tpu.memory_space<hbm>> -> memref<16x128xf32, #tpu.memory_space<hbm>>
        tpu.wait_dma2 semaphore(%arg11 : memref<!tpu.dma_semaphore, #tpu.memory_space<semaphore_mem>>) src(%dma_wait3A_129 : memref<16x128xf32, #tpu.memory_space<hbm>>) dst(%dma_wait3A_126 : memref<16x128xf32, #tpu.memory_space<vmem>>)
        %sub3A_130 = arith.constant 2 : i32
        %sub3A_131 = arith.subi %scan3A_26, %sub3A_130 : i32
        %rem3A_132 = arith.constant 3 : i32
        %rem3A_133 = arith.remsi %sub3A_131, %rem3A_132 : i32
        %dma_wait3A_134 = arith.constant 5 : i32
        %dma_wait3A_135 = arith.constant 0 : i32
        %dma_wait3A_136 = arith.constant 0 : i32
        %dma_wait3A_137 = tpu.memref_slice %arg9[%rem3A_133, %dma_wait3A_134, %dma_wait3A_135, %dma_wait3A_136] : memref<3x16x16x128xf32, #tpu.memory_space<vmem>> -> memref<1x1x16x128xf32, #tpu.memory_space<vmem>>
        %dma_wait3A_138 = tpu.memref_squeeze %dma_wait3A_137 : memref<1x1x16x128xf32, #tpu.memory_space<vmem>> -> memref<16x128xf32, #tpu.memory_space<vmem>>
        %dma_wait3A_139 = arith.constant 0 : i32
        %dma_wait3A_140 = arith.constant 0 : i32
        %dma_wait3A_141 = tpu.memref_slice %arg3[%dma_wait3A_139, %dma_wait3A_140] : memref<32x1000000xf32, #tpu.memory_space<hbm>> -> memref<16x128xf32, #tpu.memory_space<hbm>>
        %dma_wait3A_142 = arith.constant 0 : i32
        %dma_wait3A_143 = arith.constant 0 : i32
        %dma_wait3A_144 = tpu.memref_slice %arg9[%rem3A_133, %dma_wait3A_134, %dma_wait3A_142, %dma_wait3A_143] : memref<3x16x16x128xf32, #tpu.memory_space<vmem>> -> memref<1x1x16x128xf32, #tpu.memory_space<vmem>>
        %dma_wait3A_145 = tpu.memref_squeeze %dma_wait3A_144 : memref<1x1x16x128xf32, #tpu.memory_space<vmem>> -> memref<16x128xf32, #tpu.memory_space<vmem>>
        %dma_wait3A_146 = arith.constant 0 : i32
        %dma_wait3A_147 = arith.constant 0 : i32
        %dma_wait3A_148 = tpu.memref_slice %arg3[%dma_wait3A_146, %dma_wait3A_147] : memref<32x1000000xf32, #tpu.memory_space<hbm>> -> memref<16x128xf32, #tpu.memory_space<hbm>>
        tpu.wait_dma2 semaphore(%arg11 : memref<!tpu.dma_semaphore, #tpu.memory_space<semaphore_mem>>) src(%dma_wait3A_148 : memref<16x128xf32, #tpu.memory_space<hbm>>) dst(%dma_wait3A_145 : memref<16x128xf32, #tpu.memory_space<vmem>>)
        %sub3A_149 = arith.constant 2 : i32
        %sub3A_150 = arith.subi %scan3A_26, %sub3A_149 : i32
        %rem3A_151 = arith.constant 3 : i32
        %rem3A_152 = arith.remsi %sub3A_150, %rem3A_151 : i32
        %dma_wait3A_153 = arith.constant 6 : i32
        %dma_wait3A_154 = arith.constant 0 : i32
        %dma_wait3A_155 = arith.constant 0 : i32
        %dma_wait3A_156 = tpu.memref_slice %arg9[%rem3A_152, %dma_wait3A_153, %dma_wait3A_154, %dma_wait3A_155] : memref<3x16x16x128xf32, #tpu.memory_space<vmem>> -> memref<1x1x16x128xf32, #tpu.memory_space<vmem>>
        %dma_wait3A_157 = tpu.memref_squeeze %dma_wait3A_156 : memref<1x1x16x128xf32, #tpu.memory_space<vmem>> -> memref<16x128xf32, #tpu.memory_space<vmem>>
        %dma_wait3A_158 = arith.constant 0 : i32
        %dma_wait3A_159 = arith.constant 0 : i32
        %dma_wait3A_160 = tpu.memref_slice %arg3[%dma_wait3A_158, %dma_wait3A_159] : memref<32x1000000xf32, #tpu.memory_space<hbm>> -> memref<16x128xf32, #tpu.memory_space<hbm>>
        %dma_wait3A_161 = arith.constant 0 : i32
        %dma_wait3A_162 = arith.constant 0 : i32
        %dma_wait3A_163 = tpu.memref_slice %arg9[%rem3A_152, %dma_wait3A_153, %dma_wait3A_161, %dma_wait3A_162] : memref<3x16x16x128xf32, #tpu.memory_space<vmem>> -> memref<1x1x16x128xf32, #tpu.memory_space<vmem>>
        %dma_wait3A_164 = tpu.memref_squeeze %dma_wait3A_163 : memref<1x1x16x128xf32, #tpu.memory_space<vmem>> -> memref<16x128xf32, #tpu.memory_space<vmem>>
        %dma_wait3A_165 = arith.constant 0 : i32
        %dma_wait3A_166 = arith.constant 0 : i32
        %dma_wait3A_167 = tpu.memref_slice %arg3[%dma_wait3A_165, %dma_wait3A_166] : memref<32x1000000xf32, #tpu.memory_space<hbm>> -> memref<16x128xf32, #tpu.memory_space<hbm>>
        tpu.wait_dma2 semaphore(%arg11 : memref<!tpu.dma_semaphore, #tpu.memory_space<semaphore_mem>>) src(%dma_wait3A_167 : memref<16x128xf32, #tpu.memory_space<hbm>>) dst(%dma_wait3A_164 : memref<16x128xf32, #tpu.memory_space<vmem>>)
        %sub3A_168 = arith.constant 2 : i32
        %sub3A_169 = arith.subi %scan3A_26, %sub3A_168 : i32
        %rem3A_170 = arith.constant 3 : i32
        %rem3A_171 = arith.remsi %sub3A_169, %rem3A_170 : i32
        %dma_wait3A_172 = arith.constant 7 : i32
        %dma_wait3A_173 = arith.constant 0 : i32
        %dma_wait3A_174 = arith.constant 0 : i32
        %dma_wait3A_175 = tpu.memref_slice %arg9[%rem3A_171, %dma_wait3A_172, %dma_wait3A_173, %dma_wait3A_174] : memref<3x16x16x128xf32, #tpu.memory_space<vmem>> -> memref<1x1x16x128xf32, #tpu.memory_space<vmem>>
        %dma_wait3A_176 = tpu.memref_squeeze %dma_wait3A_175 : memref<1x1x16x128xf32, #tpu.memory_space<vmem>> -> memref<16x128xf32, #tpu.memory_space<vmem>>
        %dma_wait3A_177 = arith.constant 0 : i32
        %dma_wait3A_178 = arith.constant 0 : i32
        %dma_wait3A_179 = tpu.memref_slice %arg3[%dma_wait3A_177, %dma_wait3A_178] : memref<32x1000000xf32, #tpu.memory_space<hbm>> -> memref<16x128xf32, #tpu.memory_space<hbm>>
        %dma_wait3A_180 = arith.constant 0 : i32
        %dma_wait3A_181 = arith.constant 0 : i32
        %dma_wait3A_182 = tpu.memref_slice %arg9[%rem3A_171, %dma_wait3A_172, %dma_wait3A_180, %dma_wait3A_181] : memref<3x16x16x128xf32, #tpu.memory_space<vmem>> -> memref<1x1x16x128xf32, #tpu.memory_space<vmem>>
        %dma_wait3A_183 = tpu.memref_squeeze %dma_wait3A_182 : memref<1x1x16x128xf32, #tpu.memory_space<vmem>> -> memref<16x128xf32, #tpu.memory_space<vmem>>
        %dma_wait3A_184 = arith.constant 0 : i32
        %dma_wait3A_185 = arith.constant 0 : i32
        %dma_wait3A_186 = tpu.memref_slice %arg3[%dma_wait3A_184, %dma_wait3A_185] : memref<32x1000000xf32, #tpu.memory_space<hbm>> -> memref<16x128xf32, #tpu.memory_space<hbm>>
        tpu.wait_dma2 semaphore(%arg11 : memref<!tpu.dma_semaphore, #tpu.memory_space<semaphore_mem>>) src(%dma_wait3A_186 : memref<16x128xf32, #tpu.memory_space<hbm>>) dst(%dma_wait3A_183 : memref<16x128xf32, #tpu.memory_space<vmem>>)
        %sub3A_187 = arith.constant 2 : i32
        %sub3A_188 = arith.subi %scan3A_26, %sub3A_187 : i32
        %rem3A_189 = arith.constant 3 : i32
        %rem3A_190 = arith.remsi %sub3A_188, %rem3A_189 : i32
        %dma_wait3A_191 = arith.constant 8 : i32
        %dma_wait3A_192 = arith.constant 0 : i32
        %dma_wait3A_193 = arith.constant 0 : i32
        %dma_wait3A_194 = tpu.memref_slice %arg9[%rem3A_190, %dma_wait3A_191, %dma_wait3A_192, %dma_wait3A_193] : memref<3x16x16x128xf32, #tpu.memory_space<vmem>> -> memref<1x1x16x128xf32, #tpu.memory_space<vmem>>
        %dma_wait3A_195 = tpu.memref_squeeze %dma_wait3A_194 : memref<1x1x16x128xf32, #tpu.memory_space<vmem>> -> memref<16x128xf32, #tpu.memory_space<vmem>>
        %dma_wait3A_196 = arith.constant 0 : i32
        %dma_wait3A_197 = arith.constant 0 : i32
        %dma_wait3A_198 = tpu.memref_slice %arg3[%dma_wait3A_196, %dma_wait3A_197] : memref<32x1000000xf32, #tpu.memory_space<hbm>> -> memref<16x128xf32, #tpu.memory_space<hbm>>
        %dma_wait3A_199 = arith.constant 0 : i32
        %dma_wait3A_200 = arith.constant 0 : i32
        %dma_wait3A_201 = tpu.memref_slice %arg9[%rem3A_190, %dma_wait3A_191, %dma_wait3A_199, %dma_wait3A_200] : memref<3x16x16x128xf32, #tpu.memory_space<vmem>> -> memref<1x1x16x128xf32, #tpu.memory_space<vmem>>
        %dma_wait3A_202 = tpu.memref_squeeze %dma_wait3A_201 : memref<1x1x16x128xf32, #tpu.memory_space<vmem>> -> memref<16x128xf32, #tpu.memory_space<vmem>>
        %dma_wait3A_203 = arith.constant 0 : i32
        %dma_wait3A_204 = arith.constant 0 : i32
        %dma_wait3A_205 = tpu.memref_slice %arg3[%dma_wait3A_203, %dma_wait3A_204] : memref<32x1000000xf32, #tpu.memory_space<hbm>> -> memref<16x128xf32, #tpu.memory_space<hbm>>
        tpu.wait_dma2 semaphore(%arg11 : memref<!tpu.dma_semaphore, #tpu.memory_space<semaphore_mem>>) src(%dma_wait3A_205 : memref<16x128xf32, #tpu.memory_space<hbm>>) dst(%dma_wait3A_202 : memref<16x128xf32, #tpu.memory_space<vmem>>)
        %sub3A_206 = arith.constant 2 : i32
        %sub3A_207 = arith.subi %scan3A_26, %sub3A_206 : i32
        %rem3A_208 = arith.constant 3 : i32
        %rem3A_209 = arith.remsi %sub3A_207, %rem3A_208 : i32
        %dma_wait3A_210 = arith.constant 9 : i32
        %dma_wait3A_211 = arith.constant 0 : i32
        %dma_wait3A_212 = arith.constant 0 : i32
        %dma_wait3A_213 = tpu.memref_slice %arg9[%rem3A_209, %dma_wait3A_210, %dma_wait3A_211, %dma_wait3A_212] : memref<3x16x16x128xf32, #tpu.memory_space<vmem>> -> memref<1x1x16x128xf32, #tpu.memory_space<vmem>>
        %dma_wait3A_214 = tpu.memref_squeeze %dma_wait3A_213 : memref<1x1x16x128xf32, #tpu.memory_space<vmem>> -> memref<16x128xf32, #tpu.memory_space<vmem>>
        %dma_wait3A_215 = arith.constant 0 : i32
        %dma_wait3A_216 = arith.constant 0 : i32
        %dma_wait3A_217 = tpu.memref_slice %arg3[%dma_wait3A_215, %dma_wait3A_216] : memref<32x1000000xf32, #tpu.memory_space<hbm>> -> memref<16x128xf32, #tpu.memory_space<hbm>>
        %dma_wait3A_218 = arith.constant 0 : i32
        %dma_wait3A_219 = arith.constant 0 : i32
        %dma_wait3A_220 = tpu.memref_slice %arg9[%rem3A_209, %dma_wait3A_210, %dma_wait3A_218, %dma_wait3A_219] : memref<3x16x16x128xf32, #tpu.memory_space<vmem>> -> memref<1x1x16x128xf32, #tpu.memory_space<vmem>>
        %dma_wait3A_221 = tpu.memref_squeeze %dma_wait3A_220 : memref<1x1x16x128xf32, #tpu.memory_space<vmem>> -> memref<16x128xf32, #tpu.memory_space<vmem>>
        %dma_wait3A_222 = arith.constant 0 : i32
        %dma_wait3A_223 = arith.constant 0 : i32
        %dma_wait3A_224 = tpu.memref_slice %arg3[%dma_wait3A_222, %dma_wait3A_223] : memref<32x1000000xf32, #tpu.memory_space<hbm>> -> memref<16x128xf32, #tpu.memory_space<hbm>>
        tpu.wait_dma2 semaphore(%arg11 : memref<!tpu.dma_semaphore, #tpu.memory_space<semaphore_mem>>) src(%dma_wait3A_224 : memref<16x128xf32, #tpu.memory_space<hbm>>) dst(%dma_wait3A_221 : memref<16x128xf32, #tpu.memory_space<vmem>>)
        %sub3A_225 = arith.constant 2 : i32
        %sub3A_226 = arith.subi %scan3A_26, %sub3A_225 : i32
        %rem3A_227 = arith.constant 3 : i32
        %rem3A_228 = arith.remsi %sub3A_226, %rem3A_227 : i32
        %dma_wait3A_229 = arith.constant 10 : i32
        %dma_wait3A_230 = arith.constant 0 : i32
        %dma_wait3A_231 = arith.constant 0 : i32
        %dma_wait3A_232 = tpu.memref_slice %arg9[%rem3A_228, %dma_wait3A_229, %dma_wait3A_230, %dma_wait3A_231] : memref<3x16x16x128xf32, #tpu.memory_space<vmem>> -> memref<1x1x16x128xf32, #tpu.memory_space<vmem>>
        %dma_wait3A_233 = tpu.memref_squeeze %dma_wait3A_232 : memref<1x1x16x128xf32, #tpu.memory_space<vmem>> -> memref<16x128xf32, #tpu.memory_space<vmem>>
        %dma_wait3A_234 = arith.constant 0 : i32
        %dma_wait3A_235 = arith.constant 0 : i32
        %dma_wait3A_236 = tpu.memref_slice %arg3[%dma_wait3A_234, %dma_wait3A_235] : memref<32x1000000xf32, #tpu.memory_space<hbm>> -> memref<16x128xf32, #tpu.memory_space<hbm>>
        %dma_wait3A_237 = arith.constant 0 : i32
        %dma_wait3A_238 = arith.constant 0 : i32
        %dma_wait3A_239 = tpu.memref_slice %arg9[%rem3A_228, %dma_wait3A_229, %dma_wait3A_237, %dma_wait3A_238] : memref<3x16x16x128xf32, #tpu.memory_space<vmem>> -> memref<1x1x16x128xf32, #tpu.memory_space<vmem>>
        %dma_wait3A_240 = tpu.memref_squeeze %dma_wait3A_239 : memref<1x1x16x128xf32, #tpu.memory_space<vmem>> -> memref<16x128xf32, #tpu.memory_space<vmem>>
        %dma_wait3A_241 = arith.constant 0 : i32
        %dma_wait3A_242 = arith.constant 0 : i32
        %dma_wait3A_243 = tpu.memref_slice %arg3[%dma_wait3A_241, %dma_wait3A_242] : memref<32x1000000xf32, #tpu.memory_space<hbm>> -> memref<16x128xf32, #tpu.memory_space<hbm>>
        tpu.wait_dma2 semaphore(%arg11 : memref<!tpu.dma_semaphore, #tpu.memory_space<semaphore_mem>>) src(%dma_wait3A_243 : memref<16x128xf32, #tpu.memory_space<hbm>>) dst(%dma_wait3A_240 : memref<16x128xf32, #tpu.memory_space<vmem>>)
        %sub3A_244 = arith.constant 2 : i32
        %sub3A_245 = arith.subi %scan3A_26, %sub3A_244 : i32
        %rem3A_246 = arith.constant 3 : i32
        %rem3A_247 = arith.remsi %sub3A_245, %rem3A_246 : i32
        %dma_wait3A_248 = arith.constant 11 : i32
        %dma_wait3A_249 = arith.constant 0 : i32
        %dma_wait3A_250 = arith.constant 0 : i32
        %dma_wait3A_251 = tpu.memref_slice %arg9[%rem3A_247, %dma_wait3A_248, %dma_wait3A_249, %dma_wait3A_250] : memref<3x16x16x128xf32, #tpu.memory_space<vmem>> -> memref<1x1x16x128xf32, #tpu.memory_space<vmem>>
        %dma_wait3A_252 = tpu.memref_squeeze %dma_wait3A_251 : memref<1x1x16x128xf32, #tpu.memory_space<vmem>> -> memref<16x128xf32, #tpu.memory_space<vmem>>
        %dma_wait3A_253 = arith.constant 0 : i32
        %dma_wait3A_254 = arith.constant 0 : i32
        %dma_wait3A_255 = tpu.memref_slice %arg3[%dma_wait3A_253, %dma_wait3A_254] : memref<32x1000000xf32, #tpu.memory_space<hbm>> -> memref<16x128xf32, #tpu.memory_space<hbm>>
        %dma_wait3A_256 = arith.constant 0 : i32
        %dma_wait3A_257 = arith.constant 0 : i32
        %dma_wait3A_258 = tpu.memref_slice %arg9[%rem3A_247, %dma_wait3A_248, %dma_wait3A_256, %dma_wait3A_257] : memref<3x16x16x128xf32, #tpu.memory_space<vmem>> -> memref<1x1x16x128xf32, #tpu.memory_space<vmem>>
        %dma_wait3A_259 = tpu.memref_squeeze %dma_wait3A_258 : memref<1x1x16x128xf32, #tpu.memory_space<vmem>> -> memref<16x128xf32, #tpu.memory_space<vmem>>
        %dma_wait3A_260 = arith.constant 0 : i32
        %dma_wait3A_261 = arith.constant 0 : i32
        %dma_wait3A_262 = tpu.memref_slice %arg3[%dma_wait3A_260, %dma_wait3A_261] : memref<32x1000000xf32, #tpu.memory_space<hbm>> -> memref<16x128xf32, #tpu.memory_space<hbm>>
        tpu.wait_dma2 semaphore(%arg11 : memref<!tpu.dma_semaphore, #tpu.memory_space<semaphore_mem>>) src(%dma_wait3A_262 : memref<16x128xf32, #tpu.memory_space<hbm>>) dst(%dma_wait3A_259 : memref<16x128xf32, #tpu.memory_space<vmem>>)
        %sub3A_263 = arith.constant 2 : i32
        %sub3A_264 = arith.subi %scan3A_26, %sub3A_263 : i32
        %rem3A_265 = arith.constant 3 : i32
        %rem3A_266 = arith.remsi %sub3A_264, %rem3A_265 : i32
        %dma_wait3A_267 = arith.constant 12 : i32
        %dma_wait3A_268 = arith.constant 0 : i32
        %dma_wait3A_269 = arith.constant 0 : i32
        %dma_wait3A_270 = tpu.memref_slice %arg9[%rem3A_266, %dma_wait3A_267, %dma_wait3A_268, %dma_wait3A_269] : memref<3x16x16x128xf32, #tpu.memory_space<vmem>> -> memref<1x1x16x128xf32, #tpu.memory_space<vmem>>
        %dma_wait3A_271 = tpu.memref_squeeze %dma_wait3A_270 : memref<1x1x16x128xf32, #tpu.memory_space<vmem>> -> memref<16x128xf32, #tpu.memory_space<vmem>>
        %dma_wait3A_272 = arith.constant 0 : i32
        %dma_wait3A_273 = arith.constant 0 : i32
        %dma_wait3A_274 = tpu.memref_slice %arg3[%dma_wait3A_272, %dma_wait3A_273] : memref<32x1000000xf32, #tpu.memory_space<hbm>> -> memref<16x128xf32, #tpu.memory_space<hbm>>
        %dma_wait3A_275 = arith.constant 0 : i32
        %dma_wait3A_276 = arith.constant 0 : i32
        %dma_wait3A_277 = tpu.memref_slice %arg9[%rem3A_266, %dma_wait3A_267, %dma_wait3A_275, %dma_wait3A_276] : memref<3x16x16x128xf32, #tpu.memory_space<vmem>> -> memref<1x1x16x128xf32, #tpu.memory_space<vmem>>
        %dma_wait3A_278 = tpu.memref_squeeze %dma_wait3A_277 : memref<1x1x16x128xf32, #tpu.memory_space<vmem>> -> memref<16x128xf32, #tpu.memory_space<vmem>>
        %dma_wait3A_279 = arith.constant 0 : i32
        %dma_wait3A_280 = arith.constant 0 : i32
        %dma_wait3A_281 = tpu.memref_slice %arg3[%dma_wait3A_279, %dma_wait3A_280] : memref<32x1000000xf32, #tpu.memory_space<hbm>> -> memref<16x128xf32, #tpu.memory_space<hbm>>
        tpu.wait_dma2 semaphore(%arg11 : memref<!tpu.dma_semaphore, #tpu.memory_space<semaphore_mem>>) src(%dma_wait3A_281 : memref<16x128xf32, #tpu.memory_space<hbm>>) dst(%dma_wait3A_278 : memref<16x128xf32, #tpu.memory_space<vmem>>)
        %sub3A_282 = arith.constant 2 : i32
        %sub3A_283 = arith.subi %scan3A_26, %sub3A_282 : i32
        %rem3A_284 = arith.constant 3 : i32
        %rem3A_285 = arith.remsi %sub3A_283, %rem3A_284 : i32
        %dma_wait3A_286 = arith.constant 13 : i32
        %dma_wait3A_287 = arith.constant 0 : i32
        %dma_wait3A_288 = arith.constant 0 : i32
        %dma_wait3A_289 = tpu.memref_slice %arg9[%rem3A_285, %dma_wait3A_286, %dma_wait3A_287, %dma_wait3A_288] : memref<3x16x16x128xf32, #tpu.memory_space<vmem>> -> memref<1x1x16x128xf32, #tpu.memory_space<vmem>>
        %dma_wait3A_290 = tpu.memref_squeeze %dma_wait3A_289 : memref<1x1x16x128xf32, #tpu.memory_space<vmem>> -> memref<16x128xf32, #tpu.memory_space<vmem>>
        %dma_wait3A_291 = arith.constant 0 : i32
        %dma_wait3A_292 = arith.constant 0 : i32
        %dma_wait3A_293 = tpu.memref_slice %arg3[%dma_wait3A_291, %dma_wait3A_292] : memref<32x1000000xf32, #tpu.memory_space<hbm>> -> memref<16x128xf32, #tpu.memory_space<hbm>>
        %dma_wait3A_294 = arith.constant 0 : i32
        %dma_wait3A_295 = arith.constant 0 : i32
        %dma_wait3A_296 = tpu.memref_slice %arg9[%rem3A_285, %dma_wait3A_286, %dma_wait3A_294, %dma_wait3A_295] : memref<3x16x16x128xf32, #tpu.memory_space<vmem>> -> memref<1x1x16x128xf32, #tpu.memory_space<vmem>>
        %dma_wait3A_297 = tpu.memref_squeeze %dma_wait3A_296 : memref<1x1x16x128xf32, #tpu.memory_space<vmem>> -> memref<16x128xf32, #tpu.memory_space<vmem>>
        %dma_wait3A_298 = arith.constant 0 : i32
        %dma_wait3A_299 = arith.constant 0 : i32
        %dma_wait3A_300 = tpu.memref_slice %arg3[%dma_wait3A_298, %dma_wait3A_299] : memref<32x1000000xf32, #tpu.memory_space<hbm>> -> memref<16x128xf32, #tpu.memory_space<hbm>>
        tpu.wait_dma2 semaphore(%arg11 : memref<!tpu.dma_semaphore, #tpu.memory_space<semaphore_mem>>) src(%dma_wait3A_300 : memref<16x128xf32, #tpu.memory_space<hbm>>) dst(%dma_wait3A_297 : memref<16x128xf32, #tpu.memory_space<vmem>>)
        %sub3A_301 = arith.constant 2 : i32
        %sub3A_302 = arith.subi %scan3A_26, %sub3A_301 : i32
        %rem3A_303 = arith.constant 3 : i32
        %rem3A_304 = arith.remsi %sub3A_302, %rem3A_303 : i32
        %dma_wait3A_305 = arith.constant 14 : i32
        %dma_wait3A_306 = arith.constant 0 : i32
        %dma_wait3A_307 = arith.constant 0 : i32
        %dma_wait3A_308 = tpu.memref_slice %arg9[%rem3A_304, %dma_wait3A_305, %dma_wait3A_306, %dma_wait3A_307] : memref<3x16x16x128xf32, #tpu.memory_space<vmem>> -> memref<1x1x16x128xf32, #tpu.memory_space<vmem>>
        %dma_wait3A_309 = tpu.memref_squeeze %dma_wait3A_308 : memref<1x1x16x128xf32, #tpu.memory_space<vmem>> -> memref<16x128xf32, #tpu.memory_space<vmem>>
        %dma_wait3A_310 = arith.constant 0 : i32
        %dma_wait3A_311 = arith.constant 0 : i32
        %dma_wait3A_312 = tpu.memref_slice %arg3[%dma_wait3A_310, %dma_wait3A_311] : memref<32x1000000xf32, #tpu.memory_space<hbm>> -> memref<16x128xf32, #tpu.memory_space<hbm>>
        %dma_wait3A_313 = arith.constant 0 : i32
        %dma_wait3A_314 = arith.constant 0 : i32
        %dma_wait3A_315 = tpu.memref_slice %arg9[%rem3A_304, %dma_wait3A_305, %dma_wait3A_313, %dma_wait3A_314] : memref<3x16x16x128xf32, #tpu.memory_space<vmem>> -> memref<1x1x16x128xf32, #tpu.memory_space<vmem>>
        %dma_wait3A_316 = tpu.memref_squeeze %dma_wait3A_315 : memref<1x1x16x128xf32, #tpu.memory_space<vmem>> -> memref<16x128xf32, #tpu.memory_space<vmem>>
        %dma_wait3A_317 = arith.constant 0 : i32
        %dma_wait3A_318 = arith.constant 0 : i32
        %dma_wait3A_319 = tpu.memref_slice %arg3[%dma_wait3A_317, %dma_wait3A_318] : memref<32x1000000xf32, #tpu.memory_space<hbm>> -> memref<16x128xf32, #tpu.memory_space<hbm>>
        tpu.wait_dma2 semaphore(%arg11 : memref<!tpu.dma_semaphore, #tpu.memory_space<semaphore_mem>>) src(%dma_wait3A_319 : memref<16x128xf32, #tpu.memory_space<hbm>>) dst(%dma_wait3A_316 : memref<16x128xf32, #tpu.memory_space<vmem>>)
        %sub3A_320 = arith.constant 2 : i32
        %sub3A_321 = arith.subi %scan3A_26, %sub3A_320 : i32
        %rem3A_322 = arith.constant 3 : i32
        %rem3A_323 = arith.remsi %sub3A_321, %rem3A_322 : i32
        %dma_wait3A_324 = arith.constant 15 : i32
        %dma_wait3A_325 = arith.constant 0 : i32
        %dma_wait3A_326 = arith.constant 0 : i32
        %dma_wait3A_327 = tpu.memref_slice %arg9[%rem3A_323, %dma_wait3A_324, %dma_wait3A_325, %dma_wait3A_326] : memref<3x16x16x128xf32, #tpu.memory_space<vmem>> -> memref<1x1x16x128xf32, #tpu.memory_space<vmem>>
        %dma_wait3A_328 = tpu.memref_squeeze %dma_wait3A_327 : memref<1x1x16x128xf32, #tpu.memory_space<vmem>> -> memref<16x128xf32, #tpu.memory_space<vmem>>
        %dma_wait3A_329 = arith.constant 0 : i32
        %dma_wait3A_330 = arith.constant 0 : i32
        %dma_wait3A_331 = tpu.memref_slice %arg3[%dma_wait3A_329, %dma_wait3A_330] : memref<32x1000000xf32, #tpu.memory_space<hbm>> -> memref<16x128xf32, #tpu.memory_space<hbm>>
        %dma_wait3A_332 = arith.constant 0 : i32
        %dma_wait3A_333 = arith.constant 0 : i32
        %dma_wait3A_334 = tpu.memref_slice %arg9[%rem3A_323, %dma_wait3A_324, %dma_wait3A_332, %dma_wait3A_333] : memref<3x16x16x128xf32, #tpu.memory_space<vmem>> -> memref<1x1x16x128xf32, #tpu.memory_space<vmem>>
        %dma_wait3A_335 = tpu.memref_squeeze %dma_wait3A_334 : memref<1x1x16x128xf32, #tpu.memory_space<vmem>> -> memref<16x128xf32, #tpu.memory_space<vmem>>
        %dma_wait3A_336 = arith.constant 0 : i32
        %dma_wait3A_337 = arith.constant 0 : i32
        %dma_wait3A_338 = tpu.memref_slice %arg3[%dma_wait3A_336, %dma_wait3A_337] : memref<32x1000000xf32, #tpu.memory_space<hbm>> -> memref<16x128xf32, #tpu.memory_space<hbm>>
        tpu.wait_dma2 semaphore(%arg11 : memref<!tpu.dma_semaphore, #tpu.memory_space<semaphore_mem>>) src(%dma_wait3A_338 : memref<16x128xf32, #tpu.memory_space<hbm>>) dst(%dma_wait3A_335 : memref<16x128xf32, #tpu.memory_space<vmem>>)
      } else {
      }
      %lt3A = arith.constant 32 : i32
      %lt3A_29 = arith.cmpi slt, %scan3A_26, %lt3A : i32
      %convert_element_type3A_30 = arith.extui %lt3A_29 : i1 to i32
      %cond3A_31 = arith.constant 0 : i32
      %cond3A_32 = arith.cmpi ne, %convert_element_type3A_30, %cond3A_31 : i32
      scf.if %cond3A_32 {
        %rem3A = arith.constant 3 : i32
        %rem3A_38 = arith.remsi %scan3A_26, %rem3A : i32
        %mul3A_39 = arith.constant 16 : i32
        %mul3A_40 = arith.muli %scan3A_26, %mul3A_39 : i32
        %get3A = arith.index_cast %mul3A_40 : i32 to index
        %get3A_41 = tpu.vector_load %arg8[%get3A] {strides = array<i32>} : memref<512xi32, #tpu.memory_space<vmem>>, vector<16xi32>,
        %slice3A = vector.extract_strided_slice %get3A_41 {offsets = [0], sizes = [1], strides = [1]} : vector<16xi32> to vector<1xi32>
        %squeeze3A = vector.extract %slice3A[0] : i32 from vector<1xi32>
        %shift_right_arithmetic3A = arith.constant 7 : i32
        %shift_right_arithmetic3A_42 = arith.shrsi %squeeze3A, %shift_right_arithmetic3A : i32
        %shift_left3A = arith.constant 7 : i32
        %shift_left3A_43 = arith.shli %shift_right_arithmetic3A_42, %shift_left3A : i32
        %multiple_of3A = tpu.assume_multiple %shift_left3A_43, 128 : i32
        %dma_start3A = arith.constant 0 : i32
        %dma_start3A_44 = arith.constant 0 : i32
        %dma_start3A_45 = arith.constant 0 : i32
        %dma_start3A_46 = tpu.memref_slice %arg9[%rem3A_38, %dma_start3A, %dma_start3A_44, %dma_start3A_45] : memref<3x16x16x128xf32, #tpu.memory_space<vmem>> -> memref<1x1x16x128xf32, #tpu.memory_space<vmem>>
        %dma_start3A_47 = tpu.memref_squeeze %dma_start3A_46 : memref<1x1x16x128xf32, #tpu.memory_space<vmem>> -> memref<16x128xf32, #tpu.memory_space<vmem>>
        %dma_start3A_48 = arith.constant 0 : i32
        %dma_start3A_49 = tpu.memref_slice %arg3[%dma_start3A_48, %multiple_of3A] : memref<32x1000000xf32, #tpu.memory_space<hbm>> -> memref<16x128xf32, #tpu.memory_space<hbm>>
        %dma_start3A_50 = arith.constant 0 : i32
        %dma_start3A_51 = arith.constant 0 : i32
        %dma_start3A_52 = tpu.memref_slice %arg9[%rem3A_38, %dma_start3A, %dma_start3A_50, %dma_start3A_51] : memref<3x16x16x128xf32, #tpu.memory_space<vmem>> -> memref<1x1x16x128xf32, #tpu.memory_space<vmem>>
        %dma_start3A_53 = tpu.memref_squeeze %dma_start3A_52 : memref<1x1x16x128xf32, #tpu.memory_space<vmem>> -> memref<16x128xf32, #tpu.memory_space<vmem>>
        %dma_start3A_54 = arith.constant 0 : i32
        %dma_start3A_55 = tpu.memref_slice %arg3[%dma_start3A_54, %multiple_of3A] : memref<32x1000000xf32, #tpu.memory_space<hbm>> -> memref<16x128xf32, #tpu.memory_space<hbm>>
        tpu.enqueue_dma source(%dma_start3A_55 : memref<16x128xf32, #tpu.memory_space<hbm>>) target(%dma_start3A_53 : memref<16x128xf32, #tpu.memory_space<vmem>>) target_semaphore(%arg11 : memref<!tpu.dma_semaphore, #tpu.memory_space<semaphore_mem>>)
        %slice3A_56 = vector.extract_strided_slice %get3A_41 {offsets = [1], sizes = [1], strides = [1]} : vector<16xi32> to vector<1xi32>
        %squeeze3A_57 = vector.extract %slice3A_56[0] : i32 from vector<1xi32>
        %shift_right_arithmetic3A_58 = arith.constant 7 : i32
        %shift_right_arithmetic3A_59 = arith.shrsi %squeeze3A_57, %shift_right_arithmetic3A_58 : i32
        %shift_left3A_60 = arith.constant 7 : i32
        %shift_left3A_61 = arith.shli %shift_right_arithmetic3A_59, %shift_left3A_60 : i32
        %multiple_of3A_62 = tpu.assume_multiple %shift_left3A_61, 128 : i32
        %dma_start3A_63 = arith.constant 1 : i32
        %dma_start3A_64 = arith.constant 0 : i32
        %dma_start3A_65 = arith.constant 0 : i32
        %dma_start3A_66 = tpu.memref_slice %arg9[%rem3A_38, %dma_start3A_63, %dma_start3A_64, %dma_start3A_65] : memref<3x16x16x128xf32, #tpu.memory_space<vmem>> -> memref<1x1x16x128xf32, #tpu.memory_space<vmem>>
        %dma_start3A_67 = tpu.memref_squeeze %dma_start3A_66 : memref<1x1x16x128xf32, #tpu.memory_space<vmem>> -> memref<16x128xf32, #tpu.memory_space<vmem>>
        %dma_start3A_68 = arith.constant 0 : i32
        %dma_start3A_69 = tpu.memref_slice %arg3[%dma_start3A_68, %multiple_of3A_62] : memref<32x1000000xf32, #tpu.memory_space<hbm>> -> memref<16x128xf32, #tpu.memory_space<hbm>>
        %dma_start3A_70 = arith.constant 0 : i32
        %dma_start3A_71 = arith.constant 0 : i32
        %dma_start3A_72 = tpu.memref_slice %arg9[%rem3A_38, %dma_start3A_63, %dma_start3A_70, %dma_start3A_71] : memref<3x16x16x128xf32, #tpu.memory_space<vmem>> -> memref<1x1x16x128xf32, #tpu.memory_space<vmem>>
        %dma_start3A_73 = tpu.memref_squeeze %dma_start3A_72 : memref<1x1x16x128xf32, #tpu.memory_space<vmem>> -> memref<16x128xf32, #tpu.memory_space<vmem>>
        %dma_start3A_74 = arith.constant 0 : i32
        %dma_start3A_75 = tpu.memref_slice %arg3[%dma_start3A_74, %multiple_of3A_62] : memref<32x1000000xf32, #tpu.memory_space<hbm>> -> memref<16x128xf32, #tpu.memory_space<hbm>>
        tpu.enqueue_dma source(%dma_start3A_75 : memref<16x128xf32, #tpu.memory_space<hbm>>) target(%dma_start3A_73 : memref<16x128xf32, #tpu.memory_space<vmem>>) target_semaphore(%arg11 : memref<!tpu.dma_semaphore, #tpu.memory_space<semaphore_mem>>)
        %slice3A_76 = vector.extract_strided_slice %get3A_41 {offsets = [2], sizes = [1], strides = [1]} : vector<16xi32> to vector<1xi32>
        %squeeze3A_77 = vector.extract %slice3A_76[0] : i32 from vector<1xi32>
        %shift_right_arithmetic3A_78 = arith.constant 7 : i32
        %shift_right_arithmetic3A_79 = arith.shrsi %squeeze3A_77, %shift_right_arithmetic3A_78 : i32
        %shift_left3A_80 = arith.constant 7 : i32
        %shift_left3A_81 = arith.shli %shift_right_arithmetic3A_79, %shift_left3A_80 : i32
        %multiple_of3A_82 = tpu.assume_multiple %shift_left3A_81, 128 : i32
        %dma_start3A_83 = arith.constant 2 : i32
        %dma_start3A_84 = arith.constant 0 : i32
        %dma_start3A_85 = arith.constant 0 : i32
        %dma_start3A_86 = tpu.memref_slice %arg9[%rem3A_38, %dma_start3A_83, %dma_start3A_84, %dma_start3A_85] : memref<3x16x16x128xf32, #tpu.memory_space<vmem>> -> memref<1x1x16x128xf32, #tpu.memory_space<vmem>>
        %dma_start3A_87 = tpu.memref_squeeze %dma_start3A_86 : memref<1x1x16x128xf32, #tpu.memory_space<vmem>> -> memref<16x128xf32, #tpu.memory_space<vmem>>
        %dma_start3A_88 = arith.constant 0 : i32
        %dma_start3A_89 = tpu.memref_slice %arg3[%dma_start3A_88, %multiple_of3A_82] : memref<32x1000000xf32, #tpu.memory_space<hbm>> -> memref<16x128xf32, #tpu.memory_space<hbm>>
        %dma_start3A_90 = arith.constant 0 : i32
        %dma_start3A_91 = arith.constant 0 : i32
        %dma_start3A_92 = tpu.memref_slice %arg9[%rem3A_38, %dma_start3A_83, %dma_start3A_90, %dma_start3A_91] : memref<3x16x16x128xf32, #tpu.memory_space<vmem>> -> memref<1x1x16x128xf32, #tpu.memory_space<vmem>>
        %dma_start3A_93 = tpu.memref_squeeze %dma_start3A_92 : memref<1x1x16x128xf32, #tpu.memory_space<vmem>> -> memref<16x128xf32, #tpu.memory_space<vmem>>
        %dma_start3A_94 = arith.constant 0 : i32
        %dma_start3A_95 = tpu.memref_slice %arg3[%dma_start3A_94, %multiple_of3A_82] : memref<32x1000000xf32, #tpu.memory_space<hbm>> -> memref<16x128xf32, #tpu.memory_space<hbm>>
        tpu.enqueue_dma source(%dma_start3A_95 : memref<16x128xf32, #tpu.memory_space<hbm>>) target(%dma_start3A_93 : memref<16x128xf32, #tpu.memory_space<vmem>>) target_semaphore(%arg11 : memref<!tpu.dma_semaphore, #tpu.memory_space<semaphore_mem>>)
        %slice3A_96 = vector.extract_strided_slice %get3A_41 {offsets = [3], sizes = [1], strides = [1]} : vector<16xi32> to vector<1xi32>
        %squeeze3A_97 = vector.extract %slice3A_96[0] : i32 from vector<1xi32>
        %shift_right_arithmetic3A_98 = arith.constant 7 : i32
        %shift_right_arithmetic3A_99 = arith.shrsi %squeeze3A_97, %shift_right_arithmetic3A_98 : i32
        %shift_left3A_100 = arith.constant 7 : i32
        %shift_left3A_101 = arith.shli %shift_right_arithmetic3A_99, %shift_left3A_100 : i32
        %multiple_of3A_102 = tpu.assume_multiple %shift_left3A_101, 128 : i32
        %dma_start3A_103 = arith.constant 3 : i32
        %dma_start3A_104 = arith.constant 0 : i32
        %dma_start3A_105 = arith.constant 0 : i32
        %dma_start3A_106 = tpu.memref_slice %arg9[%rem3A_38, %dma_start3A_103, %dma_start3A_104, %dma_start3A_105] : memref<3x16x16x128xf32, #tpu.memory_space<vmem>> -> memref<1x1x16x128xf32, #tpu.memory_space<vmem>>
        %dma_start3A_107 = tpu.memref_squeeze %dma_start3A_106 : memref<1x1x16x128xf32, #tpu.memory_space<vmem>> -> memref<16x128xf32, #tpu.memory_space<vmem>>
        %dma_start3A_108 = arith.constant 0 : i32
        %dma_start3A_109 = tpu.memref_slice %arg3[%dma_start3A_108, %multiple_of3A_102] : memref<32x1000000xf32, #tpu.memory_space<hbm>> -> memref<16x128xf32, #tpu.memory_space<hbm>>
        %dma_start3A_110 = arith.constant 0 : i32
        %dma_start3A_111 = arith.constant 0 : i32
        %dma_start3A_112 = tpu.memref_slice %arg9[%rem3A_38, %dma_start3A_103, %dma_start3A_110, %dma_start3A_111] : memref<3x16x16x128xf32, #tpu.memory_space<vmem>> -> memref<1x1x16x128xf32, #tpu.memory_space<vmem>>
        %dma_start3A_113 = tpu.memref_squeeze %dma_start3A_112 : memref<1x1x16x128xf32, #tpu.memory_space<vmem>> -> memref<16x128xf32, #tpu.memory_space<vmem>>
        %dma_start3A_114 = arith.constant 0 : i32
        %dma_start3A_115 = tpu.memref_slice %arg3[%dma_start3A_114, %multiple_of3A_102] : memref<32x1000000xf32, #tpu.memory_space<hbm>> -> memref<16x128xf32, #tpu.memory_space<hbm>>
        tpu.enqueue_dma source(%dma_start3A_115 : memref<16x128xf32, #tpu.memory_space<hbm>>) target(%dma_start3A_113 : memref<16x128xf32, #tpu.memory_space<vmem>>) target_semaphore(%arg11 : memref<!tpu.dma_semaphore, #tpu.memory_space<semaphore_mem>>)
        %slice3A_116 = vector.extract_strided_slice %get3A_41 {offsets = [4], sizes = [1], strides = [1]} : vector<16xi32> to vector<1xi32>
        %squeeze3A_117 = vector.extract %slice3A_116[0] : i32 from vector<1xi32>
        %shift_right_arithmetic3A_118 = arith.constant 7 : i32
        %shift_right_arithmetic3A_119 = arith.shrsi %squeeze3A_117, %shift_right_arithmetic3A_118 : i32
        %shift_left3A_120 = arith.constant 7 : i32
        %shift_left3A_121 = arith.shli %shift_right_arithmetic3A_119, %shift_left3A_120 : i32
        %multiple_of3A_122 = tpu.assume_multiple %shift_left3A_121, 128 : i32
        %dma_start3A_123 = arith.constant 4 : i32
        %dma_start3A_124 = arith.constant 0 : i32
        %dma_start3A_125 = arith.constant 0 : i32
        %dma_start3A_126 = tpu.memref_slice %arg9[%rem3A_38, %dma_start3A_123, %dma_start3A_124, %dma_start3A_125] : memref<3x16x16x128xf32, #tpu.memory_space<vmem>> -> memref<1x1x16x128xf32, #tpu.memory_space<vmem>>
        %dma_start3A_127 = tpu.memref_squeeze %dma_start3A_126 : memref<1x1x16x128xf32, #tpu.memory_space<vmem>> -> memref<16x128xf32, #tpu.memory_space<vmem>>
        %dma_start3A_128 = arith.constant 0 : i32
        %dma_start3A_129 = tpu.memref_slice %arg3[%dma_start3A_128, %multiple_of3A_122] : memref<32x1000000xf32, #tpu.memory_space<hbm>> -> memref<16x128xf32, #tpu.memory_space<hbm>>
        %dma_start3A_130 = arith.constant 0 : i32
        %dma_start3A_131 = arith.constant 0 : i32
        %dma_start3A_132 = tpu.memref_slice %arg9[%rem3A_38, %dma_start3A_123, %dma_start3A_130, %dma_start3A_131] : memref<3x16x16x128xf32, #tpu.memory_space<vmem>> -> memref<1x1x16x128xf32, #tpu.memory_space<vmem>>
        %dma_start3A_133 = tpu.memref_squeeze %dma_start3A_132 : memref<1x1x16x128xf32, #tpu.memory_space<vmem>> -> memref<16x128xf32, #tpu.memory_space<vmem>>
        %dma_start3A_134 = arith.constant 0 : i32
        %dma_start3A_135 = tpu.memref_slice %arg3[%dma_start3A_134, %multiple_of3A_122] : memref<32x1000000xf32, #tpu.memory_space<hbm>> -> memref<16x128xf32, #tpu.memory_space<hbm>>
        tpu.enqueue_dma source(%dma_start3A_135 : memref<16x128xf32, #tpu.memory_space<hbm>>) target(%dma_start3A_133 : memref<16x128xf32, #tpu.memory_space<vmem>>) target_semaphore(%arg11 : memref<!tpu.dma_semaphore, #tpu.memory_space<semaphore_mem>>)
        %slice3A_136 = vector.extract_strided_slice %get3A_41 {offsets = [5], sizes = [1], strides = [1]} : vector<16xi32> to vector<1xi32>
        %squeeze3A_137 = vector.extract %slice3A_136[0] : i32 from vector<1xi32>
        %shift_right_arithmetic3A_138 = arith.constant 7 : i32
        %shift_right_arithmetic3A_139 = arith.shrsi %squeeze3A_137, %shift_right_arithmetic3A_138 : i32
        %shift_left3A_140 = arith.constant 7 : i32
        %shift_left3A_141 = arith.shli %shift_right_arithmetic3A_139, %shift_left3A_140 : i32
        %multiple_of3A_142 = tpu.assume_multiple %shift_left3A_141, 128 : i32
        %dma_start3A_143 = arith.constant 5 : i32
        %dma_start3A_144 = arith.constant 0 : i32
        %dma_start3A_145 = arith.constant 0 : i32
        %dma_start3A_146 = tpu.memref_slice %arg9[%rem3A_38, %dma_start3A_143, %dma_start3A_144, %dma_start3A_145] : memref<3x16x16x128xf32, #tpu.memory_space<vmem>> -> memref<1x1x16x128xf32, #tpu.memory_space<vmem>>
        %dma_start3A_147 = tpu.memref_squeeze %dma_start3A_146 : memref<1x1x16x128xf32, #tpu.memory_space<vmem>> -> memref<16x128xf32, #tpu.memory_space<vmem>>
        %dma_start3A_148 = arith.constant 0 : i32
        %dma_start3A_149 = tpu.memref_slice %arg3[%dma_start3A_148, %multiple_of3A_142] : memref<32x1000000xf32, #tpu.memory_space<hbm>> -> memref<16x128xf32, #tpu.memory_space<hbm>>
        %dma_start3A_150 = arith.constant 0 : i32
        %dma_start3A_151 = arith.constant 0 : i32
        %dma_start3A_152 = tpu.memref_slice %arg9[%rem3A_38, %dma_start3A_143, %dma_start3A_150, %dma_start3A_151] : memref<3x16x16x128xf32, #tpu.memory_space<vmem>> -> memref<1x1x16x128xf32, #tpu.memory_space<vmem>>
        %dma_start3A_153 = tpu.memref_squeeze %dma_start3A_152 : memref<1x1x16x128xf32, #tpu.memory_space<vmem>> -> memref<16x128xf32, #tpu.memory_space<vmem>>
        %dma_start3A_154 = arith.constant 0 : i32
        %dma_start3A_155 = tpu.memref_slice %arg3[%dma_start3A_154, %multiple_of3A_142] : memref<32x1000000xf32, #tpu.memory_space<hbm>> -> memref<16x128xf32, #tpu.memory_space<hbm>>
        tpu.enqueue_dma source(%dma_start3A_155 : memref<16x128xf32, #tpu.memory_space<hbm>>) target(%dma_start3A_153 : memref<16x128xf32, #tpu.memory_space<vmem>>) target_semaphore(%arg11 : memref<!tpu.dma_semaphore, #tpu.memory_space<semaphore_mem>>)
        %slice3A_156 = vector.extract_strided_slice %get3A_41 {offsets = [6], sizes = [1], strides = [1]} : vector<16xi32> to vector<1xi32>
        %squeeze3A_157 = vector.extract %slice3A_156[0] : i32 from vector<1xi32>
        %shift_right_arithmetic3A_158 = arith.constant 7 : i32
        %shift_right_arithmetic3A_159 = arith.shrsi %squeeze3A_157, %shift_right_arithmetic3A_158 : i32
        %shift_left3A_160 = arith.constant 7 : i32
        %shift_left3A_161 = arith.shli %shift_right_arithmetic3A_159, %shift_left3A_160 : i32
        %multiple_of3A_162 = tpu.assume_multiple %shift_left3A_161, 128 : i32
        %dma_start3A_163 = arith.constant 6 : i32
        %dma_start3A_164 = arith.constant 0 : i32
        %dma_start3A_165 = arith.constant 0 : i32
        %dma_start3A_166 = tpu.memref_slice %arg9[%rem3A_38, %dma_start3A_163, %dma_start3A_164, %dma_start3A_165] : memref<3x16x16x128xf32, #tpu.memory_space<vmem>> -> memref<1x1x16x128xf32, #tpu.memory_space<vmem>>
        %dma_start3A_167 = tpu.memref_squeeze %dma_start3A_166 : memref<1x1x16x128xf32, #tpu.memory_space<vmem>> -> memref<16x128xf32, #tpu.memory_space<vmem>>
        %dma_start3A_168 = arith.constant 0 : i32
        %dma_start3A_169 = tpu.memref_slice %arg3[%dma_start3A_168, %multiple_of3A_162] : memref<32x1000000xf32, #tpu.memory_space<hbm>> -> memref<16x128xf32, #tpu.memory_space<hbm>>
        %dma_start3A_170 = arith.constant 0 : i32
        %dma_start3A_171 = arith.constant 0 : i32
        %dma_start3A_172 = tpu.memref_slice %arg9[%rem3A_38, %dma_start3A_163, %dma_start3A_170, %dma_start3A_171] : memref<3x16x16x128xf32, #tpu.memory_space<vmem>> -> memref<1x1x16x128xf32, #tpu.memory_space<vmem>>
        %dma_start3A_173 = tpu.memref_squeeze %dma_start3A_172 : memref<1x1x16x128xf32, #tpu.memory_space<vmem>> -> memref<16x128xf32, #tpu.memory_space<vmem>>
        %dma_start3A_174 = arith.constant 0 : i32
        %dma_start3A_175 = tpu.memref_slice %arg3[%dma_start3A_174, %multiple_of3A_162] : memref<32x1000000xf32, #tpu.memory_space<hbm>> -> memref<16x128xf32, #tpu.memory_space<hbm>>
        tpu.enqueue_dma source(%dma_start3A_175 : memref<16x128xf32, #tpu.memory_space<hbm>>) target(%dma_start3A_173 : memref<16x128xf32, #tpu.memory_space<vmem>>) target_semaphore(%arg11 : memref<!tpu.dma_semaphore, #tpu.memory_space<semaphore_mem>>)
        %slice3A_176 = vector.extract_strided_slice %get3A_41 {offsets = [7], sizes = [1], strides = [1]} : vector<16xi32> to vector<1xi32>
        %squeeze3A_177 = vector.extract %slice3A_176[0] : i32 from vector<1xi32>
        %shift_right_arithmetic3A_178 = arith.constant 7 : i32
        %shift_right_arithmetic3A_179 = arith.shrsi %squeeze3A_177, %shift_right_arithmetic3A_178 : i32
        %shift_left3A_180 = arith.constant 7 : i32
        %shift_left3A_181 = arith.shli %shift_right_arithmetic3A_179, %shift_left3A_180 : i32
        %multiple_of3A_182 = tpu.assume_multiple %shift_left3A_181, 128 : i32
        %dma_start3A_183 = arith.constant 7 : i32
        %dma_start3A_184 = arith.constant 0 : i32
        %dma_start3A_185 = arith.constant 0 : i32
        %dma_start3A_186 = tpu.memref_slice %arg9[%rem3A_38, %dma_start3A_183, %dma_start3A_184, %dma_start3A_185] : memref<3x16x16x128xf32, #tpu.memory_space<vmem>> -> memref<1x1x16x128xf32, #tpu.memory_space<vmem>>
        %dma_start3A_187 = tpu.memref_squeeze %dma_start3A_186 : memref<1x1x16x128xf32, #tpu.memory_space<vmem>> -> memref<16x128xf32, #tpu.memory_space<vmem>>
        %dma_start3A_188 = arith.constant 0 : i32
        %dma_start3A_189 = tpu.memref_slice %arg3[%dma_start3A_188, %multiple_of3A_182] : memref<32x1000000xf32, #tpu.memory_space<hbm>> -> memref<16x128xf32, #tpu.memory_space<hbm>>
        %dma_start3A_190 = arith.constant 0 : i32
        %dma_start3A_191 = arith.constant 0 : i32
        %dma_start3A_192 = tpu.memref_slice %arg9[%rem3A_38, %dma_start3A_183, %dma_start3A_190, %dma_start3A_191] : memref<3x16x16x128xf32, #tpu.memory_space<vmem>> -> memref<1x1x16x128xf32, #tpu.memory_space<vmem>>
        %dma_start3A_193 = tpu.memref_squeeze %dma_start3A_192 : memref<1x1x16x128xf32, #tpu.memory_space<vmem>> -> memref<16x128xf32, #tpu.memory_space<vmem>>
        %dma_start3A_194 = arith.constant 0 : i32
        %dma_start3A_195 = tpu.memref_slice %arg3[%dma_start3A_194, %multiple_of3A_182] : memref<32x1000000xf32, #tpu.memory_space<hbm>> -> memref<16x128xf32, #tpu.memory_space<hbm>>
        tpu.enqueue_dma source(%dma_start3A_195 : memref<16x128xf32, #tpu.memory_space<hbm>>) target(%dma_start3A_193 : memref<16x128xf32, #tpu.memory_space<vmem>>) target_semaphore(%arg11 : memref<!tpu.dma_semaphore, #tpu.memory_space<semaphore_mem>>)
        %slice3A_196 = vector.extract_strided_slice %get3A_41 {offsets = [8], sizes = [1], strides = [1]} : vector<16xi32> to vector<1xi32>
        %squeeze3A_197 = vector.extract %slice3A_196[0] : i32 from vector<1xi32>
        %shift_right_arithmetic3A_198 = arith.constant 7 : i32
        %shift_right_arithmetic3A_199 = arith.shrsi %squeeze3A_197, %shift_right_arithmetic3A_198 : i32
        %shift_left3A_200 = arith.constant 7 : i32
        %shift_left3A_201 = arith.shli %shift_right_arithmetic3A_199, %shift_left3A_200 : i32
        %multiple_of3A_202 = tpu.assume_multiple %shift_left3A_201, 128 : i32
        %dma_start3A_203 = arith.constant 8 : i32
        %dma_start3A_204 = arith.constant 0 : i32
        %dma_start3A_205 = arith.constant 0 : i32
        %dma_start3A_206 = tpu.memref_slice %arg9[%rem3A_38, %dma_start3A_203, %dma_start3A_204, %dma_start3A_205] : memref<3x16x16x128xf32, #tpu.memory_space<vmem>> -> memref<1x1x16x128xf32, #tpu.memory_space<vmem>>
        %dma_start3A_207 = tpu.memref_squeeze %dma_start3A_206 : memref<1x1x16x128xf32, #tpu.memory_space<vmem>> -> memref<16x128xf32, #tpu.memory_space<vmem>>
        %dma_start3A_208 = arith.constant 0 : i32
        %dma_start3A_209 = tpu.memref_slice %arg3[%dma_start3A_208, %multiple_of3A_202] : memref<32x1000000xf32, #tpu.memory_space<hbm>> -> memref<16x128xf32, #tpu.memory_space<hbm>>
        %dma_start3A_210 = arith.constant 0 : i32
        %dma_start3A_211 = arith.constant 0 : i32
        %dma_start3A_212 = tpu.memref_slice %arg9[%rem3A_38, %dma_start3A_203, %dma_start3A_210, %dma_start3A_211] : memref<3x16x16x128xf32, #tpu.memory_space<vmem>> -> memref<1x1x16x128xf32, #tpu.memory_space<vmem>>
        %dma_start3A_213 = tpu.memref_squeeze %dma_start3A_212 : memref<1x1x16x128xf32, #tpu.memory_space<vmem>> -> memref<16x128xf32, #tpu.memory_space<vmem>>
        %dma_start3A_214 = arith.constant 0 : i32
        %dma_start3A_215 = tpu.memref_slice %arg3[%dma_start3A_214, %multiple_of3A_202] : memref<32x1000000xf32, #tpu.memory_space<hbm>> -> memref<16x128xf32, #tpu.memory_space<hbm>>
        tpu.enqueue_dma source(%dma_start3A_215 : memref<16x128xf32, #tpu.memory_space<hbm>>) target(%dma_start3A_213 : memref<16x128xf32, #tpu.memory_space<vmem>>) target_semaphore(%arg11 : memref<!tpu.dma_semaphore, #tpu.memory_space<semaphore_mem>>)
        %slice3A_216 = vector.extract_strided_slice %get3A_41 {offsets = [9], sizes = [1], strides = [1]} : vector<16xi32> to vector<1xi32>
        %squeeze3A_217 = vector.extract %slice3A_216[0] : i32 from vector<1xi32>
        %shift_right_arithmetic3A_218 = arith.constant 7 : i32
        %shift_right_arithmetic3A_219 = arith.shrsi %squeeze3A_217, %shift_right_arithmetic3A_218 : i32
        %shift_left3A_220 = arith.constant 7 : i32
        %shift_left3A_221 = arith.shli %shift_right_arithmetic3A_219, %shift_left3A_220 : i32
        %multiple_of3A_222 = tpu.assume_multiple %shift_left3A_221, 128 : i32
        %dma_start3A_223 = arith.constant 9 : i32
        %dma_start3A_224 = arith.constant 0 : i32
        %dma_start3A_225 = arith.constant 0 : i32
        %dma_start3A_226 = tpu.memref_slice %arg9[%rem3A_38, %dma_start3A_223, %dma_start3A_224, %dma_start3A_225] : memref<3x16x16x128xf32, #tpu.memory_space<vmem>> -> memref<1x1x16x128xf32, #tpu.memory_space<vmem>>
        %dma_start3A_227 = tpu.memref_squeeze %dma_start3A_226 : memref<1x1x16x128xf32, #tpu.memory_space<vmem>> -> memref<16x128xf32, #tpu.memory_space<vmem>>
        %dma_start3A_228 = arith.constant 0 : i32
        %dma_start3A_229 = tpu.memref_slice %arg3[%dma_start3A_228, %multiple_of3A_222] : memref<32x1000000xf32, #tpu.memory_space<hbm>> -> memref<16x128xf32, #tpu.memory_space<hbm>>
        %dma_start3A_230 = arith.constant 0 : i32
        %dma_start3A_231 = arith.constant 0 : i32
        %dma_start3A_232 = tpu.memref_slice %arg9[%rem3A_38, %dma_start3A_223, %dma_start3A_230, %dma_start3A_231] : memref<3x16x16x128xf32, #tpu.memory_space<vmem>> -> memref<1x1x16x128xf32, #tpu.memory_space<vmem>>
        %dma_start3A_233 = tpu.memref_squeeze %dma_start3A_232 : memref<1x1x16x128xf32, #tpu.memory_space<vmem>> -> memref<16x128xf32, #tpu.memory_space<vmem>>
        %dma_start3A_234 = arith.constant 0 : i32
        %dma_start3A_235 = tpu.memref_slice %arg3[%dma_start3A_234, %multiple_of3A_222] : memref<32x1000000xf32, #tpu.memory_space<hbm>> -> memref<16x128xf32, #tpu.memory_space<hbm>>
        tpu.enqueue_dma source(%dma_start3A_235 : memref<16x128xf32, #tpu.memory_space<hbm>>) target(%dma_start3A_233 : memref<16x128xf32, #tpu.memory_space<vmem>>) target_semaphore(%arg11 : memref<!tpu.dma_semaphore, #tpu.memory_space<semaphore_mem>>)
        %slice3A_236 = vector.extract_strided_slice %get3A_41 {offsets = [10], sizes = [1], strides = [1]} : vector<16xi32> to vector<1xi32>
        %squeeze3A_237 = vector.extract %slice3A_236[0] : i32 from vector<1xi32>
        %shift_right_arithmetic3A_238 = arith.constant 7 : i32
        %shift_right_arithmetic3A_239 = arith.shrsi %squeeze3A_237, %shift_right_arithmetic3A_238 : i32
        %shift_left3A_240 = arith.constant 7 : i32
        %shift_left3A_241 = arith.shli %shift_right_arithmetic3A_239, %shift_left3A_240 : i32
        %multiple_of3A_242 = tpu.assume_multiple %shift_left3A_241, 128 : i32
        %dma_start3A_243 = arith.constant 10 : i32
        %dma_start3A_244 = arith.constant 0 : i32
        %dma_start3A_245 = arith.constant 0 : i32
        %dma_start3A_246 = tpu.memref_slice %arg9[%rem3A_38, %dma_start3A_243, %dma_start3A_244, %dma_start3A_245] : memref<3x16x16x128xf32, #tpu.memory_space<vmem>> -> memref<1x1x16x128xf32, #tpu.memory_space<vmem>>
        %dma_start3A_247 = tpu.memref_squeeze %dma_start3A_246 : memref<1x1x16x128xf32, #tpu.memory_space<vmem>> -> memref<16x128xf32, #tpu.memory_space<vmem>>
        %dma_start3A_248 = arith.constant 0 : i32
        %dma_start3A_249 = tpu.memref_slice %arg3[%dma_start3A_248, %multiple_of3A_242] : memref<32x1000000xf32, #tpu.memory_space<hbm>> -> memref<16x128xf32, #tpu.memory_space<hbm>>
        %dma_start3A_250 = arith.constant 0 : i32
        %dma_start3A_251 = arith.constant 0 : i32
        %dma_start3A_252 = tpu.memref_slice %arg9[%rem3A_38, %dma_start3A_243, %dma_start3A_250, %dma_start3A_251] : memref<3x16x16x128xf32, #tpu.memory_space<vmem>> -> memref<1x1x16x128xf32, #tpu.memory_space<vmem>>
        %dma_start3A_253 = tpu.memref_squeeze %dma_start3A_252 : memref<1x1x16x128xf32, #tpu.memory_space<vmem>> -> memref<16x128xf32, #tpu.memory_space<vmem>>
        %dma_start3A_254 = arith.constant 0 : i32
        %dma_start3A_255 = tpu.memref_slice %arg3[%dma_start3A_254, %multiple_of3A_242] : memref<32x1000000xf32, #tpu.memory_space<hbm>> -> memref<16x128xf32, #tpu.memory_space<hbm>>
        tpu.enqueue_dma source(%dma_start3A_255 : memref<16x128xf32, #tpu.memory_space<hbm>>) target(%dma_start3A_253 : memref<16x128xf32, #tpu.memory_space<vmem>>) target_semaphore(%arg11 : memref<!tpu.dma_semaphore, #tpu.memory_space<semaphore_mem>>)
        %slice3A_256 = vector.extract_strided_slice %get3A_41 {offsets = [11], sizes = [1], strides = [1]} : vector<16xi32> to vector<1xi32>
        %squeeze3A_257 = vector.extract %slice3A_256[0] : i32 from vector<1xi32>
        %shift_right_arithmetic3A_258 = arith.constant 7 : i32
        %shift_right_arithmetic3A_259 = arith.shrsi %squeeze3A_257, %shift_right_arithmetic3A_258 : i32
        %shift_left3A_260 = arith.constant 7 : i32
        %shift_left3A_261 = arith.shli %shift_right_arithmetic3A_259, %shift_left3A_260 : i32
        %multiple_of3A_262 = tpu.assume_multiple %shift_left3A_261, 128 : i32
        %dma_start3A_263 = arith.constant 11 : i32
        %dma_start3A_264 = arith.constant 0 : i32
        %dma_start3A_265 = arith.constant 0 : i32
        %dma_start3A_266 = tpu.memref_slice %arg9[%rem3A_38, %dma_start3A_263, %dma_start3A_264, %dma_start3A_265] : memref<3x16x16x128xf32, #tpu.memory_space<vmem>> -> memref<1x1x16x128xf32, #tpu.memory_space<vmem>>
        %dma_start3A_267 = tpu.memref_squeeze %dma_start3A_266 : memref<1x1x16x128xf32, #tpu.memory_space<vmem>> -> memref<16x128xf32, #tpu.memory_space<vmem>>
        %dma_start3A_268 = arith.constant 0 : i32
        %dma_start3A_269 = tpu.memref_slice %arg3[%dma_start3A_268, %multiple_of3A_262] : memref<32x1000000xf32, #tpu.memory_space<hbm>> -> memref<16x128xf32, #tpu.memory_space<hbm>>
        %dma_start3A_270 = arith.constant 0 : i32
        %dma_start3A_271 = arith.constant 0 : i32
        %dma_start3A_272 = tpu.memref_slice %arg9[%rem3A_38, %dma_start3A_263, %dma_start3A_270, %dma_start3A_271] : memref<3x16x16x128xf32, #tpu.memory_space<vmem>> -> memref<1x1x16x128xf32, #tpu.memory_space<vmem>>
        %dma_start3A_273 = tpu.memref_squeeze %dma_start3A_272 : memref<1x1x16x128xf32, #tpu.memory_space<vmem>> -> memref<16x128xf32, #tpu.memory_space<vmem>>
        %dma_start3A_274 = arith.constant 0 : i32
        %dma_start3A_275 = tpu.memref_slice %arg3[%dma_start3A_274, %multiple_of3A_262] : memref<32x1000000xf32, #tpu.memory_space<hbm>> -> memref<16x128xf32, #tpu.memory_space<hbm>>
        tpu.enqueue_dma source(%dma_start3A_275 : memref<16x128xf32, #tpu.memory_space<hbm>>) target(%dma_start3A_273 : memref<16x128xf32, #tpu.memory_space<vmem>>) target_semaphore(%arg11 : memref<!tpu.dma_semaphore, #tpu.memory_space<semaphore_mem>>)
        %slice3A_276 = vector.extract_strided_slice %get3A_41 {offsets = [12], sizes = [1], strides = [1]} : vector<16xi32> to vector<1xi32>
        %squeeze3A_277 = vector.extract %slice3A_276[0] : i32 from vector<1xi32>
        %shift_right_arithmetic3A_278 = arith.constant 7 : i32
        %shift_right_arithmetic3A_279 = arith.shrsi %squeeze3A_277, %shift_right_arithmetic3A_278 : i32
        %shift_left3A_280 = arith.constant 7 : i32
        %shift_left3A_281 = arith.shli %shift_right_arithmetic3A_279, %shift_left3A_280 : i32
        %multiple_of3A_282 = tpu.assume_multiple %shift_left3A_281, 128 : i32
        %dma_start3A_283 = arith.constant 12 : i32
        %dma_start3A_284 = arith.constant 0 : i32
        %dma_start3A_285 = arith.constant 0 : i32
        %dma_start3A_286 = tpu.memref_slice %arg9[%rem3A_38, %dma_start3A_283, %dma_start3A_284, %dma_start3A_285] : memref<3x16x16x128xf32, #tpu.memory_space<vmem>> -> memref<1x1x16x128xf32, #tpu.memory_space<vmem>>
        %dma_start3A_287 = tpu.memref_squeeze %dma_start3A_286 : memref<1x1x16x128xf32, #tpu.memory_space<vmem>> -> memref<16x128xf32, #tpu.memory_space<vmem>>
        %dma_start3A_288 = arith.constant 0 : i32
        %dma_start3A_289 = tpu.memref_slice %arg3[%dma_start3A_288, %multiple_of3A_282] : memref<32x1000000xf32, #tpu.memory_space<hbm>> -> memref<16x128xf32, #tpu.memory_space<hbm>>
        %dma_start3A_290 = arith.constant 0 : i32
        %dma_start3A_291 = arith.constant 0 : i32
        %dma_start3A_292 = tpu.memref_slice %arg9[%rem3A_38, %dma_start3A_283, %dma_start3A_290, %dma_start3A_291] : memref<3x16x16x128xf32, #tpu.memory_space<vmem>> -> memref<1x1x16x128xf32, #tpu.memory_space<vmem>>
        %dma_start3A_293 = tpu.memref_squeeze %dma_start3A_292 : memref<1x1x16x128xf32, #tpu.memory_space<vmem>> -> memref<16x128xf32, #tpu.memory_space<vmem>>
        %dma_start3A_294 = arith.constant 0 : i32
        %dma_start3A_295 = tpu.memref_slice %arg3[%dma_start3A_294, %multiple_of3A_282] : memref<32x1000000xf32, #tpu.memory_space<hbm>> -> memref<16x128xf32, #tpu.memory_space<hbm>>
        tpu.enqueue_dma source(%dma_start3A_295 : memref<16x128xf32, #tpu.memory_space<hbm>>) target(%dma_start3A_293 : memref<16x128xf32, #tpu.memory_space<vmem>>) target_semaphore(%arg11 : memref<!tpu.dma_semaphore, #tpu.memory_space<semaphore_mem>>)
        %slice3A_296 = vector.extract_strided_slice %get3A_41 {offsets = [13], sizes = [1], strides = [1]} : vector<16xi32> to vector<1xi32>
        %squeeze3A_297 = vector.extract %slice3A_296[0] : i32 from vector<1xi32>
        %shift_right_arithmetic3A_298 = arith.constant 7 : i32
        %shift_right_arithmetic3A_299 = arith.shrsi %squeeze3A_297, %shift_right_arithmetic3A_298 : i32
        %shift_left3A_300 = arith.constant 7 : i32
        %shift_left3A_301 = arith.shli %shift_right_arithmetic3A_299, %shift_left3A_300 : i32
        %multiple_of3A_302 = tpu.assume_multiple %shift_left3A_301, 128 : i32
        %dma_start3A_303 = arith.constant 13 : i32
        %dma_start3A_304 = arith.constant 0 : i32
        %dma_start3A_305 = arith.constant 0 : i32
        %dma_start3A_306 = tpu.memref_slice %arg9[%rem3A_38, %dma_start3A_303, %dma_start3A_304, %dma_start3A_305] : memref<3x16x16x128xf32, #tpu.memory_space<vmem>> -> memref<1x1x16x128xf32, #tpu.memory_space<vmem>>
        %dma_start3A_307 = tpu.memref_squeeze %dma_start3A_306 : memref<1x1x16x128xf32, #tpu.memory_space<vmem>> -> memref<16x128xf32, #tpu.memory_space<vmem>>
        %dma_start3A_308 = arith.constant 0 : i32
        %dma_start3A_309 = tpu.memref_slice %arg3[%dma_start3A_308, %multiple_of3A_302] : memref<32x1000000xf32, #tpu.memory_space<hbm>> -> memref<16x128xf32, #tpu.memory_space<hbm>>
        %dma_start3A_310 = arith.constant 0 : i32
        %dma_start3A_311 = arith.constant 0 : i32
        %dma_start3A_312 = tpu.memref_slice %arg9[%rem3A_38, %dma_start3A_303, %dma_start3A_310, %dma_start3A_311] : memref<3x16x16x128xf32, #tpu.memory_space<vmem>> -> memref<1x1x16x128xf32, #tpu.memory_space<vmem>>
        %dma_start3A_313 = tpu.memref_squeeze %dma_start3A_312 : memref<1x1x16x128xf32, #tpu.memory_space<vmem>> -> memref<16x128xf32, #tpu.memory_space<vmem>>
        %dma_start3A_314 = arith.constant 0 : i32
        %dma_start3A_315 = tpu.memref_slice %arg3[%dma_start3A_314, %multiple_of3A_302] : memref<32x1000000xf32, #tpu.memory_space<hbm>> -> memref<16x128xf32, #tpu.memory_space<hbm>>
        tpu.enqueue_dma source(%dma_start3A_315 : memref<16x128xf32, #tpu.memory_space<hbm>>) target(%dma_start3A_313 : memref<16x128xf32, #tpu.memory_space<vmem>>) target_semaphore(%arg11 : memref<!tpu.dma_semaphore, #tpu.memory_space<semaphore_mem>>)
        %slice3A_316 = vector.extract_strided_slice %get3A_41 {offsets = [14], sizes = [1], strides = [1]} : vector<16xi32> to vector<1xi32>
        %squeeze3A_317 = vector.extract %slice3A_316[0] : i32 from vector<1xi32>
        %shift_right_arithmetic3A_318 = arith.constant 7 : i32
        %shift_right_arithmetic3A_319 = arith.shrsi %squeeze3A_317, %shift_right_arithmetic3A_318 : i32
        %shift_left3A_320 = arith.constant 7 : i32
        %shift_left3A_321 = arith.shli %shift_right_arithmetic3A_319, %shift_left3A_320 : i32
        %multiple_of3A_322 = tpu.assume_multiple %shift_left3A_321, 128 : i32
        %dma_start3A_323 = arith.constant 14 : i32
        %dma_start3A_324 = arith.constant 0 : i32
        %dma_start3A_325 = arith.constant 0 : i32
        %dma_start3A_326 = tpu.memref_slice %arg9[%rem3A_38, %dma_start3A_323, %dma_start3A_324, %dma_start3A_325] : memref<3x16x16x128xf32, #tpu.memory_space<vmem>> -> memref<1x1x16x128xf32, #tpu.memory_space<vmem>>
        %dma_start3A_327 = tpu.memref_squeeze %dma_start3A_326 : memref<1x1x16x128xf32, #tpu.memory_space<vmem>> -> memref<16x128xf32, #tpu.memory_space<vmem>>
        %dma_start3A_328 = arith.constant 0 : i32
        %dma_start3A_329 = tpu.memref_slice %arg3[%dma_start3A_328, %multiple_of3A_322] : memref<32x1000000xf32, #tpu.memory_space<hbm>> -> memref<16x128xf32, #tpu.memory_space<hbm>>
        %dma_start3A_330 = arith.constant 0 : i32
        %dma_start3A_331 = arith.constant 0 : i32
        %dma_start3A_332 = tpu.memref_slice %arg9[%rem3A_38, %dma_start3A_323, %dma_start3A_330, %dma_start3A_331] : memref<3x16x16x128xf32, #tpu.memory_space<vmem>> -> memref<1x1x16x128xf32, #tpu.memory_space<vmem>>
        %dma_start3A_333 = tpu.memref_squeeze %dma_start3A_332 : memref<1x1x16x128xf32, #tpu.memory_space<vmem>> -> memref<16x128xf32, #tpu.memory_space<vmem>>
        %dma_start3A_334 = arith.constant 0 : i32
        %dma_start3A_335 = tpu.memref_slice %arg3[%dma_start3A_334, %multiple_of3A_322] : memref<32x1000000xf32, #tpu.memory_space<hbm>> -> memref<16x128xf32, #tpu.memory_space<hbm>>
        tpu.enqueue_dma source(%dma_start3A_335 : memref<16x128xf32, #tpu.memory_space<hbm>>) target(%dma_start3A_333 : memref<16x128xf32, #tpu.memory_space<vmem>>) target_semaphore(%arg11 : memref<!tpu.dma_semaphore, #tpu.memory_space<semaphore_mem>>)
        %slice3A_336 = vector.extract_strided_slice %get3A_41 {offsets = [15], sizes = [1], strides = [1]} : vector<16xi32> to vector<1xi32>
        %squeeze3A_337 = vector.extract %slice3A_336[0] : i32 from vector<1xi32>
        %shift_right_arithmetic3A_338 = arith.constant 7 : i32
        %shift_right_arithmetic3A_339 = arith.shrsi %squeeze3A_337, %shift_right_arithmetic3A_338 : i32
        %shift_left3A_340 = arith.constant 7 : i32
        %shift_left3A_341 = arith.shli %shift_right_arithmetic3A_339, %shift_left3A_340 : i32
        %multiple_of3A_342 = tpu.assume_multiple %shift_left3A_341, 128 : i32
        %dma_start3A_343 = arith.constant 15 : i32
        %dma_start3A_344 = arith.constant 0 : i32
        %dma_start3A_345 = arith.constant 0 : i32
        %dma_start3A_346 = tpu.memref_slice %arg9[%rem3A_38, %dma_start3A_343, %dma_start3A_344, %dma_start3A_345] : memref<3x16x16x128xf32, #tpu.memory_space<vmem>> -> memref<1x1x16x128xf32, #tpu.memory_space<vmem>>
        %dma_start3A_347 = tpu.memref_squeeze %dma_start3A_346 : memref<1x1x16x128xf32, #tpu.memory_space<vmem>> -> memref<16x128xf32, #tpu.memory_space<vmem>>
        %dma_start3A_348 = arith.constant 0 : i32
        %dma_start3A_349 = tpu.memref_slice %arg3[%dma_start3A_348, %multiple_of3A_342] : memref<32x1000000xf32, #tpu.memory_space<hbm>> -> memref<16x128xf32, #tpu.memory_space<hbm>>
        %dma_start3A_350 = arith.constant 0 : i32
        %dma_start3A_351 = arith.constant 0 : i32
        %dma_start3A_352 = tpu.memref_slice %arg9[%rem3A_38, %dma_start3A_343, %dma_start3A_350, %dma_start3A_351] : memref<3x16x16x128xf32, #tpu.memory_space<vmem>> -> memref<1x1x16x128xf32, #tpu.memory_space<vmem>>
        %dma_start3A_353 = tpu.memref_squeeze %dma_start3A_352 : memref<1x1x16x128xf32, #tpu.memory_space<vmem>> -> memref<16x128xf32, #tpu.memory_space<vmem>>
        %dma_start3A_354 = arith.constant 0 : i32
        %dma_start3A_355 = tpu.memref_slice %arg3[%dma_start3A_354, %multiple_of3A_342] : memref<32x1000000xf32, #tpu.memory_space<hbm>> -> memref<16x128xf32, #tpu.memory_space<hbm>>
        tpu.enqueue_dma source(%dma_start3A_355 : memref<16x128xf32, #tpu.memory_space<hbm>>) target(%dma_start3A_353 : memref<16x128xf32, #tpu.memory_space<vmem>>) target_semaphore(%arg11 : memref<!tpu.dma_semaphore, #tpu.memory_space<semaphore_mem>>)
      } else {
      }
      %ge3A_33 = arith.constant 2 : i32
      %ge3A_34 = arith.cmpi sge, %scan3A_26, %ge3A_33 : i32
      %convert_element_type3A_35 = arith.extui %ge3A_34 : i1 to i32
      %cond3A_36 = arith.constant 0 : i32
      %cond3A_37 = arith.cmpi ne, %convert_element_type3A_35, %cond3A_36 : i32
      scf.if %cond3A_37 {
        %sub3A = arith.constant 2 : i32
        %sub3A_38 = arith.subi %scan3A_26, %sub3A : i32
        %rem3A = arith.constant 3 : i32
        %rem3A_39 = arith.remsi %sub3A_38, %rem3A : i32
        %sub3A_40 = arith.constant 2 : i32
        %sub3A_41 = arith.subi %scan3A_26, %sub3A_40 : i32
        %mul3A_42 = arith.constant 16 : i32
        %mul3A_43 = arith.muli %sub3A_41, %mul3A_42 : i32
        %get3A = arith.index_cast %mul3A_43 : i32 to index
        %get3A_44 = tpu.vector_load %arg8[%get3A] {strides = array<i32>} : memref<512xi32, #tpu.memory_space<vmem>>, vector<16xi32>,
        %and3A = arith.constant 127 : i32
        %and3A_45 = vector.broadcast %and3A : i32 to vector<16xi32>
        %and3A_46 = arith.andi %get3A_44, %and3A_45 : vector<16xi32>
        %mul3A_47 = arith.constant 0 : i32
        %mul3A_48 = vector.broadcast %mul3A_47 : i32 to vector<16xi32>
        %mul3A_49 = arith.muli %iota3A, %mul3A_48 : vector<16xi32>
        %add3A_50 = arith.constant 0 : i32
        %add3A_51 = vector.broadcast %add3A_50 : i32 to vector<16xi32>
        %add3A_52 = arith.addi %mul3A_49, %add3A_51 : vector<16xi32>
        %gather3A = arith.constant 0 : i32
        %gather3A_53 = arith.constant 0 : i32
        %gather3A_54 = arith.constant 0 : i32
        %gather3A_55 = tpu.memref_slice %arg9[%rem3A_39, %gather3A, %gather3A_53, %gather3A_54] : memref<3x16x16x128xf32, #tpu.memory_space<vmem>> -> memref<1x16x16x128xf32, #tpu.memory_space<vmem>>
        %gather3A_56 = tpu.memref_squeeze %gather3A_55 : memref<1x16x16x128xf32, #tpu.memory_space<vmem>> -> memref<16x16x128xf32, #tpu.memory_space<vmem>>
        %gather3A_57 = tpu.vector_load_idx %gather3A_56[%iota3A, %add3A_52, %and3A_46] : memref<16x16x128xf32, #tpu.memory_space<vmem>>[vector<16xi32>, vector<16xi32>, vector<16xi32>], vector<16xf32>,
        %get3A_58 = arith.constant 0 : i32
        %get3A_59 = arith.index_cast %get3A_58 : i32 to index
        %get3A_60 = arith.index_cast %mul3A_43 : i32 to index
        %get3A_61 = tpu.vector_load %arg10[%get3A_59, %get3A_60] {strides = array<i32>} : memref<32x512xf32, #tpu.memory_space<vmem>>, vector<16xf32>,
        %mul3A_62 = arith.mulf %gather3A_57, %get3A_61 : vector<16xf32>
        %swap3A = arith.constant 0 : i32
        %swap3A_63 = arith.index_cast %swap3A : i32 to index
        %swap3A_64 = arith.index_cast %mul3A_43 : i32 to index
        %swap3A_65 = tpu.vector_load %arg10[%swap3A_63, %swap3A_64] {strides = array<i32>} : memref<32x512xf32, #tpu.memory_space<vmem>>, vector<16xf32>,
        tpu.vector_store %arg10[%swap3A_63, %swap3A_64], %mul3A_62 {strides = array<i32>} : memref<32x512xf32, #tpu.memory_space<vmem>>, vector<16xf32>,
        %mul3A_66 = arith.constant 0 : i32
        %mul3A_67 = vector.broadcast %mul3A_66 : i32 to vector<16xi32>
        %mul3A_68 = arith.muli %iota3A, %mul3A_67 : vector<16xi32>
        %add3A_69 = arith.constant 1 : i32
        %add3A_70 = vector.broadcast %add3A_69 : i32 to vector<16xi32>
        %add3A_71 = arith.addi %mul3A_68, %add3A_70 : vector<16xi32>
        %gather3A_72 = arith.constant 0 : i32
        %gather3A_73 = arith.constant 0 : i32
        %gather3A_74 = arith.constant 0 : i32
        %gather3A_75 = tpu.memref_slice %arg9[%rem3A_39, %gather3A_72, %gather3A_73, %gather3A_74] : memref<3x16x16x128xf32, #tpu.memory_space<vmem>> -> memref<1x16x16x128xf32, #tpu.memory_space<vmem>>
        %gather3A_76 = tpu.memref_squeeze %gather3A_75 : memref<1x16x16x128xf32, #tpu.memory_space<vmem>> -> memref<16x16x128xf32, #tpu.memory_space<vmem>>
        %gather3A_77 = tpu.vector_load_idx %gather3A_76[%iota3A, %add3A_71, %and3A_46] : memref<16x16x128xf32, #tpu.memory_space<vmem>>[vector<16xi32>, vector<16xi32>, vector<16xi32>], vector<16xf32>,
        %get3A_78 = arith.constant 1 : i32
        %get3A_79 = arith.index_cast %get3A_78 : i32 to index
        %get3A_80 = arith.index_cast %mul3A_43 : i32 to index
        %get3A_81 = tpu.vector_load %arg10[%get3A_79, %get3A_80] {strides = array<i32>} : memref<32x512xf32, #tpu.memory_space<vmem>>, vector<16xf32>,
        %mul3A_82 = arith.mulf %gather3A_77, %get3A_81 : vector<16xf32>
        %swap3A_83 = arith.constant 1 : i32
        %swap3A_84 = arith.index_cast %swap3A_83 : i32 to index
        %swap3A_85 = arith.index_cast %mul3A_43 : i32 to index
        %swap3A_86 = tpu.vector_load %arg10[%swap3A_84, %swap3A_85] {strides = array<i32>} : memref<32x512xf32, #tpu.memory_space<vmem>>, vector<16xf32>,
        tpu.vector_store %arg10[%swap3A_84, %swap3A_85], %mul3A_82 {strides = array<i32>} : memref<32x512xf32, #tpu.memory_space<vmem>>, vector<16xf32>,
        %mul3A_87 = arith.constant 0 : i32
        %mul3A_88 = vector.broadcast %mul3A_87 : i32 to vector<16xi32>
        %mul3A_89 = arith.muli %iota3A, %mul3A_88 : vector<16xi32>
        %add3A_90 = arith.constant 2 : i32
        %add3A_91 = vector.broadcast %add3A_90 : i32 to vector<16xi32>
        %add3A_92 = arith.addi %mul3A_89, %add3A_91 : vector<16xi32>
        %gather3A_93 = arith.constant 0 : i32
        %gather3A_94 = arith.constant 0 : i32
        %gather3A_95 = arith.constant 0 : i32
        %gather3A_96 = tpu.memref_slice %arg9[%rem3A_39, %gather3A_93, %gather3A_94, %gather3A_95] : memref<3x16x16x128xf32, #tpu.memory_space<vmem>> -> memref<1x16x16x128xf32, #tpu.memory_space<vmem>>
        %gather3A_97 = tpu.memref_squeeze %gather3A_96 : memref<1x16x16x128xf32, #tpu.memory_space<vmem>> -> memref<16x16x128xf32, #tpu.memory_space<vmem>>
        %gather3A_98 = tpu.vector_load_idx %gather3A_97[%iota3A, %add3A_92, %and3A_46] : memref<16x16x128xf32, #tpu.memory_space<vmem>>[vector<16xi32>, vector<16xi32>, vector<16xi32>], vector<16xf32>,
        %get3A_99 = arith.constant 2 : i32
        %get3A_100 = arith.index_cast %get3A_99 : i32 to index
        %get3A_101 = arith.index_cast %mul3A_43 : i32 to index
        %get3A_102 = tpu.vector_load %arg10[%get3A_100, %get3A_101] {strides = array<i32>} : memref<32x512xf32, #tpu.memory_space<vmem>>, vector<16xf32>,
        %mul3A_103 = arith.mulf %gather3A_98, %get3A_102 : vector<16xf32>
        %swap3A_104 = arith.constant 2 : i32
        %swap3A_105 = arith.index_cast %swap3A_104 : i32 to index
        %swap3A_106 = arith.index_cast %mul3A_43 : i32 to index
        %swap3A_107 = tpu.vector_load %arg10[%swap3A_105, %swap3A_106] {strides = array<i32>} : memref<32x512xf32, #tpu.memory_space<vmem>>, vector<16xf32>,
        tpu.vector_store %arg10[%swap3A_105, %swap3A_106], %mul3A_103 {strides = array<i32>} : memref<32x512xf32, #tpu.memory_space<vmem>>, vector<16xf32>,
        %mul3A_108 = arith.constant 0 : i32
        %mul3A_109 = vector.broadcast %mul3A_108 : i32 to vector<16xi32>
        %mul3A_110 = arith.muli %iota3A, %mul3A_109 : vector<16xi32>
        %add3A_111 = arith.constant 3 : i32
        %add3A_112 = vector.broadcast %add3A_111 : i32 to vector<16xi32>
        %add3A_113 = arith.addi %mul3A_110, %add3A_112 : vector<16xi32>
        %gather3A_114 = arith.constant 0 : i32
        %gather3A_115 = arith.constant 0 : i32
        %gather3A_116 = arith.constant 0 : i32
        %gather3A_117 = tpu.memref_slice %arg9[%rem3A_39, %gather3A_114, %gather3A_115, %gather3A_116] : memref<3x16x16x128xf32, #tpu.memory_space<vmem>> -> memref<1x16x16x128xf32, #tpu.memory_space<vmem>>
        %gather3A_118 = tpu.memref_squeeze %gather3A_117 : memref<1x16x16x128xf32, #tpu.memory_space<vmem>> -> memref<16x16x128xf32, #tpu.memory_space<vmem>>
        %gather3A_119 = tpu.vector_load_idx %gather3A_118[%iota3A, %add3A_113, %and3A_46] : memref<16x16x128xf32, #tpu.memory_space<vmem>>[vector<16xi32>, vector<16xi32>, vector<16xi32>], vector<16xf32>,
        %get3A_120 = arith.constant 3 : i32
        %get3A_121 = arith.index_cast %get3A_120 : i32 to index
        %get3A_122 = arith.index_cast %mul3A_43 : i32 to index
        %get3A_123 = tpu.vector_load %arg10[%get3A_121, %get3A_122] {strides = array<i32>} : memref<32x512xf32, #tpu.memory_space<vmem>>, vector<16xf32>,
        %mul3A_124 = arith.mulf %gather3A_119, %get3A_123 : vector<16xf32>
        %swap3A_125 = arith.constant 3 : i32
        %swap3A_126 = arith.index_cast %swap3A_125 : i32 to index
        %swap3A_127 = arith.index_cast %mul3A_43 : i32 to index
        %swap3A_128 = tpu.vector_load %arg10[%swap3A_126, %swap3A_127] {strides = array<i32>} : memref<32x512xf32, #tpu.memory_space<vmem>>, vector<16xf32>,
        tpu.vector_store %arg10[%swap3A_126, %swap3A_127], %mul3A_124 {strides = array<i32>} : memref<32x512xf32, #tpu.memory_space<vmem>>, vector<16xf32>,
        %mul3A_129 = arith.constant 0 : i32
        %mul3A_130 = vector.broadcast %mul3A_129 : i32 to vector<16xi32>
        %mul3A_131 = arith.muli %iota3A, %mul3A_130 : vector<16xi32>
        %add3A_132 = arith.constant 4 : i32
        %add3A_133 = vector.broadcast %add3A_132 : i32 to vector<16xi32>
        %add3A_134 = arith.addi %mul3A_131, %add3A_133 : vector<16xi32>
        %gather3A_135 = arith.constant 0 : i32
        %gather3A_136 = arith.constant 0 : i32
        %gather3A_137 = arith.constant 0 : i32
        %gather3A_138 = tpu.memref_slice %arg9[%rem3A_39, %gather3A_135, %gather3A_136, %gather3A_137] : memref<3x16x16x128xf32, #tpu.memory_space<vmem>> -> memref<1x16x16x128xf32, #tpu.memory_space<vmem>>
        %gather3A_139 = tpu.memref_squeeze %gather3A_138 : memref<1x16x16x128xf32, #tpu.memory_space<vmem>> -> memref<16x16x128xf32, #tpu.memory_space<vmem>>
        %gather3A_140 = tpu.vector_load_idx %gather3A_139[%iota3A, %add3A_134, %and3A_46] : memref<16x16x128xf32, #tpu.memory_space<vmem>>[vector<16xi32>, vector<16xi32>, vector<16xi32>], vector<16xf32>,
        %get3A_141 = arith.constant 4 : i32
        %get3A_142 = arith.index_cast %get3A_141 : i32 to index
        %get3A_143 = arith.index_cast %mul3A_43 : i32 to index
        %get3A_144 = tpu.vector_load %arg10[%get3A_142, %get3A_143] {strides = array<i32>} : memref<32x512xf32, #tpu.memory_space<vmem>>, vector<16xf32>,
        %mul3A_145 = arith.mulf %gather3A_140, %get3A_144 : vector<16xf32>
        %swap3A_146 = arith.constant 4 : i32
        %swap3A_147 = arith.index_cast %swap3A_146 : i32 to index
        %swap3A_148 = arith.index_cast %mul3A_43 : i32 to index
        %swap3A_149 = tpu.vector_load %arg10[%swap3A_147, %swap3A_148] {strides = array<i32>} : memref<32x512xf32, #tpu.memory_space<vmem>>, vector<16xf32>,
        tpu.vector_store %arg10[%swap3A_147, %swap3A_148], %mul3A_145 {strides = array<i32>} : memref<32x512xf32, #tpu.memory_space<vmem>>, vector<16xf32>,
        %mul3A_150 = arith.constant 0 : i32
        %mul3A_151 = vector.broadcast %mul3A_150 : i32 to vector<16xi32>
        %mul3A_152 = arith.muli %iota3A, %mul3A_151 : vector<16xi32>
        %add3A_153 = arith.constant 5 : i32
        %add3A_154 = vector.broadcast %add3A_153 : i32 to vector<16xi32>
        %add3A_155 = arith.addi %mul3A_152, %add3A_154 : vector<16xi32>
        %gather3A_156 = arith.constant 0 : i32
        %gather3A_157 = arith.constant 0 : i32
        %gather3A_158 = arith.constant 0 : i32
        %gather3A_159 = tpu.memref_slice %arg9[%rem3A_39, %gather3A_156, %gather3A_157, %gather3A_158] : memref<3x16x16x128xf32, #tpu.memory_space<vmem>> -> memref<1x16x16x128xf32, #tpu.memory_space<vmem>>
        %gather3A_160 = tpu.memref_squeeze %gather3A_159 : memref<1x16x16x128xf32, #tpu.memory_space<vmem>> -> memref<16x16x128xf32, #tpu.memory_space<vmem>>
        %gather3A_161 = tpu.vector_load_idx %gather3A_160[%iota3A, %add3A_155, %and3A_46] : memref<16x16x128xf32, #tpu.memory_space<vmem>>[vector<16xi32>, vector<16xi32>, vector<16xi32>], vector<16xf32>,
        %get3A_162 = arith.constant 5 : i32
        %get3A_163 = arith.index_cast %get3A_162 : i32 to index
        %get3A_164 = arith.index_cast %mul3A_43 : i32 to index
        %get3A_165 = tpu.vector_load %arg10[%get3A_163, %get3A_164] {strides = array<i32>} : memref<32x512xf32, #tpu.memory_space<vmem>>, vector<16xf32>,
        %mul3A_166 = arith.mulf %gather3A_161, %get3A_165 : vector<16xf32>
        %swap3A_167 = arith.constant 5 : i32
        %swap3A_168 = arith.index_cast %swap3A_167 : i32 to index
        %swap3A_169 = arith.index_cast %mul3A_43 : i32 to index
        %swap3A_170 = tpu.vector_load %arg10[%swap3A_168, %swap3A_169] {strides = array<i32>} : memref<32x512xf32, #tpu.memory_space<vmem>>, vector<16xf32>,
        tpu.vector_store %arg10[%swap3A_168, %swap3A_169], %mul3A_166 {strides = array<i32>} : memref<32x512xf32, #tpu.memory_space<vmem>>, vector<16xf32>,
        %mul3A_171 = arith.constant 0 : i32
        %mul3A_172 = vector.broadcast %mul3A_171 : i32 to vector<16xi32>
        %mul3A_173 = arith.muli %iota3A, %mul3A_172 : vector<16xi32>
        %add3A_174 = arith.constant 6 : i32
        %add3A_175 = vector.broadcast %add3A_174 : i32 to vector<16xi32>
        %add3A_176 = arith.addi %mul3A_173, %add3A_175 : vector<16xi32>
        %gather3A_177 = arith.constant 0 : i32
        %gather3A_178 = arith.constant 0 : i32
        %gather3A_179 = arith.constant 0 : i32
        %gather3A_180 = tpu.memref_slice %arg9[%rem3A_39, %gather3A_177, %gather3A_178, %gather3A_179] : memref<3x16x16x128xf32, #tpu.memory_space<vmem>> -> memref<1x16x16x128xf32, #tpu.memory_space<vmem>>
        %gather3A_181 = tpu.memref_squeeze %gather3A_180 : memref<1x16x16x128xf32, #tpu.memory_space<vmem>> -> memref<16x16x128xf32, #tpu.memory_space<vmem>>
        %gather3A_182 = tpu.vector_load_idx %gather3A_181[%iota3A, %add3A_176, %and3A_46] : memref<16x16x128xf32, #tpu.memory_space<vmem>>[vector<16xi32>, vector<16xi32>, vector<16xi32>], vector<16xf32>,
        %get3A_183 = arith.constant 6 : i32
        %get3A_184 = arith.index_cast %get3A_183 : i32 to index
        %get3A_185 = arith.index_cast %mul3A_43 : i32 to index
        %get3A_186 = tpu.vector_load %arg10[%get3A_184, %get3A_185] {strides = array<i32>} : memref<32x512xf32, #tpu.memory_space<vmem>>, vector<16xf32>,
        %mul3A_187 = arith.mulf %gather3A_182, %get3A_186 : vector<16xf32>
        %swap3A_188 = arith.constant 6 : i32
        %swap3A_189 = arith.index_cast %swap3A_188 : i32 to index
        %swap3A_190 = arith.index_cast %mul3A_43 : i32 to index
        %swap3A_191 = tpu.vector_load %arg10[%swap3A_189, %swap3A_190] {strides = array<i32>} : memref<32x512xf32, #tpu.memory_space<vmem>>, vector<16xf32>,
        tpu.vector_store %arg10[%swap3A_189, %swap3A_190], %mul3A_187 {strides = array<i32>} : memref<32x512xf32, #tpu.memory_space<vmem>>, vector<16xf32>,
        %mul3A_192 = arith.constant 0 : i32
        %mul3A_193 = vector.broadcast %mul3A_192 : i32 to vector<16xi32>
        %mul3A_194 = arith.muli %iota3A, %mul3A_193 : vector<16xi32>
        %add3A_195 = arith.constant 7 : i32
        %add3A_196 = vector.broadcast %add3A_195 : i32 to vector<16xi32>
        %add3A_197 = arith.addi %mul3A_194, %add3A_196 : vector<16xi32>
        %gather3A_198 = arith.constant 0 : i32
        %gather3A_199 = arith.constant 0 : i32
        %gather3A_200 = arith.constant 0 : i32
        %gather3A_201 = tpu.memref_slice %arg9[%rem3A_39, %gather3A_198, %gather3A_199, %gather3A_200] : memref<3x16x16x128xf32, #tpu.memory_space<vmem>> -> memref<1x16x16x128xf32, #tpu.memory_space<vmem>>
        %gather3A_202 = tpu.memref_squeeze %gather3A_201 : memref<1x16x16x128xf32, #tpu.memory_space<vmem>> -> memref<16x16x128xf32, #tpu.memory_space<vmem>>
        %gather3A_203 = tpu.vector_load_idx %gather3A_202[%iota3A, %add3A_197, %and3A_46] : memref<16x16x128xf32, #tpu.memory_space<vmem>>[vector<16xi32>, vector<16xi32>, vector<16xi32>], vector<16xf32>,
        %get3A_204 = arith.constant 7 : i32
        %get3A_205 = arith.index_cast %get3A_204 : i32 to index
        %get3A_206 = arith.index_cast %mul3A_43 : i32 to index
        %get3A_207 = tpu.vector_load %arg10[%get3A_205, %get3A_206] {strides = array<i32>} : memref<32x512xf32, #tpu.memory_space<vmem>>, vector<16xf32>,
        %mul3A_208 = arith.mulf %gather3A_203, %get3A_207 : vector<16xf32>
        %swap3A_209 = arith.constant 7 : i32
        %swap3A_210 = arith.index_cast %swap3A_209 : i32 to index
        %swap3A_211 = arith.index_cast %mul3A_43 : i32 to index
        %swap3A_212 = tpu.vector_load %arg10[%swap3A_210, %swap3A_211] {strides = array<i32>} : memref<32x512xf32, #tpu.memory_space<vmem>>, vector<16xf32>,
        tpu.vector_store %arg10[%swap3A_210, %swap3A_211], %mul3A_208 {strides = array<i32>} : memref<32x512xf32, #tpu.memory_space<vmem>>, vector<16xf32>,
        %mul3A_213 = arith.constant 0 : i32
        %mul3A_214 = vector.broadcast %mul3A_213 : i32 to vector<16xi32>
        %mul3A_215 = arith.muli %iota3A, %mul3A_214 : vector<16xi32>
        %add3A_216 = arith.constant 8 : i32
        %add3A_217 = vector.broadcast %add3A_216 : i32 to vector<16xi32>
        %add3A_218 = arith.addi %mul3A_215, %add3A_217 : vector<16xi32>
        %gather3A_219 = arith.constant 0 : i32
        %gather3A_220 = arith.constant 0 : i32
        %gather3A_221 = arith.constant 0 : i32
        %gather3A_222 = tpu.memref_slice %arg9[%rem3A_39, %gather3A_219, %gather3A_220, %gather3A_221] : memref<3x16x16x128xf32, #tpu.memory_space<vmem>> -> memref<1x16x16x128xf32, #tpu.memory_space<vmem>>
        %gather3A_223 = tpu.memref_squeeze %gather3A_222 : memref<1x16x16x128xf32, #tpu.memory_space<vmem>> -> memref<16x16x128xf32, #tpu.memory_space<vmem>>
        %gather3A_224 = tpu.vector_load_idx %gather3A_223[%iota3A, %add3A_218, %and3A_46] : memref<16x16x128xf32, #tpu.memory_space<vmem>>[vector<16xi32>, vector<16xi32>, vector<16xi32>], vector<16xf32>,
        %get3A_225 = arith.constant 8 : i32
        %get3A_226 = arith.index_cast %get3A_225 : i32 to index
        %get3A_227 = arith.index_cast %mul3A_43 : i32 to index
        %get3A_228 = tpu.vector_load %arg10[%get3A_226, %get3A_227] {strides = array<i32>} : memref<32x512xf32, #tpu.memory_space<vmem>>, vector<16xf32>,
        %mul3A_229 = arith.mulf %gather3A_224, %get3A_228 : vector<16xf32>
        %swap3A_230 = arith.constant 8 : i32
        %swap3A_231 = arith.index_cast %swap3A_230 : i32 to index
        %swap3A_232 = arith.index_cast %mul3A_43 : i32 to index
        %swap3A_233 = tpu.vector_load %arg10[%swap3A_231, %swap3A_232] {strides = array<i32>} : memref<32x512xf32, #tpu.memory_space<vmem>>, vector<16xf32>,
        tpu.vector_store %arg10[%swap3A_231, %swap3A_232], %mul3A_229 {strides = array<i32>} : memref<32x512xf32, #tpu.memory_space<vmem>>, vector<16xf32>,
        %mul3A_234 = arith.constant 0 : i32
        %mul3A_235 = vector.broadcast %mul3A_234 : i32 to vector<16xi32>
        %mul3A_236 = arith.muli %iota3A, %mul3A_235 : vector<16xi32>
        %add3A_237 = arith.constant 9 : i32
        %add3A_238 = vector.broadcast %add3A_237 : i32 to vector<16xi32>
        %add3A_239 = arith.addi %mul3A_236, %add3A_238 : vector<16xi32>
        %gather3A_240 = arith.constant 0 : i32
        %gather3A_241 = arith.constant 0 : i32
        %gather3A_242 = arith.constant 0 : i32
        %gather3A_243 = tpu.memref_slice %arg9[%rem3A_39, %gather3A_240, %gather3A_241, %gather3A_242] : memref<3x16x16x128xf32, #tpu.memory_space<vmem>> -> memref<1x16x16x128xf32, #tpu.memory_space<vmem>>
        %gather3A_244 = tpu.memref_squeeze %gather3A_243 : memref<1x16x16x128xf32, #tpu.memory_space<vmem>> -> memref<16x16x128xf32, #tpu.memory_space<vmem>>
        %gather3A_245 = tpu.vector_load_idx %gather3A_244[%iota3A, %add3A_239, %and3A_46] : memref<16x16x128xf32, #tpu.memory_space<vmem>>[vector<16xi32>, vector<16xi32>, vector<16xi32>], vector<16xf32>,
        %get3A_246 = arith.constant 9 : i32
        %get3A_247 = arith.index_cast %get3A_246 : i32 to index
        %get3A_248 = arith.index_cast %mul3A_43 : i32 to index
        %get3A_249 = tpu.vector_load %arg10[%get3A_247, %get3A_248] {strides = array<i32>} : memref<32x512xf32, #tpu.memory_space<vmem>>, vector<16xf32>,
        %mul3A_250 = arith.mulf %gather3A_245, %get3A_249 : vector<16xf32>
        %swap3A_251 = arith.constant 9 : i32
        %swap3A_252 = arith.index_cast %swap3A_251 : i32 to index
        %swap3A_253 = arith.index_cast %mul3A_43 : i32 to index
        %swap3A_254 = tpu.vector_load %arg10[%swap3A_252, %swap3A_253] {strides = array<i32>} : memref<32x512xf32, #tpu.memory_space<vmem>>, vector<16xf32>,
        tpu.vector_store %arg10[%swap3A_252, %swap3A_253], %mul3A_250 {strides = array<i32>} : memref<32x512xf32, #tpu.memory_space<vmem>>, vector<16xf32>,
        %mul3A_255 = arith.constant 0 : i32
        %mul3A_256 = vector.broadcast %mul3A_255 : i32 to vector<16xi32>
        %mul3A_257 = arith.muli %iota3A, %mul3A_256 : vector<16xi32>
        %add3A_258 = arith.constant 10 : i32
        %add3A_259 = vector.broadcast %add3A_258 : i32 to vector<16xi32>
        %add3A_260 = arith.addi %mul3A_257, %add3A_259 : vector<16xi32>
        %gather3A_261 = arith.constant 0 : i32
        %gather3A_262 = arith.constant 0 : i32
        %gather3A_263 = arith.constant 0 : i32
        %gather3A_264 = tpu.memref_slice %arg9[%rem3A_39, %gather3A_261, %gather3A_262, %gather3A_263] : memref<3x16x16x128xf32, #tpu.memory_space<vmem>> -> memref<1x16x16x128xf32, #tpu.memory_space<vmem>>
        %gather3A_265 = tpu.memref_squeeze %gather3A_264 : memref<1x16x16x128xf32, #tpu.memory_space<vmem>> -> memref<16x16x128xf32, #tpu.memory_space<vmem>>
        %gather3A_266 = tpu.vector_load_idx %gather3A_265[%iota3A, %add3A_260, %and3A_46] : memref<16x16x128xf32, #tpu.memory_space<vmem>>[vector<16xi32>, vector<16xi32>, vector<16xi32>], vector<16xf32>,
        %get3A_267 = arith.constant 10 : i32
        %get3A_268 = arith.index_cast %get3A_267 : i32 to index
        %get3A_269 = arith.index_cast %mul3A_43 : i32 to index
        %get3A_270 = tpu.vector_load %arg10[%get3A_268, %get3A_269] {strides = array<i32>} : memref<32x512xf32, #tpu.memory_space<vmem>>, vector<16xf32>,
        %mul3A_271 = arith.mulf %gather3A_266, %get3A_270 : vector<16xf32>
        %swap3A_272 = arith.constant 10 : i32
        %swap3A_273 = arith.index_cast %swap3A_272 : i32 to index
        %swap3A_274 = arith.index_cast %mul3A_43 : i32 to index
        %swap3A_275 = tpu.vector_load %arg10[%swap3A_273, %swap3A_274] {strides = array<i32>} : memref<32x512xf32, #tpu.memory_space<vmem>>, vector<16xf32>,
        tpu.vector_store %arg10[%swap3A_273, %swap3A_274], %mul3A_271 {strides = array<i32>} : memref<32x512xf32, #tpu.memory_space<vmem>>, vector<16xf32>,
        %mul3A_276 = arith.constant 0 : i32
        %mul3A_277 = vector.broadcast %mul3A_276 : i32 to vector<16xi32>
        %mul3A_278 = arith.muli %iota3A, %mul3A_277 : vector<16xi32>
        %add3A_279 = arith.constant 11 : i32
        %add3A_280 = vector.broadcast %add3A_279 : i32 to vector<16xi32>
        %add3A_281 = arith.addi %mul3A_278, %add3A_280 : vector<16xi32>
        %gather3A_282 = arith.constant 0 : i32
        %gather3A_283 = arith.constant 0 : i32
        %gather3A_284 = arith.constant 0 : i32
        %gather3A_285 = tpu.memref_slice %arg9[%rem3A_39, %gather3A_282, %gather3A_283, %gather3A_284] : memref<3x16x16x128xf32, #tpu.memory_space<vmem>> -> memref<1x16x16x128xf32, #tpu.memory_space<vmem>>
        %gather3A_286 = tpu.memref_squeeze %gather3A_285 : memref<1x16x16x128xf32, #tpu.memory_space<vmem>> -> memref<16x16x128xf32, #tpu.memory_space<vmem>>
        %gather3A_287 = tpu.vector_load_idx %gather3A_286[%iota3A, %add3A_281, %and3A_46] : memref<16x16x128xf32, #tpu.memory_space<vmem>>[vector<16xi32>, vector<16xi32>, vector<16xi32>], vector<16xf32>,
        %get3A_288 = arith.constant 11 : i32
        %get3A_289 = arith.index_cast %get3A_288 : i32 to index
        %get3A_290 = arith.index_cast %mul3A_43 : i32 to index
        %get3A_291 = tpu.vector_load %arg10[%get3A_289, %get3A_290] {strides = array<i32>} : memref<32x512xf32, #tpu.memory_space<vmem>>, vector<16xf32>,
        %mul3A_292 = arith.mulf %gather3A_287, %get3A_291 : vector<16xf32>
        %swap3A_293 = arith.constant 11 : i32
        %swap3A_294 = arith.index_cast %swap3A_293 : i32 to index
        %swap3A_295 = arith.index_cast %mul3A_43 : i32 to index
        %swap3A_296 = tpu.vector_load %arg10[%swap3A_294, %swap3A_295] {strides = array<i32>} : memref<32x512xf32, #tpu.memory_space<vmem>>, vector<16xf32>,
        tpu.vector_store %arg10[%swap3A_294, %swap3A_295], %mul3A_292 {strides = array<i32>} : memref<32x512xf32, #tpu.memory_space<vmem>>, vector<16xf32>,
        %mul3A_297 = arith.constant 0 : i32
        %mul3A_298 = vector.broadcast %mul3A_297 : i32 to vector<16xi32>
        %mul3A_299 = arith.muli %iota3A, %mul3A_298 : vector<16xi32>
        %add3A_300 = arith.constant 12 : i32
        %add3A_301 = vector.broadcast %add3A_300 : i32 to vector<16xi32>
        %add3A_302 = arith.addi %mul3A_299, %add3A_301 : vector<16xi32>
        %gather3A_303 = arith.constant 0 : i32
        %gather3A_304 = arith.constant 0 : i32
        %gather3A_305 = arith.constant 0 : i32
        %gather3A_306 = tpu.memref_slice %arg9[%rem3A_39, %gather3A_303, %gather3A_304, %gather3A_305] : memref<3x16x16x128xf32, #tpu.memory_space<vmem>> -> memref<1x16x16x128xf32, #tpu.memory_space<vmem>>
        %gather3A_307 = tpu.memref_squeeze %gather3A_306 : memref<1x16x16x128xf32, #tpu.memory_space<vmem>> -> memref<16x16x128xf32, #tpu.memory_space<vmem>>
        %gather3A_308 = tpu.vector_load_idx %gather3A_307[%iota3A, %add3A_302, %and3A_46] : memref<16x16x128xf32, #tpu.memory_space<vmem>>[vector<16xi32>, vector<16xi32>, vector<16xi32>], vector<16xf32>,
        %get3A_309 = arith.constant 12 : i32
        %get3A_310 = arith.index_cast %get3A_309 : i32 to index
        %get3A_311 = arith.index_cast %mul3A_43 : i32 to index
        %get3A_312 = tpu.vector_load %arg10[%get3A_310, %get3A_311] {strides = array<i32>} : memref<32x512xf32, #tpu.memory_space<vmem>>, vector<16xf32>,
        %mul3A_313 = arith.mulf %gather3A_308, %get3A_312 : vector<16xf32>
        %swap3A_314 = arith.constant 12 : i32
        %swap3A_315 = arith.index_cast %swap3A_314 : i32 to index
        %swap3A_316 = arith.index_cast %mul3A_43 : i32 to index
        %swap3A_317 = tpu.vector_load %arg10[%swap3A_315, %swap3A_316] {strides = array<i32>} : memref<32x512xf32, #tpu.memory_space<vmem>>, vector<16xf32>,
        tpu.vector_store %arg10[%swap3A_315, %swap3A_316], %mul3A_313 {strides = array<i32>} : memref<32x512xf32, #tpu.memory_space<vmem>>, vector<16xf32>,
        %mul3A_318 = arith.constant 0 : i32
        %mul3A_319 = vector.broadcast %mul3A_318 : i32 to vector<16xi32>
        %mul3A_320 = arith.muli %iota3A, %mul3A_319 : vector<16xi32>
        %add3A_321 = arith.constant 13 : i32
        %add3A_322 = vector.broadcast %add3A_321 : i32 to vector<16xi32>
        %add3A_323 = arith.addi %mul3A_320, %add3A_322 : vector<16xi32>
        %gather3A_324 = arith.constant 0 : i32
        %gather3A_325 = arith.constant 0 : i32
        %gather3A_326 = arith.constant 0 : i32
        %gather3A_327 = tpu.memref_slice %arg9[%rem3A_39, %gather3A_324, %gather3A_325, %gather3A_326] : memref<3x16x16x128xf32, #tpu.memory_space<vmem>> -> memref<1x16x16x128xf32, #tpu.memory_space<vmem>>
        %gather3A_328 = tpu.memref_squeeze %gather3A_327 : memref<1x16x16x128xf32, #tpu.memory_space<vmem>> -> memref<16x16x128xf32, #tpu.memory_space<vmem>>
        %gather3A_329 = tpu.vector_load_idx %gather3A_328[%iota3A, %add3A_323, %and3A_46] : memref<16x16x128xf32, #tpu.memory_space<vmem>>[vector<16xi32>, vector<16xi32>, vector<16xi32>], vector<16xf32>,
        %get3A_330 = arith.constant 13 : i32
        %get3A_331 = arith.index_cast %get3A_330 : i32 to index
        %get3A_332 = arith.index_cast %mul3A_43 : i32 to index
        %get3A_333 = tpu.vector_load %arg10[%get3A_331, %get3A_332] {strides = array<i32>} : memref<32x512xf32, #tpu.memory_space<vmem>>, vector<16xf32>,
        %mul3A_334 = arith.mulf %gather3A_329, %get3A_333 : vector<16xf32>
        %swap3A_335 = arith.constant 13 : i32
        %swap3A_336 = arith.index_cast %swap3A_335 : i32 to index
        %swap3A_337 = arith.index_cast %mul3A_43 : i32 to index
        %swap3A_338 = tpu.vector_load %arg10[%swap3A_336, %swap3A_337] {strides = array<i32>} : memref<32x512xf32, #tpu.memory_space<vmem>>, vector<16xf32>,
        tpu.vector_store %arg10[%swap3A_336, %swap3A_337], %mul3A_334 {strides = array<i32>} : memref<32x512xf32, #tpu.memory_space<vmem>>, vector<16xf32>,
        %mul3A_339 = arith.constant 0 : i32
        %mul3A_340 = vector.broadcast %mul3A_339 : i32 to vector<16xi32>
        %mul3A_341 = arith.muli %iota3A, %mul3A_340 : vector<16xi32>
        %add3A_342 = arith.constant 14 : i32
        %add3A_343 = vector.broadcast %add3A_342 : i32 to vector<16xi32>
        %add3A_344 = arith.addi %mul3A_341, %add3A_343 : vector<16xi32>
        %gather3A_345 = arith.constant 0 : i32
        %gather3A_346 = arith.constant 0 : i32
        %gather3A_347 = arith.constant 0 : i32
        %gather3A_348 = tpu.memref_slice %arg9[%rem3A_39, %gather3A_345, %gather3A_346, %gather3A_347] : memref<3x16x16x128xf32, #tpu.memory_space<vmem>> -> memref<1x16x16x128xf32, #tpu.memory_space<vmem>>
        %gather3A_349 = tpu.memref_squeeze %gather3A_348 : memref<1x16x16x128xf32, #tpu.memory_space<vmem>> -> memref<16x16x128xf32, #tpu.memory_space<vmem>>
        %gather3A_350 = tpu.vector_load_idx %gather3A_349[%iota3A, %add3A_344, %and3A_46] : memref<16x16x128xf32, #tpu.memory_space<vmem>>[vector<16xi32>, vector<16xi32>, vector<16xi32>], vector<16xf32>,
        %get3A_351 = arith.constant 14 : i32
        %get3A_352 = arith.index_cast %get3A_351 : i32 to index
        %get3A_353 = arith.index_cast %mul3A_43 : i32 to index
        %get3A_354 = tpu.vector_load %arg10[%get3A_352, %get3A_353] {strides = array<i32>} : memref<32x512xf32, #tpu.memory_space<vmem>>, vector<16xf32>,
        %mul3A_355 = arith.mulf %gather3A_350, %get3A_354 : vector<16xf32>
        %swap3A_356 = arith.constant 14 : i32
        %swap3A_357 = arith.index_cast %swap3A_356 : i32 to index
        %swap3A_358 = arith.index_cast %mul3A_43 : i32 to index
        %swap3A_359 = tpu.vector_load %arg10[%swap3A_357, %swap3A_358] {strides = array<i32>} : memref<32x512xf32, #tpu.memory_space<vmem>>, vector<16xf32>,
        tpu.vector_store %arg10[%swap3A_357, %swap3A_358], %mul3A_355 {strides = array<i32>} : memref<32x512xf32, #tpu.memory_space<vmem>>, vector<16xf32>,
        %mul3A_360 = arith.constant 0 : i32
        %mul3A_361 = vector.broadcast %mul3A_360 : i32 to vector<16xi32>
        %mul3A_362 = arith.muli %iota3A, %mul3A_361 : vector<16xi32>
        %add3A_363 = arith.constant 15 : i32
        %add3A_364 = vector.broadcast %add3A_363 : i32 to vector<16xi32>
        %add3A_365 = arith.addi %mul3A_362, %add3A_364 : vector<16xi32>
        %gather3A_366 = arith.constant 0 : i32
        %gather3A_367 = arith.constant 0 : i32
        %gather3A_368 = arith.constant 0 : i32
        %gather3A_369 = tpu.memref_slice %arg9[%rem3A_39, %gather3A_366, %gather3A_367, %gather3A_368] : memref<3x16x16x128xf32, #tpu.memory_space<vmem>> -> memref<1x16x16x128xf32, #tpu.memory_space<vmem>>
        %gather3A_370 = tpu.memref_squeeze %gather3A_369 : memref<1x16x16x128xf32, #tpu.memory_space<vmem>> -> memref<16x16x128xf32, #tpu.memory_space<vmem>>
        %gather3A_371 = tpu.vector_load_idx %gather3A_370[%iota3A, %add3A_365, %and3A_46] : memref<16x16x128xf32, #tpu.memory_space<vmem>>[vector<16xi32>, vector<16xi32>, vector<16xi32>], vector<16xf32>,
        %get3A_372 = arith.constant 15 : i32
        %get3A_373 = arith.index_cast %get3A_372 : i32 to index
        %get3A_374 = arith.index_cast %mul3A_43 : i32 to index
        %get3A_375 = tpu.vector_load %arg10[%get3A_373, %get3A_374] {strides = array<i32>} : memref<32x512xf32, #tpu.memory_space<vmem>>, vector<16xf32>,
        %mul3A_376 = arith.mulf %gather3A_371, %get3A_375 : vector<16xf32>
        %swap3A_377 = arith.constant 15 : i32
        %swap3A_378 = arith.index_cast %swap3A_377 : i32 to index
        %swap3A_379 = arith.index_cast %mul3A_43 : i32 to index
        %swap3A_380 = tpu.vector_load %arg10[%swap3A_378, %swap3A_379] {strides = array<i32>} : memref<32x512xf32, #tpu.memory_space<vmem>>, vector<16xf32>,
        tpu.vector_store %arg10[%swap3A_378, %swap3A_379], %mul3A_376 {strides = array<i32>} : memref<32x512xf32, #tpu.memory_space<vmem>>, vector<16xf32>,
      } else {
      }
    }
    %scan3A_19 = arith.constant 34 : i32
    %scan3A_20 = arith.constant 0 : i32
    %scan3A_21 = arith.constant 0 : i32
    %scan3A_22 = arith.constant 34 : i32
    %scan3A_23 = arith.addi %scan3A_21, %scan3A_22 : i32
    %scan3A_24 = arith.constant 1 : i32
    scf.for %scan3A_26 = %scan3A_21 to %scan3A_23 step %scan3A_24  : i32 {
      %ge3A = arith.constant 2 : i32
      %ge3A_27 = arith.cmpi sge, %scan3A_26, %ge3A : i32
      %convert_element_type3A = arith.extui %ge3A_27 : i1 to i32
      %cond3A = arith.constant 0 : i32
      %cond3A_28 = arith.cmpi ne, %convert_element_type3A, %cond3A : i32
      scf.if %cond3A_28 {
        %sub3A = arith.constant 2 : i32
        %sub3A_38 = arith.subi %scan3A_26, %sub3A : i32
        %rem3A = arith.constant 3 : i32
        %rem3A_39 = arith.remsi %sub3A_38, %rem3A : i32
        %dma_wait3A = arith.constant 0 : i32
        %dma_wait3A_40 = arith.constant 0 : i32
        %dma_wait3A_41 = arith.constant 0 : i32
        %dma_wait3A_42 = tpu.memref_slice %arg9[%rem3A_39, %dma_wait3A, %dma_wait3A_40, %dma_wait3A_41] : memref<3x16x16x128xf32, #tpu.memory_space<vmem>> -> memref<1x1x16x128xf32, #tpu.memory_space<vmem>>
        %dma_wait3A_43 = tpu.memref_squeeze %dma_wait3A_42 : memref<1x1x16x128xf32, #tpu.memory_space<vmem>> -> memref<16x128xf32, #tpu.memory_space<vmem>>
        %dma_wait3A_44 = arith.constant 0 : i32
        %dma_wait3A_45 = arith.constant 0 : i32
        %dma_wait3A_46 = tpu.memref_slice %arg3[%dma_wait3A_44, %dma_wait3A_45] : memref<32x1000000xf32, #tpu.memory_space<hbm>> -> memref<16x128xf32, #tpu.memory_space<hbm>>
        %dma_wait3A_47 = arith.constant 0 : i32
        %dma_wait3A_48 = arith.constant 0 : i32
        %dma_wait3A_49 = tpu.memref_slice %arg9[%rem3A_39, %dma_wait3A, %dma_wait3A_47, %dma_wait3A_48] : memref<3x16x16x128xf32, #tpu.memory_space<vmem>> -> memref<1x1x16x128xf32, #tpu.memory_space<vmem>>
        %dma_wait3A_50 = tpu.memref_squeeze %dma_wait3A_49 : memref<1x1x16x128xf32, #tpu.memory_space<vmem>> -> memref<16x128xf32, #tpu.memory_space<vmem>>
        %dma_wait3A_51 = arith.constant 0 : i32
        %dma_wait3A_52 = arith.constant 0 : i32
        %dma_wait3A_53 = tpu.memref_slice %arg3[%dma_wait3A_51, %dma_wait3A_52] : memref<32x1000000xf32, #tpu.memory_space<hbm>> -> memref<16x128xf32, #tpu.memory_space<hbm>>
        tpu.wait_dma2 semaphore(%arg11 : memref<!tpu.dma_semaphore, #tpu.memory_space<semaphore_mem>>) src(%dma_wait3A_53 : memref<16x128xf32, #tpu.memory_space<hbm>>) dst(%dma_wait3A_50 : memref<16x128xf32, #tpu.memory_space<vmem>>)
        %sub3A_54 = arith.constant 2 : i32
        %sub3A_55 = arith.subi %scan3A_26, %sub3A_54 : i32
        %rem3A_56 = arith.constant 3 : i32
        %rem3A_57 = arith.remsi %sub3A_55, %rem3A_56 : i32
        %dma_wait3A_58 = arith.constant 1 : i32
        %dma_wait3A_59 = arith.constant 0 : i32
        %dma_wait3A_60 = arith.constant 0 : i32
        %dma_wait3A_61 = tpu.memref_slice %arg9[%rem3A_57, %dma_wait3A_58, %dma_wait3A_59, %dma_wait3A_60] : memref<3x16x16x128xf32, #tpu.memory_space<vmem>> -> memref<1x1x16x128xf32, #tpu.memory_space<vmem>>
        %dma_wait3A_62 = tpu.memref_squeeze %dma_wait3A_61 : memref<1x1x16x128xf32, #tpu.memory_space<vmem>> -> memref<16x128xf32, #tpu.memory_space<vmem>>
        %dma_wait3A_63 = arith.constant 0 : i32
        %dma_wait3A_64 = arith.constant 0 : i32
        %dma_wait3A_65 = tpu.memref_slice %arg3[%dma_wait3A_63, %dma_wait3A_64] : memref<32x1000000xf32, #tpu.memory_space<hbm>> -> memref<16x128xf32, #tpu.memory_space<hbm>>
        %dma_wait3A_66 = arith.constant 0 : i32
        %dma_wait3A_67 = arith.constant 0 : i32
        %dma_wait3A_68 = tpu.memref_slice %arg9[%rem3A_57, %dma_wait3A_58, %dma_wait3A_66, %dma_wait3A_67] : memref<3x16x16x128xf32, #tpu.memory_space<vmem>> -> memref<1x1x16x128xf32, #tpu.memory_space<vmem>>
        %dma_wait3A_69 = tpu.memref_squeeze %dma_wait3A_68 : memref<1x1x16x128xf32, #tpu.memory_space<vmem>> -> memref<16x128xf32, #tpu.memory_space<vmem>>
        %dma_wait3A_70 = arith.constant 0 : i32
        %dma_wait3A_71 = arith.constant 0 : i32
        %dma_wait3A_72 = tpu.memref_slice %arg3[%dma_wait3A_70, %dma_wait3A_71] : memref<32x1000000xf32, #tpu.memory_space<hbm>> -> memref<16x128xf32, #tpu.memory_space<hbm>>
        tpu.wait_dma2 semaphore(%arg11 : memref<!tpu.dma_semaphore, #tpu.memory_space<semaphore_mem>>) src(%dma_wait3A_72 : memref<16x128xf32, #tpu.memory_space<hbm>>) dst(%dma_wait3A_69 : memref<16x128xf32, #tpu.memory_space<vmem>>)
        %sub3A_73 = arith.constant 2 : i32
        %sub3A_74 = arith.subi %scan3A_26, %sub3A_73 : i32
        %rem3A_75 = arith.constant 3 : i32
        %rem3A_76 = arith.remsi %sub3A_74, %rem3A_75 : i32
        %dma_wait3A_77 = arith.constant 2 : i32
        %dma_wait3A_78 = arith.constant 0 : i32
        %dma_wait3A_79 = arith.constant 0 : i32
        %dma_wait3A_80 = tpu.memref_slice %arg9[%rem3A_76, %dma_wait3A_77, %dma_wait3A_78, %dma_wait3A_79] : memref<3x16x16x128xf32, #tpu.memory_space<vmem>> -> memref<1x1x16x128xf32, #tpu.memory_space<vmem>>
        %dma_wait3A_81 = tpu.memref_squeeze %dma_wait3A_80 : memref<1x1x16x128xf32, #tpu.memory_space<vmem>> -> memref<16x128xf32, #tpu.memory_space<vmem>>
        %dma_wait3A_82 = arith.constant 0 : i32
        %dma_wait3A_83 = arith.constant 0 : i32
        %dma_wait3A_84 = tpu.memref_slice %arg3[%dma_wait3A_82, %dma_wait3A_83] : memref<32x1000000xf32, #tpu.memory_space<hbm>> -> memref<16x128xf32, #tpu.memory_space<hbm>>
        %dma_wait3A_85 = arith.constant 0 : i32
        %dma_wait3A_86 = arith.constant 0 : i32
        %dma_wait3A_87 = tpu.memref_slice %arg9[%rem3A_76, %dma_wait3A_77, %dma_wait3A_85, %dma_wait3A_86] : memref<3x16x16x128xf32, #tpu.memory_space<vmem>> -> memref<1x1x16x128xf32, #tpu.memory_space<vmem>>
        %dma_wait3A_88 = tpu.memref_squeeze %dma_wait3A_87 : memref<1x1x16x128xf32, #tpu.memory_space<vmem>> -> memref<16x128xf32, #tpu.memory_space<vmem>>
        %dma_wait3A_89 = arith.constant 0 : i32
        %dma_wait3A_90 = arith.constant 0 : i32
        %dma_wait3A_91 = tpu.memref_slice %arg3[%dma_wait3A_89, %dma_wait3A_90] : memref<32x1000000xf32, #tpu.memory_space<hbm>> -> memref<16x128xf32, #tpu.memory_space<hbm>>
        tpu.wait_dma2 semaphore(%arg11 : memref<!tpu.dma_semaphore, #tpu.memory_space<semaphore_mem>>) src(%dma_wait3A_91 : memref<16x128xf32, #tpu.memory_space<hbm>>) dst(%dma_wait3A_88 : memref<16x128xf32, #tpu.memory_space<vmem>>)
        %sub3A_92 = arith.constant 2 : i32
        %sub3A_93 = arith.subi %scan3A_26, %sub3A_92 : i32
        %rem3A_94 = arith.constant 3 : i32
        %rem3A_95 = arith.remsi %sub3A_93, %rem3A_94 : i32
        %dma_wait3A_96 = arith.constant 3 : i32
        %dma_wait3A_97 = arith.constant 0 : i32
        %dma_wait3A_98 = arith.constant 0 : i32
        %dma_wait3A_99 = tpu.memref_slice %arg9[%rem3A_95, %dma_wait3A_96, %dma_wait3A_97, %dma_wait3A_98] : memref<3x16x16x128xf32, #tpu.memory_space<vmem>> -> memref<1x1x16x128xf32, #tpu.memory_space<vmem>>
        %dma_wait3A_100 = tpu.memref_squeeze %dma_wait3A_99 : memref<1x1x16x128xf32, #tpu.memory_space<vmem>> -> memref<16x128xf32, #tpu.memory_space<vmem>>
        %dma_wait3A_101 = arith.constant 0 : i32
        %dma_wait3A_102 = arith.constant 0 : i32
        %dma_wait3A_103 = tpu.memref_slice %arg3[%dma_wait3A_101, %dma_wait3A_102] : memref<32x1000000xf32, #tpu.memory_space<hbm>> -> memref<16x128xf32, #tpu.memory_space<hbm>>
        %dma_wait3A_104 = arith.constant 0 : i32
        %dma_wait3A_105 = arith.constant 0 : i32
        %dma_wait3A_106 = tpu.memref_slice %arg9[%rem3A_95, %dma_wait3A_96, %dma_wait3A_104, %dma_wait3A_105] : memref<3x16x16x128xf32, #tpu.memory_space<vmem>> -> memref<1x1x16x128xf32, #tpu.memory_space<vmem>>
        %dma_wait3A_107 = tpu.memref_squeeze %dma_wait3A_106 : memref<1x1x16x128xf32, #tpu.memory_space<vmem>> -> memref<16x128xf32, #tpu.memory_space<vmem>>
        %dma_wait3A_108 = arith.constant 0 : i32
        %dma_wait3A_109 = arith.constant 0 : i32
        %dma_wait3A_110 = tpu.memref_slice %arg3[%dma_wait3A_108, %dma_wait3A_109] : memref<32x1000000xf32, #tpu.memory_space<hbm>> -> memref<16x128xf32, #tpu.memory_space<hbm>>
        tpu.wait_dma2 semaphore(%arg11 : memref<!tpu.dma_semaphore, #tpu.memory_space<semaphore_mem>>) src(%dma_wait3A_110 : memref<16x128xf32, #tpu.memory_space<hbm>>) dst(%dma_wait3A_107 : memref<16x128xf32, #tpu.memory_space<vmem>>)
        %sub3A_111 = arith.constant 2 : i32
        %sub3A_112 = arith.subi %scan3A_26, %sub3A_111 : i32
        %rem3A_113 = arith.constant 3 : i32
        %rem3A_114 = arith.remsi %sub3A_112, %rem3A_113 : i32
        %dma_wait3A_115 = arith.constant 4 : i32
        %dma_wait3A_116 = arith.constant 0 : i32
        %dma_wait3A_117 = arith.constant 0 : i32
        %dma_wait3A_118 = tpu.memref_slice %arg9[%rem3A_114, %dma_wait3A_115, %dma_wait3A_116, %dma_wait3A_117] : memref<3x16x16x128xf32, #tpu.memory_space<vmem>> -> memref<1x1x16x128xf32, #tpu.memory_space<vmem>>
        %dma_wait3A_119 = tpu.memref_squeeze %dma_wait3A_118 : memref<1x1x16x128xf32, #tpu.memory_space<vmem>> -> memref<16x128xf32, #tpu.memory_space<vmem>>
        %dma_wait3A_120 = arith.constant 0 : i32
        %dma_wait3A_121 = arith.constant 0 : i32
        %dma_wait3A_122 = tpu.memref_slice %arg3[%dma_wait3A_120, %dma_wait3A_121] : memref<32x1000000xf32, #tpu.memory_space<hbm>> -> memref<16x128xf32, #tpu.memory_space<hbm>>
        %dma_wait3A_123 = arith.constant 0 : i32
        %dma_wait3A_124 = arith.constant 0 : i32
        %dma_wait3A_125 = tpu.memref_slice %arg9[%rem3A_114, %dma_wait3A_115, %dma_wait3A_123, %dma_wait3A_124] : memref<3x16x16x128xf32, #tpu.memory_space<vmem>> -> memref<1x1x16x128xf32, #tpu.memory_space<vmem>>
        %dma_wait3A_126 = tpu.memref_squeeze %dma_wait3A_125 : memref<1x1x16x128xf32, #tpu.memory_space<vmem>> -> memref<16x128xf32, #tpu.memory_space<vmem>>
        %dma_wait3A_127 = arith.constant 0 : i32
        %dma_wait3A_128 = arith.constant 0 : i32
        %dma_wait3A_129 = tpu.memref_slice %arg3[%dma_wait3A_127, %dma_wait3A_128] : memref<32x1000000xf32, #tpu.memory_space<hbm>> -> memref<16x128xf32, #tpu.memory_space<hbm>>
        tpu.wait_dma2 semaphore(%arg11 : memref<!tpu.dma_semaphore, #tpu.memory_space<semaphore_mem>>) src(%dma_wait3A_129 : memref<16x128xf32, #tpu.memory_space<hbm>>) dst(%dma_wait3A_126 : memref<16x128xf32, #tpu.memory_space<vmem>>)
        %sub3A_130 = arith.constant 2 : i32
        %sub3A_131 = arith.subi %scan3A_26, %sub3A_130 : i32
        %rem3A_132 = arith.constant 3 : i32
        %rem3A_133 = arith.remsi %sub3A_131, %rem3A_132 : i32
        %dma_wait3A_134 = arith.constant 5 : i32
        %dma_wait3A_135 = arith.constant 0 : i32
        %dma_wait3A_136 = arith.constant 0 : i32
        %dma_wait3A_137 = tpu.memref_slice %arg9[%rem3A_133, %dma_wait3A_134, %dma_wait3A_135, %dma_wait3A_136] : memref<3x16x16x128xf32, #tpu.memory_space<vmem>> -> memref<1x1x16x128xf32, #tpu.memory_space<vmem>>
        %dma_wait3A_138 = tpu.memref_squeeze %dma_wait3A_137 : memref<1x1x16x128xf32, #tpu.memory_space<vmem>> -> memref<16x128xf32, #tpu.memory_space<vmem>>
        %dma_wait3A_139 = arith.constant 0 : i32
        %dma_wait3A_140 = arith.constant 0 : i32
        %dma_wait3A_141 = tpu.memref_slice %arg3[%dma_wait3A_139, %dma_wait3A_140] : memref<32x1000000xf32, #tpu.memory_space<hbm>> -> memref<16x128xf32, #tpu.memory_space<hbm>>
        %dma_wait3A_142 = arith.constant 0 : i32
        %dma_wait3A_143 = arith.constant 0 : i32
        %dma_wait3A_144 = tpu.memref_slice %arg9[%rem3A_133, %dma_wait3A_134, %dma_wait3A_142, %dma_wait3A_143] : memref<3x16x16x128xf32, #tpu.memory_space<vmem>> -> memref<1x1x16x128xf32, #tpu.memory_space<vmem>>
        %dma_wait3A_145 = tpu.memref_squeeze %dma_wait3A_144 : memref<1x1x16x128xf32, #tpu.memory_space<vmem>> -> memref<16x128xf32, #tpu.memory_space<vmem>>
        %dma_wait3A_146 = arith.constant 0 : i32
        %dma_wait3A_147 = arith.constant 0 : i32
        %dma_wait3A_148 = tpu.memref_slice %arg3[%dma_wait3A_146, %dma_wait3A_147] : memref<32x1000000xf32, #tpu.memory_space<hbm>> -> memref<16x128xf32, #tpu.memory_space<hbm>>
        tpu.wait_dma2 semaphore(%arg11 : memref<!tpu.dma_semaphore, #tpu.memory_space<semaphore_mem>>) src(%dma_wait3A_148 : memref<16x128xf32, #tpu.memory_space<hbm>>) dst(%dma_wait3A_145 : memref<16x128xf32, #tpu.memory_space<vmem>>)
        %sub3A_149 = arith.constant 2 : i32
        %sub3A_150 = arith.subi %scan3A_26, %sub3A_149 : i32
        %rem3A_151 = arith.constant 3 : i32
        %rem3A_152 = arith.remsi %sub3A_150, %rem3A_151 : i32
        %dma_wait3A_153 = arith.constant 6 : i32
        %dma_wait3A_154 = arith.constant 0 : i32
        %dma_wait3A_155 = arith.constant 0 : i32
        %dma_wait3A_156 = tpu.memref_slice %arg9[%rem3A_152, %dma_wait3A_153, %dma_wait3A_154, %dma_wait3A_155] : memref<3x16x16x128xf32, #tpu.memory_space<vmem>> -> memref<1x1x16x128xf32, #tpu.memory_space<vmem>>
        %dma_wait3A_157 = tpu.memref_squeeze %dma_wait3A_156 : memref<1x1x16x128xf32, #tpu.memory_space<vmem>> -> memref<16x128xf32, #tpu.memory_space<vmem>>
        %dma_wait3A_158 = arith.constant 0 : i32
        %dma_wait3A_159 = arith.constant 0 : i32
        %dma_wait3A_160 = tpu.memref_slice %arg3[%dma_wait3A_158, %dma_wait3A_159] : memref<32x1000000xf32, #tpu.memory_space<hbm>> -> memref<16x128xf32, #tpu.memory_space<hbm>>
        %dma_wait3A_161 = arith.constant 0 : i32
        %dma_wait3A_162 = arith.constant 0 : i32
        %dma_wait3A_163 = tpu.memref_slice %arg9[%rem3A_152, %dma_wait3A_153, %dma_wait3A_161, %dma_wait3A_162] : memref<3x16x16x128xf32, #tpu.memory_space<vmem>> -> memref<1x1x16x128xf32, #tpu.memory_space<vmem>>
        %dma_wait3A_164 = tpu.memref_squeeze %dma_wait3A_163 : memref<1x1x16x128xf32, #tpu.memory_space<vmem>> -> memref<16x128xf32, #tpu.memory_space<vmem>>
        %dma_wait3A_165 = arith.constant 0 : i32
        %dma_wait3A_166 = arith.constant 0 : i32
        %dma_wait3A_167 = tpu.memref_slice %arg3[%dma_wait3A_165, %dma_wait3A_166] : memref<32x1000000xf32, #tpu.memory_space<hbm>> -> memref<16x128xf32, #tpu.memory_space<hbm>>
        tpu.wait_dma2 semaphore(%arg11 : memref<!tpu.dma_semaphore, #tpu.memory_space<semaphore_mem>>) src(%dma_wait3A_167 : memref<16x128xf32, #tpu.memory_space<hbm>>) dst(%dma_wait3A_164 : memref<16x128xf32, #tpu.memory_space<vmem>>)
        %sub3A_168 = arith.constant 2 : i32
        %sub3A_169 = arith.subi %scan3A_26, %sub3A_168 : i32
        %rem3A_170 = arith.constant 3 : i32
        %rem3A_171 = arith.remsi %sub3A_169, %rem3A_170 : i32
        %dma_wait3A_172 = arith.constant 7 : i32
        %dma_wait3A_173 = arith.constant 0 : i32
        %dma_wait3A_174 = arith.constant 0 : i32
        %dma_wait3A_175 = tpu.memref_slice %arg9[%rem3A_171, %dma_wait3A_172, %dma_wait3A_173, %dma_wait3A_174] : memref<3x16x16x128xf32, #tpu.memory_space<vmem>> -> memref<1x1x16x128xf32, #tpu.memory_space<vmem>>
        %dma_wait3A_176 = tpu.memref_squeeze %dma_wait3A_175 : memref<1x1x16x128xf32, #tpu.memory_space<vmem>> -> memref<16x128xf32, #tpu.memory_space<vmem>>
        %dma_wait3A_177 = arith.constant 0 : i32
        %dma_wait3A_178 = arith.constant 0 : i32
        %dma_wait3A_179 = tpu.memref_slice %arg3[%dma_wait3A_177, %dma_wait3A_178] : memref<32x1000000xf32, #tpu.memory_space<hbm>> -> memref<16x128xf32, #tpu.memory_space<hbm>>
        %dma_wait3A_180 = arith.constant 0 : i32
        %dma_wait3A_181 = arith.constant 0 : i32
        %dma_wait3A_182 = tpu.memref_slice %arg9[%rem3A_171, %dma_wait3A_172, %dma_wait3A_180, %dma_wait3A_181] : memref<3x16x16x128xf32, #tpu.memory_space<vmem>> -> memref<1x1x16x128xf32, #tpu.memory_space<vmem>>
        %dma_wait3A_183 = tpu.memref_squeeze %dma_wait3A_182 : memref<1x1x16x128xf32, #tpu.memory_space<vmem>> -> memref<16x128xf32, #tpu.memory_space<vmem>>
        %dma_wait3A_184 = arith.constant 0 : i32
        %dma_wait3A_185 = arith.constant 0 : i32
        %dma_wait3A_186 = tpu.memref_slice %arg3[%dma_wait3A_184, %dma_wait3A_185] : memref<32x1000000xf32, #tpu.memory_space<hbm>> -> memref<16x128xf32, #tpu.memory_space<hbm>>
        tpu.wait_dma2 semaphore(%arg11 : memref<!tpu.dma_semaphore, #tpu.memory_space<semaphore_mem>>) src(%dma_wait3A_186 : memref<16x128xf32, #tpu.memory_space<hbm>>) dst(%dma_wait3A_183 : memref<16x128xf32, #tpu.memory_space<vmem>>)
        %sub3A_187 = arith.constant 2 : i32
        %sub3A_188 = arith.subi %scan3A_26, %sub3A_187 : i32
        %rem3A_189 = arith.constant 3 : i32
        %rem3A_190 = arith.remsi %sub3A_188, %rem3A_189 : i32
        %dma_wait3A_191 = arith.constant 8 : i32
        %dma_wait3A_192 = arith.constant 0 : i32
        %dma_wait3A_193 = arith.constant 0 : i32
        %dma_wait3A_194 = tpu.memref_slice %arg9[%rem3A_190, %dma_wait3A_191, %dma_wait3A_192, %dma_wait3A_193] : memref<3x16x16x128xf32, #tpu.memory_space<vmem>> -> memref<1x1x16x128xf32, #tpu.memory_space<vmem>>
        %dma_wait3A_195 = tpu.memref_squeeze %dma_wait3A_194 : memref<1x1x16x128xf32, #tpu.memory_space<vmem>> -> memref<16x128xf32, #tpu.memory_space<vmem>>
        %dma_wait3A_196 = arith.constant 0 : i32
        %dma_wait3A_197 = arith.constant 0 : i32
        %dma_wait3A_198 = tpu.memref_slice %arg3[%dma_wait3A_196, %dma_wait3A_197] : memref<32x1000000xf32, #tpu.memory_space<hbm>> -> memref<16x128xf32, #tpu.memory_space<hbm>>
        %dma_wait3A_199 = arith.constant 0 : i32
        %dma_wait3A_200 = arith.constant 0 : i32
        %dma_wait3A_201 = tpu.memref_slice %arg9[%rem3A_190, %dma_wait3A_191, %dma_wait3A_199, %dma_wait3A_200] : memref<3x16x16x128xf32, #tpu.memory_space<vmem>> -> memref<1x1x16x128xf32, #tpu.memory_space<vmem>>
        %dma_wait3A_202 = tpu.memref_squeeze %dma_wait3A_201 : memref<1x1x16x128xf32, #tpu.memory_space<vmem>> -> memref<16x128xf32, #tpu.memory_space<vmem>>
        %dma_wait3A_203 = arith.constant 0 : i32
        %dma_wait3A_204 = arith.constant 0 : i32
        %dma_wait3A_205 = tpu.memref_slice %arg3[%dma_wait3A_203, %dma_wait3A_204] : memref<32x1000000xf32, #tpu.memory_space<hbm>> -> memref<16x128xf32, #tpu.memory_space<hbm>>
        tpu.wait_dma2 semaphore(%arg11 : memref<!tpu.dma_semaphore, #tpu.memory_space<semaphore_mem>>) src(%dma_wait3A_205 : memref<16x128xf32, #tpu.memory_space<hbm>>) dst(%dma_wait3A_202 : memref<16x128xf32, #tpu.memory_space<vmem>>)
        %sub3A_206 = arith.constant 2 : i32
        %sub3A_207 = arith.subi %scan3A_26, %sub3A_206 : i32
        %rem3A_208 = arith.constant 3 : i32
        %rem3A_209 = arith.remsi %sub3A_207, %rem3A_208 : i32
        %dma_wait3A_210 = arith.constant 9 : i32
        %dma_wait3A_211 = arith.constant 0 : i32
        %dma_wait3A_212 = arith.constant 0 : i32
        %dma_wait3A_213 = tpu.memref_slice %arg9[%rem3A_209, %dma_wait3A_210, %dma_wait3A_211, %dma_wait3A_212] : memref<3x16x16x128xf32, #tpu.memory_space<vmem>> -> memref<1x1x16x128xf32, #tpu.memory_space<vmem>>
        %dma_wait3A_214 = tpu.memref_squeeze %dma_wait3A_213 : memref<1x1x16x128xf32, #tpu.memory_space<vmem>> -> memref<16x128xf32, #tpu.memory_space<vmem>>
        %dma_wait3A_215 = arith.constant 0 : i32
        %dma_wait3A_216 = arith.constant 0 : i32
        %dma_wait3A_217 = tpu.memref_slice %arg3[%dma_wait3A_215, %dma_wait3A_216] : memref<32x1000000xf32, #tpu.memory_space<hbm>> -> memref<16x128xf32, #tpu.memory_space<hbm>>
        %dma_wait3A_218 = arith.constant 0 : i32
        %dma_wait3A_219 = arith.constant 0 : i32
        %dma_wait3A_220 = tpu.memref_slice %arg9[%rem3A_209, %dma_wait3A_210, %dma_wait3A_218, %dma_wait3A_219] : memref<3x16x16x128xf32, #tpu.memory_space<vmem>> -> memref<1x1x16x128xf32, #tpu.memory_space<vmem>>
        %dma_wait3A_221 = tpu.memref_squeeze %dma_wait3A_220 : memref<1x1x16x128xf32, #tpu.memory_space<vmem>> -> memref<16x128xf32, #tpu.memory_space<vmem>>
        %dma_wait3A_222 = arith.constant 0 : i32
        %dma_wait3A_223 = arith.constant 0 : i32
        %dma_wait3A_224 = tpu.memref_slice %arg3[%dma_wait3A_222, %dma_wait3A_223] : memref<32x1000000xf32, #tpu.memory_space<hbm>> -> memref<16x128xf32, #tpu.memory_space<hbm>>
        tpu.wait_dma2 semaphore(%arg11 : memref<!tpu.dma_semaphore, #tpu.memory_space<semaphore_mem>>) src(%dma_wait3A_224 : memref<16x128xf32, #tpu.memory_space<hbm>>) dst(%dma_wait3A_221 : memref<16x128xf32, #tpu.memory_space<vmem>>)
        %sub3A_225 = arith.constant 2 : i32
        %sub3A_226 = arith.subi %scan3A_26, %sub3A_225 : i32
        %rem3A_227 = arith.constant 3 : i32
        %rem3A_228 = arith.remsi %sub3A_226, %rem3A_227 : i32
        %dma_wait3A_229 = arith.constant 10 : i32
        %dma_wait3A_230 = arith.constant 0 : i32
        %dma_wait3A_231 = arith.constant 0 : i32
        %dma_wait3A_232 = tpu.memref_slice %arg9[%rem3A_228, %dma_wait3A_229, %dma_wait3A_230, %dma_wait3A_231] : memref<3x16x16x128xf32, #tpu.memory_space<vmem>> -> memref<1x1x16x128xf32, #tpu.memory_space<vmem>>
        %dma_wait3A_233 = tpu.memref_squeeze %dma_wait3A_232 : memref<1x1x16x128xf32, #tpu.memory_space<vmem>> -> memref<16x128xf32, #tpu.memory_space<vmem>>
        %dma_wait3A_234 = arith.constant 0 : i32
        %dma_wait3A_235 = arith.constant 0 : i32
        %dma_wait3A_236 = tpu.memref_slice %arg3[%dma_wait3A_234, %dma_wait3A_235] : memref<32x1000000xf32, #tpu.memory_space<hbm>> -> memref<16x128xf32, #tpu.memory_space<hbm>>
        %dma_wait3A_237 = arith.constant 0 : i32
        %dma_wait3A_238 = arith.constant 0 : i32
        %dma_wait3A_239 = tpu.memref_slice %arg9[%rem3A_228, %dma_wait3A_229, %dma_wait3A_237, %dma_wait3A_238] : memref<3x16x16x128xf32, #tpu.memory_space<vmem>> -> memref<1x1x16x128xf32, #tpu.memory_space<vmem>>
        %dma_wait3A_240 = tpu.memref_squeeze %dma_wait3A_239 : memref<1x1x16x128xf32, #tpu.memory_space<vmem>> -> memref<16x128xf32, #tpu.memory_space<vmem>>
        %dma_wait3A_241 = arith.constant 0 : i32
        %dma_wait3A_242 = arith.constant 0 : i32
        %dma_wait3A_243 = tpu.memref_slice %arg3[%dma_wait3A_241, %dma_wait3A_242] : memref<32x1000000xf32, #tpu.memory_space<hbm>> -> memref<16x128xf32, #tpu.memory_space<hbm>>
        tpu.wait_dma2 semaphore(%arg11 : memref<!tpu.dma_semaphore, #tpu.memory_space<semaphore_mem>>) src(%dma_wait3A_243 : memref<16x128xf32, #tpu.memory_space<hbm>>) dst(%dma_wait3A_240 : memref<16x128xf32, #tpu.memory_space<vmem>>)
        %sub3A_244 = arith.constant 2 : i32
        %sub3A_245 = arith.subi %scan3A_26, %sub3A_244 : i32
        %rem3A_246 = arith.constant 3 : i32
        %rem3A_247 = arith.remsi %sub3A_245, %rem3A_246 : i32
        %dma_wait3A_248 = arith.constant 11 : i32
        %dma_wait3A_249 = arith.constant 0 : i32
        %dma_wait3A_250 = arith.constant 0 : i32
        %dma_wait3A_251 = tpu.memref_slice %arg9[%rem3A_247, %dma_wait3A_248, %dma_wait3A_249, %dma_wait3A_250] : memref<3x16x16x128xf32, #tpu.memory_space<vmem>> -> memref<1x1x16x128xf32, #tpu.memory_space<vmem>>
        %dma_wait3A_252 = tpu.memref_squeeze %dma_wait3A_251 : memref<1x1x16x128xf32, #tpu.memory_space<vmem>> -> memref<16x128xf32, #tpu.memory_space<vmem>>
        %dma_wait3A_253 = arith.constant 0 : i32
        %dma_wait3A_254 = arith.constant 0 : i32
        %dma_wait3A_255 = tpu.memref_slice %arg3[%dma_wait3A_253, %dma_wait3A_254] : memref<32x1000000xf32, #tpu.memory_space<hbm>> -> memref<16x128xf32, #tpu.memory_space<hbm>>
        %dma_wait3A_256 = arith.constant 0 : i32
        %dma_wait3A_257 = arith.constant 0 : i32
        %dma_wait3A_258 = tpu.memref_slice %arg9[%rem3A_247, %dma_wait3A_248, %dma_wait3A_256, %dma_wait3A_257] : memref<3x16x16x128xf32, #tpu.memory_space<vmem>> -> memref<1x1x16x128xf32, #tpu.memory_space<vmem>>
        %dma_wait3A_259 = tpu.memref_squeeze %dma_wait3A_258 : memref<1x1x16x128xf32, #tpu.memory_space<vmem>> -> memref<16x128xf32, #tpu.memory_space<vmem>>
        %dma_wait3A_260 = arith.constant 0 : i32
        %dma_wait3A_261 = arith.constant 0 : i32
        %dma_wait3A_262 = tpu.memref_slice %arg3[%dma_wait3A_260, %dma_wait3A_261] : memref<32x1000000xf32, #tpu.memory_space<hbm>> -> memref<16x128xf32, #tpu.memory_space<hbm>>
        tpu.wait_dma2 semaphore(%arg11 : memref<!tpu.dma_semaphore, #tpu.memory_space<semaphore_mem>>) src(%dma_wait3A_262 : memref<16x128xf32, #tpu.memory_space<hbm>>) dst(%dma_wait3A_259 : memref<16x128xf32, #tpu.memory_space<vmem>>)
        %sub3A_263 = arith.constant 2 : i32
        %sub3A_264 = arith.subi %scan3A_26, %sub3A_263 : i32
        %rem3A_265 = arith.constant 3 : i32
        %rem3A_266 = arith.remsi %sub3A_264, %rem3A_265 : i32
        %dma_wait3A_267 = arith.constant 12 : i32
        %dma_wait3A_268 = arith.constant 0 : i32
        %dma_wait3A_269 = arith.constant 0 : i32
        %dma_wait3A_270 = tpu.memref_slice %arg9[%rem3A_266, %dma_wait3A_267, %dma_wait3A_268, %dma_wait3A_269] : memref<3x16x16x128xf32, #tpu.memory_space<vmem>> -> memref<1x1x16x128xf32, #tpu.memory_space<vmem>>
        %dma_wait3A_271 = tpu.memref_squeeze %dma_wait3A_270 : memref<1x1x16x128xf32, #tpu.memory_space<vmem>> -> memref<16x128xf32, #tpu.memory_space<vmem>>
        %dma_wait3A_272 = arith.constant 0 : i32
        %dma_wait3A_273 = arith.constant 0 : i32
        %dma_wait3A_274 = tpu.memref_slice %arg3[%dma_wait3A_272, %dma_wait3A_273] : memref<32x1000000xf32, #tpu.memory_space<hbm>> -> memref<16x128xf32, #tpu.memory_space<hbm>>
        %dma_wait3A_275 = arith.constant 0 : i32
        %dma_wait3A_276 = arith.constant 0 : i32
        %dma_wait3A_277 = tpu.memref_slice %arg9[%rem3A_266, %dma_wait3A_267, %dma_wait3A_275, %dma_wait3A_276] : memref<3x16x16x128xf32, #tpu.memory_space<vmem>> -> memref<1x1x16x128xf32, #tpu.memory_space<vmem>>
        %dma_wait3A_278 = tpu.memref_squeeze %dma_wait3A_277 : memref<1x1x16x128xf32, #tpu.memory_space<vmem>> -> memref<16x128xf32, #tpu.memory_space<vmem>>
        %dma_wait3A_279 = arith.constant 0 : i32
        %dma_wait3A_280 = arith.constant 0 : i32
        %dma_wait3A_281 = tpu.memref_slice %arg3[%dma_wait3A_279, %dma_wait3A_280] : memref<32x1000000xf32, #tpu.memory_space<hbm>> -> memref<16x128xf32, #tpu.memory_space<hbm>>
        tpu.wait_dma2 semaphore(%arg11 : memref<!tpu.dma_semaphore, #tpu.memory_space<semaphore_mem>>) src(%dma_wait3A_281 : memref<16x128xf32, #tpu.memory_space<hbm>>) dst(%dma_wait3A_278 : memref<16x128xf32, #tpu.memory_space<vmem>>)
        %sub3A_282 = arith.constant 2 : i32
        %sub3A_283 = arith.subi %scan3A_26, %sub3A_282 : i32
        %rem3A_284 = arith.constant 3 : i32
        %rem3A_285 = arith.remsi %sub3A_283, %rem3A_284 : i32
        %dma_wait3A_286 = arith.constant 13 : i32
        %dma_wait3A_287 = arith.constant 0 : i32
        %dma_wait3A_288 = arith.constant 0 : i32
        %dma_wait3A_289 = tpu.memref_slice %arg9[%rem3A_285, %dma_wait3A_286, %dma_wait3A_287, %dma_wait3A_288] : memref<3x16x16x128xf32, #tpu.memory_space<vmem>> -> memref<1x1x16x128xf32, #tpu.memory_space<vmem>>
        %dma_wait3A_290 = tpu.memref_squeeze %dma_wait3A_289 : memref<1x1x16x128xf32, #tpu.memory_space<vmem>> -> memref<16x128xf32, #tpu.memory_space<vmem>>
        %dma_wait3A_291 = arith.constant 0 : i32
        %dma_wait3A_292 = arith.constant 0 : i32
        %dma_wait3A_293 = tpu.memref_slice %arg3[%dma_wait3A_291, %dma_wait3A_292] : memref<32x1000000xf32, #tpu.memory_space<hbm>> -> memref<16x128xf32, #tpu.memory_space<hbm>>
        %dma_wait3A_294 = arith.constant 0 : i32
        %dma_wait3A_295 = arith.constant 0 : i32
        %dma_wait3A_296 = tpu.memref_slice %arg9[%rem3A_285, %dma_wait3A_286, %dma_wait3A_294, %dma_wait3A_295] : memref<3x16x16x128xf32, #tpu.memory_space<vmem>> -> memref<1x1x16x128xf32, #tpu.memory_space<vmem>>
        %dma_wait3A_297 = tpu.memref_squeeze %dma_wait3A_296 : memref<1x1x16x128xf32, #tpu.memory_space<vmem>> -> memref<16x128xf32, #tpu.memory_space<vmem>>
        %dma_wait3A_298 = arith.constant 0 : i32
        %dma_wait3A_299 = arith.constant 0 : i32
        %dma_wait3A_300 = tpu.memref_slice %arg3[%dma_wait3A_298, %dma_wait3A_299] : memref<32x1000000xf32, #tpu.memory_space<hbm>> -> memref<16x128xf32, #tpu.memory_space<hbm>>
        tpu.wait_dma2 semaphore(%arg11 : memref<!tpu.dma_semaphore, #tpu.memory_space<semaphore_mem>>) src(%dma_wait3A_300 : memref<16x128xf32, #tpu.memory_space<hbm>>) dst(%dma_wait3A_297 : memref<16x128xf32, #tpu.memory_space<vmem>>)
        %sub3A_301 = arith.constant 2 : i32
        %sub3A_302 = arith.subi %scan3A_26, %sub3A_301 : i32
        %rem3A_303 = arith.constant 3 : i32
        %rem3A_304 = arith.remsi %sub3A_302, %rem3A_303 : i32
        %dma_wait3A_305 = arith.constant 14 : i32
        %dma_wait3A_306 = arith.constant 0 : i32
        %dma_wait3A_307 = arith.constant 0 : i32
        %dma_wait3A_308 = tpu.memref_slice %arg9[%rem3A_304, %dma_wait3A_305, %dma_wait3A_306, %dma_wait3A_307] : memref<3x16x16x128xf32, #tpu.memory_space<vmem>> -> memref<1x1x16x128xf32, #tpu.memory_space<vmem>>
        %dma_wait3A_309 = tpu.memref_squeeze %dma_wait3A_308 : memref<1x1x16x128xf32, #tpu.memory_space<vmem>> -> memref<16x128xf32, #tpu.memory_space<vmem>>
        %dma_wait3A_310 = arith.constant 0 : i32
        %dma_wait3A_311 = arith.constant 0 : i32
        %dma_wait3A_312 = tpu.memref_slice %arg3[%dma_wait3A_310, %dma_wait3A_311] : memref<32x1000000xf32, #tpu.memory_space<hbm>> -> memref<16x128xf32, #tpu.memory_space<hbm>>
        %dma_wait3A_313 = arith.constant 0 : i32
        %dma_wait3A_314 = arith.constant 0 : i32
        %dma_wait3A_315 = tpu.memref_slice %arg9[%rem3A_304, %dma_wait3A_305, %dma_wait3A_313, %dma_wait3A_314] : memref<3x16x16x128xf32, #tpu.memory_space<vmem>> -> memref<1x1x16x128xf32, #tpu.memory_space<vmem>>
        %dma_wait3A_316 = tpu.memref_squeeze %dma_wait3A_315 : memref<1x1x16x128xf32, #tpu.memory_space<vmem>> -> memref<16x128xf32, #tpu.memory_space<vmem>>
        %dma_wait3A_317 = arith.constant 0 : i32
        %dma_wait3A_318 = arith.constant 0 : i32
        %dma_wait3A_319 = tpu.memref_slice %arg3[%dma_wait3A_317, %dma_wait3A_318] : memref<32x1000000xf32, #tpu.memory_space<hbm>> -> memref<16x128xf32, #tpu.memory_space<hbm>>
        tpu.wait_dma2 semaphore(%arg11 : memref<!tpu.dma_semaphore, #tpu.memory_space<semaphore_mem>>) src(%dma_wait3A_319 : memref<16x128xf32, #tpu.memory_space<hbm>>) dst(%dma_wait3A_316 : memref<16x128xf32, #tpu.memory_space<vmem>>)
        %sub3A_320 = arith.constant 2 : i32
        %sub3A_321 = arith.subi %scan3A_26, %sub3A_320 : i32
        %rem3A_322 = arith.constant 3 : i32
        %rem3A_323 = arith.remsi %sub3A_321, %rem3A_322 : i32
        %dma_wait3A_324 = arith.constant 15 : i32
        %dma_wait3A_325 = arith.constant 0 : i32
        %dma_wait3A_326 = arith.constant 0 : i32
        %dma_wait3A_327 = tpu.memref_slice %arg9[%rem3A_323, %dma_wait3A_324, %dma_wait3A_325, %dma_wait3A_326] : memref<3x16x16x128xf32, #tpu.memory_space<vmem>> -> memref<1x1x16x128xf32, #tpu.memory_space<vmem>>
        %dma_wait3A_328 = tpu.memref_squeeze %dma_wait3A_327 : memref<1x1x16x128xf32, #tpu.memory_space<vmem>> -> memref<16x128xf32, #tpu.memory_space<vmem>>
        %dma_wait3A_329 = arith.constant 0 : i32
        %dma_wait3A_330 = arith.constant 0 : i32
        %dma_wait3A_331 = tpu.memref_slice %arg3[%dma_wait3A_329, %dma_wait3A_330] : memref<32x1000000xf32, #tpu.memory_space<hbm>> -> memref<16x128xf32, #tpu.memory_space<hbm>>
        %dma_wait3A_332 = arith.constant 0 : i32
        %dma_wait3A_333 = arith.constant 0 : i32
        %dma_wait3A_334 = tpu.memref_slice %arg9[%rem3A_323, %dma_wait3A_324, %dma_wait3A_332, %dma_wait3A_333] : memref<3x16x16x128xf32, #tpu.memory_space<vmem>> -> memref<1x1x16x128xf32, #tpu.memory_space<vmem>>
        %dma_wait3A_335 = tpu.memref_squeeze %dma_wait3A_334 : memref<1x1x16x128xf32, #tpu.memory_space<vmem>> -> memref<16x128xf32, #tpu.memory_space<vmem>>
        %dma_wait3A_336 = arith.constant 0 : i32
        %dma_wait3A_337 = arith.constant 0 : i32
        %dma_wait3A_338 = tpu.memref_slice %arg3[%dma_wait3A_336, %dma_wait3A_337] : memref<32x1000000xf32, #tpu.memory_space<hbm>> -> memref<16x128xf32, #tpu.memory_space<hbm>>
        tpu.wait_dma2 semaphore(%arg11 : memref<!tpu.dma_semaphore, #tpu.memory_space<semaphore_mem>>) src(%dma_wait3A_338 : memref<16x128xf32, #tpu.memory_space<hbm>>) dst(%dma_wait3A_335 : memref<16x128xf32, #tpu.memory_space<vmem>>)
      } else {
      }
      %lt3A = arith.constant 32 : i32
      %lt3A_29 = arith.cmpi slt, %scan3A_26, %lt3A : i32
      %convert_element_type3A_30 = arith.extui %lt3A_29 : i1 to i32
      %cond3A_31 = arith.constant 0 : i32
      %cond3A_32 = arith.cmpi ne, %convert_element_type3A_30, %cond3A_31 : i32
      scf.if %cond3A_32 {
        %rem3A = arith.constant 3 : i32
        %rem3A_38 = arith.remsi %scan3A_26, %rem3A : i32
        %mul3A_39 = arith.constant 16 : i32
        %mul3A_40 = arith.muli %scan3A_26, %mul3A_39 : i32
        %get3A = arith.index_cast %mul3A_40 : i32 to index
        %get3A_41 = tpu.vector_load %arg8[%get3A] {strides = array<i32>} : memref<512xi32, #tpu.memory_space<vmem>>, vector<16xi32>,
        %slice3A = vector.extract_strided_slice %get3A_41 {offsets = [0], sizes = [1], strides = [1]} : vector<16xi32> to vector<1xi32>
        %squeeze3A = vector.extract %slice3A[0] : i32 from vector<1xi32>
        %shift_right_arithmetic3A = arith.constant 7 : i32
        %shift_right_arithmetic3A_42 = arith.shrsi %squeeze3A, %shift_right_arithmetic3A : i32
        %shift_left3A = arith.constant 7 : i32
        %shift_left3A_43 = arith.shli %shift_right_arithmetic3A_42, %shift_left3A : i32
        %multiple_of3A = tpu.assume_multiple %shift_left3A_43, 128 : i32
        %dma_start3A = arith.constant 0 : i32
        %dma_start3A_44 = arith.constant 0 : i32
        %dma_start3A_45 = arith.constant 0 : i32
        %dma_start3A_46 = tpu.memref_slice %arg9[%rem3A_38, %dma_start3A, %dma_start3A_44, %dma_start3A_45] : memref<3x16x16x128xf32, #tpu.memory_space<vmem>> -> memref<1x1x16x128xf32, #tpu.memory_space<vmem>>
        %dma_start3A_47 = tpu.memref_squeeze %dma_start3A_46 : memref<1x1x16x128xf32, #tpu.memory_space<vmem>> -> memref<16x128xf32, #tpu.memory_space<vmem>>
        %dma_start3A_48 = arith.constant 16 : i32
        %dma_start3A_49 = tpu.memref_slice %arg3[%dma_start3A_48, %multiple_of3A] : memref<32x1000000xf32, #tpu.memory_space<hbm>> -> memref<16x128xf32, #tpu.memory_space<hbm>>
        %dma_start3A_50 = arith.constant 0 : i32
        %dma_start3A_51 = arith.constant 0 : i32
        %dma_start3A_52 = tpu.memref_slice %arg9[%rem3A_38, %dma_start3A, %dma_start3A_50, %dma_start3A_51] : memref<3x16x16x128xf32, #tpu.memory_space<vmem>> -> memref<1x1x16x128xf32, #tpu.memory_space<vmem>>
        %dma_start3A_53 = tpu.memref_squeeze %dma_start3A_52 : memref<1x1x16x128xf32, #tpu.memory_space<vmem>> -> memref<16x128xf32, #tpu.memory_space<vmem>>
        %dma_start3A_54 = arith.constant 16 : i32
        %dma_start3A_55 = tpu.memref_slice %arg3[%dma_start3A_54, %multiple_of3A] : memref<32x1000000xf32, #tpu.memory_space<hbm>> -> memref<16x128xf32, #tpu.memory_space<hbm>>
        tpu.enqueue_dma source(%dma_start3A_55 : memref<16x128xf32, #tpu.memory_space<hbm>>) target(%dma_start3A_53 : memref<16x128xf32, #tpu.memory_space<vmem>>) target_semaphore(%arg11 : memref<!tpu.dma_semaphore, #tpu.memory_space<semaphore_mem>>)
        %slice3A_56 = vector.extract_strided_slice %get3A_41 {offsets = [1], sizes = [1], strides = [1]} : vector<16xi32> to vector<1xi32>
        %squeeze3A_57 = vector.extract %slice3A_56[0] : i32 from vector<1xi32>
        %shift_right_arithmetic3A_58 = arith.constant 7 : i32
        %shift_right_arithmetic3A_59 = arith.shrsi %squeeze3A_57, %shift_right_arithmetic3A_58 : i32
        %shift_left3A_60 = arith.constant 7 : i32
        %shift_left3A_61 = arith.shli %shift_right_arithmetic3A_59, %shift_left3A_60 : i32
        %multiple_of3A_62 = tpu.assume_multiple %shift_left3A_61, 128 : i32
        %dma_start3A_63 = arith.constant 1 : i32
        %dma_start3A_64 = arith.constant 0 : i32
        %dma_start3A_65 = arith.constant 0 : i32
        %dma_start3A_66 = tpu.memref_slice %arg9[%rem3A_38, %dma_start3A_63, %dma_start3A_64, %dma_start3A_65] : memref<3x16x16x128xf32, #tpu.memory_space<vmem>> -> memref<1x1x16x128xf32, #tpu.memory_space<vmem>>
        %dma_start3A_67 = tpu.memref_squeeze %dma_start3A_66 : memref<1x1x16x128xf32, #tpu.memory_space<vmem>> -> memref<16x128xf32, #tpu.memory_space<vmem>>
        %dma_start3A_68 = arith.constant 16 : i32
        %dma_start3A_69 = tpu.memref_slice %arg3[%dma_start3A_68, %multiple_of3A_62] : memref<32x1000000xf32, #tpu.memory_space<hbm>> -> memref<16x128xf32, #tpu.memory_space<hbm>>
        %dma_start3A_70 = arith.constant 0 : i32
        %dma_start3A_71 = arith.constant 0 : i32
        %dma_start3A_72 = tpu.memref_slice %arg9[%rem3A_38, %dma_start3A_63, %dma_start3A_70, %dma_start3A_71] : memref<3x16x16x128xf32, #tpu.memory_space<vmem>> -> memref<1x1x16x128xf32, #tpu.memory_space<vmem>>
        %dma_start3A_73 = tpu.memref_squeeze %dma_start3A_72 : memref<1x1x16x128xf32, #tpu.memory_space<vmem>> -> memref<16x128xf32, #tpu.memory_space<vmem>>
        %dma_start3A_74 = arith.constant 16 : i32
        %dma_start3A_75 = tpu.memref_slice %arg3[%dma_start3A_74, %multiple_of3A_62] : memref<32x1000000xf32, #tpu.memory_space<hbm>> -> memref<16x128xf32, #tpu.memory_space<hbm>>
        tpu.enqueue_dma source(%dma_start3A_75 : memref<16x128xf32, #tpu.memory_space<hbm>>) target(%dma_start3A_73 : memref<16x128xf32, #tpu.memory_space<vmem>>) target_semaphore(%arg11 : memref<!tpu.dma_semaphore, #tpu.memory_space<semaphore_mem>>)
        %slice3A_76 = vector.extract_strided_slice %get3A_41 {offsets = [2], sizes = [1], strides = [1]} : vector<16xi32> to vector<1xi32>
        %squeeze3A_77 = vector.extract %slice3A_76[0] : i32 from vector<1xi32>
        %shift_right_arithmetic3A_78 = arith.constant 7 : i32
        %shift_right_arithmetic3A_79 = arith.shrsi %squeeze3A_77, %shift_right_arithmetic3A_78 : i32
        %shift_left3A_80 = arith.constant 7 : i32
        %shift_left3A_81 = arith.shli %shift_right_arithmetic3A_79, %shift_left3A_80 : i32
        %multiple_of3A_82 = tpu.assume_multiple %shift_left3A_81, 128 : i32
        %dma_start3A_83 = arith.constant 2 : i32
        %dma_start3A_84 = arith.constant 0 : i32
        %dma_start3A_85 = arith.constant 0 : i32
        %dma_start3A_86 = tpu.memref_slice %arg9[%rem3A_38, %dma_start3A_83, %dma_start3A_84, %dma_start3A_85] : memref<3x16x16x128xf32, #tpu.memory_space<vmem>> -> memref<1x1x16x128xf32, #tpu.memory_space<vmem>>
        %dma_start3A_87 = tpu.memref_squeeze %dma_start3A_86 : memref<1x1x16x128xf32, #tpu.memory_space<vmem>> -> memref<16x128xf32, #tpu.memory_space<vmem>>
        %dma_start3A_88 = arith.constant 16 : i32
        %dma_start3A_89 = tpu.memref_slice %arg3[%dma_start3A_88, %multiple_of3A_82] : memref<32x1000000xf32, #tpu.memory_space<hbm>> -> memref<16x128xf32, #tpu.memory_space<hbm>>
        %dma_start3A_90 = arith.constant 0 : i32
        %dma_start3A_91 = arith.constant 0 : i32
        %dma_start3A_92 = tpu.memref_slice %arg9[%rem3A_38, %dma_start3A_83, %dma_start3A_90, %dma_start3A_91] : memref<3x16x16x128xf32, #tpu.memory_space<vmem>> -> memref<1x1x16x128xf32, #tpu.memory_space<vmem>>
        %dma_start3A_93 = tpu.memref_squeeze %dma_start3A_92 : memref<1x1x16x128xf32, #tpu.memory_space<vmem>> -> memref<16x128xf32, #tpu.memory_space<vmem>>
        %dma_start3A_94 = arith.constant 16 : i32
        %dma_start3A_95 = tpu.memref_slice %arg3[%dma_start3A_94, %multiple_of3A_82] : memref<32x1000000xf32, #tpu.memory_space<hbm>> -> memref<16x128xf32, #tpu.memory_space<hbm>>
        tpu.enqueue_dma source(%dma_start3A_95 : memref<16x128xf32, #tpu.memory_space<hbm>>) target(%dma_start3A_93 : memref<16x128xf32, #tpu.memory_space<vmem>>) target_semaphore(%arg11 : memref<!tpu.dma_semaphore, #tpu.memory_space<semaphore_mem>>)
        %slice3A_96 = vector.extract_strided_slice %get3A_41 {offsets = [3], sizes = [1], strides = [1]} : vector<16xi32> to vector<1xi32>
        %squeeze3A_97 = vector.extract %slice3A_96[0] : i32 from vector<1xi32>
        %shift_right_arithmetic3A_98 = arith.constant 7 : i32
        %shift_right_arithmetic3A_99 = arith.shrsi %squeeze3A_97, %shift_right_arithmetic3A_98 : i32
        %shift_left3A_100 = arith.constant 7 : i32
        %shift_left3A_101 = arith.shli %shift_right_arithmetic3A_99, %shift_left3A_100 : i32
        %multiple_of3A_102 = tpu.assume_multiple %shift_left3A_101, 128 : i32
        %dma_start3A_103 = arith.constant 3 : i32
        %dma_start3A_104 = arith.constant 0 : i32
        %dma_start3A_105 = arith.constant 0 : i32
        %dma_start3A_106 = tpu.memref_slice %arg9[%rem3A_38, %dma_start3A_103, %dma_start3A_104, %dma_start3A_105] : memref<3x16x16x128xf32, #tpu.memory_space<vmem>> -> memref<1x1x16x128xf32, #tpu.memory_space<vmem>>
        %dma_start3A_107 = tpu.memref_squeeze %dma_start3A_106 : memref<1x1x16x128xf32, #tpu.memory_space<vmem>> -> memref<16x128xf32, #tpu.memory_space<vmem>>
        %dma_start3A_108 = arith.constant 16 : i32
        %dma_start3A_109 = tpu.memref_slice %arg3[%dma_start3A_108, %multiple_of3A_102] : memref<32x1000000xf32, #tpu.memory_space<hbm>> -> memref<16x128xf32, #tpu.memory_space<hbm>>
        %dma_start3A_110 = arith.constant 0 : i32
        %dma_start3A_111 = arith.constant 0 : i32
        %dma_start3A_112 = tpu.memref_slice %arg9[%rem3A_38, %dma_start3A_103, %dma_start3A_110, %dma_start3A_111] : memref<3x16x16x128xf32, #tpu.memory_space<vmem>> -> memref<1x1x16x128xf32, #tpu.memory_space<vmem>>
        %dma_start3A_113 = tpu.memref_squeeze %dma_start3A_112 : memref<1x1x16x128xf32, #tpu.memory_space<vmem>> -> memref<16x128xf32, #tpu.memory_space<vmem>>
        %dma_start3A_114 = arith.constant 16 : i32
        %dma_start3A_115 = tpu.memref_slice %arg3[%dma_start3A_114, %multiple_of3A_102] : memref<32x1000000xf32, #tpu.memory_space<hbm>> -> memref<16x128xf32, #tpu.memory_space<hbm>>
        tpu.enqueue_dma source(%dma_start3A_115 : memref<16x128xf32, #tpu.memory_space<hbm>>) target(%dma_start3A_113 : memref<16x128xf32, #tpu.memory_space<vmem>>) target_semaphore(%arg11 : memref<!tpu.dma_semaphore, #tpu.memory_space<semaphore_mem>>)
        %slice3A_116 = vector.extract_strided_slice %get3A_41 {offsets = [4], sizes = [1], strides = [1]} : vector<16xi32> to vector<1xi32>
        %squeeze3A_117 = vector.extract %slice3A_116[0] : i32 from vector<1xi32>
        %shift_right_arithmetic3A_118 = arith.constant 7 : i32
        %shift_right_arithmetic3A_119 = arith.shrsi %squeeze3A_117, %shift_right_arithmetic3A_118 : i32
        %shift_left3A_120 = arith.constant 7 : i32
        %shift_left3A_121 = arith.shli %shift_right_arithmetic3A_119, %shift_left3A_120 : i32
        %multiple_of3A_122 = tpu.assume_multiple %shift_left3A_121, 128 : i32
        %dma_start3A_123 = arith.constant 4 : i32
        %dma_start3A_124 = arith.constant 0 : i32
        %dma_start3A_125 = arith.constant 0 : i32
        %dma_start3A_126 = tpu.memref_slice %arg9[%rem3A_38, %dma_start3A_123, %dma_start3A_124, %dma_start3A_125] : memref<3x16x16x128xf32, #tpu.memory_space<vmem>> -> memref<1x1x16x128xf32, #tpu.memory_space<vmem>>
        %dma_start3A_127 = tpu.memref_squeeze %dma_start3A_126 : memref<1x1x16x128xf32, #tpu.memory_space<vmem>> -> memref<16x128xf32, #tpu.memory_space<vmem>>
        %dma_start3A_128 = arith.constant 16 : i32
        %dma_start3A_129 = tpu.memref_slice %arg3[%dma_start3A_128, %multiple_of3A_122] : memref<32x1000000xf32, #tpu.memory_space<hbm>> -> memref<16x128xf32, #tpu.memory_space<hbm>>
        %dma_start3A_130 = arith.constant 0 : i32
        %dma_start3A_131 = arith.constant 0 : i32
        %dma_start3A_132 = tpu.memref_slice %arg9[%rem3A_38, %dma_start3A_123, %dma_start3A_130, %dma_start3A_131] : memref<3x16x16x128xf32, #tpu.memory_space<vmem>> -> memref<1x1x16x128xf32, #tpu.memory_space<vmem>>
        %dma_start3A_133 = tpu.memref_squeeze %dma_start3A_132 : memref<1x1x16x128xf32, #tpu.memory_space<vmem>> -> memref<16x128xf32, #tpu.memory_space<vmem>>
        %dma_start3A_134 = arith.constant 16 : i32
        %dma_start3A_135 = tpu.memref_slice %arg3[%dma_start3A_134, %multiple_of3A_122] : memref<32x1000000xf32, #tpu.memory_space<hbm>> -> memref<16x128xf32, #tpu.memory_space<hbm>>
        tpu.enqueue_dma source(%dma_start3A_135 : memref<16x128xf32, #tpu.memory_space<hbm>>) target(%dma_start3A_133 : memref<16x128xf32, #tpu.memory_space<vmem>>) target_semaphore(%arg11 : memref<!tpu.dma_semaphore, #tpu.memory_space<semaphore_mem>>)
        %slice3A_136 = vector.extract_strided_slice %get3A_41 {offsets = [5], sizes = [1], strides = [1]} : vector<16xi32> to vector<1xi32>
        %squeeze3A_137 = vector.extract %slice3A_136[0] : i32 from vector<1xi32>
        %shift_right_arithmetic3A_138 = arith.constant 7 : i32
        %shift_right_arithmetic3A_139 = arith.shrsi %squeeze3A_137, %shift_right_arithmetic3A_138 : i32
        %shift_left3A_140 = arith.constant 7 : i32
        %shift_left3A_141 = arith.shli %shift_right_arithmetic3A_139, %shift_left3A_140 : i32
        %multiple_of3A_142 = tpu.assume_multiple %shift_left3A_141, 128 : i32
        %dma_start3A_143 = arith.constant 5 : i32
        %dma_start3A_144 = arith.constant 0 : i32
        %dma_start3A_145 = arith.constant 0 : i32
        %dma_start3A_146 = tpu.memref_slice %arg9[%rem3A_38, %dma_start3A_143, %dma_start3A_144, %dma_start3A_145] : memref<3x16x16x128xf32, #tpu.memory_space<vmem>> -> memref<1x1x16x128xf32, #tpu.memory_space<vmem>>
        %dma_start3A_147 = tpu.memref_squeeze %dma_start3A_146 : memref<1x1x16x128xf32, #tpu.memory_space<vmem>> -> memref<16x128xf32, #tpu.memory_space<vmem>>
        %dma_start3A_148 = arith.constant 16 : i32
        %dma_start3A_149 = tpu.memref_slice %arg3[%dma_start3A_148, %multiple_of3A_142] : memref<32x1000000xf32, #tpu.memory_space<hbm>> -> memref<16x128xf32, #tpu.memory_space<hbm>>
        %dma_start3A_150 = arith.constant 0 : i32
        %dma_start3A_151 = arith.constant 0 : i32
        %dma_start3A_152 = tpu.memref_slice %arg9[%rem3A_38, %dma_start3A_143, %dma_start3A_150, %dma_start3A_151] : memref<3x16x16x128xf32, #tpu.memory_space<vmem>> -> memref<1x1x16x128xf32, #tpu.memory_space<vmem>>
        %dma_start3A_153 = tpu.memref_squeeze %dma_start3A_152 : memref<1x1x16x128xf32, #tpu.memory_space<vmem>> -> memref<16x128xf32, #tpu.memory_space<vmem>>
        %dma_start3A_154 = arith.constant 16 : i32
        %dma_start3A_155 = tpu.memref_slice %arg3[%dma_start3A_154, %multiple_of3A_142] : memref<32x1000000xf32, #tpu.memory_space<hbm>> -> memref<16x128xf32, #tpu.memory_space<hbm>>
        tpu.enqueue_dma source(%dma_start3A_155 : memref<16x128xf32, #tpu.memory_space<hbm>>) target(%dma_start3A_153 : memref<16x128xf32, #tpu.memory_space<vmem>>) target_semaphore(%arg11 : memref<!tpu.dma_semaphore, #tpu.memory_space<semaphore_mem>>)
        %slice3A_156 = vector.extract_strided_slice %get3A_41 {offsets = [6], sizes = [1], strides = [1]} : vector<16xi32> to vector<1xi32>
        %squeeze3A_157 = vector.extract %slice3A_156[0] : i32 from vector<1xi32>
        %shift_right_arithmetic3A_158 = arith.constant 7 : i32
        %shift_right_arithmetic3A_159 = arith.shrsi %squeeze3A_157, %shift_right_arithmetic3A_158 : i32
        %shift_left3A_160 = arith.constant 7 : i32
        %shift_left3A_161 = arith.shli %shift_right_arithmetic3A_159, %shift_left3A_160 : i32
        %multiple_of3A_162 = tpu.assume_multiple %shift_left3A_161, 128 : i32
        %dma_start3A_163 = arith.constant 6 : i32
        %dma_start3A_164 = arith.constant 0 : i32
        %dma_start3A_165 = arith.constant 0 : i32
        %dma_start3A_166 = tpu.memref_slice %arg9[%rem3A_38, %dma_start3A_163, %dma_start3A_164, %dma_start3A_165] : memref<3x16x16x128xf32, #tpu.memory_space<vmem>> -> memref<1x1x16x128xf32, #tpu.memory_space<vmem>>
        %dma_start3A_167 = tpu.memref_squeeze %dma_start3A_166 : memref<1x1x16x128xf32, #tpu.memory_space<vmem>> -> memref<16x128xf32, #tpu.memory_space<vmem>>
        %dma_start3A_168 = arith.constant 16 : i32
        %dma_start3A_169 = tpu.memref_slice %arg3[%dma_start3A_168, %multiple_of3A_162] : memref<32x1000000xf32, #tpu.memory_space<hbm>> -> memref<16x128xf32, #tpu.memory_space<hbm>>
        %dma_start3A_170 = arith.constant 0 : i32
        %dma_start3A_171 = arith.constant 0 : i32
        %dma_start3A_172 = tpu.memref_slice %arg9[%rem3A_38, %dma_start3A_163, %dma_start3A_170, %dma_start3A_171] : memref<3x16x16x128xf32, #tpu.memory_space<vmem>> -> memref<1x1x16x128xf32, #tpu.memory_space<vmem>>
        %dma_start3A_173 = tpu.memref_squeeze %dma_start3A_172 : memref<1x1x16x128xf32, #tpu.memory_space<vmem>> -> memref<16x128xf32, #tpu.memory_space<vmem>>
        %dma_start3A_174 = arith.constant 16 : i32
        %dma_start3A_175 = tpu.memref_slice %arg3[%dma_start3A_174, %multiple_of3A_162] : memref<32x1000000xf32, #tpu.memory_space<hbm>> -> memref<16x128xf32, #tpu.memory_space<hbm>>
        tpu.enqueue_dma source(%dma_start3A_175 : memref<16x128xf32, #tpu.memory_space<hbm>>) target(%dma_start3A_173 : memref<16x128xf32, #tpu.memory_space<vmem>>) target_semaphore(%arg11 : memref<!tpu.dma_semaphore, #tpu.memory_space<semaphore_mem>>)
        %slice3A_176 = vector.extract_strided_slice %get3A_41 {offsets = [7], sizes = [1], strides = [1]} : vector<16xi32> to vector<1xi32>
        %squeeze3A_177 = vector.extract %slice3A_176[0] : i32 from vector<1xi32>
        %shift_right_arithmetic3A_178 = arith.constant 7 : i32
        %shift_right_arithmetic3A_179 = arith.shrsi %squeeze3A_177, %shift_right_arithmetic3A_178 : i32
        %shift_left3A_180 = arith.constant 7 : i32
        %shift_left3A_181 = arith.shli %shift_right_arithmetic3A_179, %shift_left3A_180 : i32
        %multiple_of3A_182 = tpu.assume_multiple %shift_left3A_181, 128 : i32
        %dma_start3A_183 = arith.constant 7 : i32
        %dma_start3A_184 = arith.constant 0 : i32
        %dma_start3A_185 = arith.constant 0 : i32
        %dma_start3A_186 = tpu.memref_slice %arg9[%rem3A_38, %dma_start3A_183, %dma_start3A_184, %dma_start3A_185] : memref<3x16x16x128xf32, #tpu.memory_space<vmem>> -> memref<1x1x16x128xf32, #tpu.memory_space<vmem>>
        %dma_start3A_187 = tpu.memref_squeeze %dma_start3A_186 : memref<1x1x16x128xf32, #tpu.memory_space<vmem>> -> memref<16x128xf32, #tpu.memory_space<vmem>>
        %dma_start3A_188 = arith.constant 16 : i32
        %dma_start3A_189 = tpu.memref_slice %arg3[%dma_start3A_188, %multiple_of3A_182] : memref<32x1000000xf32, #tpu.memory_space<hbm>> -> memref<16x128xf32, #tpu.memory_space<hbm>>
        %dma_start3A_190 = arith.constant 0 : i32
        %dma_start3A_191 = arith.constant 0 : i32
        %dma_start3A_192 = tpu.memref_slice %arg9[%rem3A_38, %dma_start3A_183, %dma_start3A_190, %dma_start3A_191] : memref<3x16x16x128xf32, #tpu.memory_space<vmem>> -> memref<1x1x16x128xf32, #tpu.memory_space<vmem>>
        %dma_start3A_193 = tpu.memref_squeeze %dma_start3A_192 : memref<1x1x16x128xf32, #tpu.memory_space<vmem>> -> memref<16x128xf32, #tpu.memory_space<vmem>>
        %dma_start3A_194 = arith.constant 16 : i32
        %dma_start3A_195 = tpu.memref_slice %arg3[%dma_start3A_194, %multiple_of3A_182] : memref<32x1000000xf32, #tpu.memory_space<hbm>> -> memref<16x128xf32, #tpu.memory_space<hbm>>
        tpu.enqueue_dma source(%dma_start3A_195 : memref<16x128xf32, #tpu.memory_space<hbm>>) target(%dma_start3A_193 : memref<16x128xf32, #tpu.memory_space<vmem>>) target_semaphore(%arg11 : memref<!tpu.dma_semaphore, #tpu.memory_space<semaphore_mem>>)
        %slice3A_196 = vector.extract_strided_slice %get3A_41 {offsets = [8], sizes = [1], strides = [1]} : vector<16xi32> to vector<1xi32>
        %squeeze3A_197 = vector.extract %slice3A_196[0] : i32 from vector<1xi32>
        %shift_right_arithmetic3A_198 = arith.constant 7 : i32
        %shift_right_arithmetic3A_199 = arith.shrsi %squeeze3A_197, %shift_right_arithmetic3A_198 : i32
        %shift_left3A_200 = arith.constant 7 : i32
        %shift_left3A_201 = arith.shli %shift_right_arithmetic3A_199, %shift_left3A_200 : i32
        %multiple_of3A_202 = tpu.assume_multiple %shift_left3A_201, 128 : i32
        %dma_start3A_203 = arith.constant 8 : i32
        %dma_start3A_204 = arith.constant 0 : i32
        %dma_start3A_205 = arith.constant 0 : i32
        %dma_start3A_206 = tpu.memref_slice %arg9[%rem3A_38, %dma_start3A_203, %dma_start3A_204, %dma_start3A_205] : memref<3x16x16x128xf32, #tpu.memory_space<vmem>> -> memref<1x1x16x128xf32, #tpu.memory_space<vmem>>
        %dma_start3A_207 = tpu.memref_squeeze %dma_start3A_206 : memref<1x1x16x128xf32, #tpu.memory_space<vmem>> -> memref<16x128xf32, #tpu.memory_space<vmem>>
        %dma_start3A_208 = arith.constant 16 : i32
        %dma_start3A_209 = tpu.memref_slice %arg3[%dma_start3A_208, %multiple_of3A_202] : memref<32x1000000xf32, #tpu.memory_space<hbm>> -> memref<16x128xf32, #tpu.memory_space<hbm>>
        %dma_start3A_210 = arith.constant 0 : i32
        %dma_start3A_211 = arith.constant 0 : i32
        %dma_start3A_212 = tpu.memref_slice %arg9[%rem3A_38, %dma_start3A_203, %dma_start3A_210, %dma_start3A_211] : memref<3x16x16x128xf32, #tpu.memory_space<vmem>> -> memref<1x1x16x128xf32, #tpu.memory_space<vmem>>
        %dma_start3A_213 = tpu.memref_squeeze %dma_start3A_212 : memref<1x1x16x128xf32, #tpu.memory_space<vmem>> -> memref<16x128xf32, #tpu.memory_space<vmem>>
        %dma_start3A_214 = arith.constant 16 : i32
        %dma_start3A_215 = tpu.memref_slice %arg3[%dma_start3A_214, %multiple_of3A_202] : memref<32x1000000xf32, #tpu.memory_space<hbm>> -> memref<16x128xf32, #tpu.memory_space<hbm>>
        tpu.enqueue_dma source(%dma_start3A_215 : memref<16x128xf32, #tpu.memory_space<hbm>>) target(%dma_start3A_213 : memref<16x128xf32, #tpu.memory_space<vmem>>) target_semaphore(%arg11 : memref<!tpu.dma_semaphore, #tpu.memory_space<semaphore_mem>>)
        %slice3A_216 = vector.extract_strided_slice %get3A_41 {offsets = [9], sizes = [1], strides = [1]} : vector<16xi32> to vector<1xi32>
        %squeeze3A_217 = vector.extract %slice3A_216[0] : i32 from vector<1xi32>
        %shift_right_arithmetic3A_218 = arith.constant 7 : i32
        %shift_right_arithmetic3A_219 = arith.shrsi %squeeze3A_217, %shift_right_arithmetic3A_218 : i32
        %shift_left3A_220 = arith.constant 7 : i32
        %shift_left3A_221 = arith.shli %shift_right_arithmetic3A_219, %shift_left3A_220 : i32
        %multiple_of3A_222 = tpu.assume_multiple %shift_left3A_221, 128 : i32
        %dma_start3A_223 = arith.constant 9 : i32
        %dma_start3A_224 = arith.constant 0 : i32
        %dma_start3A_225 = arith.constant 0 : i32
        %dma_start3A_226 = tpu.memref_slice %arg9[%rem3A_38, %dma_start3A_223, %dma_start3A_224, %dma_start3A_225] : memref<3x16x16x128xf32, #tpu.memory_space<vmem>> -> memref<1x1x16x128xf32, #tpu.memory_space<vmem>>
        %dma_start3A_227 = tpu.memref_squeeze %dma_start3A_226 : memref<1x1x16x128xf32, #tpu.memory_space<vmem>> -> memref<16x128xf32, #tpu.memory_space<vmem>>
        %dma_start3A_228 = arith.constant 16 : i32
        %dma_start3A_229 = tpu.memref_slice %arg3[%dma_start3A_228, %multiple_of3A_222] : memref<32x1000000xf32, #tpu.memory_space<hbm>> -> memref<16x128xf32, #tpu.memory_space<hbm>>
        %dma_start3A_230 = arith.constant 0 : i32
        %dma_start3A_231 = arith.constant 0 : i32
        %dma_start3A_232 = tpu.memref_slice %arg9[%rem3A_38, %dma_start3A_223, %dma_start3A_230, %dma_start3A_231] : memref<3x16x16x128xf32, #tpu.memory_space<vmem>> -> memref<1x1x16x128xf32, #tpu.memory_space<vmem>>
        %dma_start3A_233 = tpu.memref_squeeze %dma_start3A_232 : memref<1x1x16x128xf32, #tpu.memory_space<vmem>> -> memref<16x128xf32, #tpu.memory_space<vmem>>
        %dma_start3A_234 = arith.constant 16 : i32
        %dma_start3A_235 = tpu.memref_slice %arg3[%dma_start3A_234, %multiple_of3A_222] : memref<32x1000000xf32, #tpu.memory_space<hbm>> -> memref<16x128xf32, #tpu.memory_space<hbm>>
        tpu.enqueue_dma source(%dma_start3A_235 : memref<16x128xf32, #tpu.memory_space<hbm>>) target(%dma_start3A_233 : memref<16x128xf32, #tpu.memory_space<vmem>>) target_semaphore(%arg11 : memref<!tpu.dma_semaphore, #tpu.memory_space<semaphore_mem>>)
        %slice3A_236 = vector.extract_strided_slice %get3A_41 {offsets = [10], sizes = [1], strides = [1]} : vector<16xi32> to vector<1xi32>
        %squeeze3A_237 = vector.extract %slice3A_236[0] : i32 from vector<1xi32>
        %shift_right_arithmetic3A_238 = arith.constant 7 : i32
        %shift_right_arithmetic3A_239 = arith.shrsi %squeeze3A_237, %shift_right_arithmetic3A_238 : i32
        %shift_left3A_240 = arith.constant 7 : i32
        %shift_left3A_241 = arith.shli %shift_right_arithmetic3A_239, %shift_left3A_240 : i32
        %multiple_of3A_242 = tpu.assume_multiple %shift_left3A_241, 128 : i32
        %dma_start3A_243 = arith.constant 10 : i32
        %dma_start3A_244 = arith.constant 0 : i32
        %dma_start3A_245 = arith.constant 0 : i32
        %dma_start3A_246 = tpu.memref_slice %arg9[%rem3A_38, %dma_start3A_243, %dma_start3A_244, %dma_start3A_245] : memref<3x16x16x128xf32, #tpu.memory_space<vmem>> -> memref<1x1x16x128xf32, #tpu.memory_space<vmem>>
        %dma_start3A_247 = tpu.memref_squeeze %dma_start3A_246 : memref<1x1x16x128xf32, #tpu.memory_space<vmem>> -> memref<16x128xf32, #tpu.memory_space<vmem>>
        %dma_start3A_248 = arith.constant 16 : i32
        %dma_start3A_249 = tpu.memref_slice %arg3[%dma_start3A_248, %multiple_of3A_242] : memref<32x1000000xf32, #tpu.memory_space<hbm>> -> memref<16x128xf32, #tpu.memory_space<hbm>>
        %dma_start3A_250 = arith.constant 0 : i32
        %dma_start3A_251 = arith.constant 0 : i32
        %dma_start3A_252 = tpu.memref_slice %arg9[%rem3A_38, %dma_start3A_243, %dma_start3A_250, %dma_start3A_251] : memref<3x16x16x128xf32, #tpu.memory_space<vmem>> -> memref<1x1x16x128xf32, #tpu.memory_space<vmem>>
        %dma_start3A_253 = tpu.memref_squeeze %dma_start3A_252 : memref<1x1x16x128xf32, #tpu.memory_space<vmem>> -> memref<16x128xf32, #tpu.memory_space<vmem>>
        %dma_start3A_254 = arith.constant 16 : i32
        %dma_start3A_255 = tpu.memref_slice %arg3[%dma_start3A_254, %multiple_of3A_242] : memref<32x1000000xf32, #tpu.memory_space<hbm>> -> memref<16x128xf32, #tpu.memory_space<hbm>>
        tpu.enqueue_dma source(%dma_start3A_255 : memref<16x128xf32, #tpu.memory_space<hbm>>) target(%dma_start3A_253 : memref<16x128xf32, #tpu.memory_space<vmem>>) target_semaphore(%arg11 : memref<!tpu.dma_semaphore, #tpu.memory_space<semaphore_mem>>)
        %slice3A_256 = vector.extract_strided_slice %get3A_41 {offsets = [11], sizes = [1], strides = [1]} : vector<16xi32> to vector<1xi32>
        %squeeze3A_257 = vector.extract %slice3A_256[0] : i32 from vector<1xi32>
        %shift_right_arithmetic3A_258 = arith.constant 7 : i32
        %shift_right_arithmetic3A_259 = arith.shrsi %squeeze3A_257, %shift_right_arithmetic3A_258 : i32
        %shift_left3A_260 = arith.constant 7 : i32
        %shift_left3A_261 = arith.shli %shift_right_arithmetic3A_259, %shift_left3A_260 : i32
        %multiple_of3A_262 = tpu.assume_multiple %shift_left3A_261, 128 : i32
        %dma_start3A_263 = arith.constant 11 : i32
        %dma_start3A_264 = arith.constant 0 : i32
        %dma_start3A_265 = arith.constant 0 : i32
        %dma_start3A_266 = tpu.memref_slice %arg9[%rem3A_38, %dma_start3A_263, %dma_start3A_264, %dma_start3A_265] : memref<3x16x16x128xf32, #tpu.memory_space<vmem>> -> memref<1x1x16x128xf32, #tpu.memory_space<vmem>>
        %dma_start3A_267 = tpu.memref_squeeze %dma_start3A_266 : memref<1x1x16x128xf32, #tpu.memory_space<vmem>> -> memref<16x128xf32, #tpu.memory_space<vmem>>
        %dma_start3A_268 = arith.constant 16 : i32
        %dma_start3A_269 = tpu.memref_slice %arg3[%dma_start3A_268, %multiple_of3A_262] : memref<32x1000000xf32, #tpu.memory_space<hbm>> -> memref<16x128xf32, #tpu.memory_space<hbm>>
        %dma_start3A_270 = arith.constant 0 : i32
        %dma_start3A_271 = arith.constant 0 : i32
        %dma_start3A_272 = tpu.memref_slice %arg9[%rem3A_38, %dma_start3A_263, %dma_start3A_270, %dma_start3A_271] : memref<3x16x16x128xf32, #tpu.memory_space<vmem>> -> memref<1x1x16x128xf32, #tpu.memory_space<vmem>>
        %dma_start3A_273 = tpu.memref_squeeze %dma_start3A_272 : memref<1x1x16x128xf32, #tpu.memory_space<vmem>> -> memref<16x128xf32, #tpu.memory_space<vmem>>
        %dma_start3A_274 = arith.constant 16 : i32
        %dma_start3A_275 = tpu.memref_slice %arg3[%dma_start3A_274, %multiple_of3A_262] : memref<32x1000000xf32, #tpu.memory_space<hbm>> -> memref<16x128xf32, #tpu.memory_space<hbm>>
        tpu.enqueue_dma source(%dma_start3A_275 : memref<16x128xf32, #tpu.memory_space<hbm>>) target(%dma_start3A_273 : memref<16x128xf32, #tpu.memory_space<vmem>>) target_semaphore(%arg11 : memref<!tpu.dma_semaphore, #tpu.memory_space<semaphore_mem>>)
        %slice3A_276 = vector.extract_strided_slice %get3A_41 {offsets = [12], sizes = [1], strides = [1]} : vector<16xi32> to vector<1xi32>
        %squeeze3A_277 = vector.extract %slice3A_276[0] : i32 from vector<1xi32>
        %shift_right_arithmetic3A_278 = arith.constant 7 : i32
        %shift_right_arithmetic3A_279 = arith.shrsi %squeeze3A_277, %shift_right_arithmetic3A_278 : i32
        %shift_left3A_280 = arith.constant 7 : i32
        %shift_left3A_281 = arith.shli %shift_right_arithmetic3A_279, %shift_left3A_280 : i32
        %multiple_of3A_282 = tpu.assume_multiple %shift_left3A_281, 128 : i32
        %dma_start3A_283 = arith.constant 12 : i32
        %dma_start3A_284 = arith.constant 0 : i32
        %dma_start3A_285 = arith.constant 0 : i32
        %dma_start3A_286 = tpu.memref_slice %arg9[%rem3A_38, %dma_start3A_283, %dma_start3A_284, %dma_start3A_285] : memref<3x16x16x128xf32, #tpu.memory_space<vmem>> -> memref<1x1x16x128xf32, #tpu.memory_space<vmem>>
        %dma_start3A_287 = tpu.memref_squeeze %dma_start3A_286 : memref<1x1x16x128xf32, #tpu.memory_space<vmem>> -> memref<16x128xf32, #tpu.memory_space<vmem>>
        %dma_start3A_288 = arith.constant 16 : i32
        %dma_start3A_289 = tpu.memref_slice %arg3[%dma_start3A_288, %multiple_of3A_282] : memref<32x1000000xf32, #tpu.memory_space<hbm>> -> memref<16x128xf32, #tpu.memory_space<hbm>>
        %dma_start3A_290 = arith.constant 0 : i32
        %dma_start3A_291 = arith.constant 0 : i32
        %dma_start3A_292 = tpu.memref_slice %arg9[%rem3A_38, %dma_start3A_283, %dma_start3A_290, %dma_start3A_291] : memref<3x16x16x128xf32, #tpu.memory_space<vmem>> -> memref<1x1x16x128xf32, #tpu.memory_space<vmem>>
        %dma_start3A_293 = tpu.memref_squeeze %dma_start3A_292 : memref<1x1x16x128xf32, #tpu.memory_space<vmem>> -> memref<16x128xf32, #tpu.memory_space<vmem>>
        %dma_start3A_294 = arith.constant 16 : i32
        %dma_start3A_295 = tpu.memref_slice %arg3[%dma_start3A_294, %multiple_of3A_282] : memref<32x1000000xf32, #tpu.memory_space<hbm>> -> memref<16x128xf32, #tpu.memory_space<hbm>>
        tpu.enqueue_dma source(%dma_start3A_295 : memref<16x128xf32, #tpu.memory_space<hbm>>) target(%dma_start3A_293 : memref<16x128xf32, #tpu.memory_space<vmem>>) target_semaphore(%arg11 : memref<!tpu.dma_semaphore, #tpu.memory_space<semaphore_mem>>)
        %slice3A_296 = vector.extract_strided_slice %get3A_41 {offsets = [13], sizes = [1], strides = [1]} : vector<16xi32> to vector<1xi32>
        %squeeze3A_297 = vector.extract %slice3A_296[0] : i32 from vector<1xi32>
        %shift_right_arithmetic3A_298 = arith.constant 7 : i32
        %shift_right_arithmetic3A_299 = arith.shrsi %squeeze3A_297, %shift_right_arithmetic3A_298 : i32
        %shift_left3A_300 = arith.constant 7 : i32
        %shift_left3A_301 = arith.shli %shift_right_arithmetic3A_299, %shift_left3A_300 : i32
        %multiple_of3A_302 = tpu.assume_multiple %shift_left3A_301, 128 : i32
        %dma_start3A_303 = arith.constant 13 : i32
        %dma_start3A_304 = arith.constant 0 : i32
        %dma_start3A_305 = arith.constant 0 : i32
        %dma_start3A_306 = tpu.memref_slice %arg9[%rem3A_38, %dma_start3A_303, %dma_start3A_304, %dma_start3A_305] : memref<3x16x16x128xf32, #tpu.memory_space<vmem>> -> memref<1x1x16x128xf32, #tpu.memory_space<vmem>>
        %dma_start3A_307 = tpu.memref_squeeze %dma_start3A_306 : memref<1x1x16x128xf32, #tpu.memory_space<vmem>> -> memref<16x128xf32, #tpu.memory_space<vmem>>
        %dma_start3A_308 = arith.constant 16 : i32
        %dma_start3A_309 = tpu.memref_slice %arg3[%dma_start3A_308, %multiple_of3A_302] : memref<32x1000000xf32, #tpu.memory_space<hbm>> -> memref<16x128xf32, #tpu.memory_space<hbm>>
        %dma_start3A_310 = arith.constant 0 : i32
        %dma_start3A_311 = arith.constant 0 : i32
        %dma_start3A_312 = tpu.memref_slice %arg9[%rem3A_38, %dma_start3A_303, %dma_start3A_310, %dma_start3A_311] : memref<3x16x16x128xf32, #tpu.memory_space<vmem>> -> memref<1x1x16x128xf32, #tpu.memory_space<vmem>>
        %dma_start3A_313 = tpu.memref_squeeze %dma_start3A_312 : memref<1x1x16x128xf32, #tpu.memory_space<vmem>> -> memref<16x128xf32, #tpu.memory_space<vmem>>
        %dma_start3A_314 = arith.constant 16 : i32
        %dma_start3A_315 = tpu.memref_slice %arg3[%dma_start3A_314, %multiple_of3A_302] : memref<32x1000000xf32, #tpu.memory_space<hbm>> -> memref<16x128xf32, #tpu.memory_space<hbm>>
        tpu.enqueue_dma source(%dma_start3A_315 : memref<16x128xf32, #tpu.memory_space<hbm>>) target(%dma_start3A_313 : memref<16x128xf32, #tpu.memory_space<vmem>>) target_semaphore(%arg11 : memref<!tpu.dma_semaphore, #tpu.memory_space<semaphore_mem>>)
        %slice3A_316 = vector.extract_strided_slice %get3A_41 {offsets = [14], sizes = [1], strides = [1]} : vector<16xi32> to vector<1xi32>
        %squeeze3A_317 = vector.extract %slice3A_316[0] : i32 from vector<1xi32>
        %shift_right_arithmetic3A_318 = arith.constant 7 : i32
        %shift_right_arithmetic3A_319 = arith.shrsi %squeeze3A_317, %shift_right_arithmetic3A_318 : i32
        %shift_left3A_320 = arith.constant 7 : i32
        %shift_left3A_321 = arith.shli %shift_right_arithmetic3A_319, %shift_left3A_320 : i32
        %multiple_of3A_322 = tpu.assume_multiple %shift_left3A_321, 128 : i32
        %dma_start3A_323 = arith.constant 14 : i32
        %dma_start3A_324 = arith.constant 0 : i32
        %dma_start3A_325 = arith.constant 0 : i32
        %dma_start3A_326 = tpu.memref_slice %arg9[%rem3A_38, %dma_start3A_323, %dma_start3A_324, %dma_start3A_325] : memref<3x16x16x128xf32, #tpu.memory_space<vmem>> -> memref<1x1x16x128xf32, #tpu.memory_space<vmem>>
        %dma_start3A_327 = tpu.memref_squeeze %dma_start3A_326 : memref<1x1x16x128xf32, #tpu.memory_space<vmem>> -> memref<16x128xf32, #tpu.memory_space<vmem>>
        %dma_start3A_328 = arith.constant 16 : i32
        %dma_start3A_329 = tpu.memref_slice %arg3[%dma_start3A_328, %multiple_of3A_322] : memref<32x1000000xf32, #tpu.memory_space<hbm>> -> memref<16x128xf32, #tpu.memory_space<hbm>>
        %dma_start3A_330 = arith.constant 0 : i32
        %dma_start3A_331 = arith.constant 0 : i32
        %dma_start3A_332 = tpu.memref_slice %arg9[%rem3A_38, %dma_start3A_323, %dma_start3A_330, %dma_start3A_331] : memref<3x16x16x128xf32, #tpu.memory_space<vmem>> -> memref<1x1x16x128xf32, #tpu.memory_space<vmem>>
        %dma_start3A_333 = tpu.memref_squeeze %dma_start3A_332 : memref<1x1x16x128xf32, #tpu.memory_space<vmem>> -> memref<16x128xf32, #tpu.memory_space<vmem>>
        %dma_start3A_334 = arith.constant 16 : i32
        %dma_start3A_335 = tpu.memref_slice %arg3[%dma_start3A_334, %multiple_of3A_322] : memref<32x1000000xf32, #tpu.memory_space<hbm>> -> memref<16x128xf32, #tpu.memory_space<hbm>>
        tpu.enqueue_dma source(%dma_start3A_335 : memref<16x128xf32, #tpu.memory_space<hbm>>) target(%dma_start3A_333 : memref<16x128xf32, #tpu.memory_space<vmem>>) target_semaphore(%arg11 : memref<!tpu.dma_semaphore, #tpu.memory_space<semaphore_mem>>)
        %slice3A_336 = vector.extract_strided_slice %get3A_41 {offsets = [15], sizes = [1], strides = [1]} : vector<16xi32> to vector<1xi32>
        %squeeze3A_337 = vector.extract %slice3A_336[0] : i32 from vector<1xi32>
        %shift_right_arithmetic3A_338 = arith.constant 7 : i32
        %shift_right_arithmetic3A_339 = arith.shrsi %squeeze3A_337, %shift_right_arithmetic3A_338 : i32
        %shift_left3A_340 = arith.constant 7 : i32
        %shift_left3A_341 = arith.shli %shift_right_arithmetic3A_339, %shift_left3A_340 : i32
        %multiple_of3A_342 = tpu.assume_multiple %shift_left3A_341, 128 : i32
        %dma_start3A_343 = arith.constant 15 : i32
        %dma_start3A_344 = arith.constant 0 : i32
        %dma_start3A_345 = arith.constant 0 : i32
        %dma_start3A_346 = tpu.memref_slice %arg9[%rem3A_38, %dma_start3A_343, %dma_start3A_344, %dma_start3A_345] : memref<3x16x16x128xf32, #tpu.memory_space<vmem>> -> memref<1x1x16x128xf32, #tpu.memory_space<vmem>>
        %dma_start3A_347 = tpu.memref_squeeze %dma_start3A_346 : memref<1x1x16x128xf32, #tpu.memory_space<vmem>> -> memref<16x128xf32, #tpu.memory_space<vmem>>
        %dma_start3A_348 = arith.constant 16 : i32
        %dma_start3A_349 = tpu.memref_slice %arg3[%dma_start3A_348, %multiple_of3A_342] : memref<32x1000000xf32, #tpu.memory_space<hbm>> -> memref<16x128xf32, #tpu.memory_space<hbm>>
        %dma_start3A_350 = arith.constant 0 : i32
        %dma_start3A_351 = arith.constant 0 : i32
        %dma_start3A_352 = tpu.memref_slice %arg9[%rem3A_38, %dma_start3A_343, %dma_start3A_350, %dma_start3A_351] : memref<3x16x16x128xf32, #tpu.memory_space<vmem>> -> memref<1x1x16x128xf32, #tpu.memory_space<vmem>>
        %dma_start3A_353 = tpu.memref_squeeze %dma_start3A_352 : memref<1x1x16x128xf32, #tpu.memory_space<vmem>> -> memref<16x128xf32, #tpu.memory_space<vmem>>
        %dma_start3A_354 = arith.constant 16 : i32
        %dma_start3A_355 = tpu.memref_slice %arg3[%dma_start3A_354, %multiple_of3A_342] : memref<32x1000000xf32, #tpu.memory_space<hbm>> -> memref<16x128xf32, #tpu.memory_space<hbm>>
        tpu.enqueue_dma source(%dma_start3A_355 : memref<16x128xf32, #tpu.memory_space<hbm>>) target(%dma_start3A_353 : memref<16x128xf32, #tpu.memory_space<vmem>>) target_semaphore(%arg11 : memref<!tpu.dma_semaphore, #tpu.memory_space<semaphore_mem>>)
      } else {
      }
      %ge3A_33 = arith.constant 2 : i32
      %ge3A_34 = arith.cmpi sge, %scan3A_26, %ge3A_33 : i32
      %convert_element_type3A_35 = arith.extui %ge3A_34 : i1 to i32
      %cond3A_36 = arith.constant 0 : i32
      %cond3A_37 = arith.cmpi ne, %convert_element_type3A_35, %cond3A_36 : i32
      scf.if %cond3A_37 {
        %sub3A = arith.constant 2 : i32
        %sub3A_38 = arith.subi %scan3A_26, %sub3A : i32
        %rem3A = arith.constant 3 : i32
        %rem3A_39 = arith.remsi %sub3A_38, %rem3A : i32
        %sub3A_40 = arith.constant 2 : i32
        %sub3A_41 = arith.subi %scan3A_26, %sub3A_40 : i32
        %mul3A_42 = arith.constant 16 : i32
        %mul3A_43 = arith.muli %sub3A_41, %mul3A_42 : i32
        %get3A = arith.index_cast %mul3A_43 : i32 to index
        %get3A_44 = tpu.vector_load %arg8[%get3A] {strides = array<i32>} : memref<512xi32, #tpu.memory_space<vmem>>, vector<16xi32>,
        %and3A = arith.constant 127 : i32
        %and3A_45 = vector.broadcast %and3A : i32 to vector<16xi32>
        %and3A_46 = arith.andi %get3A_44, %and3A_45 : vector<16xi32>
        %mul3A_47 = arith.constant 0 : i32
        %mul3A_48 = vector.broadcast %mul3A_47 : i32 to vector<16xi32>
        %mul3A_49 = arith.muli %iota3A, %mul3A_48 : vector<16xi32>
        %add3A_50 = arith.constant 0 : i32
        %add3A_51 = vector.broadcast %add3A_50 : i32 to vector<16xi32>
        %add3A_52 = arith.addi %mul3A_49, %add3A_51 : vector<16xi32>
        %gather3A = arith.constant 0 : i32
        %gather3A_53 = arith.constant 0 : i32
        %gather3A_54 = arith.constant 0 : i32
        %gather3A_55 = tpu.memref_slice %arg9[%rem3A_39, %gather3A, %gather3A_53, %gather3A_54] : memref<3x16x16x128xf32, #tpu.memory_space<vmem>> -> memref<1x16x16x128xf32, #tpu.memory_space<vmem>>
        %gather3A_56 = tpu.memref_squeeze %gather3A_55 : memref<1x16x16x128xf32, #tpu.memory_space<vmem>> -> memref<16x16x128xf32, #tpu.memory_space<vmem>>
        %gather3A_57 = tpu.vector_load_idx %gather3A_56[%iota3A, %add3A_52, %and3A_46] : memref<16x16x128xf32, #tpu.memory_space<vmem>>[vector<16xi32>, vector<16xi32>, vector<16xi32>], vector<16xf32>,
        %get3A_58 = arith.constant 16 : i32
        %get3A_59 = arith.index_cast %get3A_58 : i32 to index
        %get3A_60 = arith.index_cast %mul3A_43 : i32 to index
        %get3A_61 = tpu.vector_load %arg10[%get3A_59, %get3A_60] {strides = array<i32>} : memref<32x512xf32, #tpu.memory_space<vmem>>, vector<16xf32>,
        %mul3A_62 = arith.mulf %gather3A_57, %get3A_61 : vector<16xf32>
        %swap3A = arith.constant 16 : i32
        %swap3A_63 = arith.index_cast %swap3A : i32 to index
        %swap3A_64 = arith.index_cast %mul3A_43 : i32 to index
        %swap3A_65 = tpu.vector_load %arg10[%swap3A_63, %swap3A_64] {strides = array<i32>} : memref<32x512xf32, #tpu.memory_space<vmem>>, vector<16xf32>,
        tpu.vector_store %arg10[%swap3A_63, %swap3A_64], %mul3A_62 {strides = array<i32>} : memref<32x512xf32, #tpu.memory_space<vmem>>, vector<16xf32>,
        %mul3A_66 = arith.constant 0 : i32
        %mul3A_67 = vector.broadcast %mul3A_66 : i32 to vector<16xi32>
        %mul3A_68 = arith.muli %iota3A, %mul3A_67 : vector<16xi32>
        %add3A_69 = arith.constant 1 : i32
        %add3A_70 = vector.broadcast %add3A_69 : i32 to vector<16xi32>
        %add3A_71 = arith.addi %mul3A_68, %add3A_70 : vector<16xi32>
        %gather3A_72 = arith.constant 0 : i32
        %gather3A_73 = arith.constant 0 : i32
        %gather3A_74 = arith.constant 0 : i32
        %gather3A_75 = tpu.memref_slice %arg9[%rem3A_39, %gather3A_72, %gather3A_73, %gather3A_74] : memref<3x16x16x128xf32, #tpu.memory_space<vmem>> -> memref<1x16x16x128xf32, #tpu.memory_space<vmem>>
        %gather3A_76 = tpu.memref_squeeze %gather3A_75 : memref<1x16x16x128xf32, #tpu.memory_space<vmem>> -> memref<16x16x128xf32, #tpu.memory_space<vmem>>
        %gather3A_77 = tpu.vector_load_idx %gather3A_76[%iota3A, %add3A_71, %and3A_46] : memref<16x16x128xf32, #tpu.memory_space<vmem>>[vector<16xi32>, vector<16xi32>, vector<16xi32>], vector<16xf32>,
        %get3A_78 = arith.constant 17 : i32
        %get3A_79 = arith.index_cast %get3A_78 : i32 to index
        %get3A_80 = arith.index_cast %mul3A_43 : i32 to index
        %get3A_81 = tpu.vector_load %arg10[%get3A_79, %get3A_80] {strides = array<i32>} : memref<32x512xf32, #tpu.memory_space<vmem>>, vector<16xf32>,
        %mul3A_82 = arith.mulf %gather3A_77, %get3A_81 : vector<16xf32>
        %swap3A_83 = arith.constant 17 : i32
        %swap3A_84 = arith.index_cast %swap3A_83 : i32 to index
        %swap3A_85 = arith.index_cast %mul3A_43 : i32 to index
        %swap3A_86 = tpu.vector_load %arg10[%swap3A_84, %swap3A_85] {strides = array<i32>} : memref<32x512xf32, #tpu.memory_space<vmem>>, vector<16xf32>,
        tpu.vector_store %arg10[%swap3A_84, %swap3A_85], %mul3A_82 {strides = array<i32>} : memref<32x512xf32, #tpu.memory_space<vmem>>, vector<16xf32>,
        %mul3A_87 = arith.constant 0 : i32
        %mul3A_88 = vector.broadcast %mul3A_87 : i32 to vector<16xi32>
        %mul3A_89 = arith.muli %iota3A, %mul3A_88 : vector<16xi32>
        %add3A_90 = arith.constant 2 : i32
        %add3A_91 = vector.broadcast %add3A_90 : i32 to vector<16xi32>
        %add3A_92 = arith.addi %mul3A_89, %add3A_91 : vector<16xi32>
        %gather3A_93 = arith.constant 0 : i32
        %gather3A_94 = arith.constant 0 : i32
        %gather3A_95 = arith.constant 0 : i32
        %gather3A_96 = tpu.memref_slice %arg9[%rem3A_39, %gather3A_93, %gather3A_94, %gather3A_95] : memref<3x16x16x128xf32, #tpu.memory_space<vmem>> -> memref<1x16x16x128xf32, #tpu.memory_space<vmem>>
        %gather3A_97 = tpu.memref_squeeze %gather3A_96 : memref<1x16x16x128xf32, #tpu.memory_space<vmem>> -> memref<16x16x128xf32, #tpu.memory_space<vmem>>
        %gather3A_98 = tpu.vector_load_idx %gather3A_97[%iota3A, %add3A_92, %and3A_46] : memref<16x16x128xf32, #tpu.memory_space<vmem>>[vector<16xi32>, vector<16xi32>, vector<16xi32>], vector<16xf32>,
        %get3A_99 = arith.constant 18 : i32
        %get3A_100 = arith.index_cast %get3A_99 : i32 to index
        %get3A_101 = arith.index_cast %mul3A_43 : i32 to index
        %get3A_102 = tpu.vector_load %arg10[%get3A_100, %get3A_101] {strides = array<i32>} : memref<32x512xf32, #tpu.memory_space<vmem>>, vector<16xf32>,
        %mul3A_103 = arith.mulf %gather3A_98, %get3A_102 : vector<16xf32>
        %swap3A_104 = arith.constant 18 : i32
        %swap3A_105 = arith.index_cast %swap3A_104 : i32 to index
        %swap3A_106 = arith.index_cast %mul3A_43 : i32 to index
        %swap3A_107 = tpu.vector_load %arg10[%swap3A_105, %swap3A_106] {strides = array<i32>} : memref<32x512xf32, #tpu.memory_space<vmem>>, vector<16xf32>,
        tpu.vector_store %arg10[%swap3A_105, %swap3A_106], %mul3A_103 {strides = array<i32>} : memref<32x512xf32, #tpu.memory_space<vmem>>, vector<16xf32>,
        %mul3A_108 = arith.constant 0 : i32
        %mul3A_109 = vector.broadcast %mul3A_108 : i32 to vector<16xi32>
        %mul3A_110 = arith.muli %iota3A, %mul3A_109 : vector<16xi32>
        %add3A_111 = arith.constant 3 : i32
        %add3A_112 = vector.broadcast %add3A_111 : i32 to vector<16xi32>
        %add3A_113 = arith.addi %mul3A_110, %add3A_112 : vector<16xi32>
        %gather3A_114 = arith.constant 0 : i32
        %gather3A_115 = arith.constant 0 : i32
        %gather3A_116 = arith.constant 0 : i32
        %gather3A_117 = tpu.memref_slice %arg9[%rem3A_39, %gather3A_114, %gather3A_115, %gather3A_116] : memref<3x16x16x128xf32, #tpu.memory_space<vmem>> -> memref<1x16x16x128xf32, #tpu.memory_space<vmem>>
        %gather3A_118 = tpu.memref_squeeze %gather3A_117 : memref<1x16x16x128xf32, #tpu.memory_space<vmem>> -> memref<16x16x128xf32, #tpu.memory_space<vmem>>
        %gather3A_119 = tpu.vector_load_idx %gather3A_118[%iota3A, %add3A_113, %and3A_46] : memref<16x16x128xf32, #tpu.memory_space<vmem>>[vector<16xi32>, vector<16xi32>, vector<16xi32>], vector<16xf32>,
        %get3A_120 = arith.constant 19 : i32
        %get3A_121 = arith.index_cast %get3A_120 : i32 to index
        %get3A_122 = arith.index_cast %mul3A_43 : i32 to index
        %get3A_123 = tpu.vector_load %arg10[%get3A_121, %get3A_122] {strides = array<i32>} : memref<32x512xf32, #tpu.memory_space<vmem>>, vector<16xf32>,
        %mul3A_124 = arith.mulf %gather3A_119, %get3A_123 : vector<16xf32>
        %swap3A_125 = arith.constant 19 : i32
        %swap3A_126 = arith.index_cast %swap3A_125 : i32 to index
        %swap3A_127 = arith.index_cast %mul3A_43 : i32 to index
        %swap3A_128 = tpu.vector_load %arg10[%swap3A_126, %swap3A_127] {strides = array<i32>} : memref<32x512xf32, #tpu.memory_space<vmem>>, vector<16xf32>,
        tpu.vector_store %arg10[%swap3A_126, %swap3A_127], %mul3A_124 {strides = array<i32>} : memref<32x512xf32, #tpu.memory_space<vmem>>, vector<16xf32>,
        %mul3A_129 = arith.constant 0 : i32
        %mul3A_130 = vector.broadcast %mul3A_129 : i32 to vector<16xi32>
        %mul3A_131 = arith.muli %iota3A, %mul3A_130 : vector<16xi32>
        %add3A_132 = arith.constant 4 : i32
        %add3A_133 = vector.broadcast %add3A_132 : i32 to vector<16xi32>
        %add3A_134 = arith.addi %mul3A_131, %add3A_133 : vector<16xi32>
        %gather3A_135 = arith.constant 0 : i32
        %gather3A_136 = arith.constant 0 : i32
        %gather3A_137 = arith.constant 0 : i32
        %gather3A_138 = tpu.memref_slice %arg9[%rem3A_39, %gather3A_135, %gather3A_136, %gather3A_137] : memref<3x16x16x128xf32, #tpu.memory_space<vmem>> -> memref<1x16x16x128xf32, #tpu.memory_space<vmem>>
        %gather3A_139 = tpu.memref_squeeze %gather3A_138 : memref<1x16x16x128xf32, #tpu.memory_space<vmem>> -> memref<16x16x128xf32, #tpu.memory_space<vmem>>
        %gather3A_140 = tpu.vector_load_idx %gather3A_139[%iota3A, %add3A_134, %and3A_46] : memref<16x16x128xf32, #tpu.memory_space<vmem>>[vector<16xi32>, vector<16xi32>, vector<16xi32>], vector<16xf32>,
        %get3A_141 = arith.constant 20 : i32
        %get3A_142 = arith.index_cast %get3A_141 : i32 to index
        %get3A_143 = arith.index_cast %mul3A_43 : i32 to index
        %get3A_144 = tpu.vector_load %arg10[%get3A_142, %get3A_143] {strides = array<i32>} : memref<32x512xf32, #tpu.memory_space<vmem>>, vector<16xf32>,
        %mul3A_145 = arith.mulf %gather3A_140, %get3A_144 : vector<16xf32>
        %swap3A_146 = arith.constant 20 : i32
        %swap3A_147 = arith.index_cast %swap3A_146 : i32 to index
        %swap3A_148 = arith.index_cast %mul3A_43 : i32 to index
        %swap3A_149 = tpu.vector_load %arg10[%swap3A_147, %swap3A_148] {strides = array<i32>} : memref<32x512xf32, #tpu.memory_space<vmem>>, vector<16xf32>,
        tpu.vector_store %arg10[%swap3A_147, %swap3A_148], %mul3A_145 {strides = array<i32>} : memref<32x512xf32, #tpu.memory_space<vmem>>, vector<16xf32>,
        %mul3A_150 = arith.constant 0 : i32
        %mul3A_151 = vector.broadcast %mul3A_150 : i32 to vector<16xi32>
        %mul3A_152 = arith.muli %iota3A, %mul3A_151 : vector<16xi32>
        %add3A_153 = arith.constant 5 : i32
        %add3A_154 = vector.broadcast %add3A_153 : i32 to vector<16xi32>
        %add3A_155 = arith.addi %mul3A_152, %add3A_154 : vector<16xi32>
        %gather3A_156 = arith.constant 0 : i32
        %gather3A_157 = arith.constant 0 : i32
        %gather3A_158 = arith.constant 0 : i32
        %gather3A_159 = tpu.memref_slice %arg9[%rem3A_39, %gather3A_156, %gather3A_157, %gather3A_158] : memref<3x16x16x128xf32, #tpu.memory_space<vmem>> -> memref<1x16x16x128xf32, #tpu.memory_space<vmem>>
        %gather3A_160 = tpu.memref_squeeze %gather3A_159 : memref<1x16x16x128xf32, #tpu.memory_space<vmem>> -> memref<16x16x128xf32, #tpu.memory_space<vmem>>
        %gather3A_161 = tpu.vector_load_idx %gather3A_160[%iota3A, %add3A_155, %and3A_46] : memref<16x16x128xf32, #tpu.memory_space<vmem>>[vector<16xi32>, vector<16xi32>, vector<16xi32>], vector<16xf32>,
        %get3A_162 = arith.constant 21 : i32
        %get3A_163 = arith.index_cast %get3A_162 : i32 to index
        %get3A_164 = arith.index_cast %mul3A_43 : i32 to index
        %get3A_165 = tpu.vector_load %arg10[%get3A_163, %get3A_164] {strides = array<i32>} : memref<32x512xf32, #tpu.memory_space<vmem>>, vector<16xf32>,
        %mul3A_166 = arith.mulf %gather3A_161, %get3A_165 : vector<16xf32>
        %swap3A_167 = arith.constant 21 : i32
        %swap3A_168 = arith.index_cast %swap3A_167 : i32 to index
        %swap3A_169 = arith.index_cast %mul3A_43 : i32 to index
        %swap3A_170 = tpu.vector_load %arg10[%swap3A_168, %swap3A_169] {strides = array<i32>} : memref<32x512xf32, #tpu.memory_space<vmem>>, vector<16xf32>,
        tpu.vector_store %arg10[%swap3A_168, %swap3A_169], %mul3A_166 {strides = array<i32>} : memref<32x512xf32, #tpu.memory_space<vmem>>, vector<16xf32>,
        %mul3A_171 = arith.constant 0 : i32
        %mul3A_172 = vector.broadcast %mul3A_171 : i32 to vector<16xi32>
        %mul3A_173 = arith.muli %iota3A, %mul3A_172 : vector<16xi32>
        %add3A_174 = arith.constant 6 : i32
        %add3A_175 = vector.broadcast %add3A_174 : i32 to vector<16xi32>
        %add3A_176 = arith.addi %mul3A_173, %add3A_175 : vector<16xi32>
        %gather3A_177 = arith.constant 0 : i32
        %gather3A_178 = arith.constant 0 : i32
        %gather3A_179 = arith.constant 0 : i32
        %gather3A_180 = tpu.memref_slice %arg9[%rem3A_39, %gather3A_177, %gather3A_178, %gather3A_179] : memref<3x16x16x128xf32, #tpu.memory_space<vmem>> -> memref<1x16x16x128xf32, #tpu.memory_space<vmem>>
        %gather3A_181 = tpu.memref_squeeze %gather3A_180 : memref<1x16x16x128xf32, #tpu.memory_space<vmem>> -> memref<16x16x128xf32, #tpu.memory_space<vmem>>
        %gather3A_182 = tpu.vector_load_idx %gather3A_181[%iota3A, %add3A_176, %and3A_46] : memref<16x16x128xf32, #tpu.memory_space<vmem>>[vector<16xi32>, vector<16xi32>, vector<16xi32>], vector<16xf32>,
        %get3A_183 = arith.constant 22 : i32
        %get3A_184 = arith.index_cast %get3A_183 : i32 to index
        %get3A_185 = arith.index_cast %mul3A_43 : i32 to index
        %get3A_186 = tpu.vector_load %arg10[%get3A_184, %get3A_185] {strides = array<i32>} : memref<32x512xf32, #tpu.memory_space<vmem>>, vector<16xf32>,
        %mul3A_187 = arith.mulf %gather3A_182, %get3A_186 : vector<16xf32>
        %swap3A_188 = arith.constant 22 : i32
        %swap3A_189 = arith.index_cast %swap3A_188 : i32 to index
        %swap3A_190 = arith.index_cast %mul3A_43 : i32 to index
        %swap3A_191 = tpu.vector_load %arg10[%swap3A_189, %swap3A_190] {strides = array<i32>} : memref<32x512xf32, #tpu.memory_space<vmem>>, vector<16xf32>,
        tpu.vector_store %arg10[%swap3A_189, %swap3A_190], %mul3A_187 {strides = array<i32>} : memref<32x512xf32, #tpu.memory_space<vmem>>, vector<16xf32>,
        %mul3A_192 = arith.constant 0 : i32
        %mul3A_193 = vector.broadcast %mul3A_192 : i32 to vector<16xi32>
        %mul3A_194 = arith.muli %iota3A, %mul3A_193 : vector<16xi32>
        %add3A_195 = arith.constant 7 : i32
        %add3A_196 = vector.broadcast %add3A_195 : i32 to vector<16xi32>
        %add3A_197 = arith.addi %mul3A_194, %add3A_196 : vector<16xi32>
        %gather3A_198 = arith.constant 0 : i32
        %gather3A_199 = arith.constant 0 : i32
        %gather3A_200 = arith.constant 0 : i32
        %gather3A_201 = tpu.memref_slice %arg9[%rem3A_39, %gather3A_198, %gather3A_199, %gather3A_200] : memref<3x16x16x128xf32, #tpu.memory_space<vmem>> -> memref<1x16x16x128xf32, #tpu.memory_space<vmem>>
        %gather3A_202 = tpu.memref_squeeze %gather3A_201 : memref<1x16x16x128xf32, #tpu.memory_space<vmem>> -> memref<16x16x128xf32, #tpu.memory_space<vmem>>
        %gather3A_203 = tpu.vector_load_idx %gather3A_202[%iota3A, %add3A_197, %and3A_46] : memref<16x16x128xf32, #tpu.memory_space<vmem>>[vector<16xi32>, vector<16xi32>, vector<16xi32>], vector<16xf32>,
        %get3A_204 = arith.constant 23 : i32
        %get3A_205 = arith.index_cast %get3A_204 : i32 to index
        %get3A_206 = arith.index_cast %mul3A_43 : i32 to index
        %get3A_207 = tpu.vector_load %arg10[%get3A_205, %get3A_206] {strides = array<i32>} : memref<32x512xf32, #tpu.memory_space<vmem>>, vector<16xf32>,
        %mul3A_208 = arith.mulf %gather3A_203, %get3A_207 : vector<16xf32>
        %swap3A_209 = arith.constant 23 : i32
        %swap3A_210 = arith.index_cast %swap3A_209 : i32 to index
        %swap3A_211 = arith.index_cast %mul3A_43 : i32 to index
        %swap3A_212 = tpu.vector_load %arg10[%swap3A_210, %swap3A_211] {strides = array<i32>} : memref<32x512xf32, #tpu.memory_space<vmem>>, vector<16xf32>,
        tpu.vector_store %arg10[%swap3A_210, %swap3A_211], %mul3A_208 {strides = array<i32>} : memref<32x512xf32, #tpu.memory_space<vmem>>, vector<16xf32>,
        %mul3A_213 = arith.constant 0 : i32
        %mul3A_214 = vector.broadcast %mul3A_213 : i32 to vector<16xi32>
        %mul3A_215 = arith.muli %iota3A, %mul3A_214 : vector<16xi32>
        %add3A_216 = arith.constant 8 : i32
        %add3A_217 = vector.broadcast %add3A_216 : i32 to vector<16xi32>
        %add3A_218 = arith.addi %mul3A_215, %add3A_217 : vector<16xi32>
        %gather3A_219 = arith.constant 0 : i32
        %gather3A_220 = arith.constant 0 : i32
        %gather3A_221 = arith.constant 0 : i32
        %gather3A_222 = tpu.memref_slice %arg9[%rem3A_39, %gather3A_219, %gather3A_220, %gather3A_221] : memref<3x16x16x128xf32, #tpu.memory_space<vmem>> -> memref<1x16x16x128xf32, #tpu.memory_space<vmem>>
        %gather3A_223 = tpu.memref_squeeze %gather3A_222 : memref<1x16x16x128xf32, #tpu.memory_space<vmem>> -> memref<16x16x128xf32, #tpu.memory_space<vmem>>
        %gather3A_224 = tpu.vector_load_idx %gather3A_223[%iota3A, %add3A_218, %and3A_46] : memref<16x16x128xf32, #tpu.memory_space<vmem>>[vector<16xi32>, vector<16xi32>, vector<16xi32>], vector<16xf32>,
        %get3A_225 = arith.constant 24 : i32
        %get3A_226 = arith.index_cast %get3A_225 : i32 to index
        %get3A_227 = arith.index_cast %mul3A_43 : i32 to index
        %get3A_228 = tpu.vector_load %arg10[%get3A_226, %get3A_227] {strides = array<i32>} : memref<32x512xf32, #tpu.memory_space<vmem>>, vector<16xf32>,
        %mul3A_229 = arith.mulf %gather3A_224, %get3A_228 : vector<16xf32>
        %swap3A_230 = arith.constant 24 : i32
        %swap3A_231 = arith.index_cast %swap3A_230 : i32 to index
        %swap3A_232 = arith.index_cast %mul3A_43 : i32 to index
        %swap3A_233 = tpu.vector_load %arg10[%swap3A_231, %swap3A_232] {strides = array<i32>} : memref<32x512xf32, #tpu.memory_space<vmem>>, vector<16xf32>,
        tpu.vector_store %arg10[%swap3A_231, %swap3A_232], %mul3A_229 {strides = array<i32>} : memref<32x512xf32, #tpu.memory_space<vmem>>, vector<16xf32>,
        %mul3A_234 = arith.constant 0 : i32
        %mul3A_235 = vector.broadcast %mul3A_234 : i32 to vector<16xi32>
        %mul3A_236 = arith.muli %iota3A, %mul3A_235 : vector<16xi32>
        %add3A_237 = arith.constant 9 : i32
        %add3A_238 = vector.broadcast %add3A_237 : i32 to vector<16xi32>
        %add3A_239 = arith.addi %mul3A_236, %add3A_238 : vector<16xi32>
        %gather3A_240 = arith.constant 0 : i32
        %gather3A_241 = arith.constant 0 : i32
        %gather3A_242 = arith.constant 0 : i32
        %gather3A_243 = tpu.memref_slice %arg9[%rem3A_39, %gather3A_240, %gather3A_241, %gather3A_242] : memref<3x16x16x128xf32, #tpu.memory_space<vmem>> -> memref<1x16x16x128xf32, #tpu.memory_space<vmem>>
        %gather3A_244 = tpu.memref_squeeze %gather3A_243 : memref<1x16x16x128xf32, #tpu.memory_space<vmem>> -> memref<16x16x128xf32, #tpu.memory_space<vmem>>
        %gather3A_245 = tpu.vector_load_idx %gather3A_244[%iota3A, %add3A_239, %and3A_46] : memref<16x16x128xf32, #tpu.memory_space<vmem>>[vector<16xi32>, vector<16xi32>, vector<16xi32>], vector<16xf32>,
        %get3A_246 = arith.constant 25 : i32
        %get3A_247 = arith.index_cast %get3A_246 : i32 to index
        %get3A_248 = arith.index_cast %mul3A_43 : i32 to index
        %get3A_249 = tpu.vector_load %arg10[%get3A_247, %get3A_248] {strides = array<i32>} : memref<32x512xf32, #tpu.memory_space<vmem>>, vector<16xf32>,
        %mul3A_250 = arith.mulf %gather3A_245, %get3A_249 : vector<16xf32>
        %swap3A_251 = arith.constant 25 : i32
        %swap3A_252 = arith.index_cast %swap3A_251 : i32 to index
        %swap3A_253 = arith.index_cast %mul3A_43 : i32 to index
        %swap3A_254 = tpu.vector_load %arg10[%swap3A_252, %swap3A_253] {strides = array<i32>} : memref<32x512xf32, #tpu.memory_space<vmem>>, vector<16xf32>,
        tpu.vector_store %arg10[%swap3A_252, %swap3A_253], %mul3A_250 {strides = array<i32>} : memref<32x512xf32, #tpu.memory_space<vmem>>, vector<16xf32>,
        %mul3A_255 = arith.constant 0 : i32
        %mul3A_256 = vector.broadcast %mul3A_255 : i32 to vector<16xi32>
        %mul3A_257 = arith.muli %iota3A, %mul3A_256 : vector<16xi32>
        %add3A_258 = arith.constant 10 : i32
        %add3A_259 = vector.broadcast %add3A_258 : i32 to vector<16xi32>
        %add3A_260 = arith.addi %mul3A_257, %add3A_259 : vector<16xi32>
        %gather3A_261 = arith.constant 0 : i32
        %gather3A_262 = arith.constant 0 : i32
        %gather3A_263 = arith.constant 0 : i32
        %gather3A_264 = tpu.memref_slice %arg9[%rem3A_39, %gather3A_261, %gather3A_262, %gather3A_263] : memref<3x16x16x128xf32, #tpu.memory_space<vmem>> -> memref<1x16x16x128xf32, #tpu.memory_space<vmem>>
        %gather3A_265 = tpu.memref_squeeze %gather3A_264 : memref<1x16x16x128xf32, #tpu.memory_space<vmem>> -> memref<16x16x128xf32, #tpu.memory_space<vmem>>
        %gather3A_266 = tpu.vector_load_idx %gather3A_265[%iota3A, %add3A_260, %and3A_46] : memref<16x16x128xf32, #tpu.memory_space<vmem>>[vector<16xi32>, vector<16xi32>, vector<16xi32>], vector<16xf32>,
        %get3A_267 = arith.constant 26 : i32
        %get3A_268 = arith.index_cast %get3A_267 : i32 to index
        %get3A_269 = arith.index_cast %mul3A_43 : i32 to index
        %get3A_270 = tpu.vector_load %arg10[%get3A_268, %get3A_269] {strides = array<i32>} : memref<32x512xf32, #tpu.memory_space<vmem>>, vector<16xf32>,
        %mul3A_271 = arith.mulf %gather3A_266, %get3A_270 : vector<16xf32>
        %swap3A_272 = arith.constant 26 : i32
        %swap3A_273 = arith.index_cast %swap3A_272 : i32 to index
        %swap3A_274 = arith.index_cast %mul3A_43 : i32 to index
        %swap3A_275 = tpu.vector_load %arg10[%swap3A_273, %swap3A_274] {strides = array<i32>} : memref<32x512xf32, #tpu.memory_space<vmem>>, vector<16xf32>,
        tpu.vector_store %arg10[%swap3A_273, %swap3A_274], %mul3A_271 {strides = array<i32>} : memref<32x512xf32, #tpu.memory_space<vmem>>, vector<16xf32>,
        %mul3A_276 = arith.constant 0 : i32
        %mul3A_277 = vector.broadcast %mul3A_276 : i32 to vector<16xi32>
        %mul3A_278 = arith.muli %iota3A, %mul3A_277 : vector<16xi32>
        %add3A_279 = arith.constant 11 : i32
        %add3A_280 = vector.broadcast %add3A_279 : i32 to vector<16xi32>
        %add3A_281 = arith.addi %mul3A_278, %add3A_280 : vector<16xi32>
        %gather3A_282 = arith.constant 0 : i32
        %gather3A_283 = arith.constant 0 : i32
        %gather3A_284 = arith.constant 0 : i32
        %gather3A_285 = tpu.memref_slice %arg9[%rem3A_39, %gather3A_282, %gather3A_283, %gather3A_284] : memref<3x16x16x128xf32, #tpu.memory_space<vmem>> -> memref<1x16x16x128xf32, #tpu.memory_space<vmem>>
        %gather3A_286 = tpu.memref_squeeze %gather3A_285 : memref<1x16x16x128xf32, #tpu.memory_space<vmem>> -> memref<16x16x128xf32, #tpu.memory_space<vmem>>
        %gather3A_287 = tpu.vector_load_idx %gather3A_286[%iota3A, %add3A_281, %and3A_46] : memref<16x16x128xf32, #tpu.memory_space<vmem>>[vector<16xi32>, vector<16xi32>, vector<16xi32>], vector<16xf32>,
        %get3A_288 = arith.constant 27 : i32
        %get3A_289 = arith.index_cast %get3A_288 : i32 to index
        %get3A_290 = arith.index_cast %mul3A_43 : i32 to index
        %get3A_291 = tpu.vector_load %arg10[%get3A_289, %get3A_290] {strides = array<i32>} : memref<32x512xf32, #tpu.memory_space<vmem>>, vector<16xf32>,
        %mul3A_292 = arith.mulf %gather3A_287, %get3A_291 : vector<16xf32>
        %swap3A_293 = arith.constant 27 : i32
        %swap3A_294 = arith.index_cast %swap3A_293 : i32 to index
        %swap3A_295 = arith.index_cast %mul3A_43 : i32 to index
        %swap3A_296 = tpu.vector_load %arg10[%swap3A_294, %swap3A_295] {strides = array<i32>} : memref<32x512xf32, #tpu.memory_space<vmem>>, vector<16xf32>,
        tpu.vector_store %arg10[%swap3A_294, %swap3A_295], %mul3A_292 {strides = array<i32>} : memref<32x512xf32, #tpu.memory_space<vmem>>, vector<16xf32>,
        %mul3A_297 = arith.constant 0 : i32
        %mul3A_298 = vector.broadcast %mul3A_297 : i32 to vector<16xi32>
        %mul3A_299 = arith.muli %iota3A, %mul3A_298 : vector<16xi32>
        %add3A_300 = arith.constant 12 : i32
        %add3A_301 = vector.broadcast %add3A_300 : i32 to vector<16xi32>
        %add3A_302 = arith.addi %mul3A_299, %add3A_301 : vector<16xi32>
        %gather3A_303 = arith.constant 0 : i32
        %gather3A_304 = arith.constant 0 : i32
        %gather3A_305 = arith.constant 0 : i32
        %gather3A_306 = tpu.memref_slice %arg9[%rem3A_39, %gather3A_303, %gather3A_304, %gather3A_305] : memref<3x16x16x128xf32, #tpu.memory_space<vmem>> -> memref<1x16x16x128xf32, #tpu.memory_space<vmem>>
        %gather3A_307 = tpu.memref_squeeze %gather3A_306 : memref<1x16x16x128xf32, #tpu.memory_space<vmem>> -> memref<16x16x128xf32, #tpu.memory_space<vmem>>
        %gather3A_308 = tpu.vector_load_idx %gather3A_307[%iota3A, %add3A_302, %and3A_46] : memref<16x16x128xf32, #tpu.memory_space<vmem>>[vector<16xi32>, vector<16xi32>, vector<16xi32>], vector<16xf32>,
        %get3A_309 = arith.constant 28 : i32
        %get3A_310 = arith.index_cast %get3A_309 : i32 to index
        %get3A_311 = arith.index_cast %mul3A_43 : i32 to index
        %get3A_312 = tpu.vector_load %arg10[%get3A_310, %get3A_311] {strides = array<i32>} : memref<32x512xf32, #tpu.memory_space<vmem>>, vector<16xf32>,
        %mul3A_313 = arith.mulf %gather3A_308, %get3A_312 : vector<16xf32>
        %swap3A_314 = arith.constant 28 : i32
        %swap3A_315 = arith.index_cast %swap3A_314 : i32 to index
        %swap3A_316 = arith.index_cast %mul3A_43 : i32 to index
        %swap3A_317 = tpu.vector_load %arg10[%swap3A_315, %swap3A_316] {strides = array<i32>} : memref<32x512xf32, #tpu.memory_space<vmem>>, vector<16xf32>,
        tpu.vector_store %arg10[%swap3A_315, %swap3A_316], %mul3A_313 {strides = array<i32>} : memref<32x512xf32, #tpu.memory_space<vmem>>, vector<16xf32>,
        %mul3A_318 = arith.constant 0 : i32
        %mul3A_319 = vector.broadcast %mul3A_318 : i32 to vector<16xi32>
        %mul3A_320 = arith.muli %iota3A, %mul3A_319 : vector<16xi32>
        %add3A_321 = arith.constant 13 : i32
        %add3A_322 = vector.broadcast %add3A_321 : i32 to vector<16xi32>
        %add3A_323 = arith.addi %mul3A_320, %add3A_322 : vector<16xi32>
        %gather3A_324 = arith.constant 0 : i32
        %gather3A_325 = arith.constant 0 : i32
        %gather3A_326 = arith.constant 0 : i32
        %gather3A_327 = tpu.memref_slice %arg9[%rem3A_39, %gather3A_324, %gather3A_325, %gather3A_326] : memref<3x16x16x128xf32, #tpu.memory_space<vmem>> -> memref<1x16x16x128xf32, #tpu.memory_space<vmem>>
        %gather3A_328 = tpu.memref_squeeze %gather3A_327 : memref<1x16x16x128xf32, #tpu.memory_space<vmem>> -> memref<16x16x128xf32, #tpu.memory_space<vmem>>
        %gather3A_329 = tpu.vector_load_idx %gather3A_328[%iota3A, %add3A_323, %and3A_46] : memref<16x16x128xf32, #tpu.memory_space<vmem>>[vector<16xi32>, vector<16xi32>, vector<16xi32>], vector<16xf32>,
        %get3A_330 = arith.constant 29 : i32
        %get3A_331 = arith.index_cast %get3A_330 : i32 to index
        %get3A_332 = arith.index_cast %mul3A_43 : i32 to index
        %get3A_333 = tpu.vector_load %arg10[%get3A_331, %get3A_332] {strides = array<i32>} : memref<32x512xf32, #tpu.memory_space<vmem>>, vector<16xf32>,
        %mul3A_334 = arith.mulf %gather3A_329, %get3A_333 : vector<16xf32>
        %swap3A_335 = arith.constant 29 : i32
        %swap3A_336 = arith.index_cast %swap3A_335 : i32 to index
        %swap3A_337 = arith.index_cast %mul3A_43 : i32 to index
        %swap3A_338 = tpu.vector_load %arg10[%swap3A_336, %swap3A_337] {strides = array<i32>} : memref<32x512xf32, #tpu.memory_space<vmem>>, vector<16xf32>,
        tpu.vector_store %arg10[%swap3A_336, %swap3A_337], %mul3A_334 {strides = array<i32>} : memref<32x512xf32, #tpu.memory_space<vmem>>, vector<16xf32>,
        %mul3A_339 = arith.constant 0 : i32
        %mul3A_340 = vector.broadcast %mul3A_339 : i32 to vector<16xi32>
        %mul3A_341 = arith.muli %iota3A, %mul3A_340 : vector<16xi32>
        %add3A_342 = arith.constant 14 : i32
        %add3A_343 = vector.broadcast %add3A_342 : i32 to vector<16xi32>
        %add3A_344 = arith.addi %mul3A_341, %add3A_343 : vector<16xi32>
        %gather3A_345 = arith.constant 0 : i32
        %gather3A_346 = arith.constant 0 : i32
        %gather3A_347 = arith.constant 0 : i32
        %gather3A_348 = tpu.memref_slice %arg9[%rem3A_39, %gather3A_345, %gather3A_346, %gather3A_347] : memref<3x16x16x128xf32, #tpu.memory_space<vmem>> -> memref<1x16x16x128xf32, #tpu.memory_space<vmem>>
        %gather3A_349 = tpu.memref_squeeze %gather3A_348 : memref<1x16x16x128xf32, #tpu.memory_space<vmem>> -> memref<16x16x128xf32, #tpu.memory_space<vmem>>
        %gather3A_350 = tpu.vector_load_idx %gather3A_349[%iota3A, %add3A_344, %and3A_46] : memref<16x16x128xf32, #tpu.memory_space<vmem>>[vector<16xi32>, vector<16xi32>, vector<16xi32>], vector<16xf32>,
        %get3A_351 = arith.constant 30 : i32
        %get3A_352 = arith.index_cast %get3A_351 : i32 to index
        %get3A_353 = arith.index_cast %mul3A_43 : i32 to index
        %get3A_354 = tpu.vector_load %arg10[%get3A_352, %get3A_353] {strides = array<i32>} : memref<32x512xf32, #tpu.memory_space<vmem>>, vector<16xf32>,
        %mul3A_355 = arith.mulf %gather3A_350, %get3A_354 : vector<16xf32>
        %swap3A_356 = arith.constant 30 : i32
        %swap3A_357 = arith.index_cast %swap3A_356 : i32 to index
        %swap3A_358 = arith.index_cast %mul3A_43 : i32 to index
        %swap3A_359 = tpu.vector_load %arg10[%swap3A_357, %swap3A_358] {strides = array<i32>} : memref<32x512xf32, #tpu.memory_space<vmem>>, vector<16xf32>,
        tpu.vector_store %arg10[%swap3A_357, %swap3A_358], %mul3A_355 {strides = array<i32>} : memref<32x512xf32, #tpu.memory_space<vmem>>, vector<16xf32>,
        %mul3A_360 = arith.constant 0 : i32
        %mul3A_361 = vector.broadcast %mul3A_360 : i32 to vector<16xi32>
        %mul3A_362 = arith.muli %iota3A, %mul3A_361 : vector<16xi32>
        %add3A_363 = arith.constant 15 : i32
        %add3A_364 = vector.broadcast %add3A_363 : i32 to vector<16xi32>
        %add3A_365 = arith.addi %mul3A_362, %add3A_364 : vector<16xi32>
        %gather3A_366 = arith.constant 0 : i32
        %gather3A_367 = arith.constant 0 : i32
        %gather3A_368 = arith.constant 0 : i32
        %gather3A_369 = tpu.memref_slice %arg9[%rem3A_39, %gather3A_366, %gather3A_367, %gather3A_368] : memref<3x16x16x128xf32, #tpu.memory_space<vmem>> -> memref<1x16x16x128xf32, #tpu.memory_space<vmem>>
        %gather3A_370 = tpu.memref_squeeze %gather3A_369 : memref<1x16x16x128xf32, #tpu.memory_space<vmem>> -> memref<16x16x128xf32, #tpu.memory_space<vmem>>
        %gather3A_371 = tpu.vector_load_idx %gather3A_370[%iota3A, %add3A_365, %and3A_46] : memref<16x16x128xf32, #tpu.memory_space<vmem>>[vector<16xi32>, vector<16xi32>, vector<16xi32>], vector<16xf32>,
        %get3A_372 = arith.constant 31 : i32
        %get3A_373 = arith.index_cast %get3A_372 : i32 to index
        %get3A_374 = arith.index_cast %mul3A_43 : i32 to index
        %get3A_375 = tpu.vector_load %arg10[%get3A_373, %get3A_374] {strides = array<i32>} : memref<32x512xf32, #tpu.memory_space<vmem>>, vector<16xf32>,
        %mul3A_376 = arith.mulf %gather3A_371, %get3A_375 : vector<16xf32>
        %swap3A_377 = arith.constant 31 : i32
        %swap3A_378 = arith.index_cast %swap3A_377 : i32 to index
        %swap3A_379 = arith.index_cast %mul3A_43 : i32 to index
        %swap3A_380 = tpu.vector_load %arg10[%swap3A_378, %swap3A_379] {strides = array<i32>} : memref<32x512xf32, #tpu.memory_space<vmem>>, vector<16xf32>,
        tpu.vector_store %arg10[%swap3A_378, %swap3A_379], %mul3A_376 {strides = array<i32>} : memref<32x512xf32, #tpu.memory_space<vmem>>, vector<16xf32>,
      } else {
      }
    }
    %scan3A_25 = arith.constant 34 : i32
    "tpu.region"() ({
      %run_scoped3A = tpu.sem_alloc : memref<!tpu.dma_semaphore, #tpu.memory_space<semaphore_mem>>
      %dma_start3A = arith.constant 0 : i32
      %dma_start3A_26 = tpu.memref_slice %arg6[%dma_start3A, %mul3A_2] : memref<32x16384xf32, #tpu.memory_space<hbm>> -> memref<32x512xf32, #tpu.memory_space<hbm>>
      %dma_start3A_27 = arith.constant 0 : i32
      %dma_start3A_28 = tpu.memref_slice %arg6[%dma_start3A_27, %mul3A_2] : memref<32x16384xf32, #tpu.memory_space<hbm>> -> memref<32x512xf32, #tpu.memory_space<hbm>>
      tpu.enqueue_dma source(%arg10 : memref<32x512xf32, #tpu.memory_space<vmem>>) target(%dma_start3A_28 : memref<32x512xf32, #tpu.memory_space<hbm>>) target_semaphore(%run_scoped3A : memref<!tpu.dma_semaphore, #tpu.memory_space<semaphore_mem>>)
      %dma_wait3A = arith.constant 0 : i32
      %dma_wait3A_29 = tpu.memref_slice %arg6[%dma_wait3A, %mul3A_2] : memref<32x16384xf32, #tpu.memory_space<hbm>> -> memref<32x512xf32, #tpu.memory_space<hbm>>
      %dma_wait3A_30 = arith.constant 0 : i32
      %dma_wait3A_31 = tpu.memref_slice %arg6[%dma_wait3A_30, %mul3A_2] : memref<32x16384xf32, #tpu.memory_space<hbm>> -> memref<32x512xf32, #tpu.memory_space<hbm>>
      tpu.wait_dma2 semaphore(%run_scoped3A : memref<!tpu.dma_semaphore, #tpu.memory_space<semaphore_mem>>) src(%arg10 : memref<32x512xf32, #tpu.memory_space<vmem>>) dst(%dma_wait3A_31 : memref<32x512xf32, #tpu.memory_space<hbm>>)
      tpu.yield
    }) : () -> ()
    return
  }
}

</mosaic_0001>

<sc_bundles>
// kernel: kernel.3.cloned.1.call-start
scs
__scs_entry_jumppad:
0x0: {  	(pc) =	sbr.rel $0x88, $3  }
0x1: {  	(tag) =	ssettag $0x0;
	lr =	simm.s32 $0x1  }
0x2: {  	[smem:$0x3F9D] =	sst lr;
	_ =	strace $0xD0000000  }
0x3: {  	_ = 	snop  }
0x4: {  	_ = 	snop  }
0x5: {  	_ = 	snop  }
0x6: {  	_ = 	snop  }
0x7: {  	_ = 	snop  }
__scs_overlays_trampoline_lowered:
0x8: {  	[smem:$0x3FAC] =	sst s0  }
0x9: {  	[smem:$0x3FAD] =	sst s1  }
0xa: {  	[smem:$0x3FAE] =	sst s2  }
0xb: {  	[smem:$0x3FAF] =	sst s3  }
0xc: {  	[smem:$0x3FB0] =	sst s4  }
0xd: {  	[smem:$0x3FB1] =	sst s5  }
0xe: {  	[smem:$0x3FB2] =	sst s6  }
0xf: {  	[smem:$0x3FB3] =	sst s7  }
0x10: {  	[smem:$0x3FB4] =	sst s8  }
0x11: {  	[smem:$0x3FB5] =	sst s9;
	s0 =	simm.s32 @!p0 $0x0  }
0x12: {  	s1 =	sld [smem:$0x3F9B];
	s0 =	simm.s32 @p0 $0x1  }
0x13: {  	[smem:$0x3FB6] =	sst s0;
	s0 =	simm.s32 @!p1 $0x0  }
0x14: {  	s2 =	sld [smem:$0x3F9A];
	s0 =	simm.s32 @p1 $0x1  }
0x15: {  	[smem:$0x3FB7] =	sst s0;
	s0 =	simm.s32 @!p2 $0x0  }
0x16: {  	s3 =	sld [smem:$0x3FDB];
	s0 =	simm.s32 @p2 $0x1  }
0x17: {  	s4 =	simm.s32 $0x1BF5;
	[smem:$0x3FB9] =	sst s0  }
0x18: {  	s0 =	sld [smem:$0x3F9C];
	_ =	swait.ge [sflag:s4], $0x0  }
0x19: {  	s7 =	sld [smem:$0x3F9D]  }
0x1a: {  	s8 =	sadd.s32 $0xFFFFE003, lr  }
0x1b: {  	s9 =	sadd.s32 $0xFFFFFEF7, lr;
	s5 =	simm.s32 $0xFFFFFFFF;
	p2 =	slt.u32 s8, $0xFFFFF086  }
0x1c: {  	p1 =	slt.u32 s9, $0xF7A;
	s5 =	simm.s32 @!p2 $0x0  }
0x1d: {  	s5 =	simm.s32 @p1 $0x1;
	p0 =	seq.s32 s7, s2  }
0x1e: {  	s7 =	smul.u32 @!p0 $0xF7A, s2;
	p2 =	seq.s32 @!p0 s5, $0x0  }
0x1f: {  	s9 =	smul.u32 $0xF7A, s1;
	s8 =	simm.s32 @!p0 $0x1BF5;
	p2 =	por !p2, p0  }
0x20: {  	[sflag:s8] =	ssyncset.s32 @!p0 $0xFFFFF086;
	s6 =	sadd.s32 @!p0 s3, s7;
	s7 =	simm.s32 @!p0 $0x108  }
0x21: {  	s3 =	sadd.s32 s3, s9;
	s6 =	sadd.s32 @!p0 $0x88, s6;
	s7 =	simm.s32 @p2 $0x1082  }
0x22: {  	[simem:s7], [sflag:s8] =	dma.local @!p0 [hbm:s6], $0xF7A  }
0x23: {  	s9 =	sor.u32 $0xD0000000, s2;
	s6 =	simm.s32 $0x108;
	_ =	swait.ge @!p0 [sflag:s8], $0x0  }
0x24: {  	s3 =	sadd.s32 $0x88, s3;
	s6 =	simm.s32 @!p1 $0x1082;
	[sflag:s4] =	ssyncset.s32 $0xFFFFF086  }
0x25: {  	[simem:s6], [sflag:s4] =	dma.local [hbm:s3], $0xF7A  }
0x26: {  	[smem:$0x3F9D] =	sst s1;
	(tag) =	ssettag s2;
	_ =	strace s9  }
0x27: {  	s1 =	sld [smem:$0x3FAD]  }
0x28: {  	s2 =	sld [smem:$0x3FAE]  }
0x29: {  	s4 =	sld [smem:$0x3FB0]  }
0x2a: {  	p0 =	seq.s32 s5, $0x0;
	s5 =	sld [smem:$0x3FB1]  }
0x2b: {  	s6 =	sld [smem:$0x3FB2]  }
0x2c: {  	s7 =	sld [smem:$0x3FB3]  }
0x2d: {  	s3 =	simm.s32 $0x108;
	s8 =	sld [smem:$0x3FB4]  }
0x2e: {  	s3 =	simm.s32 @!p0 $0x1082;
	s9 =	sld [smem:$0x3FB5]  }
0x2f: {  	lr =	sadd.s32 s0, s3;
	s0 =	sld [smem:$0x3FAC]  }
0x30: {  	s3 =	sld [smem:$0x3FAF]  }
0x31: {  	[smem:$0x3FB8] =	sst s10  }
0x32: {  	s10 =	sld [smem:$0x3FB6];
	_ =	sdelay $0x3  }
0x33: {  	p0 =	seq.s32 s10, $0x1;
	s10 =	sld [smem:$0x3FB8];
	_ =	sdelay $0x3  }
0x34: {  	[smem:$0x3FB8] =	sst s10  }
0x35: {  	s10 =	sld [smem:$0x3FB7];
	_ =	sdelay $0x3  }
0x36: {  	p1 =	seq.s32 s10, $0x1;
	s10 =	sld [smem:$0x3FB8];
	_ =	sdelay $0x3  }
0x37: {  	[smem:$0x3FB8] =	sst s10  }
0x38: {  	s10 =	sld [smem:$0x3FB9]  }
0x39: {  	_ = 	snop;
	(pc) =	sbr.ind lr, $3  }
0x3a: {  	_ = 	snop  }
0x3b: {  	_ = 	snop  }
0x3c: {  	p2 =	seq.s32 s10, $0x1;
	s10 =	sld [smem:$0x3FB8]  }
0x3d: {  	_ =	shalt  }
0x3e: {  	_ =	shalt  }
0x3f: {  	_ =	shalt  }
0x40: {  	_ =	shalt  }
0x41: {  	_ =	shalt  }
0x42: {  	_ =	shalt  }
0x43: {  	_ =	shalt  }
0x44: {  	_ =	shalt  }
0x45: {  	_ =	shalt  }
0x46: {  	_ =	shalt  }
0x47: {  	_ =	shalt  }
0x48: {  	_ =	shalt  }
0x49: {  	_ =	shalt  }
0x4a: {  	_ =	shalt  }
0x4b: {  	_ =	shalt  }
0x4c: {  	_ =	shalt  }
0x4d: {  	_ =	shalt  }
0x4e: {  	_ =	shalt  }
0x4f: {  	_ =	shalt  }
0x50: {  	_ =	shalt  }
0x51: {  	_ =	shalt  }
0x52: {  	_ =	shalt  }
0x53: {  	_ =	shalt  }
0x54: {  	_ =	shalt  }
0x55: {  	_ =	shalt  }
0x56: {  	_ =	shalt  }
0x57: {  	_ =	shalt  }
0x58: {  	_ =	shalt  }
0x59: {  	_ =	shalt  }
0x5a: {  	_ =	shalt  }
0x5b: {  	_ =	shalt  }
0x5c: {  	_ =	shalt  }
0x5d: {  	_ =	shalt  }
0x5e: {  	_ =	shalt  }
0x5f: {  	_ =	shalt  }
0x60: {  	_ =	shalt  }
0x61: {  	_ =	shalt  }
0x62: {  	_ =	shalt  }
0x63: {  	_ =	shalt  }
0x64: {  	_ =	shalt  }
0x65: {  	_ =	shalt  }
0x66: {  	_ =	shalt  }
0x67: {  	_ =	shalt  }
0x68: {  	_ =	shalt  }
0x69: {  	_ =	shalt  }
0x6a: {  	_ =	shalt  }
0x6b: {  	_ =	shalt  }
0x6c: {  	_ =	shalt  }
0x6d: {  	_ =	shalt  }
0x6e: {  	_ =	shalt  }
0x6f: {  	_ =	shalt  }
0x70: {  	_ =	shalt  }
0x71: {  	_ =	shalt  }
0x72: {  	_ =	shalt  }
0x73: {  	_ =	shalt  }
0x74: {  	_ =	shalt  }
0x75: {  	_ =	shalt  }
0x76: {  	_ =	shalt  }
0x77: {  	_ =	shalt  }
0x78: {  	_ =	shalt  }
0x79: {  	_ =	shalt  }
0x7a: {  	_ =	shalt  }
0x7b: {  	_ =	shalt  }
0x7c: {  	_ =	shalt  }
0x7d: {  	_ =	shalt  }
0x7e: {  	_ =	shalt  }
0x7f: {  	_ =	shalt  }
0x80: {  	_ =	shalt  }
0x81: {  	_ =	shalt  }
0x82: {  	_ =	shalt  }
0x83: {  	_ =	shalt  }
0x84: {  	_ =	shalt  }
0x85: {  	_ =	shalt  }
0x86: {  	_ =	shalt  }
0x87: {  	_ =	shalt  }
.Lfunc_end0:
.L_simem_size_0:
called_computation_lowered:
.L_overlay_start_0:
0x88: {  	s2 =	sld [smem:$0x3FD9]  }
0x89: {  	s3 =	sld [smem:$0x3FFE];
	_ =	sdelay $0x1  }
0x8a: {  	s1 =	srdreg.scid  }
0x8b: {  	s0 =	sand.u32 $0x1, s1  }
0x8c: {  	s18 =	sshll.u32 s0, $0xA;
	s2 =	sadd.s32 s3, s2  }
0x8d: {  	s2 =	sadd.s32 s2, s18  }
0x8e: {  	[smem:$0x3FC4] =	sst s2  }
0x8f: {  	_ = 	snop  }
0x90: {  	s2 =	sld [smem:$0x3FC9]  }
0x91: {  	s19 =	sld [smem:$0x3FC8]  }
0x92: {  	s4 =	sld [smem:$0x3FC7]  }
0x93: {  	s5 =	sld [smem:$0x3FC6]  }
0x94: {  	s6 =	sld [smem:$0x3FD0];
	(tm) =	ssettm $0x1  }
0x95: {  	s7 =	sld [smem:$0x3FFB];
	_ =	sdelay $0x3  }
0x96: {  	_ =	strace s7  }
0x97: {  	s7 =	sld [smem:$0x3FFC];
	_ =	sdelay $0x3  }
0x98: {  	_ =	strace s7  }
0x99: {  	s7 =	sld [smem:$0x3FFD];
	_ =	sdelay $0x3  }
0x9a: {  	_ =	strace s7  }
0x9b: {  	_ =	strace $0x8FFFFFFF  }
0x9c: {  	s20 =	sld [smem:$0x3FDB];
	_ =	sdelay $0x1  }
0x9d: {  	s8 =	simm.s32 $_scs_section_size  }
0x9e: {  	s9 =	simm.s32 $_size__tile_overlayer_lowered;
	s10 =	simm.s32 $_tile_overlayer_lowered  }
0x9f: {  	s23 =	simm.s32 $0x1BFF;
	s22 =	sshll.u32 s10, $0x1;
	s7 =	sadd.s32 s8, s20  }
0xa0: {  	s11 =	simm.s32 $0x0;
	s21 =	sshll.u32 s9, $0x1;
	s9 =	sadd.s32 s22, s7  }
0xa1: {  	[timem:s11], [sflag:s23] =	dma.local [hbm:s9], s21  }
0xa2: {  	_ =	swait.ge [sflag:s23], s21  }
0xa3: {  	s8 =	ssub.s32 $0x0, s21;
	[sflag:s23] =	ssyncset.done $0x0  }
0xa4: {  	[sflag:s23] =	ssyncadd.s32 s8;
	_ =	sdelay $0x1  }
0xa5: {  	s24 =	simm.s32 $0x1B8B  }
0xa6: {  	_ =	swait.ge [sflag:s24], $0x1  }
0xa7: {  	[sflag:s24] =	ssyncset.done $0x0  }
0xa8: {  	s25 =	simm.s32 $0x1B8E;
	[sflag:s24] =	ssyncadd.s32 $0xFFFFFFFF  }
0xa9: {  	s26 =	simm.s32 $execute0_lowered;
	[smem:$0x3FD2] =	sst s25  }
0xaa: {  	s8 =	sshll.u32 s26, $0x1;
	_ =	strace $0x80000046;
	[dreg:$0x1] =	wrdreg $0xFFFFFFFF  }
0xab: {  	s28 =	simm.s32 $_size_execute0_lowered;
	s7 =	sadd.s32 s7, s8;
	[dreg:$0x0] =	wrdreg $0x0  }
0xac: {  	s8 =	sshll.u32 s28, $0x1;
	[dreg:$0x2] =	wrdreg s7  }
0xad: {  	[dreg:$0x3] =	wrdreg s8  }
0xae: {  	[dreg:$0x4] =	wrdreg $0xC0  }
0xaf: {  	_ =	task [dreg:s11], $0x5FFFF  }
0xb0: {  	[dreg:$0x1] =	wrdreg $0xFFFFFFFF  }
0xb1: {  	[dreg:$0x0] =	wrdreg $0x60  }
0xb2: {  	[dreg:$0x2] =	wrdreg s4  }
0xb3: {  	[dreg:$0x3] =	wrdreg s5  }
0xb4: {  	[dreg:$0x4] =	wrdreg s2  }
0xb5: {  	[dreg:$0x5] =	wrdreg s19  }
0xb6: {  	[dreg:$0x6] =	wrdreg s6  }
0xb7: {  	[dreg:$0x7] =	wrdreg $0x9  }
0xb8: {  	_ =	task.clear_ibuf [dreg:s11], $0x8FFFF;
	_ =	strace $0x90000046  }
0xb9: {  	s29 =	simm.s32 $0x9;
	_ =	strace $0x80000048  }
0xba: {  	_ =	swait.ge [sflag:s29], $0x1  }
0xbb: {  	[sflag:s29] =	ssyncadd.s32 $0xFFFFFFFF  }
0xbc: {  	_ =	strace $0x90000048  }
0xbd: {  	_ =	sfence  }
0xbe: {  	s30 =	sld [smem:$0x0];
	_ =	sdelay $0x2  }
0xbf: {  	s31 =	sshll.u32 s1, $0xD;
	s1 =	sshrl.u32 s1, $0x2  }
0xc0: {  	s3 =	sand.u32 $0x4000, s31;
	s1 =	sadd.s32 s1, s30  }
0xc1: {  	s0 =	sor.u32 s3, s0;
	s1 =	sshll.u32 s1, $0x11  }
0xc2: {  	s0 =	sor.u32 s1, s0  }
0xc3: {  	s0 =	sadd.s32 $0x8F2B, s0  }
0xc4: {  	[sflag:s0] =	ssyncadd.remote.s32 $0x1  }
0xc5: {  	_ =	sfence.sel $0xFFFF  }
0xc6: {  	[dreg:$0x0] =	wrdreg $0xFFFFFFFF;
	(pc) =	sbr.abs _section_cstart, $3  }
0xc7: {  	[dreg:$0x1] =	wrdreg $0xFFFFFFFF  }
0xc8: {  	_ =	task.clear_ibuf [dreg:s11], $0x2FFFF;
	_ =	strace $0x9FFFFFFF  }
0xc9: {  	(tm) =	ssettm $0x7FFFFFFF  }
tec
execute0_lowered:
.L_overlay_start_1:
0x0: {  	(tag) =	ssettag $0x1  }
0x1: {  	s1 =	rddreg [dreg:$0x0]  }
0x2: {  	s2 =	rddreg [dreg:$0x1]  }
0x3: {  	s5 =	rddreg [dreg:$0x2]  }
0x4: {  	s6 =	rddreg [dreg:$0x3]  }
0x5: {  	s9 =	rddreg [dreg:$0x4]  }
0x6: {  	s0 =	rddreg [dreg:$0x5];
	s7 =	srdreg.scid;
	s4 =	simm.s32 $0x0  }
0x7: {  	s3 =	stileid.u32;
	v0 =	vlaneseq.u32;
	s12 =	simm.s32 $0x200;
	s13 =	simm.s32 $0x1000  }
0x8: {  	s14 =	simm.s32 $0x20000;
	s15 =	simm.s32 $0x18400;
	s16 =	simm.s32 $0x0;
	v0 =	vmul.u32 $0x800, v0  }
0x9: {  	s7 =	sand.u32 $0x1, s7;
	s10 =	sshll.u32 s3, $0xA;
	[smem:$0x7FF] =	sst s4  }
.Ltmp0:
0xa: {  	s8 =	ssub.s32 $0x2, s7;
	s7 =	sshll.u32 s7, $0x9;
	v1 =	vor.u32 $0x80, v0;
	v2 =	vor.u32 $0x100, v0;
	v3 =	vor.u32 $0x180, v0;
	(pc) =	sbr.rel .LBB2_1-.Ltmp0, $4  }
0xb: {  	_ =	strace $0x80000047;
	s11 =	sshrl.u32 s8, $0x1;
	s10 =	sor.u32 s7, s10;
	v4 =	vor.u32 $0x200, v0;
	v5 =	vor.u32 $0x280, v0;
	v6 =	vor.u32 $0x300, v0  }
0xc: {  	v7 =	vor.u32 $0x380, v0;
	v8 =	vor.u32 $0x400, v0;
	v9 =	vor.u32 $0x480, v0;
	s11 =	ssub.s32 s8, s11;
	s7 =	sshrl.u32 s10, $0x3;
	s8 =	sadd.s32 $0x1E8500, s2  }
0xd: {  	v10 =	vor.u32 $0x500, v0;
	v11 =	vor.u32 $0x580, v0;
	v12 =	vor.u32 $0x600, v0;
	s9 =	sadd.s32 s9, s10;
	s5 =	sadd.s32 s5, s7;
	s6 =	sadd.s32 s6, s7  }
0xe: {  	v13 =	vor.u32 $0x680, v0;
	v14 =	vor.u32 $0x700, v0;
	v15 =	vor.u32 $0x780, v0;
	s7 =	sadd.s32 $0x1E8500, s1;
	s10 =	smax.u32 s11, $0x1;
	s11 =	simm.s32 $0x2  }
.LBB2_15:
0xf: {  	s16 =	sadd.s32 $0x1, s16  }
0x10: {  	p0 =	sne.s32 s16, s10  }
.Ltmp1:
0x11: {  	_ = 	snop;
	(pc) =	sbr.rel @!p0 .LBB2_16-.Ltmp1, $4  }
0x12: {  	[hbm4b:s9+s13] =	stream.strided.scatter [tilespmem:s15], [sflag:$0x2], $0x4000, s14, s13, $0x38;
	[tilespmem:$0x1C400] =	vst v63  }
0x13: {  	_ =	swait.ge [sflag:s11], $0x4000  }
0x14: {  	[sflag:s11] =	ssyncset.done $0x0  }
0x15: {  	[sflag:s11] =	ssyncadd.s32 $0xFFFFC000  }
.LBB2_1:
0x16: {  	[tilespmem:s4], [sflag:$0x2] =	stream.linear.gather [hbm4b:s5+s4], $0x200, $0x38;
	[tilespmem:$0x1C400] =	vst v63  }
0x17: {  	_ =	swait.ge [sflag:s11], $0x200  }
0x18: {  	[sflag:s11] =	ssyncset.done $0x0  }
.Ltmp2:
0x19: {  	[sflag:s11] =	ssyncadd.s32 $0xFFFFFE00;
	(pc) =	sbr.rel .LBB2_2-.Ltmp2, $4  }
0x1a: {  	[tilespmem:s12], [sflag:$0x2] =	stream.linear.gather [hbm4b:s6+s4], $0x200, $0x38;
	[tilespmem:$0x1C400] =	vst v63  }
0x1b: {  	_ =	swait.ge [sflag:s11], $0x200  }
0x1c: {  	s17 =	simm.s32 $0xFFFFFFFE;
	s18 =	simm.s32 $0xFFFFFFE0;
	[sflag:s11] =	ssyncset.done $0x0  }
0x1d: {  	s19 =	simm.s32 $0xFFFFFF00;
	s20 =	simm.s32 $0x0;
	[sflag:s11] =	ssyncadd.s32 $0xFFFFFE00  }
.LBB2_4:
0x1e: {  	s17 =	sadd.s32 $0x1, s17  }
0x1f: {  	p0 =	sne.s32 s17, $0x20  }
.Ltmp3:
0x20: {  	_ = 	snop;
	(pc) =	sbr.rel @!p0 .LBB2_5-.Ltmp3, $2  }
0x21: {  	_ =	sdelay $0x2  }
0x22: {  	s18 =	sadd.s32 $0x10, s18;
	s19 =	sadd.s32 $0x80, s19;
	s20 =	sadd.s32 $0x10, s20  }
.LBB2_2:
0x23: {  	s21 =	sadd.s32 $0x2, s17  }
0x24: {  	p0 =	slt.u32 s21, $0x2  }
0x25: {  	s22 =	simm.s32 @!p0 $0x1  }
0x26: {  	_ =	swait.ge @!p0 [sflag:s22], $0x800  }
0x27: {  	[sflag:s22] =	ssyncset.done @!p0 $0x0  }
0x28: {  	[sflag:s22] =	ssyncadd.s32 @!p0 $0xFFFFF800  }
0x29: {  	_ =	swait.ge @!p0 [sflag:s22], $0x800  }
0x2a: {  	[sflag:s22] =	ssyncset.done @!p0 $0x0  }
0x2b: {  	[sflag:s22] =	ssyncadd.s32 @!p0 $0xFFFFF800  }
0x2c: {  	_ =	swait.ge @!p0 [sflag:s22], $0x800  }
0x2d: {  	[sflag:s22] =	ssyncset.done @!p0 $0x0  }
0x2e: {  	[sflag:s22] =	ssyncadd.s32 @!p0 $0xFFFFF800  }
0x2f: {  	_ =	swait.ge @!p0 [sflag:s22], $0x800  }
0x30: {  	[sflag:s22] =	ssyncset.done @!p0 $0x0  }
0x31: {  	[sflag:s22] =	ssyncadd.s32 @!p0 $0xFFFFF800  }
0x32: {  	_ =	swait.ge @!p0 [sflag:s22], $0x800  }
0x33: {  	[sflag:s22] =	ssyncset.done @!p0 $0x0  }
0x34: {  	[sflag:s22] =	ssyncadd.s32 @!p0 $0xFFFFF800  }
0x35: {  	_ =	swait.ge @!p0 [sflag:s22], $0x800  }
0x36: {  	[sflag:s22] =	ssyncset.done @!p0 $0x0  }
0x37: {  	[sflag:s22] =	ssyncadd.s32 @!p0 $0xFFFFF800  }
0x38: {  	_ =	swait.ge @!p0 [sflag:s22], $0x800  }
0x39: {  	[sflag:s22] =	ssyncset.done @!p0 $0x0  }
0x3a: {  	[sflag:s22] =	ssyncadd.s32 @!p0 $0xFFFFF800  }
0x3b: {  	_ =	swait.ge @!p0 [sflag:s22], $0x800  }
0x3c: {  	[sflag:s22] =	ssyncset.done @!p0 $0x0  }
0x3d: {  	[sflag:s22] =	ssyncadd.s32 @!p0 $0xFFFFF800  }
0x3e: {  	_ =	swait.ge @!p0 [sflag:s22], $0x800  }
0x3f: {  	[sflag:s22] =	ssyncset.done @!p0 $0x0  }
0x40: {  	[sflag:s22] =	ssyncadd.s32 @!p0 $0xFFFFF800  }
0x41: {  	_ =	swait.ge @!p0 [sflag:s22], $0x800  }
0x42: {  	[sflag:s22] =	ssyncset.done @!p0 $0x0  }
0x43: {  	[sflag:s22] =	ssyncadd.s32 @!p0 $0xFFFFF800  }
0x44: {  	_ =	swait.ge @!p0 [sflag:s22], $0x800  }
0x45: {  	[sflag:s22] =	ssyncset.done @!p0 $0x0  }
0x46: {  	[sflag:s22] =	ssyncadd.s32 @!p0 $0xFFFFF800  }
0x47: {  	_ =	swait.ge @!p0 [sflag:s22], $0x800  }
0x48: {  	[sflag:s22] =	ssyncset.done @!p0 $0x0  }
0x49: {  	[sflag:s22] =	ssyncadd.s32 @!p0 $0xFFFFF800  }
0x4a: {  	_ =	swait.ge @!p0 [sflag:s22], $0x800  }
0x4b: {  	[sflag:s22] =	ssyncset.done @!p0 $0x0  }
0x4c: {  	[sflag:s22] =	ssyncadd.s32 @!p0 $0xFFFFF800  }
0x4d: {  	_ =	swait.ge @!p0 [sflag:s22], $0x800  }
0x4e: {  	[sflag:s22] =	ssyncset.done @!p0 $0x0  }
0x4f: {  	[sflag:s22] =	ssyncadd.s32 @!p0 $0xFFFFF800  }
0x50: {  	_ =	swait.ge @!p0 [sflag:s22], $0x800  }
0x51: {  	[sflag:s22] =	ssyncset.done @!p0 $0x0  }
0x52: {  	[sflag:s22] =	ssyncadd.s32 @!p0 $0xFFFFF800  }
0x53: {  	_ =	swait.ge @!p0 [sflag:s22], $0x800  }
0x54: {  	p1 =	sgt.u32 @!p0 s21, $0x1F;
	[sflag:s22] =	ssyncset.done @!p0 $0x0  }
0x55: {  	[sflag:s22] =	ssyncadd.s32 @!p0 $0xFFFFF800;
	p0 =	por p0, !p1  }
0x56: {  	v16 =	vld @p0 [tilespmem:s20+$0x0];
	_ =	sdelay $0x4  }
0x57: {  	(v2sf) =	vpush @p0 v16, $0x0;
	_ =	sdelay $0x3  }
0x58: {  	(v2sf) =	vpush @p0 v16, $0x1;
	_ =	sdelay $0x3  }
0x59: {  	s22 =	smul.u32 @p0 $0xAB, s21;
	(v2sf) =	vpush @p0 v16, $0x2;
	_ =	sdelay $0x1  }
0x5a: {  	s22 =	sshrl.u32 @p0 s22, $0x9  }
0x5b: {  	s22 =	sand.u32 @p0 $0x7F, s22  }
0x5c: {  	s22 =	smul.u32 @p0 $0x3, s22;
	(v2sf) =	vpush @p0 v16, $0x3;
	_ =	sdelay $0x1  }
0x5d: {  	s22 =	ssub.s32 @p0 s21, s22  }
0x5e: {  	s24 =	simm.s32 @p0 $0x7A1400;
	s22 =	sand.u32 @p0 $0xFF, s22;
	s23 =	spop @p0 (v2sf)  }
0x5f: {  	s22 =	sshll.u32 @p0 s22, $0xF;
	(v2sf) =	vpush @p0 v16, $0x4;
	s23 =	sand.u32 @p0 $0xFFFFF80, s23  }
0x60: {  	s25 =	sor.u32 @p0 $0x400, s22;
	s26 =	sadd.s32 @p0 s1, s23;
	s23 =	simm.s32 @p0 $0x400  }
0x61: {  	[tilespmem:s25], [sflag:$0x1] =	stream.strided.gather @p0 [hbm4b:s26+s23], $0x800, s24, s23, $0x38;
	[tilespmem:$0x1C400] =	vst v63  }
0x62: {  	s25 =	spop @p0 (v2sf)  }
0x63: {  	(v2sf) =	vpush @p0 v16, $0x5;
	s25 =	sand.u32 @p0 $0xFFFFF80, s25  }
0x64: {  	s26 =	sor.u32 @p0 $0xC00, s22;
	s25 =	sadd.s32 @p0 s1, s25  }
0x65: {  	[tilespmem:s26], [sflag:$0x1] =	stream.strided.gather @p0 [hbm4b:s25+s23], $0x800, s24, s23, $0x38;
	[tilespmem:$0x1C400] =	vst v63  }
0x66: {  	s25 =	spop @p0 (v2sf)  }
0x67: {  	(v2sf) =	vpush @p0 v16, $0x6;
	s25 =	sand.u32 @p0 $0xFFFFF80, s25  }
0x68: {  	s26 =	sor.u32 @p0 $0x1400, s22;
	s25 =	sadd.s32 @p0 s1, s25  }
0x69: {  	[tilespmem:s26], [sflag:$0x1] =	stream.strided.gather @p0 [hbm4b:s25+s23], $0x800, s24, s23, $0x38;
	[tilespmem:$0x1C400] =	vst v63  }
0x6a: {  	s25 =	spop @p0 (v2sf)  }
0x6b: {  	(v2sf) =	vpush @p0 v16, $0x7;
	s25 =	sand.u32 @p0 $0xFFFFF80, s25  }
0x6c: {  	s26 =	sor.u32 @p0 $0x1C00, s22;
	s25 =	sadd.s32 @p0 s1, s25  }
0x6d: {  	[tilespmem:s26], [sflag:$0x1] =	stream.strided.gather @p0 [hbm4b:s25+s23], $0x800, s24, s23, $0x38;
	[tilespmem:$0x1C400] =	vst v63  }
0x6e: {  	s25 =	spop @p0 (v2sf)  }
0x6f: {  	(v2sf) =	vpush @p0 v16, $0x8;
	s25 =	sand.u32 @p0 $0xFFFFF80, s25  }
0x70: {  	s26 =	sor.u32 @p0 $0x2400, s22;
	s25 =	sadd.s32 @p0 s1, s25  }
0x71: {  	[tilespmem:s26], [sflag:$0x1] =	stream.strided.gather @p0 [hbm4b:s25+s23], $0x800, s24, s23, $0x38;
	[tilespmem:$0x1C400] =	vst v63  }
0x72: {  	s25 =	spop @p0 (v2sf)  }
0x73: {  	(v2sf) =	vpush @p0 v16, $0x9;
	s25 =	sand.u32 @p0 $0xFFFFF80, s25  }
0x74: {  	s26 =	sor.u32 @p0 $0x2C00, s22;
	s25 =	sadd.s32 @p0 s1, s25  }
0x75: {  	[tilespmem:s26], [sflag:$0x1] =	stream.strided.gather @p0 [hbm4b:s25+s23], $0x800, s24, s23, $0x38;
	[tilespmem:$0x1C400] =	vst v63  }
0x76: {  	s25 =	spop @p0 (v2sf)  }
0x77: {  	(v2sf) =	vpush @p0 v16, $0xA;
	s25 =	sand.u32 @p0 $0xFFFFF80, s25  }
0x78: {  	s26 =	sor.u32 @p0 $0x3400, s22;
	s25 =	sadd.s32 @p0 s1, s25  }
0x79: {  	[tilespmem:s26], [sflag:$0x1] =	stream.strided.gather @p0 [hbm4b:s25+s23], $0x800, s24, s23, $0x38;
	[tilespmem:$0x1C400] =	vst v63  }
0x7a: {  	s25 =	spop @p0 (v2sf)  }
0x7b: {  	(v2sf) =	vpush @p0 v16, $0xB;
	s25 =	sand.u32 @p0 $0xFFFFF80, s25  }
0x7c: {  	s26 =	sor.u32 @p0 $0x3C00, s22;
	s25 =	sadd.s32 @p0 s1, s25  }
0x7d: {  	[tilespmem:s26], [sflag:$0x1] =	stream.strided.gather @p0 [hbm4b:s25+s23], $0x800, s24, s23, $0x38;
	[tilespmem:$0x1C400] =	vst v63  }
0x7e: {  	s25 =	spop @p0 (v2sf)  }
0x7f: {  	(v2sf) =	vpush @p0 v16, $0xC;
	s25 =	sand.u32 @p0 $0xFFFFF80, s25  }
0x80: {  	s26 =	sor.u32 @p0 $0x4400, s22;
	s25 =	sadd.s32 @p0 s1, s25  }
0x81: {  	[tilespmem:s26], [sflag:$0x1] =	stream.strided.gather @p0 [hbm4b:s25+s23], $0x800, s24, s23, $0x38;
	[tilespmem:$0x1C400] =	vst v63  }
0x82: {  	s25 =	spop @p0 (v2sf)  }
0x83: {  	(v2sf) =	vpush @p0 v16, $0xD;
	s25 =	sand.u32 @p0 $0xFFFFF80, s25  }
0x84: {  	s26 =	sor.u32 @p0 $0x4C00, s22;
	s25 =	sadd.s32 @p0 s1, s25  }
0x85: {  	[tilespmem:s26], [sflag:$0x1] =	stream.strided.gather @p0 [hbm4b:s25+s23], $0x800, s24, s23, $0x38;
	[tilespmem:$0x1C400] =	vst v63  }
0x86: {  	s25 =	spop @p0 (v2sf)  }
0x87: {  	(v2sf) =	vpush @p0 v16, $0xE;
	s25 =	sand.u32 @p0 $0xFFFFF80, s25  }
0x88: {  	s26 =	sor.u32 @p0 $0x5400, s22;
	s25 =	sadd.s32 @p0 s1, s25  }
0x89: {  	[tilespmem:s26], [sflag:$0x1] =	stream.strided.gather @p0 [hbm4b:s25+s23], $0x800, s24, s23, $0x38;
	[tilespmem:$0x1C400] =	vst v63  }
0x8a: {  	s25 =	spop @p0 (v2sf)  }
0x8b: {  	(v2sf) =	vpush @p0 v16, $0xF;
	s25 =	sand.u32 @p0 $0xFFFFF80, s25  }
0x8c: {  	s26 =	sor.u32 @p0 $0x5C00, s22;
	s25 =	sadd.s32 @p0 s1, s25  }
0x8d: {  	[tilespmem:s26], [sflag:$0x1] =	stream.strided.gather @p0 [hbm4b:s25+s23], $0x800, s24, s23, $0x38;
	[tilespmem:$0x1C400] =	vst v63  }
0x8e: {  	s25 =	spop @p0 (v2sf)  }
0x8f: {  	s25 =	sand.u32 @p0 $0xFFFFF80, s25  }
0x90: {  	s26 =	sor.u32 @p0 $0x6400, s22;
	s25 =	sadd.s32 @p0 s1, s25  }
0x91: {  	[tilespmem:s26], [sflag:$0x1] =	stream.strided.gather @p0 [hbm4b:s25+s23], $0x800, s24, s23, $0x38;
	[tilespmem:$0x1C400] =	vst v63  }
0x92: {  	s25 =	spop @p0 (v2sf)  }
0x93: {  	s25 =	sand.u32 @p0 $0xFFFFF80, s25  }
0x94: {  	s26 =	sor.u32 @p0 $0x6C00, s22;
	s25 =	sadd.s32 @p0 s1, s25  }
0x95: {  	[tilespmem:s26], [sflag:$0x1] =	stream.strided.gather @p0 [hbm4b:s25+s23], $0x800, s24, s23, $0x38;
	[tilespmem:$0x1C400] =	vst v63  }
0x96: {  	s25 =	spop @p0 (v2sf)  }
0x97: {  	s25 =	sand.u32 @p0 $0xFFFFF80, s25  }
0x98: {  	s26 =	sor.u32 @p0 $0x7400, s22;
	s25 =	sadd.s32 @p0 s1, s25  }
0x99: {  	[tilespmem:s26], [sflag:$0x1] =	stream.strided.gather @p0 [hbm4b:s25+s23], $0x800, s24, s23, $0x38;
	[tilespmem:$0x1C400] =	vst v63  }
0x9a: {  	s25 =	spop @p0 (v2sf)  }
0x9b: {  	s25 =	sand.u32 @p0 $0xFFFFF80, s25  }
0x9c: {  	p1 =	slt.u32 @p0 s21, $0x2;
	s21 =	sor.u32 @p0 $0x7C00, s22;
	s22 =	sadd.s32 @p0 s1, s25  }
0x9d: {  	[tilespmem:s21], [sflag:$0x1] =	stream.strided.gather @p0 [hbm4b:s22+s23], $0x800, s24, s23, $0x38;
	[tilespmem:$0x1C400] =	vst v63  }
0x9e: {  	p0 =	por !p0, !p1  }
.Ltmp4:
0x9f: {  	_ = 	snop;
	(pc) =	sbr.rel @!p0 .LBB2_4-.Ltmp4, $1  }
0xa0: {  	_ =	sdelay $0x3  }
0xa1: {  	v16 =	vld [tilespmem:s20+$0xFFFFFFE0]  }
0xa2: {  	s21 =	sand.u32 $0xFF, s17  }
0xa3: {  	s21 =	smul.u32 $0xAB, s21;
	_ =	sdelay $0x1  }
0xa4: {  	s21 =	sshrl.u32 s21, $0x9  }
0xa5: {  	s21 =	smul.u32 $0x3, s21;
	v16 =	vand.u32 $0x7F, v16  }
0xa6: {  	v17 =	vor.u32 v0, v16  }
0xa7: {  	s21 =	ssub.s32 s17, s21  }
0xa8: {  	s21 =	sand.u32 $0xFF, s21  }
0xa9: {  	s21 =	sshll.u32 s21, $0xF  }
0xaa: {  	s21 =	sor.u32 $0x400, s21  }
0xab: {  	v17 =	vld.idx.msk [tilespmem:v17+s21+$0x0], $0xffff  }
0xac: {  	v18 =	vor.u32 v1, v16;
	_ =	sdelay $0x1  }
0xad: {  	s22 =	sand.u32 $0x70, s18;
	s23 =	sand.u32 $0x7FFFFC00, s19  }
0xae: {  	s23 =	sor.u32 s22, s23  }
0xaf: {  	[tilespmem:s23+$0x18400] =	vst v17  }
0xb0: {  	v17 =	vld.idx.msk [tilespmem:v18+s21+$0x0], $0xffff  }
0xb1: {  	v51 =	vor.u32 v2, v16;
	_ =	sdelay $0x2  }
0xb2: {  	s24 =	sadd.s32 $0x18400, s23  }
0xb3: {  	[tilespmem:s24+$0x80] =	vst v17  }
0xb4: {  	v17 =	vld.idx.msk [tilespmem:v51+s21+$0x0], $0xffff  }
0xb5: {  	v52 =	vor.u32 v3, v16;
	_ =	sdelay $0x3  }
0xb6: {  	[tilespmem:s24+$0x100] =	vst v17  }
0xb7: {  	v17 =	vld.idx.msk [tilespmem:v52+s21+$0x0], $0xffff  }
0xb8: {  	v53 =	vor.u32 v4, v16;
	_ =	sdelay $0x3  }
0xb9: {  	[tilespmem:s24+$0x180] =	vst v17  }
0xba: {  	v17 =	vld.idx.msk [tilespmem:v53+s21+$0x0], $0xffff  }
0xbb: {  	v54 =	vor.u32 v5, v16;
	_ =	sdelay $0x3  }
0xbc: {  	[tilespmem:s24+$0x200] =	vst v17  }
0xbd: {  	v17 =	vld.idx.msk [tilespmem:v54+s21+$0x0], $0xffff  }
0xbe: {  	v55 =	vor.u32 v6, v16;
	_ =	sdelay $0x3  }
0xbf: {  	[tilespmem:s24+$0x280] =	vst v17  }
0xc0: {  	v17 =	vld.idx.msk [tilespmem:v55+s21+$0x0], $0xffff  }
0xc1: {  	v56 =	vor.u32 v7, v16;
	_ =	sdelay $0x3  }
0xc2: {  	[tilespmem:s24+$0x300] =	vst v17  }
0xc3: {  	v17 =	vld.idx.msk [tilespmem:v56+s21+$0x0], $0xffff  }
0xc4: {  	v57 =	vor.u32 v8, v16;
	_ =	sdelay $0x1  }
0xc5: {  	s22 =	sadd.s32 s22, s19  }
0xc6: {  	s22 =	sor.u32 $0x380, s22  }
0xc7: {  	[tilespmem:s22+$0x18400] =	vst v17  }
0xc8: {  	v17 =	vld.idx.msk [tilespmem:v57+s21+$0x0], $0xffff  }
0xc9: {  	v58 =	vor.u32 v9, v16;
	_ =	sdelay $0x3  }
0xca: {  	[tilespmem:s23+$0x19400] =	vst v17  }
0xcb: {  	v17 =	vld.idx.msk [tilespmem:v58+s21+$0x0], $0xffff  }
0xcc: {  	v59 =	vor.u32 v10, v16;
	_ =	sdelay $0x3  }
0xcd: {  	[tilespmem:s23+$0x19480] =	vst v17  }
0xce: {  	v17 =	vld.idx.msk [tilespmem:v59+s21+$0x0], $0xffff  }
0xcf: {  	v60 =	vor.u32 v11, v16;
	_ =	sdelay $0x3  }
0xd0: {  	[tilespmem:s23+$0x19500] =	vst v17  }
0xd1: {  	v17 =	vld.idx.msk [tilespmem:v60+s21+$0x0], $0xffff  }
0xd2: {  	v61 =	vor.u32 v12, v16;
	_ =	sdelay $0x3  }
0xd3: {  	[tilespmem:s23+$0x19580] =	vst v17  }
0xd4: {  	v17 =	vld.idx.msk [tilespmem:v61+s21+$0x0], $0xffff  }
0xd5: {  	v62 =	vor.u32 v13, v16;
	_ =	sdelay $0x3  }
0xd6: {  	[tilespmem:s23+$0x19600] =	vst v17  }
0xd7: {  	v17 =	vld.idx.msk [tilespmem:v62+s21+$0x0], $0xffff  }
0xd8: {  	v63 =	vor.u32 v14, v16;
	_ =	sdelay $0x3  }
0xd9: {  	[tilespmem:s23+$0x19680] =	vst v17  }
0xda: {  	v17 =	vld.idx.msk [tilespmem:v63+s21+$0x0], $0xffff  }
0xdb: {  	v16 =	vor.u32 v15, v16;
	_ =	sdelay $0x3  }
0xdc: {  	[tilespmem:s23+$0x19700] =	vst v17  }
0xdd: {  	v16 =	vld.idx.msk [tilespmem:v16+s21+$0x0], $0xffff  }
.Ltmp5:
0xde: {  	_ = 	snop;
	(pc) =	sbr.rel .LBB2_4-.Ltmp5, $2  }
0xdf: {  	_ =	sdelay $0x2  }
0xe0: {  	[tilespmem:s23+$0x19780] =	vst v16  }
.LBB2_5:
0xe1: {  	s17 =	simm.s32 $0xFFFFFFFE  }
0xe2: {  	s18 =	simm.s32 $0x0;
	s19 =	simm.s32 $0xFFFFFF00;
	s20 =	simm.s32 $0xFFFFFFE0  }
.LBB2_6:
0xe3: {  	s21 =	sadd.s32 $0x2, s17  }
0xe4: {  	p0 =	slt.u32 s21, $0x2  }
0xe5: {  	s22 =	simm.s32 @!p0 $0x1  }
0xe6: {  	_ =	swait.ge @!p0 [sflag:s22], $0x800  }
0xe7: {  	[sflag:s22] =	ssyncset.done @!p0 $0x0  }
0xe8: {  	[sflag:s22] =	ssyncadd.s32 @!p0 $0xFFFFF800  }
0xe9: {  	_ =	swait.ge @!p0 [sflag:s22], $0x800  }
0xea: {  	[sflag:s22] =	ssyncset.done @!p0 $0x0  }
0xeb: {  	[sflag:s22] =	ssyncadd.s32 @!p0 $0xFFFFF800  }
0xec: {  	_ =	swait.ge @!p0 [sflag:s22], $0x800  }
0xed: {  	[sflag:s22] =	ssyncset.done @!p0 $0x0  }
0xee: {  	[sflag:s22] =	ssyncadd.s32 @!p0 $0xFFFFF800  }
0xef: {  	_ =	swait.ge @!p0 [sflag:s22], $0x800  }
0xf0: {  	[sflag:s22] =	ssyncset.done @!p0 $0x0  }
0xf1: {  	[sflag:s22] =	ssyncadd.s32 @!p0 $0xFFFFF800  }
0xf2: {  	_ =	swait.ge @!p0 [sflag:s22], $0x800  }
0xf3: {  	[sflag:s22] =	ssyncset.done @!p0 $0x0  }
0xf4: {  	[sflag:s22] =	ssyncadd.s32 @!p0 $0xFFFFF800  }
0xf5: {  	_ =	swait.ge @!p0 [sflag:s22], $0x800  }
0xf6: {  	[sflag:s22] =	ssyncset.done @!p0 $0x0  }
0xf7: {  	[sflag:s22] =	ssyncadd.s32 @!p0 $0xFFFFF800  }
0xf8: {  	_ =	swait.ge @!p0 [sflag:s22], $0x800  }
0xf9: {  	[sflag:s22] =	ssyncset.done @!p0 $0x0  }
0xfa: {  	[sflag:s22] =	ssyncadd.s32 @!p0 $0xFFFFF800  }
0xfb: {  	_ =	swait.ge @!p0 [sflag:s22], $0x800  }
0xfc: {  	[sflag:s22] =	ssyncset.done @!p0 $0x0  }
0xfd: {  	[sflag:s22] =	ssyncadd.s32 @!p0 $0xFFFFF800  }
0xfe: {  	_ =	swait.ge @!p0 [sflag:s22], $0x800  }
0xff: {  	[sflag:s22] =	ssyncset.done @!p0 $0x0  }
0x100: {  	[sflag:s22] =	ssyncadd.s32 @!p0 $0xFFFFF800  }
0x101: {  	_ =	swait.ge @!p0 [sflag:s22], $0x800  }
0x102: {  	[sflag:s22] =	ssyncset.done @!p0 $0x0  }
0x103: {  	[sflag:s22] =	ssyncadd.s32 @!p0 $0xFFFFF800  }
0x104: {  	_ =	swait.ge @!p0 [sflag:s22], $0x800  }
0x105: {  	[sflag:s22] =	ssyncset.done @!p0 $0x0  }
0x106: {  	[sflag:s22] =	ssyncadd.s32 @!p0 $0xFFFFF800  }
0x107: {  	_ =	swait.ge @!p0 [sflag:s22], $0x800  }
0x108: {  	[sflag:s22] =	ssyncset.done @!p0 $0x0  }
0x109: {  	[sflag:s22] =	ssyncadd.s32 @!p0 $0xFFFFF800  }
0x10a: {  	_ =	swait.ge @!p0 [sflag:s22], $0x800  }
0x10b: {  	[sflag:s22] =	ssyncset.done @!p0 $0x0  }
0x10c: {  	[sflag:s22] =	ssyncadd.s32 @!p0 $0xFFFFF800  }
0x10d: {  	_ =	swait.ge @!p0 [sflag:s22], $0x800  }
0x10e: {  	[sflag:s22] =	ssyncset.done @!p0 $0x0  }
0x10f: {  	[sflag:s22] =	ssyncadd.s32 @!p0 $0xFFFFF800  }
0x110: {  	_ =	swait.ge @!p0 [sflag:s22], $0x800  }
0x111: {  	[sflag:s22] =	ssyncset.done @!p0 $0x0  }
0x112: {  	[sflag:s22] =	ssyncadd.s32 @!p0 $0xFFFFF800  }
0x113: {  	_ =	swait.ge @!p0 [sflag:s22], $0x800  }
0x114: {  	p1 =	sgt.u32 @!p0 s21, $0x1F;
	[sflag:s22] =	ssyncset.done @!p0 $0x0  }
0x115: {  	[sflag:s22] =	ssyncadd.s32 @!p0 $0xFFFFF800;
	p0 =	por p0, !p1  }
0x116: {  	v16 =	vld @p0 [tilespmem:s18+$0x0];
	_ =	sdelay $0x4  }
0x117: {  	(v2sf) =	vpush @p0 v16, $0x0;
	_ =	sdelay $0x3  }
0x118: {  	(v2sf) =	vpush @p0 v16, $0x1;
	_ =	sdelay $0x3  }
0x119: {  	s22 =	smul.u32 @p0 $0xAB, s21;
	(v2sf) =	vpush @p0 v16, $0x2;
	_ =	sdelay $0x1  }
0x11a: {  	s22 =	sshrl.u32 @p0 s22, $0x9  }
0x11b: {  	s22 =	sand.u32 @p0 $0x7F, s22  }
0x11c: {  	s22 =	smul.u32 @p0 $0x3, s22;
	(v2sf) =	vpush @p0 v16, $0x3;
	_ =	sdelay $0x1  }
0x11d: {  	s22 =	ssub.s32 @p0 s21, s22  }
0x11e: {  	s24 =	simm.s32 @p0 $0x7A1400;
	s22 =	sand.u32 @p0 $0xFF, s22;
	s23 =	spop @p0 (v2sf)  }
0x11f: {  	s22 =	sshll.u32 @p0 s22, $0xF;
	(v2sf) =	vpush @p0 v16, $0x4;
	s23 =	sand.u32 @p0 $0xFFFFF80, s23  }
0x120: {  	s25 =	sor.u32 @p0 $0x400, s22;
	s26 =	sadd.s32 @p0 s23, s7;
	s23 =	simm.s32 @p0 $0x400  }
0x121: {  	[tilespmem:s25], [sflag:$0x1] =	stream.strided.gather @p0 [hbm4b:s26+s23], $0x800, s24, s23, $0x38;
	[tilespmem:$0x1C400] =	vst v63  }
0x122: {  	s25 =	spop @p0 (v2sf)  }
0x123: {  	(v2sf) =	vpush @p0 v16, $0x5;
	s25 =	sand.u32 @p0 $0xFFFFF80, s25  }
0x124: {  	s26 =	sor.u32 @p0 $0xC00, s22;
	s25 =	sadd.s32 @p0 s25, s7  }
0x125: {  	[tilespmem:s26], [sflag:$0x1] =	stream.strided.gather @p0 [hbm4b:s25+s23], $0x800, s24, s23, $0x38;
	[tilespmem:$0x1C400] =	vst v63  }
0x126: {  	s25 =	spop @p0 (v2sf)  }
0x127: {  	(v2sf) =	vpush @p0 v16, $0x6;
	s25 =	sand.u32 @p0 $0xFFFFF80, s25  }
0x128: {  	s26 =	sor.u32 @p0 $0x1400, s22;
	s25 =	sadd.s32 @p0 s25, s7  }
0x129: {  	[tilespmem:s26], [sflag:$0x1] =	stream.strided.gather @p0 [hbm4b:s25+s23], $0x800, s24, s23, $0x38;
	[tilespmem:$0x1C400] =	vst v63  }
0x12a: {  	s25 =	spop @p0 (v2sf)  }
0x12b: {  	(v2sf) =	vpush @p0 v16, $0x7;
	s25 =	sand.u32 @p0 $0xFFFFF80, s25  }
0x12c: {  	s26 =	sor.u32 @p0 $0x1C00, s22;
	s25 =	sadd.s32 @p0 s25, s7  }
0x12d: {  	[tilespmem:s26], [sflag:$0x1] =	stream.strided.gather @p0 [hbm4b:s25+s23], $0x800, s24, s23, $0x38;
	[tilespmem:$0x1C400] =	vst v63  }
0x12e: {  	s25 =	spop @p0 (v2sf)  }
0x12f: {  	(v2sf) =	vpush @p0 v16, $0x8;
	s25 =	sand.u32 @p0 $0xFFFFF80, s25  }
0x130: {  	s26 =	sor.u32 @p0 $0x2400, s22;
	s25 =	sadd.s32 @p0 s25, s7  }
0x131: {  	[tilespmem:s26], [sflag:$0x1] =	stream.strided.gather @p0 [hbm4b:s25+s23], $0x800, s24, s23, $0x38;
	[tilespmem:$0x1C400] =	vst v63  }
0x132: {  	s25 =	spop @p0 (v2sf)  }
0x133: {  	(v2sf) =	vpush @p0 v16, $0x9;
	s25 =	sand.u32 @p0 $0xFFFFF80, s25  }
0x134: {  	s26 =	sor.u32 @p0 $0x2C00, s22;
	s25 =	sadd.s32 @p0 s25, s7  }
0x135: {  	[tilespmem:s26], [sflag:$0x1] =	stream.strided.gather @p0 [hbm4b:s25+s23], $0x800, s24, s23, $0x38;
	[tilespmem:$0x1C400] =	vst v63  }
0x136: {  	s25 =	spop @p0 (v2sf)  }
0x137: {  	(v2sf) =	vpush @p0 v16, $0xA;
	s25 =	sand.u32 @p0 $0xFFFFF80, s25  }
0x138: {  	s26 =	sor.u32 @p0 $0x3400, s22;
	s25 =	sadd.s32 @p0 s25, s7  }
0x139: {  	[tilespmem:s26], [sflag:$0x1] =	stream.strided.gather @p0 [hbm4b:s25+s23], $0x800, s24, s23, $0x38;
	[tilespmem:$0x1C400] =	vst v63  }
0x13a: {  	s25 =	spop @p0 (v2sf)  }
0x13b: {  	(v2sf) =	vpush @p0 v16, $0xB;
	s25 =	sand.u32 @p0 $0xFFFFF80, s25  }
0x13c: {  	s26 =	sor.u32 @p0 $0x3C00, s22;
	s25 =	sadd.s32 @p0 s25, s7  }
0x13d: {  	[tilespmem:s26], [sflag:$0x1] =	stream.strided.gather @p0 [hbm4b:s25+s23], $0x800, s24, s23, $0x38;
	[tilespmem:$0x1C400] =	vst v63  }
0x13e: {  	s25 =	spop @p0 (v2sf)  }
0x13f: {  	(v2sf) =	vpush @p0 v16, $0xC;
	s25 =	sand.u32 @p0 $0xFFFFF80, s25  }
0x140: {  	s26 =	sor.u32 @p0 $0x4400, s22;
	s25 =	sadd.s32 @p0 s25, s7  }
0x141: {  	[tilespmem:s26], [sflag:$0x1] =	stream.strided.gather @p0 [hbm4b:s25+s23], $0x800, s24, s23, $0x38;
	[tilespmem:$0x1C400] =	vst v63  }
0x142: {  	s25 =	spop @p0 (v2sf)  }
0x143: {  	(v2sf) =	vpush @p0 v16, $0xD;
	s25 =	sand.u32 @p0 $0xFFFFF80, s25  }
0x144: {  	s26 =	sor.u32 @p0 $0x4C00, s22;
	s25 =	sadd.s32 @p0 s25, s7  }
0x145: {  	[tilespmem:s26], [sflag:$0x1] =	stream.strided.gather @p0 [hbm4b:s25+s23], $0x800, s24, s23, $0x38;
	[tilespmem:$0x1C400] =	vst v63  }
0x146: {  	s25 =	spop @p0 (v2sf)  }
0x147: {  	(v2sf) =	vpush @p0 v16, $0xE;
	s25 =	sand.u32 @p0 $0xFFFFF80, s25  }
0x148: {  	s26 =	sor.u32 @p0 $0x5400, s22;
	s25 =	sadd.s32 @p0 s25, s7  }
0x149: {  	[tilespmem:s26], [sflag:$0x1] =	stream.strided.gather @p0 [hbm4b:s25+s23], $0x800, s24, s23, $0x38;
	[tilespmem:$0x1C400] =	vst v63  }
0x14a: {  	s25 =	spop @p0 (v2sf)  }
0x14b: {  	(v2sf) =	vpush @p0 v16, $0xF;
	s25 =	sand.u32 @p0 $0xFFFFF80, s25  }
0x14c: {  	s26 =	sor.u32 @p0 $0x5C00, s22;
	s25 =	sadd.s32 @p0 s25, s7  }
0x14d: {  	[tilespmem:s26], [sflag:$0x1] =	stream.strided.gather @p0 [hbm4b:s25+s23], $0x800, s24, s23, $0x38;
	[tilespmem:$0x1C400] =	vst v63  }
0x14e: {  	s25 =	spop @p0 (v2sf)  }
0x14f: {  	s25 =	sand.u32 @p0 $0xFFFFF80, s25  }
0x150: {  	s26 =	sor.u32 @p0 $0x6400, s22;
	s25 =	sadd.s32 @p0 s25, s7  }
0x151: {  	[tilespmem:s26], [sflag:$0x1] =	stream.strided.gather @p0 [hbm4b:s25+s23], $0x800, s24, s23, $0x38;
	[tilespmem:$0x1C400] =	vst v63  }
0x152: {  	s25 =	spop @p0 (v2sf)  }
0x153: {  	s25 =	sand.u32 @p0 $0xFFFFF80, s25  }
0x154: {  	s26 =	sor.u32 @p0 $0x6C00, s22;
	s25 =	sadd.s32 @p0 s25, s7  }
0x155: {  	[tilespmem:s26], [sflag:$0x1] =	stream.strided.gather @p0 [hbm4b:s25+s23], $0x800, s24, s23, $0x38;
	[tilespmem:$0x1C400] =	vst v63  }
0x156: {  	s25 =	spop @p0 (v2sf)  }
0x157: {  	s25 =	sand.u32 @p0 $0xFFFFF80, s25  }
0x158: {  	s26 =	sor.u32 @p0 $0x7400, s22;
	s25 =	sadd.s32 @p0 s25, s7  }
0x159: {  	[tilespmem:s26], [sflag:$0x1] =	stream.strided.gather @p0 [hbm4b:s25+s23], $0x800, s24, s23, $0x38;
	[tilespmem:$0x1C400] =	vst v63  }
0x15a: {  	s25 =	spop @p0 (v2sf)  }
0x15b: {  	s25 =	sand.u32 @p0 $0xFFFFF80, s25  }
0x15c: {  	p1 =	slt.u32 @p0 s21, $0x2;
	s21 =	sor.u32 @p0 $0x7C00, s22;
	s22 =	sadd.s32 @p0 s25, s7  }
0x15d: {  	[tilespmem:s21], [sflag:$0x1] =	stream.strided.gather @p0 [hbm4b:s22+s23], $0x800, s24, s23, $0x38;
	[tilespmem:$0x1C400] =	vst v63  }
0x15e: {  	p0 =	por !p0, !p1  }
0x15f: {  	v16 =	vld @p0 [tilespmem:s18+$0xFFFFFFE0]  }
0x160: {  	s21 =	sand.u32 @p0 $0xFF, s17  }
0x161: {  	s21 =	smul.u32 @p0 $0xAB, s21;
	_ =	sdelay $0x1  }
0x162: {  	s21 =	sshrl.u32 @p0 s21, $0x9  }
0x163: {  	s21 =	smul.u32 @p0 $0x3, s21;
	v16 =	vand.u32 @p0 $0x7F, v16  }
0x164: {  	v17 =	vor.u32 @p0 v0, v16  }
0x165: {  	s21 =	ssub.s32 @p0 s17, s21  }
0x166: {  	s21 =	sand.u32 @p0 $0xFF, s21  }
0x167: {  	s21 =	sshll.u32 @p0 s21, $0xF  }
0x168: {  	s21 =	sor.u32 @p0 $0x400, s21  }
0x169: {  	v17 =	vld.idx.msk @p0 [tilespmem:v17+s21+$0x0], $0xffff  }
0x16a: {  	v18 =	vor.u32 @p0 v1, v16;
	_ =	sdelay $0x1  }
0x16b: {  	s22 =	sand.u32 @p0 $0x70, s20;
	s23 =	sand.u32 @p0 $0x7FFFFC00, s19  }
0x16c: {  	s22 =	sor.u32 @p0 s22, s23  }
0x16d: {  	[tilespmem:s22+$0x1A400] =	vst @p0 v17  }
0x16e: {  	v17 =	vld.idx.msk @p0 [tilespmem:v18+s21+$0x0], $0xffff  }
0x16f: {  	v18 =	vor.u32 @p0 v2, v16;
	_ =	sdelay $0x3  }
0x170: {  	[tilespmem:s22+$0x1A480] =	vst @p0 v17  }
0x171: {  	v17 =	vld.idx.msk @p0 [tilespmem:v18+s21+$0x0], $0xffff  }
0x172: {  	v18 =	vor.u32 @p0 v3, v16;
	_ =	sdelay $0x3  }
0x173: {  	[tilespmem:s22+$0x1A500] =	vst @p0 v17  }
0x174: {  	v17 =	vld.idx.msk @p0 [tilespmem:v18+s21+$0x0], $0xffff  }
0x175: {  	v18 =	vor.u32 @p0 v4, v16;
	_ =	sdelay $0x3  }
0x176: {  	[tilespmem:s22+$0x1A580] =	vst @p0 v17  }
0x177: {  	v17 =	vld.idx.msk @p0 [tilespmem:v18+s21+$0x0], $0xffff  }
0x178: {  	v18 =	vor.u32 @p0 v5, v16;
	_ =	sdelay $0x3  }
0x179: {  	[tilespmem:s22+$0x1A600] =	vst @p0 v17  }
0x17a: {  	v17 =	vld.idx.msk @p0 [tilespmem:v18+s21+$0x0], $0xffff  }
0x17b: {  	v18 =	vor.u32 @p0 v6, v16;
	_ =	sdelay $0x3  }
0x17c: {  	[tilespmem:s22+$0x1A680] =	vst @p0 v17  }
0x17d: {  	v17 =	vld.idx.msk @p0 [tilespmem:v18+s21+$0x0], $0xffff  }
0x17e: {  	v18 =	vor.u32 @p0 v7, v16;
	_ =	sdelay $0x3  }
0x17f: {  	[tilespmem:s22+$0x1A700] =	vst @p0 v17  }
0x180: {  	v17 =	vld.idx.msk @p0 [tilespmem:v18+s21+$0x0], $0xffff  }
0x181: {  	v18 =	vor.u32 @p0 v8, v16;
	_ =	sdelay $0x3  }
0x182: {  	[tilespmem:s22+$0x1A780] =	vst @p0 v17  }
0x183: {  	v17 =	vld.idx.msk @p0 [tilespmem:v18+s21+$0x0], $0xffff  }
0x184: {  	v18 =	vor.u32 @p0 v9, v16;
	_ =	sdelay $0x3  }
0x185: {  	[tilespmem:s22+$0x1B400] =	vst @p0 v17  }
0x186: {  	v17 =	vld.idx.msk @p0 [tilespmem:v18+s21+$0x0], $0xffff  }
0x187: {  	v18 =	vor.u32 @p0 v10, v16;
	_ =	sdelay $0x3  }
0x188: {  	[tilespmem:s22+$0x1B480] =	vst @p0 v17  }
0x189: {  	v17 =	vld.idx.msk @p0 [tilespmem:v18+s21+$0x0], $0xffff  }
0x18a: {  	v18 =	vor.u32 @p0 v11, v16;
	_ =	sdelay $0x3  }
0x18b: {  	[tilespmem:s22+$0x1B500] =	vst @p0 v17  }
0x18c: {  	v17 =	vld.idx.msk @p0 [tilespmem:v18+s21+$0x0], $0xffff  }
0x18d: {  	v18 =	vor.u32 @p0 v12, v16;
	_ =	sdelay $0x3  }
0x18e: {  	[tilespmem:s22+$0x1B580] =	vst @p0 v17  }
0x18f: {  	v17 =	vld.idx.msk @p0 [tilespmem:v18+s21+$0x0], $0xffff  }
0x190: {  	v18 =	vor.u32 @p0 v13, v16;
	_ =	sdelay $0x3  }
0x191: {  	[tilespmem:s22+$0x1B600] =	vst @p0 v17  }
0x192: {  	v17 =	vld.idx.msk @p0 [tilespmem:v18+s21+$0x0], $0xffff  }
0x193: {  	v18 =	vor.u32 @p0 v14, v16;
	_ =	sdelay $0x3  }
0x194: {  	[tilespmem:s22+$0x1B680] =	vst @p0 v17  }
0x195: {  	v17 =	vld.idx.msk @p0 [tilespmem:v18+s21+$0x0], $0xffff  }
0x196: {  	v16 =	vor.u32 @p0 v15, v16;
	_ =	sdelay $0x3  }
0x197: {  	[tilespmem:s22+$0x1B700] =	vst @p0 v17  }
0x198: {  	v16 =	vld.idx.msk @p0 [tilespmem:v16+s21+$0x0], $0xffff;
	_ =	sdelay $0x3  }
0x199: {  	s17 =	sadd.s32 $0x1, s17  }
0x19a: {  	[tilespmem:s22+$0x1B780] =	vst @p0 v16;
	p0 =	sne.s32 s17, $0x20  }
.Ltmp6:
0x19b: {  	_ = 	snop;
	(pc) =	sbr.rel @p0 .LBB2_6-.Ltmp6, $2  }
0x19c: {  	_ =	sdelay $0x2  }
0x19d: {  	s18 =	sadd.s32 $0x10, s18;
	s19 =	sadd.s32 $0x80, s19;
	s20 =	sadd.s32 $0x10, s20  }
.Ltmp7:
0x19e: {  	(pc) =	sbr.rel .LBB2_8-.Ltmp7, $3  }
0x19f: {  	_ =	sdelay $0x1  }
0x1a0: {  	s17 =	simm.s32 $0xFFFFFFFE  }
0x1a1: {  	s18 =	simm.s32 $0xFFFFFFE0;
	s19 =	simm.s32 $0xFFFFFF00;
	s20 =	simm.s32 $0x200  }
.LBB2_10:
0x1a2: {  	s17 =	sadd.s32 $0x1, s17  }
0x1a3: {  	p0 =	sne.s32 s17, $0x20  }
.Ltmp8:
0x1a4: {  	_ = 	snop;
	(pc) =	sbr.rel @!p0 .LBB2_11-.Ltmp8, $2  }
0x1a5: {  	_ =	sdelay $0x2  }
0x1a6: {  	s18 =	sadd.s32 $0x10, s18;
	s19 =	sadd.s32 $0x80, s19;
	s20 =	sadd.s32 $0x10, s20  }
.LBB2_8:
0x1a7: {  	s21 =	sadd.s32 $0x2, s17  }
0x1a8: {  	p0 =	slt.u32 s21, $0x2  }
0x1a9: {  	s22 =	simm.s32 @!p0 $0x1  }
0x1aa: {  	_ =	swait.ge @!p0 [sflag:s22], $0x800  }
0x1ab: {  	[sflag:s22] =	ssyncset.done @!p0 $0x0  }
0x1ac: {  	[sflag:s22] =	ssyncadd.s32 @!p0 $0xFFFFF800  }
0x1ad: {  	_ =	swait.ge @!p0 [sflag:s22], $0x800  }
0x1ae: {  	[sflag:s22] =	ssyncset.done @!p0 $0x0  }
0x1af: {  	[sflag:s22] =	ssyncadd.s32 @!p0 $0xFFFFF800  }
0x1b0: {  	_ =	swait.ge @!p0 [sflag:s22], $0x800  }
0x1b1: {  	[sflag:s22] =	ssyncset.done @!p0 $0x0  }
0x1b2: {  	[sflag:s22] =	ssyncadd.s32 @!p0 $0xFFFFF800  }
0x1b3: {  	_ =	swait.ge @!p0 [sflag:s22], $0x800  }
0x1b4: {  	[sflag:s22] =	ssyncset.done @!p0 $0x0  }
0x1b5: {  	[sflag:s22] =	ssyncadd.s32 @!p0 $0xFFFFF800  }
0x1b6: {  	_ =	swait.ge @!p0 [sflag:s22], $0x800  }
0x1b7: {  	[sflag:s22] =	ssyncset.done @!p0 $0x0  }
0x1b8: {  	[sflag:s22] =	ssyncadd.s32 @!p0 $0xFFFFF800  }
0x1b9: {  	_ =	swait.ge @!p0 [sflag:s22], $0x800  }
0x1ba: {  	[sflag:s22] =	ssyncset.done @!p0 $0x0  }
0x1bb: {  	[sflag:s22] =	ssyncadd.s32 @!p0 $0xFFFFF800  }
0x1bc: {  	_ =	swait.ge @!p0 [sflag:s22], $0x800  }
0x1bd: {  	[sflag:s22] =	ssyncset.done @!p0 $0x0  }
0x1be: {  	[sflag:s22] =	ssyncadd.s32 @!p0 $0xFFFFF800  }
0x1bf: {  	_ =	swait.ge @!p0 [sflag:s22], $0x800  }
0x1c0: {  	[sflag:s22] =	ssyncset.done @!p0 $0x0  }
0x1c1: {  	[sflag:s22] =	ssyncadd.s32 @!p0 $0xFFFFF800  }
0x1c2: {  	_ =	swait.ge @!p0 [sflag:s22], $0x800  }
0x1c3: {  	[sflag:s22] =	ssyncset.done @!p0 $0x0  }
0x1c4: {  	[sflag:s22] =	ssyncadd.s32 @!p0 $0xFFFFF800  }
0x1c5: {  	_ =	swait.ge @!p0 [sflag:s22], $0x800  }
0x1c6: {  	[sflag:s22] =	ssyncset.done @!p0 $0x0  }
0x1c7: {  	[sflag:s22] =	ssyncadd.s32 @!p0 $0xFFFFF800  }
0x1c8: {  	_ =	swait.ge @!p0 [sflag:s22], $0x800  }
0x1c9: {  	[sflag:s22] =	ssyncset.done @!p0 $0x0  }
0x1ca: {  	[sflag:s22] =	ssyncadd.s32 @!p0 $0xFFFFF800  }
0x1cb: {  	_ =	swait.ge @!p0 [sflag:s22], $0x800  }
0x1cc: {  	[sflag:s22] =	ssyncset.done @!p0 $0x0  }
0x1cd: {  	[sflag:s22] =	ssyncadd.s32 @!p0 $0xFFFFF800  }
0x1ce: {  	_ =	swait.ge @!p0 [sflag:s22], $0x800  }
0x1cf: {  	[sflag:s22] =	ssyncset.done @!p0 $0x0  }
0x1d0: {  	[sflag:s22] =	ssyncadd.s32 @!p0 $0xFFFFF800  }
0x1d1: {  	_ =	swait.ge @!p0 [sflag:s22], $0x800  }
0x1d2: {  	[sflag:s22] =	ssyncset.done @!p0 $0x0  }
0x1d3: {  	[sflag:s22] =	ssyncadd.s32 @!p0 $0xFFFFF800  }
0x1d4: {  	_ =	swait.ge @!p0 [sflag:s22], $0x800  }
0x1d5: {  	[sflag:s22] =	ssyncset.done @!p0 $0x0  }
0x1d6: {  	[sflag:s22] =	ssyncadd.s32 @!p0 $0xFFFFF800  }
0x1d7: {  	_ =	swait.ge @!p0 [sflag:s22], $0x800  }
0x1d8: {  	p1 =	sgt.u32 @!p0 s21, $0x1F;
	[sflag:s22] =	ssyncset.done @!p0 $0x0  }
0x1d9: {  	[sflag:s22] =	ssyncadd.s32 @!p0 $0xFFFFF800;
	p0 =	por p0, !p1  }
0x1da: {  	v16 =	vld @p0 [tilespmem:s20+$0x0];
	_ =	sdelay $0x4  }
0x1db: {  	(v2sf) =	vpush @p0 v16, $0x0;
	_ =	sdelay $0x3  }
0x1dc: {  	(v2sf) =	vpush @p0 v16, $0x1;
	_ =	sdelay $0x3  }
0x1dd: {  	s22 =	smul.u32 @p0 $0xAB, s21;
	(v2sf) =	vpush @p0 v16, $0x2;
	_ =	sdelay $0x1  }
0x1de: {  	s22 =	sshrl.u32 @p0 s22, $0x9  }
0x1df: {  	s22 =	sand.u32 @p0 $0x7F, s22  }
0x1e0: {  	s22 =	smul.u32 @p0 $0x3, s22;
	(v2sf) =	vpush @p0 v16, $0x3;
	_ =	sdelay $0x1  }
0x1e1: {  	s22 =	ssub.s32 @p0 s21, s22  }
0x1e2: {  	s24 =	simm.s32 @p0 $0x7A1400;
	s22 =	sand.u32 @p0 $0xFF, s22;
	s23 =	spop @p0 (v2sf)  }
0x1e3: {  	s22 =	sshll.u32 @p0 s22, $0xF;
	(v2sf) =	vpush @p0 v16, $0x4;
	s23 =	sand.u32 @p0 $0xFFFFF80, s23  }
0x1e4: {  	s25 =	sor.u32 @p0 $0x400, s22;
	s26 =	sadd.s32 @p0 s2, s23;
	s23 =	simm.s32 @p0 $0x400  }
0x1e5: {  	[tilespmem:s25], [sflag:$0x1] =	stream.strided.gather @p0 [hbm4b:s26+s23], $0x800, s24, s23, $0x38;
	[tilespmem:$0x1C400] =	vst v63  }
0x1e6: {  	s25 =	spop @p0 (v2sf)  }
0x1e7: {  	(v2sf) =	vpush @p0 v16, $0x5;
	s25 =	sand.u32 @p0 $0xFFFFF80, s25  }
0x1e8: {  	s26 =	sor.u32 @p0 $0xC00, s22;
	s25 =	sadd.s32 @p0 s2, s25  }
0x1e9: {  	[tilespmem:s26], [sflag:$0x1] =	stream.strided.gather @p0 [hbm4b:s25+s23], $0x800, s24, s23, $0x38;
	[tilespmem:$0x1C400] =	vst v63  }
0x1ea: {  	s25 =	spop @p0 (v2sf)  }
0x1eb: {  	(v2sf) =	vpush @p0 v16, $0x6;
	s25 =	sand.u32 @p0 $0xFFFFF80, s25  }
0x1ec: {  	s26 =	sor.u32 @p0 $0x1400, s22;
	s25 =	sadd.s32 @p0 s2, s25  }
0x1ed: {  	[tilespmem:s26], [sflag:$0x1] =	stream.strided.gather @p0 [hbm4b:s25+s23], $0x800, s24, s23, $0x38;
	[tilespmem:$0x1C400] =	vst v63  }
0x1ee: {  	s25 =	spop @p0 (v2sf)  }
0x1ef: {  	(v2sf) =	vpush @p0 v16, $0x7;
	s25 =	sand.u32 @p0 $0xFFFFF80, s25  }
0x1f0: {  	s26 =	sor.u32 @p0 $0x1C00, s22;
	s25 =	sadd.s32 @p0 s2, s25  }
0x1f1: {  	[tilespmem:s26], [sflag:$0x1] =	stream.strided.gather @p0 [hbm4b:s25+s23], $0x800, s24, s23, $0x38;
	[tilespmem:$0x1C400] =	vst v63  }
0x1f2: {  	s25 =	spop @p0 (v2sf)  }
0x1f3: {  	(v2sf) =	vpush @p0 v16, $0x8;
	s25 =	sand.u32 @p0 $0xFFFFF80, s25  }
0x1f4: {  	s26 =	sor.u32 @p0 $0x2400, s22;
	s25 =	sadd.s32 @p0 s2, s25  }
0x1f5: {  	[tilespmem:s26], [sflag:$0x1] =	stream.strided.gather @p0 [hbm4b:s25+s23], $0x800, s24, s23, $0x38;
	[tilespmem:$0x1C400] =	vst v63  }
0x1f6: {  	s25 =	spop @p0 (v2sf)  }
0x1f7: {  	(v2sf) =	vpush @p0 v16, $0x9;
	s25 =	sand.u32 @p0 $0xFFFFF80, s25  }
0x1f8: {  	s26 =	sor.u32 @p0 $0x2C00, s22;
	s25 =	sadd.s32 @p0 s2, s25  }
0x1f9: {  	[tilespmem:s26], [sflag:$0x1] =	stream.strided.gather @p0 [hbm4b:s25+s23], $0x800, s24, s23, $0x38;
	[tilespmem:$0x1C400] =	vst v63  }
0x1fa: {  	s25 =	spop @p0 (v2sf)  }
0x1fb: {  	(v2sf) =	vpush @p0 v16, $0xA;
	s25 =	sand.u32 @p0 $0xFFFFF80, s25  }
0x1fc: {  	s26 =	sor.u32 @p0 $0x3400, s22;
	s25 =	sadd.s32 @p0 s2, s25  }
0x1fd: {  	[tilespmem:s26], [sflag:$0x1] =	stream.strided.gather @p0 [hbm4b:s25+s23], $0x800, s24, s23, $0x38;
	[tilespmem:$0x1C400] =	vst v63  }
0x1fe: {  	s25 =	spop @p0 (v2sf)  }
0x1ff: {  	(v2sf) =	vpush @p0 v16, $0xB;
	s25 =	sand.u32 @p0 $0xFFFFF80, s25  }
0x200: {  	s26 =	sor.u32 @p0 $0x3C00, s22;
	s25 =	sadd.s32 @p0 s2, s25  }
0x201: {  	[tilespmem:s26], [sflag:$0x1] =	stream.strided.gather @p0 [hbm4b:s25+s23], $0x800, s24, s23, $0x38;
	[tilespmem:$0x1C400] =	vst v63  }
0x202: {  	s25 =	spop @p0 (v2sf)  }
0x203: {  	(v2sf) =	vpush @p0 v16, $0xC;
	s25 =	sand.u32 @p0 $0xFFFFF80, s25  }
0x204: {  	s26 =	sor.u32 @p0 $0x4400, s22;
	s25 =	sadd.s32 @p0 s2, s25  }
0x205: {  	[tilespmem:s26], [sflag:$0x1] =	stream.strided.gather @p0 [hbm4b:s25+s23], $0x800, s24, s23, $0x38;
	[tilespmem:$0x1C400] =	vst v63  }
0x206: {  	s25 =	spop @p0 (v2sf)  }
0x207: {  	(v2sf) =	vpush @p0 v16, $0xD;
	s25 =	sand.u32 @p0 $0xFFFFF80, s25  }
0x208: {  	s26 =	sor.u32 @p0 $0x4C00, s22;
	s25 =	sadd.s32 @p0 s2, s25  }
0x209: {  	[tilespmem:s26], [sflag:$0x1] =	stream.strided.gather @p0 [hbm4b:s25+s23], $0x800, s24, s23, $0x38;
	[tilespmem:$0x1C400] =	vst v63  }
0x20a: {  	s25 =	spop @p0 (v2sf)  }
0x20b: {  	(v2sf) =	vpush @p0 v16, $0xE;
	s25 =	sand.u32 @p0 $0xFFFFF80, s25  }
0x20c: {  	s26 =	sor.u32 @p0 $0x5400, s22;
	s25 =	sadd.s32 @p0 s2, s25  }
0x20d: {  	[tilespmem:s26], [sflag:$0x1] =	stream.strided.gather @p0 [hbm4b:s25+s23], $0x800, s24, s23, $0x38;
	[tilespmem:$0x1C400] =	vst v63  }
0x20e: {  	s25 =	spop @p0 (v2sf)  }
0x20f: {  	(v2sf) =	vpush @p0 v16, $0xF;
	s25 =	sand.u32 @p0 $0xFFFFF80, s25  }
0x210: {  	s26 =	sor.u32 @p0 $0x5C00, s22;
	s25 =	sadd.s32 @p0 s2, s25  }
0x211: {  	[tilespmem:s26], [sflag:$0x1] =	stream.strided.gather @p0 [hbm4b:s25+s23], $0x800, s24, s23, $0x38;
	[tilespmem:$0x1C400] =	vst v63  }
0x212: {  	s25 =	spop @p0 (v2sf)  }
0x213: {  	s25 =	sand.u32 @p0 $0xFFFFF80, s25  }
0x214: {  	s26 =	sor.u32 @p0 $0x6400, s22;
	s25 =	sadd.s32 @p0 s2, s25  }
0x215: {  	[tilespmem:s26], [sflag:$0x1] =	stream.strided.gather @p0 [hbm4b:s25+s23], $0x800, s24, s23, $0x38;
	[tilespmem:$0x1C400] =	vst v63  }
0x216: {  	s25 =	spop @p0 (v2sf)  }
0x217: {  	s25 =	sand.u32 @p0 $0xFFFFF80, s25  }
0x218: {  	s26 =	sor.u32 @p0 $0x6C00, s22;
	s25 =	sadd.s32 @p0 s2, s25  }
0x219: {  	[tilespmem:s26], [sflag:$0x1] =	stream.strided.gather @p0 [hbm4b:s25+s23], $0x800, s24, s23, $0x38;
	[tilespmem:$0x1C400] =	vst v63  }
0x21a: {  	s25 =	spop @p0 (v2sf)  }
0x21b: {  	s25 =	sand.u32 @p0 $0xFFFFF80, s25  }
0x21c: {  	s26 =	sor.u32 @p0 $0x7400, s22;
	s25 =	sadd.s32 @p0 s2, s25  }
0x21d: {  	[tilespmem:s26], [sflag:$0x1] =	stream.strided.gather @p0 [hbm4b:s25+s23], $0x800, s24, s23, $0x38;
	[tilespmem:$0x1C400] =	vst v63  }
0x21e: {  	s25 =	spop @p0 (v2sf)  }
0x21f: {  	s25 =	sand.u32 @p0 $0xFFFFF80, s25  }
0x220: {  	p1 =	slt.u32 @p0 s21, $0x2;
	s21 =	sor.u32 @p0 $0x7C00, s22;
	s22 =	sadd.s32 @p0 s2, s25  }
0x221: {  	[tilespmem:s21], [sflag:$0x1] =	stream.strided.gather @p0 [hbm4b:s22+s23], $0x800, s24, s23, $0x38;
	[tilespmem:$0x1C400] =	vst v63  }
0x222: {  	p0 =	por !p0, !p1  }
.Ltmp9:
0x223: {  	_ = 	snop;
	(pc) =	sbr.rel @!p0 .LBB2_10-.Ltmp9, $1  }
0x224: {  	_ =	sdelay $0x3  }
0x225: {  	v16 =	vld [tilespmem:s20+$0xFFFFFFE0]  }
0x226: {  	s21 =	sand.u32 $0xFF, s17  }
0x227: {  	s21 =	smul.u32 $0xAB, s21;
	_ =	sdelay $0x1  }
0x228: {  	s21 =	sshrl.u32 s21, $0x9  }
0x229: {  	s21 =	smul.u32 $0x3, s21;
	v16 =	vand.u32 $0x7F, v16  }
0x22a: {  	v17 =	vor.u32 v0, v16  }
0x22b: {  	s21 =	ssub.s32 s17, s21  }
0x22c: {  	s23 =	sand.u32 $0x70, s18;
	s22 =	sand.u32 $0x7FFFFC00, s19;
	s21 =	sand.u32 $0xFF, s21  }
0x22d: {  	s22 =	sor.u32 s23, s22;
	s21 =	sshll.u32 s21, $0xF  }
0x22e: {  	v18 =	vld [tilespmem:s22+$0x18400];
	s21 =	sor.u32 $0x400, s21  }
0x22f: {  	v17 =	vld.idx.msk [tilespmem:v17+s21+$0x0], $0xffff;
	_ =	sdelay $0x2  }
0x230: {  	v19 =	vor.u32 v1, v16;
	_ =	sdelay $0x1  }
0x231: {  	v17 =	vmul.f32 v18, v17  }
0x232: {  	s24 =	sadd.s32 $0x18400, s22  }
0x233: {  	v37 =	vld [tilespmem:s24+$0x80];
	[tilespmem:s22+$0x18400] =	vst v17  }
0x234: {  	v17 =	vld.idx.msk [tilespmem:v19+s21+$0x0], $0xffff;
	_ =	sdelay $0x2  }
0x235: {  	v38 =	vor.u32 v2, v16;
	_ =	sdelay $0x1  }
0x236: {  	v17 =	vmul.f32 v37, v17;
	_ =	sdelay $0x1  }
0x237: {  	v39 =	vld [tilespmem:s24+$0x100];
	[tilespmem:s24+$0x80] =	vst v17  }
0x238: {  	v17 =	vld.idx.msk [tilespmem:v38+s21+$0x0], $0xffff;
	_ =	sdelay $0x2  }
0x239: {  	v40 =	vor.u32 v3, v16;
	_ =	sdelay $0x1  }
0x23a: {  	v17 =	vmul.f32 v39, v17;
	_ =	sdelay $0x1  }
0x23b: {  	v41 =	vld [tilespmem:s24+$0x180];
	[tilespmem:s24+$0x100] =	vst v17  }
0x23c: {  	v17 =	vld.idx.msk [tilespmem:v40+s21+$0x0], $0xffff;
	_ =	sdelay $0x2  }
0x23d: {  	v42 =	vor.u32 v4, v16;
	_ =	sdelay $0x1  }
0x23e: {  	v17 =	vmul.f32 v41, v17;
	_ =	sdelay $0x1  }
0x23f: {  	v43 =	vld [tilespmem:s24+$0x200];
	[tilespmem:s24+$0x180] =	vst v17  }
0x240: {  	v17 =	vld.idx.msk [tilespmem:v42+s21+$0x0], $0xffff;
	_ =	sdelay $0x2  }
0x241: {  	v44 =	vor.u32 v5, v16;
	_ =	sdelay $0x1  }
0x242: {  	v17 =	vmul.f32 v43, v17;
	_ =	sdelay $0x1  }
0x243: {  	v45 =	vld [tilespmem:s24+$0x280];
	[tilespmem:s24+$0x200] =	vst v17  }
0x244: {  	v17 =	vld.idx.msk [tilespmem:v44+s21+$0x0], $0xffff;
	_ =	sdelay $0x2  }
0x245: {  	v46 =	vor.u32 v6, v16;
	_ =	sdelay $0x1  }
0x246: {  	v17 =	vmul.f32 v45, v17;
	_ =	sdelay $0x1  }
0x247: {  	v47 =	vld [tilespmem:s24+$0x300];
	[tilespmem:s24+$0x280] =	vst v17  }
0x248: {  	v17 =	vld.idx.msk [tilespmem:v46+s21+$0x0], $0xffff;
	_ =	sdelay $0x2  }
0x249: {  	v48 =	vor.u32 v7, v16;
	_ =	sdelay $0x1  }
0x24a: {  	v17 =	vmul.f32 v47, v17;
	_ =	sdelay $0x1  }
0x24b: {  	s23 =	sadd.s32 s23, s19;
	[tilespmem:s24+$0x300] =	vst v17  }
0x24c: {  	s23 =	sor.u32 $0x380, s23;
	v17 =	vld.idx.msk [tilespmem:v48+s21+$0x0], $0xffff  }
0x24d: {  	v49 =	vld [tilespmem:s23+$0x18400];
	_ =	sdelay $0x2  }
0x24e: {  	v50 =	vor.u32 v8, v16;
	_ =	sdelay $0x1  }
0x24f: {  	v17 =	vmul.f32 v49, v17;
	_ =	sdelay $0x1  }
0x250: {  	[tilespmem:s23+$0x18400] =	vst v17  }
0x251: {  	v17 =	vld.idx.msk [tilespmem:v50+s21+$0x0], $0xffff  }
0x252: {  	v51 =	vld [tilespmem:s22+$0x19400];
	_ =	sdelay $0x2  }
0x253: {  	v52 =	vor.u32 v9, v16;
	_ =	sdelay $0x1  }
0x254: {  	v17 =	vmul.f32 v51, v17;
	_ =	sdelay $0x1  }
0x255: {  	v53 =	vld [tilespmem:s22+$0x19480];
	[tilespmem:s22+$0x19400] =	vst v17  }
0x256: {  	v17 =	vld.idx.msk [tilespmem:v52+s21+$0x0], $0xffff;
	_ =	sdelay $0x2  }
0x257: {  	v54 =	vor.u32 v10, v16;
	_ =	sdelay $0x1  }
0x258: {  	v17 =	vmul.f32 v53, v17;
	_ =	sdelay $0x1  }
0x259: {  	v55 =	vld [tilespmem:s22+$0x19500];
	[tilespmem:s22+$0x19480] =	vst v17  }
0x25a: {  	v17 =	vld.idx.msk [tilespmem:v54+s21+$0x0], $0xffff;
	_ =	sdelay $0x2  }
0x25b: {  	v56 =	vor.u32 v11, v16;
	_ =	sdelay $0x1  }
0x25c: {  	v17 =	vmul.f32 v55, v17;
	_ =	sdelay $0x1  }
0x25d: {  	v57 =	vld [tilespmem:s22+$0x19580];
	[tilespmem:s22+$0x19500] =	vst v17  }
0x25e: {  	v17 =	vld.idx.msk [tilespmem:v56+s21+$0x0], $0xffff;
	_ =	sdelay $0x2  }
0x25f: {  	v58 =	vor.u32 v12, v16;
	_ =	sdelay $0x1  }
0x260: {  	v17 =	vmul.f32 v57, v17;
	_ =	sdelay $0x1  }
0x261: {  	v59 =	vld [tilespmem:s22+$0x19600];
	[tilespmem:s22+$0x19580] =	vst v17  }
0x262: {  	v17 =	vld.idx.msk [tilespmem:v58+s21+$0x0], $0xffff;
	_ =	sdelay $0x2  }
0x263: {  	v60 =	vor.u32 v13, v16;
	_ =	sdelay $0x1  }
0x264: {  	v17 =	vmul.f32 v59, v17;
	_ =	sdelay $0x1  }
0x265: {  	v61 =	vld [tilespmem:s22+$0x19680];
	[tilespmem:s22+$0x19600] =	vst v17  }
0x266: {  	v17 =	vld.idx.msk [tilespmem:v60+s21+$0x0], $0xffff;
	_ =	sdelay $0x2  }
0x267: {  	v62 =	vor.u32 v14, v16;
	_ =	sdelay $0x1  }
0x268: {  	v17 =	vmul.f32 v61, v17;
	_ =	sdelay $0x1  }
0x269: {  	v63 =	vld [tilespmem:s22+$0x19700];
	[tilespmem:s22+$0x19680] =	vst v17  }
0x26a: {  	v17 =	vld.idx.msk [tilespmem:v62+s21+$0x0], $0xffff;
	_ =	sdelay $0x2  }
0x26b: {  	v16 =	vor.u32 v15, v16;
	_ =	sdelay $0x1  }
0x26c: {  	v17 =	vmul.f32 v63, v17;
	_ =	sdelay $0x1  }
0x26d: {  	[tilespmem:s22+$0x19700] =	vst v17;
	v17 =	vld [tilespmem:s22+$0x19780]  }
0x26e: {  	v16 =	vld.idx.msk [tilespmem:v16+s21+$0x0], $0xffff;
	_ =	sdelay $0x2  }
.Ltmp10:
0x26f: {  	_ = 	snop;
	(pc) =	sbr.rel .LBB2_10-.Ltmp10, $3  }
0x270: {  	_ = 	snop  }
0x271: {  	v16 =	vmul.f32 v17, v16;
	_ =	sdelay $0x1  }
0x272: {  	[tilespmem:s22+$0x19780] =	vst v16  }
.LBB2_11:
.Ltmp11:
0x273: {  	(pc) =	sbr.rel .LBB2_12-.Ltmp11, $3  }
0x274: {  	_ =	sdelay $0x1  }
0x275: {  	s17 =	simm.s32 $0xFFFFFFFE  }
0x276: {  	s18 =	simm.s32 $0x200;
	s19 =	simm.s32 $0xFFFFFF00;
	s20 =	simm.s32 $0xFFFFFFE0  }
.LBB2_14:
0x277: {  	s17 =	sadd.s32 $0x1, s17  }
0x278: {  	p0 =	sne.s32 s17, $0x20  }
.Ltmp12:
0x279: {  	_ = 	snop;
	(pc) =	sbr.rel @!p0 .LBB2_15-.Ltmp12, $2  }
0x27a: {  	_ =	sdelay $0x2  }
0x27b: {  	s18 =	sadd.s32 $0x10, s18;
	s19 =	sadd.s32 $0x80, s19;
	s20 =	sadd.s32 $0x10, s20  }
.LBB2_12:
0x27c: {  	s21 =	sadd.s32 $0x2, s17  }
0x27d: {  	p0 =	slt.u32 s21, $0x2  }
0x27e: {  	s22 =	simm.s32 @!p0 $0x1  }
0x27f: {  	_ =	swait.ge @!p0 [sflag:s22], $0x800  }
0x280: {  	[sflag:s22] =	ssyncset.done @!p0 $0x0  }
0x281: {  	[sflag:s22] =	ssyncadd.s32 @!p0 $0xFFFFF800  }
0x282: {  	_ =	swait.ge @!p0 [sflag:s22], $0x800  }
0x283: {  	[sflag:s22] =	ssyncset.done @!p0 $0x0  }
0x284: {  	[sflag:s22] =	ssyncadd.s32 @!p0 $0xFFFFF800  }
0x285: {  	_ =	swait.ge @!p0 [sflag:s22], $0x800  }
0x286: {  	[sflag:s22] =	ssyncset.done @!p0 $0x0  }
0x287: {  	[sflag:s22] =	ssyncadd.s32 @!p0 $0xFFFFF800  }
0x288: {  	_ =	swait.ge @!p0 [sflag:s22], $0x800  }
0x289: {  	[sflag:s22] =	ssyncset.done @!p0 $0x0  }
0x28a: {  	[sflag:s22] =	ssyncadd.s32 @!p0 $0xFFFFF800  }
0x28b: {  	_ =	swait.ge @!p0 [sflag:s22], $0x800  }
0x28c: {  	[sflag:s22] =	ssyncset.done @!p0 $0x0  }
0x28d: {  	[sflag:s22] =	ssyncadd.s32 @!p0 $0xFFFFF800  }
0x28e: {  	_ =	swait.ge @!p0 [sflag:s22], $0x800  }
0x28f: {  	[sflag:s22] =	ssyncset.done @!p0 $0x0  }
0x290: {  	[sflag:s22] =	ssyncadd.s32 @!p0 $0xFFFFF800  }
0x291: {  	_ =	swait.ge @!p0 [sflag:s22], $0x800  }
0x292: {  	[sflag:s22] =	ssyncset.done @!p0 $0x0  }
0x293: {  	[sflag:s22] =	ssyncadd.s32 @!p0 $0xFFFFF800  }
0x294: {  	_ =	swait.ge @!p0 [sflag:s22], $0x800  }
0x295: {  	[sflag:s22] =	ssyncset.done @!p0 $0x0  }
0x296: {  	[sflag:s22] =	ssyncadd.s32 @!p0 $0xFFFFF800  }
0x297: {  	_ =	swait.ge @!p0 [sflag:s22], $0x800  }
0x298: {  	[sflag:s22] =	ssyncset.done @!p0 $0x0  }
0x299: {  	[sflag:s22] =	ssyncadd.s32 @!p0 $0xFFFFF800  }
0x29a: {  	_ =	swait.ge @!p0 [sflag:s22], $0x800  }
0x29b: {  	[sflag:s22] =	ssyncset.done @!p0 $0x0  }
0x29c: {  	[sflag:s22] =	ssyncadd.s32 @!p0 $0xFFFFF800  }
0x29d: {  	_ =	swait.ge @!p0 [sflag:s22], $0x800  }
0x29e: {  	[sflag:s22] =	ssyncset.done @!p0 $0x0  }
0x29f: {  	[sflag:s22] =	ssyncadd.s32 @!p0 $0xFFFFF800  }
0x2a0: {  	_ =	swait.ge @!p0 [sflag:s22], $0x800  }
0x2a1: {  	[sflag:s22] =	ssyncset.done @!p0 $0x0  }
0x2a2: {  	[sflag:s22] =	ssyncadd.s32 @!p0 $0xFFFFF800  }
0x2a3: {  	_ =	swait.ge @!p0 [sflag:s22], $0x800  }
0x2a4: {  	[sflag:s22] =	ssyncset.done @!p0 $0x0  }
0x2a5: {  	[sflag:s22] =	ssyncadd.s32 @!p0 $0xFFFFF800  }
0x2a6: {  	_ =	swait.ge @!p0 [sflag:s22], $0x800  }
0x2a7: {  	[sflag:s22] =	ssyncset.done @!p0 $0x0  }
0x2a8: {  	[sflag:s22] =	ssyncadd.s32 @!p0 $0xFFFFF800  }
0x2a9: {  	_ =	swait.ge @!p0 [sflag:s22], $0x800  }
0x2aa: {  	[sflag:s22] =	ssyncset.done @!p0 $0x0  }
0x2ab: {  	[sflag:s22] =	ssyncadd.s32 @!p0 $0xFFFFF800  }
0x2ac: {  	_ =	swait.ge @!p0 [sflag:s22], $0x800  }
0x2ad: {  	p1 =	sgt.u32 @!p0 s21, $0x1F;
	[sflag:s22] =	ssyncset.done @!p0 $0x0  }
0x2ae: {  	[sflag:s22] =	ssyncadd.s32 @!p0 $0xFFFFF800;
	p0 =	por p0, !p1  }
0x2af: {  	v16 =	vld @p0 [tilespmem:s18+$0x0];
	_ =	sdelay $0x4  }
0x2b0: {  	(v2sf) =	vpush @p0 v16, $0x0;
	_ =	sdelay $0x3  }
0x2b1: {  	(v2sf) =	vpush @p0 v16, $0x1;
	_ =	sdelay $0x3  }
0x2b2: {  	s22 =	smul.u32 @p0 $0xAB, s21;
	(v2sf) =	vpush @p0 v16, $0x2;
	_ =	sdelay $0x1  }
0x2b3: {  	s22 =	sshrl.u32 @p0 s22, $0x9  }
0x2b4: {  	s22 =	sand.u32 @p0 $0x7F, s22  }
0x2b5: {  	s22 =	smul.u32 @p0 $0x3, s22;
	(v2sf) =	vpush @p0 v16, $0x3;
	_ =	sdelay $0x1  }
0x2b6: {  	s22 =	ssub.s32 @p0 s21, s22  }
0x2b7: {  	s24 =	simm.s32 @p0 $0x7A1400;
	s22 =	sand.u32 @p0 $0xFF, s22;
	s23 =	spop @p0 (v2sf)  }
0x2b8: {  	s22 =	sshll.u32 @p0 s22, $0xF;
	(v2sf) =	vpush @p0 v16, $0x4;
	s23 =	sand.u32 @p0 $0xFFFFF80, s23  }
0x2b9: {  	s25 =	sor.u32 @p0 $0x400, s22;
	s26 =	sadd.s32 @p0 s23, s8;
	s23 =	simm.s32 @p0 $0x400  }
0x2ba: {  	[tilespmem:s25], [sflag:$0x1] =	stream.strided.gather @p0 [hbm4b:s26+s23], $0x800, s24, s23, $0x38;
	[tilespmem:$0x1C400] =	vst v63  }
0x2bb: {  	s25 =	spop @p0 (v2sf)  }
0x2bc: {  	(v2sf) =	vpush @p0 v16, $0x5;
	s25 =	sand.u32 @p0 $0xFFFFF80, s25  }
0x2bd: {  	s26 =	sor.u32 @p0 $0xC00, s22;
	s25 =	sadd.s32 @p0 s25, s8  }
0x2be: {  	[tilespmem:s26], [sflag:$0x1] =	stream.strided.gather @p0 [hbm4b:s25+s23], $0x800, s24, s23, $0x38;
	[tilespmem:$0x1C400] =	vst v63  }
0x2bf: {  	s25 =	spop @p0 (v2sf)  }
0x2c0: {  	(v2sf) =	vpush @p0 v16, $0x6;
	s25 =	sand.u32 @p0 $0xFFFFF80, s25  }
0x2c1: {  	s26 =	sor.u32 @p0 $0x1400, s22;
	s25 =	sadd.s32 @p0 s25, s8  }
0x2c2: {  	[tilespmem:s26], [sflag:$0x1] =	stream.strided.gather @p0 [hbm4b:s25+s23], $0x800, s24, s23, $0x38;
	[tilespmem:$0x1C400] =	vst v63  }
0x2c3: {  	s25 =	spop @p0 (v2sf)  }
0x2c4: {  	(v2sf) =	vpush @p0 v16, $0x7;
	s25 =	sand.u32 @p0 $0xFFFFF80, s25  }
0x2c5: {  	s26 =	sor.u32 @p0 $0x1C00, s22;
	s25 =	sadd.s32 @p0 s25, s8  }
0x2c6: {  	[tilespmem:s26], [sflag:$0x1] =	stream.strided.gather @p0 [hbm4b:s25+s23], $0x800, s24, s23, $0x38;
	[tilespmem:$0x1C400] =	vst v63  }
0x2c7: {  	s25 =	spop @p0 (v2sf)  }
0x2c8: {  	(v2sf) =	vpush @p0 v16, $0x8;
	s25 =	sand.u32 @p0 $0xFFFFF80, s25  }
0x2c9: {  	s26 =	sor.u32 @p0 $0x2400, s22;
	s25 =	sadd.s32 @p0 s25, s8  }
0x2ca: {  	[tilespmem:s26], [sflag:$0x1] =	stream.strided.gather @p0 [hbm4b:s25+s23], $0x800, s24, s23, $0x38;
	[tilespmem:$0x1C400] =	vst v63  }
0x2cb: {  	s25 =	spop @p0 (v2sf)  }
0x2cc: {  	(v2sf) =	vpush @p0 v16, $0x9;
	s25 =	sand.u32 @p0 $0xFFFFF80, s25  }
0x2cd: {  	s26 =	sor.u32 @p0 $0x2C00, s22;
	s25 =	sadd.s32 @p0 s25, s8  }
0x2ce: {  	[tilespmem:s26], [sflag:$0x1] =	stream.strided.gather @p0 [hbm4b:s25+s23], $0x800, s24, s23, $0x38;
	[tilespmem:$0x1C400] =	vst v63  }
0x2cf: {  	s25 =	spop @p0 (v2sf)  }
0x2d0: {  	(v2sf) =	vpush @p0 v16, $0xA;
	s25 =	sand.u32 @p0 $0xFFFFF80, s25  }
0x2d1: {  	s26 =	sor.u32 @p0 $0x3400, s22;
	s25 =	sadd.s32 @p0 s25, s8  }
0x2d2: {  	[tilespmem:s26], [sflag:$0x1] =	stream.strided.gather @p0 [hbm4b:s25+s23], $0x800, s24, s23, $0x38;
	[tilespmem:$0x1C400] =	vst v63  }
0x2d3: {  	s25 =	spop @p0 (v2sf)  }
0x2d4: {  	(v2sf) =	vpush @p0 v16, $0xB;
	s25 =	sand.u32 @p0 $0xFFFFF80, s25  }
0x2d5: {  	s26 =	sor.u32 @p0 $0x3C00, s22;
	s25 =	sadd.s32 @p0 s25, s8  }
0x2d6: {  	[tilespmem:s26], [sflag:$0x1] =	stream.strided.gather @p0 [hbm4b:s25+s23], $0x800, s24, s23, $0x38;
	[tilespmem:$0x1C400] =	vst v63  }
0x2d7: {  	s25 =	spop @p0 (v2sf)  }
0x2d8: {  	(v2sf) =	vpush @p0 v16, $0xC;
	s25 =	sand.u32 @p0 $0xFFFFF80, s25  }
0x2d9: {  	s26 =	sor.u32 @p0 $0x4400, s22;
	s25 =	sadd.s32 @p0 s25, s8  }
0x2da: {  	[tilespmem:s26], [sflag:$0x1] =	stream.strided.gather @p0 [hbm4b:s25+s23], $0x800, s24, s23, $0x38;
	[tilespmem:$0x1C400] =	vst v63  }
0x2db: {  	s25 =	spop @p0 (v2sf)  }
0x2dc: {  	(v2sf) =	vpush @p0 v16, $0xD;
	s25 =	sand.u32 @p0 $0xFFFFF80, s25  }
0x2dd: {  	s26 =	sor.u32 @p0 $0x4C00, s22;
	s25 =	sadd.s32 @p0 s25, s8  }
0x2de: {  	[tilespmem:s26], [sflag:$0x1] =	stream.strided.gather @p0 [hbm4b:s25+s23], $0x800, s24, s23, $0x38;
	[tilespmem:$0x1C400] =	vst v63  }
0x2df: {  	s25 =	spop @p0 (v2sf)  }
0x2e0: {  	(v2sf) =	vpush @p0 v16, $0xE;
	s25 =	sand.u32 @p0 $0xFFFFF80, s25  }
0x2e1: {  	s26 =	sor.u32 @p0 $0x5400, s22;
	s25 =	sadd.s32 @p0 s25, s8  }
0x2e2: {  	[tilespmem:s26], [sflag:$0x1] =	stream.strided.gather @p0 [hbm4b:s25+s23], $0x800, s24, s23, $0x38;
	[tilespmem:$0x1C400] =	vst v63  }
0x2e3: {  	s25 =	spop @p0 (v2sf)  }
0x2e4: {  	(v2sf) =	vpush @p0 v16, $0xF;
	s25 =	sand.u32 @p0 $0xFFFFF80, s25  }
0x2e5: {  	s26 =	sor.u32 @p0 $0x5C00, s22;
	s25 =	sadd.s32 @p0 s25, s8  }
0x2e6: {  	[tilespmem:s26], [sflag:$0x1] =	stream.strided.gather @p0 [hbm4b:s25+s23], $0x800, s24, s23, $0x38;
	[tilespmem:$0x1C400] =	vst v63  }
0x2e7: {  	s25 =	spop @p0 (v2sf)  }
0x2e8: {  	s25 =	sand.u32 @p0 $0xFFFFF80, s25  }
0x2e9: {  	s26 =	sor.u32 @p0 $0x6400, s22;
	s25 =	sadd.s32 @p0 s25, s8  }
0x2ea: {  	[tilespmem:s26], [sflag:$0x1] =	stream.strided.gather @p0 [hbm4b:s25+s23], $0x800, s24, s23, $0x38;
	[tilespmem:$0x1C400] =	vst v63  }
0x2eb: {  	s25 =	spop @p0 (v2sf)  }
0x2ec: {  	s25 =	sand.u32 @p0 $0xFFFFF80, s25  }
0x2ed: {  	s26 =	sor.u32 @p0 $0x6C00, s22;
	s25 =	sadd.s32 @p0 s25, s8  }
0x2ee: {  	[tilespmem:s26], [sflag:$0x1] =	stream.strided.gather @p0 [hbm4b:s25+s23], $0x800, s24, s23, $0x38;
	[tilespmem:$0x1C400] =	vst v63  }
0x2ef: {  	s25 =	spop @p0 (v2sf)  }
0x2f0: {  	s25 =	sand.u32 @p0 $0xFFFFF80, s25  }
0x2f1: {  	s26 =	sor.u32 @p0 $0x7400, s22;
	s25 =	sadd.s32 @p0 s25, s8  }
0x2f2: {  	[tilespmem:s26], [sflag:$0x1] =	stream.strided.gather @p0 [hbm4b:s25+s23], $0x800, s24, s23, $0x38;
	[tilespmem:$0x1C400] =	vst v63  }
0x2f3: {  	s25 =	spop @p0 (v2sf)  }
0x2f4: {  	s25 =	sand.u32 @p0 $0xFFFFF80, s25  }
0x2f5: {  	p1 =	slt.u32 @p0 s21, $0x2;
	s21 =	sor.u32 @p0 $0x7C00, s22;
	s22 =	sadd.s32 @p0 s25, s8  }
0x2f6: {  	[tilespmem:s21], [sflag:$0x1] =	stream.strided.gather @p0 [hbm4b:s22+s23], $0x800, s24, s23, $0x38;
	[tilespmem:$0x1C400] =	vst v63  }
0x2f7: {  	p0 =	por !p0, !p1  }
.Ltmp13:
0x2f8: {  	_ = 	snop;
	(pc) =	sbr.rel @!p0 .LBB2_14-.Ltmp13, $1  }
0x2f9: {  	_ =	sdelay $0x3  }
0x2fa: {  	v16 =	vld [tilespmem:s18+$0xFFFFFFE0]  }
0x2fb: {  	s21 =	sand.u32 $0xFF, s17  }
0x2fc: {  	s21 =	smul.u32 $0xAB, s21;
	_ =	sdelay $0x1  }
0x2fd: {  	s21 =	sshrl.u32 s21, $0x9  }
0x2fe: {  	s21 =	smul.u32 $0x3, s21;
	v16 =	vand.u32 $0x7F, v16  }
0x2ff: {  	v17 =	vor.u32 v0, v16  }
0x300: {  	s21 =	ssub.s32 s17, s21  }
0x301: {  	s22 =	sand.u32 $0x70, s20;
	s23 =	sand.u32 $0x7FFFFC00, s19;
	s21 =	sand.u32 $0xFF, s21  }
0x302: {  	s22 =	sor.u32 s22, s23;
	s21 =	sshll.u32 s21, $0xF  }
0x303: {  	v18 =	vld [tilespmem:s22+$0x1A400];
	s21 =	sor.u32 $0x400, s21  }
0x304: {  	v17 =	vld.idx.msk [tilespmem:v17+s21+$0x0], $0xffff;
	_ =	sdelay $0x2  }
0x305: {  	v19 =	vor.u32 v1, v16;
	_ =	sdelay $0x1  }
0x306: {  	v17 =	vmul.f32 v18, v17;
	_ =	sdelay $0x1  }
0x307: {  	v37 =	vld [tilespmem:s22+$0x1A480];
	[tilespmem:s22+$0x1A400] =	vst v17  }
0x308: {  	v17 =	vld.idx.msk [tilespmem:v19+s21+$0x0], $0xffff;
	_ =	sdelay $0x2  }
0x309: {  	v38 =	vor.u32 v2, v16;
	_ =	sdelay $0x1  }
0x30a: {  	v17 =	vmul.f32 v37, v17;
	_ =	sdelay $0x1  }
0x30b: {  	v39 =	vld [tilespmem:s22+$0x1A500];
	[tilespmem:s22+$0x1A480] =	vst v17  }
0x30c: {  	v17 =	vld.idx.msk [tilespmem:v38+s21+$0x0], $0xffff;
	_ =	sdelay $0x2  }
0x30d: {  	v40 =	vor.u32 v3, v16;
	_ =	sdelay $0x1  }
0x30e: {  	v17 =	vmul.f32 v39, v17;
	_ =	sdelay $0x1  }
0x30f: {  	v41 =	vld [tilespmem:s22+$0x1A580];
	[tilespmem:s22+$0x1A500] =	vst v17  }
0x310: {  	v17 =	vld.idx.msk [tilespmem:v40+s21+$0x0], $0xffff;
	_ =	sdelay $0x2  }
0x311: {  	v42 =	vor.u32 v4, v16;
	_ =	sdelay $0x1  }
0x312: {  	v17 =	vmul.f32 v41, v17;
	_ =	sdelay $0x1  }
0x313: {  	v43 =	vld [tilespmem:s22+$0x1A600];
	[tilespmem:s22+$0x1A580] =	vst v17  }
0x314: {  	v17 =	vld.idx.msk [tilespmem:v42+s21+$0x0], $0xffff;
	_ =	sdelay $0x2  }
0x315: {  	v44 =	vor.u32 v5, v16;
	_ =	sdelay $0x1  }
0x316: {  	v17 =	vmul.f32 v43, v17;
	_ =	sdelay $0x1  }
0x317: {  	v45 =	vld [tilespmem:s22+$0x1A680];
	[tilespmem:s22+$0x1A600] =	vst v17  }
0x318: {  	v17 =	vld.idx.msk [tilespmem:v44+s21+$0x0], $0xffff;
	_ =	sdelay $0x2  }
0x319: {  	v46 =	vor.u32 v6, v16;
	_ =	sdelay $0x1  }
0x31a: {  	v17 =	vmul.f32 v45, v17;
	_ =	sdelay $0x1  }
0x31b: {  	v47 =	vld [tilespmem:s22+$0x1A700];
	[tilespmem:s22+$0x1A680] =	vst v17  }
0x31c: {  	v17 =	vld.idx.msk [tilespmem:v46+s21+$0x0], $0xffff;
	_ =	sdelay $0x2  }
0x31d: {  	v48 =	vor.u32 v7, v16;
	_ =	sdelay $0x1  }
0x31e: {  	v17 =	vmul.f32 v47, v17;
	_ =	sdelay $0x1  }
0x31f: {  	v49 =	vld [tilespmem:s22+$0x1A780];
	[tilespmem:s22+$0x1A700] =	vst v17  }
0x320: {  	v17 =	vld.idx.msk [tilespmem:v48+s21+$0x0], $0xffff;
	_ =	sdelay $0x2  }
0x321: {  	v50 =	vor.u32 v8, v16;
	_ =	sdelay $0x1  }
0x322: {  	v17 =	vmul.f32 v49, v17;
	_ =	sdelay $0x1  }
0x323: {  	v51 =	vld [tilespmem:s22+$0x1B400];
	[tilespmem:s22+$0x1A780] =	vst v17  }
0x324: {  	v17 =	vld.idx.msk [tilespmem:v50+s21+$0x0], $0xffff;
	_ =	sdelay $0x2  }
0x325: {  	v52 =	vor.u32 v9, v16;
	_ =	sdelay $0x1  }
0x326: {  	v17 =	vmul.f32 v51, v17;
	_ =	sdelay $0x1  }
0x327: {  	v53 =	vld [tilespmem:s22+$0x1B480];
	[tilespmem:s22+$0x1B400] =	vst v17  }
0x328: {  	v17 =	vld.idx.msk [tilespmem:v52+s21+$0x0], $0xffff;
	_ =	sdelay $0x2  }
0x329: {  	v54 =	vor.u32 v10, v16;
	_ =	sdelay $0x1  }
0x32a: {  	v17 =	vmul.f32 v53, v17;
	_ =	sdelay $0x1  }
0x32b: {  	v55 =	vld [tilespmem:s22+$0x1B500];
	[tilespmem:s22+$0x1B480] =	vst v17  }
0x32c: {  	v17 =	vld.idx.msk [tilespmem:v54+s21+$0x0], $0xffff;
	_ =	sdelay $0x2  }
0x32d: {  	v56 =	vor.u32 v11, v16;
	_ =	sdelay $0x1  }
0x32e: {  	v17 =	vmul.f32 v55, v17;
	_ =	sdelay $0x1  }
0x32f: {  	v57 =	vld [tilespmem:s22+$0x1B580];
	[tilespmem:s22+$0x1B500] =	vst v17  }
0x330: {  	v17 =	vld.idx.msk [tilespmem:v56+s21+$0x0], $0xffff;
	_ =	sdelay $0x2  }
0x331: {  	v58 =	vor.u32 v12, v16;
	_ =	sdelay $0x1  }
0x332: {  	v17 =	vmul.f32 v57, v17;
	_ =	sdelay $0x1  }
0x333: {  	v59 =	vld [tilespmem:s22+$0x1B600];
	[tilespmem:s22+$0x1B580] =	vst v17  }
0x334: {  	v17 =	vld.idx.msk [tilespmem:v58+s21+$0x0], $0xffff;
	_ =	sdelay $0x2  }
0x335: {  	v60 =	vor.u32 v13, v16;
	_ =	sdelay $0x1  }
0x336: {  	v17 =	vmul.f32 v59, v17;
	_ =	sdelay $0x1  }
0x337: {  	v61 =	vld [tilespmem:s22+$0x1B680];
	[tilespmem:s22+$0x1B600] =	vst v17  }
0x338: {  	v17 =	vld.idx.msk [tilespmem:v60+s21+$0x0], $0xffff;
	_ =	sdelay $0x2  }
0x339: {  	v62 =	vor.u32 v14, v16;
	_ =	sdelay $0x1  }
0x33a: {  	v17 =	vmul.f32 v61, v17;
	_ =	sdelay $0x1  }
0x33b: {  	v63 =	vld [tilespmem:s22+$0x1B700];
	[tilespmem:s22+$0x1B680] =	vst v17  }
0x33c: {  	v17 =	vld.idx.msk [tilespmem:v62+s21+$0x0], $0xffff;
	_ =	sdelay $0x2  }
0x33d: {  	v16 =	vor.u32 v15, v16;
	_ =	sdelay $0x1  }
0x33e: {  	v17 =	vmul.f32 v63, v17;
	_ =	sdelay $0x1  }
0x33f: {  	[tilespmem:s22+$0x1B700] =	vst v17;
	v17 =	vld [tilespmem:s22+$0x1B780]  }
0x340: {  	v16 =	vld.idx.msk [tilespmem:v16+s21+$0x0], $0xffff;
	_ =	sdelay $0x2  }
.Ltmp14:
0x341: {  	_ = 	snop;
	(pc) =	sbr.rel .LBB2_14-.Ltmp14, $3  }
0x342: {  	_ = 	snop  }
0x343: {  	v16 =	vmul.f32 v17, v16;
	_ =	sdelay $0x1  }
0x344: {  	[tilespmem:s22+$0x1B780] =	vst v16  }
.LBB2_16:
0x345: {  	_ =	sfence.sel $0x180000  }
0x346: {  	[bflag:$0x0] =	sbarrier.arrive $0xFFFF  }
0x347: {  	p0 =	sne.s32 s3, $0x0;
	_ =	strace $0x90000047  }
0x348: {  	s0 =	sadd.s32 @!p0 $0x100000, s0;
	[bflag:$0x2] =	sbarrier.arrive $0xFFFF  }
0x349: {  	[sflag:s0] =	ssyncadd.tile.s32 @!p0 $0x1;
	_ =	shalt  }
.Lfunc_end2:
_tile_overlayer_lowered:
.L_overlay_start_2:
0x34a: {  	(tag) =	ssettag $0x2  }
0x34b: {  	s0 =	rddreg [dreg:$0x0];
	s2 =	stileid.u32  }
0x34c: {  	s1 =	rddreg [dreg:$0x1];
	p0 =	sne.s32 s2, $0x0  }
0x34d: {  	s3 =	rddreg [dreg:$0x2];
	[bflag:$0x3] =	sbarrier.arrive $0xFFFF;
	s2 =	simm.s32 @!p0 $0x1C02  }
0x34e: {  	[timem:s3], [sflag:s2] =	dma.local @!p0 [hbm:s0], s1  }
0x34f: {  	s0 =	simm.s32 @!p0 $0x2  }
0x350: {  	_ =	swait.ge @!p0 [sflag:s0], s1  }
0x351: {  	s1 =	ssub.s32 @!p0 $0x0, s1;
	[sflag:s0] =	ssyncset.done @!p0 $0x0  }
0x352: {  	[sflag:s0] =	ssyncadd.s32 @!p0 s1  }
0x353: {  	[bflag:$0x3] =	sbarrier.arrive $0xFFFF  }
0x354: {  	_ =	shalt  }

</sc_bundles>
